<compile_context>
chip_gen: v7x
topology: tpu7x:2x2x1
jax: 0.10.2.dev20260603
libtpu: 0.0.44.dev20260713+nightly
codegen_flags: <defaults>
</compile_context>

<pallas_src>
import functools

import jax
import jax.numpy as jnp
from jax import lax
from jax.experimental import pallas as pl
from jax.experimental.pallas import tpu as pltpu
from jax.experimental.pallas import tpu_sc as plsc

_N = 10000
_NP = 10240
_E = 320000
_H = 128
_NGRAPH = 16
_EPS = 1e-5

_NC = 2
_NS = 16
_EPT = _E // (_NC * _NS)
_EC = 128
_NEC = 80
_EPAD = _NC * _NS * _NEC * _EC
_DEC = 80
_NDEC = _EPT // _DEC
_RPT = _NP // _NS
_DW = 16
_NBUF = 2

_MESH = plsc.VectorSubcoreMesh(core_axis_name="c", subcore_axis_name="s",
                               num_cores=_NC, num_subcores=_NS)

_HIGH = lax.Precision.HIGHEST
_TC_PARAMS = pltpu.CompilerParams(vmem_limit_bytes=100 * 1024 * 1024)


@functools.partial(
    pl.kernel,
    out_type=jax.ShapeDtypeStruct((_NC, _NP, _DW), jnp.float32),
    mesh=_MESH,
    scratch_types=[
        pltpu.VMEM_SHARED((_NP, _DW), jnp.float32),
        pltpu.VMEM((_DEC,), jnp.int32),
        pltpu.VMEM((_DEC, _DW), jnp.float32),
        pltpu.VMEM((_RPT, _DW), jnp.float32),
    ],
)
def _deg_scatter(dst_hbm, deg_out, deg_sp, idx_v, ones_v, stage_v):
    c = lax.axis_index("c")
    s = lax.axis_index("s")
    row0 = s * _RPT

    def fill(i, carry):
        ones_v[i, :] = jnp.full((_DW,), 1.0, jnp.float32)
        return carry

    lax.fori_loop(0, _DEC, fill, 0)

    def zfill(i, carry):
        stage_v[i, :] = jnp.zeros((_DW,), jnp.float32)
        return carry

    lax.fori_loop(0, _RPT, zfill, 0)
    pltpu.sync_copy(stage_v, deg_sp.at[pl.ds(row0, _RPT)])
    plsc.subcore_barrier()

    base = (c * _NS + s) * _EPT

    def edge(j, carry):
        pltpu.sync_copy(dst_hbm.at[pl.ds(base + j * _DEC, _DEC)], idx_v)
        pltpu.sync_copy(ones_v, deg_sp.at[idx_v], add=True)
        return carry

    lax.fori_loop(0, _NDEC, edge, 0)
    plsc.subcore_barrier()
    pltpu.sync_copy(deg_sp.at[pl.ds(row0, _RPT)], stage_v)
    pltpu.sync_copy(stage_v, deg_out.at[c, pl.ds(row0, _RPT)])


@functools.partial(
    pl.kernel,
    out_type=jax.ShapeDtypeStruct((_NC, _NP, _H), jnp.float32),
    mesh=_MESH,
    scratch_types=(
        [pltpu.VMEM_SHARED((_NP, _H), jnp.float32)]
        + [pltpu.VMEM((_NEC, _EC), jnp.int32)]
        + [pltpu.VMEM((_EC,), jnp.int32)] * 4
        + [pltpu.VMEM((_EC, _H), jnp.float32)] * _NBUF
        + [pltpu.SemaphoreType.DMA] * 13
    ),
)
def _edge_scatter(hts_hbm, src_hbm, dst_hbm, acc_out, acc_sp, dst_v, *ring):
    srcs = ring[:4]
    rows = ring[4:4 + _NBUF]
    isem = ring[6:10]
    gsem = ring[10:12]
    ssem = ring[12:14]
    zsem = ring[14]
    rsem = ring[15:17]
    wsem = ring[17:19]
    c = lax.axis_index("c")
    s = lax.axis_index("s")
    w = c * _NS + s
    row0 = s * _RPT
    ebase = w * _NEC * _EC

    def i_issue(j, b):
        pltpu.async_copy(src_hbm.at[pl.ds(ebase + j * _EC, _EC)], srcs[b],
                         isem[b])

    def i_wait(j, b):
        pltpu.make_async_copy(src_hbm.at[pl.ds(ebase + j * _EC, _EC)], srcs[b],
                              isem[b]).wait()

    def g_issue(si, b):
        pltpu.async_copy(hts_hbm.at[srcs[si]], rows[b], gsem[b])

    def g_wait(si, b):
        pltpu.make_async_copy(hts_hbm.at[srcs[si]], rows[b], gsem[b]).wait()

    def s_issue(j, b):
        pltpu.async_copy(rows[b], acc_sp.at[dst_v.at[j]], ssem[b], add=True)

    def s_wait(j, b):
        pltpu.make_async_copy(rows[b], acc_sp.at[dst_v.at[j]], ssem[b]).wait()

    i_issue(0, 0)
    i_issue(1, 1)
    i_issue(2, 2)
    pltpu.sync_copy(dst_hbm.at[pl.ds(w * _NEC, _NEC)], dst_v)

    def zfill(i, carry):
        for hsub in range(_H // 16):
            rows[0][i, pl.ds(hsub * 16, 16)] = jnp.zeros((16,), jnp.float32)
        return carry

    lax.fori_loop(0, _EC, zfill, 0)
    nz = _RPT // _EC
    for k in range(nz):
        pltpu.async_copy(rows[0], acc_sp.at[pl.ds(row0 + k * _EC, _EC)], zsem)
    for k in range(nz):
        pltpu.make_async_copy(rows[0], acc_sp.at[pl.ds(row0 + k * _EC, _EC)],
                              zsem).wait()
    i_wait(0, 0)
    g_issue(0, 0)
    plsc.subcore_barrier()

    i_wait(1, 1)
    g_issue(1, 1)
    i_issue(3, 3)
    g_wait(0, 0)
    s_issue(0, 0)

    @pl.loop(1, _NEC - 3, step=4)
    def _steady(g):
        for bi in range(4):
            j = g + bi
            b = bi % 2
            sn = (bi + 2) % 4
            i_wait(j + 1, sn)
            s_wait(j - 1, b)
            g_issue(sn, b)
            i_issue(j + 3, bi)
            g_wait((bi + 1) % 4, 1 - b)
            s_issue(j, 1 - b)

    i_wait(_NEC - 2, (_NEC - 2) % 4)
    s_wait(_NEC - 4, 0)
    g_issue((_NEC - 2) % 4, 0)
    g_wait((_NEC - 3) % 4, 1)
    s_issue(_NEC - 3, 1)
    i_wait(_NEC - 1, (_NEC - 1) % 4)
    s_wait(_NEC - 3, 1)
    g_issue((_NEC - 1) % 4, 1)
    g_wait((_NEC - 2) % 4, 0)
    s_issue(_NEC - 2, 0)
    s_wait(_NEC - 2, 0)
    g_wait((_NEC - 1) % 4, 1)
    s_issue(_NEC - 1, 1)
    s_wait(_NEC - 1, 1)
    plsc.subcore_barrier()

    def d_read(k):
        pltpu.async_copy(acc_sp.at[pl.ds(row0 + k * _EC, _EC)], rows[k % 2],
                         rsem[k % 2])

    def dr_wait(k):
        pltpu.make_async_copy(acc_sp.at[pl.ds(row0 + k * _EC, _EC)],
                              rows[k % 2], rsem[k % 2]).wait()

    def d_write(k):
        pltpu.async_copy(rows[k % 2], acc_out.at[c, pl.ds(row0 + k * _EC, _EC)],
                         wsem[k % 2])

    def dw_wait(k):
        pltpu.make_async_copy(rows[k % 2],
                              acc_out.at[c, pl.ds(row0 + k * _EC, _EC)],
                              wsem[k % 2]).wait()

    d_read(0)
    d_read(1)
    for k in range(nz):
        dr_wait(k)
        d_write(k)
        if k + 2 < nz:
            dw_wait(k)
            d_read(k + 2)
    dw_wait(nz - 2)
    dw_wait(nz - 1)


def _pad_rows(a):
    return jnp.concatenate(
        [a, jnp.zeros((_NP - _N, a.shape[1]), jnp.float32)], axis=0)


def _embed_body(x_ref, wet_ref, be_ref, w0t_ref, h_ref, ht_ref):
    h = jnp.maximum(
        jnp.dot(x_ref[...], wet_ref[...], precision=_HIGH,
                preferred_element_type=jnp.float32) + be_ref[...], 0.0)
    h_ref[...] = h
    ht_ref[...] = jnp.dot(h, w0t_ref[...], precision=_HIGH,
                          preferred_element_type=jnp.float32)


_embed_tc = pl.pallas_call(
    _embed_body,
    out_shape=[
        jax.ShapeDtypeStruct((_N, _H), jnp.float32),
        jax.ShapeDtypeStruct((_N, _H), jnp.float32),
    ],
    compiler_params=_TC_PARAMS,
)


def _scale_body(ht_ref, deg_ref, hts_ref, dinv_ref):
    deg = deg_ref[0, 0:_N, 0:1] + deg_ref[1, 0:_N, 0:1] + 1.0
    dinv = lax.rsqrt(deg)
    hts_ref[...] = _pad_rows(ht_ref[...] * dinv)
    dinv_ref[...] = dinv


_scale_tc = pl.pallas_call(
    _scale_body,
    out_shape=[
        jax.ShapeDtypeStruct((_NP, _H), jnp.float32),
        jax.ShapeDtypeStruct((_N, 1), jnp.float32),
    ],
    compiler_params=_TC_PARAMS,
)


def _bn_relu(acc_ref, hts_ref, h_ref, dinv_ref, b_ref, g_ref, bt_ref):
    aggp = (acc_ref[0, 0:_N, :] + acc_ref[1, 0:_N, :] + hts_ref[0:_N, :])
    agg = aggp * dinv_ref[...] + b_ref[...]
    mean = jnp.mean(agg, axis=0, keepdims=True)
    var = jnp.mean((agg - mean) ** 2, axis=0, keepdims=True)
    agg = (agg - mean) * lax.rsqrt(var + _EPS) * g_ref[...] + bt_ref[...]
    return jnp.maximum(agg, 0.0) + h_ref[...]


def _layer_body(acc_ref, hts_ref, h_ref, dinv_ref, b_ref, g_ref, bt_ref,
                wnt_ref, hout_ref, htsout_ref):
    h = _bn_relu(acc_ref, hts_ref, h_ref, dinv_ref, b_ref, g_ref, bt_ref)
    hout_ref[...] = h
    hts = jnp.dot(h, wnt_ref[...], precision=_HIGH,
                  preferred_element_type=jnp.float32) * dinv_ref[...]
    htsout_ref[...] = _pad_rows(hts)


_layer_tc = pl.pallas_call(
    _layer_body,
    out_shape=[
        jax.ShapeDtypeStruct((_N, _H), jnp.float32),
        jax.ShapeDtypeStruct((_NP, _H), jnp.float32),
    ],
    compiler_params=_TC_PARAMS,
)


def _final_body(acc_ref, hts_ref, h_ref, dinv_ref, b_ref, g_ref, bt_ref,
                batch_ref, w1t_ref, b1_ref, w2t_ref, b2_ref, out_ref):
    h = _bn_relu(acc_ref, hts_ref, h_ref, dinv_ref, b_ref, g_ref, bt_ref)
    oh = (batch_ref[...] == lax.broadcasted_iota(jnp.int32, (1, _NGRAPH), 1)
          ).astype(jnp.float32)
    sums = lax.dot_general(oh, h, (((0,), (0,)), ((), ())), precision=_HIGH,
                           preferred_element_type=jnp.float32)
    counts = lax.dot_general(oh, jnp.ones((_N, 1), jnp.float32),
                             (((0,), (0,)), ((), ())), precision=_HIGH,
                             preferred_element_type=jnp.float32)
    pooled = sums / jnp.maximum(counts, 1.0)
    z = jnp.maximum(
        jnp.dot(pooled, w1t_ref[...], precision=_HIGH,
                preferred_element_type=jnp.float32) + b1_ref[...], 0.0)
    out_ref[...] = jnp.dot(z, w2t_ref[...], precision=_HIGH,
                           preferred_element_type=jnp.float32) + b2_ref[...]


_final_tc = pl.pallas_call(
    _final_body,
    out_shape=jax.ShapeDtypeStruct((_NGRAPH, _H), jnp.float32),
    compiler_params=_TC_PARAMS,
)


def kernel(x, edge_index, batch, W_embed, b_embed, gcn_W, gcn_b, bn_gamma,
           bn_beta, head_W1, head_b1, head_W2, head_b2):
    pad_row = _N + jnp.arange(_EPAD - _E, dtype=edge_index.dtype) % (_NP - _N)
    eip = jnp.concatenate(
        [edge_index, jnp.stack([pad_row, pad_row])], axis=1)
    src = eip[0]
    dst = eip[1].reshape(_EPAD // _EC, _EC)
    deg_parts = _deg_scatter(edge_index[1])
    h, ht0 = _embed_tc(x, W_embed.T, b_embed.reshape(1, _H), gcn_W[0].T)
    hts, dinv = _scale_tc(ht0, deg_parts)
    out = None
    for l in range(3):
        acc = _edge_scatter(hts, src, dst)
        b_l = gcn_b[l].reshape(1, _H)
        g_l = bn_gamma[l].reshape(1, _H)
        bt_l = bn_beta[l].reshape(1, _H)
        if l < 2:
            h, hts = _layer_tc(acc, hts, h, dinv, b_l, g_l, bt_l,
                               gcn_W[l + 1].T)
        else:
            out = _final_tc(acc, hts, h, dinv, b_l, g_l, bt_l,
                            batch.reshape(_N, 1), head_W1.T,
                            head_b1.reshape(1, _H), head_W2.T,
                            head_b2.reshape(1, _H))
    return out

# --- scband reference (transcript-rebuilt; emitter-appended) ---
"""Pipeline reference for scband-code-encoder-1099511628355 (READ-ONLY COPY).

The authoritative reference and input builder live on the scoring server;
editing this copy changes nothing except your own understanding.
"""

import jax, jax.numpy as jnp
import numpy as np

N = 10000
E = 320000
D = 128
H = 128
EMB = 128
L = 3
B = 16
EPS = 1e-5


def setup_inputs(seed: int = 0) -> dict:
    key = jax.random.key(seed)
    ks = jax.random.split(key, 16)
    x = jax.random.normal(ks[0], (N, D), dtype=jnp.float32)
    edge_index = jax.random.randint(ks[1], (2, E), 0, N, dtype=jnp.int32)
    batch = jnp.sort(jax.random.randint(ks[2], (N,), 0, B, dtype=jnp.int32))
    s_in = 1.0 / np.sqrt(D)
    s_h = 1.0 / np.sqrt(H)
    W_embed = jax.random.normal(ks[3], (H, D), dtype=jnp.float32) * s_in
    b_embed = jnp.zeros((H,), dtype=jnp.float32)
    gcn_W = jax.random.normal(ks[4], (L, H, H), dtype=jnp.float32) * s_h
    gcn_b = jnp.zeros((L, H), dtype=jnp.float32)
    bn_gamma = jnp.ones((L, H), dtype=jnp.float32)
    bn_beta = jnp.zeros((L, H), dtype=jnp.float32)
    head_W1 = jax.random.normal(ks[5], (H, H), dtype=jnp.float32) * s_h
    head_b1 = jnp.zeros((H,), dtype=jnp.float32)
    head_W2 = jax.random.normal(ks[6], (EMB, H), dtype=jnp.float32) * s_h
    head_b2 = jnp.zeros((EMB,), dtype=jnp.float32)
    return {
        'x': x, 'edge_index': edge_index, 'batch': batch,
        'W_embed': W_embed, 'b_embed': b_embed,
        'gcn_W': gcn_W, 'gcn_b': gcn_b,
        'bn_gamma': bn_gamma, 'bn_beta': bn_beta,
        'head_W1': head_W1, 'head_b1': head_b1,
        'head_W2': head_W2, 'head_b2': head_b2,
    }


def _gcn_norm(edge_index, n):
    loop = jnp.arange(n, dtype=edge_index.dtype)
    src = jnp.concatenate([edge_index[0], loop])
    dst = jnp.concatenate([edge_index[1], loop])
    deg = jnp.zeros((n,), dtype=jnp.float32).at[dst].add(1.0)
    dinv = jnp.where(deg > 0, deg ** -0.5, 0.0)
    norm = dinv[src] * dinv[dst]
    return src, dst, norm


def _batchnorm_train(h, gamma, beta):
    mean = jnp.mean(h, axis=0)
    var = jnp.var(h, axis=0)
    return (h - mean) / jnp.sqrt(var + EPS) * gamma + beta


def reference(x, edge_index, batch, W_embed, b_embed, gcn_W, gcn_b,
              bn_gamma, bn_beta, head_W1, head_b1, head_W2, head_b2):
    src, dst, norm = _gcn_norm(edge_index, N)
    h = jax.nn.relu(x @ W_embed.T + b_embed)
    for l in range(L):
        residual = h
        ht = h @ gcn_W[l].T
        msg = ht[src] * norm[:, None]
        agg = jnp.zeros_like(ht).at[dst].add(msg) + gcn_b[l]
        agg = _batchnorm_train(agg, bn_gamma[l], bn_beta[l])
        agg = jax.nn.relu(agg)
        h = agg + residual
    sums = jax.ops.segment_sum(h, batch, num_segments=B)
    counts = jax.ops.segment_sum(jnp.ones((N,), dtype=jnp.float32), batch, num_segments=B)
    pooled = sums / jnp.maximum(counts, 1.0)[:, None]
    out = jax.nn.relu(pooled @ head_W1.T + head_b1) @ head_W2.T + head_b2
    return out

if __name__ == "__main__":
    import jax
    _d = setup_inputs()
    print(jax.jit(kernel)(*tuple(_d.values())))

</pallas_src>

<mosaic_0001>
#map = affine_map<(d0, d1) -> (0)>
#map1 = affine_map<(d0, d1) -> (0, 0, 0)>
module attributes {stable_mosaic.version = 14 : i64} {
  func.func @_deg_scatter(%arg0: i32, %arg1: i32, %arg2: memref<320000xi32, #tpu.memory_space<hbm>>, %arg3: memref<2x10240x16xf32, #tpu.memory_space<hbm>>, %arg4: memref<10240x16xf32, #tpu.memory_space<vmem_shared>>, %arg5: memref<80xi32, #tpu.memory_space<vmem>>, %arg6: memref<80x16xf32, #tpu.memory_space<vmem>>, %arg7: memref<640x16xf32, #tpu.memory_space<vmem>>) attributes {dimension_semantics = [#tpu.dimension_semantics<core_parallel>, #tpu.dimension_semantics<subcore_parallel>], iteration_bounds = array<i64: 2, 16>, scalar_prefetch = 0 : i64, scratch_operands = 4 : i64, tpu.core_type = #tpu.core_type<sc_vector_subcore>, window_params = [{transform_indices = #map}, {transform_indices = #map1}]} {
    %mul3A = arith.constant 640 : i32
    %mul3A_0 = arith.muli %arg1, %mul3A : i32
    %scan3A = arith.constant 0 : i32
    %scan3A_1 = arith.constant 0 : i32
    %scan3A_2 = arith.constant 80 : i32
    %scan3A_3 = arith.addi %scan3A_1, %scan3A_2 : i32
    %scan3A_4 = arith.constant 1 : i32
    scf.for %scan3A_23 = %scan3A_1 to %scan3A_3 step %scan3A_4  : i32 {
      %broadcast_in_dim3A = arith.constant 1.000000e+00 : f32
      %broadcast_in_dim3A_24 = vector.broadcast %broadcast_in_dim3A : f32 to vector<16xf32>
      %swap3A = arith.index_cast %scan3A_23 : i32 to index
      %swap3A_25 = arith.constant 0 : index
      %swap3A_26 = tpu.vector_load %arg6[%swap3A, %swap3A_25] {strides = array<i32>} : memref<80x16xf32, #tpu.memory_space<vmem>>, vector<1x16xf32>,
      %swap3A_27 = vector.shape_cast %swap3A_26 : vector<1x16xf32> to vector<16xf32>
      %swap3A_28 = vector.shape_cast %broadcast_in_dim3A_24 : vector<16xf32> to vector<1x16xf32>
      tpu.vector_store %arg6[%swap3A, %swap3A_25], %swap3A_28 {strides = array<i32>} : memref<80x16xf32, #tpu.memory_space<vmem>>, vector<1x16xf32>,
    }
    %scan3A_5 = arith.constant 80 : i32
    %scan3A_6 = arith.constant 0 : i32
    %scan3A_7 = arith.constant 0 : i32
    %scan3A_8 = arith.constant 640 : i32
    %scan3A_9 = arith.addi %scan3A_7, %scan3A_8 : i32
    %scan3A_10 = arith.constant 1 : i32
    scf.for %scan3A_23 = %scan3A_7 to %scan3A_9 step %scan3A_10  : i32 {
      %broadcast_in_dim3A = arith.constant 0.000000e+00 : f32
      %broadcast_in_dim3A_24 = vector.broadcast %broadcast_in_dim3A : f32 to vector<16xf32>
      %swap3A = arith.index_cast %scan3A_23 : i32 to index
      %swap3A_25 = arith.constant 0 : index
      %swap3A_26 = tpu.vector_load %arg7[%swap3A, %swap3A_25] {strides = array<i32>} : memref<640x16xf32, #tpu.memory_space<vmem>>, vector<1x16xf32>,
      %swap3A_27 = vector.shape_cast %swap3A_26 : vector<1x16xf32> to vector<16xf32>
      %swap3A_28 = vector.shape_cast %broadcast_in_dim3A_24 : vector<16xf32> to vector<1x16xf32>
      tpu.vector_store %arg7[%swap3A, %swap3A_25], %swap3A_28 {strides = array<i32>} : memref<640x16xf32, #tpu.memory_space<vmem>>, vector<1x16xf32>,
    }
    %scan3A_11 = arith.constant 640 : i32
    "tpu.region"() ({
      %run_scoped3A = tpu.sem_alloc : memref<!tpu.dma_semaphore, #tpu.memory_space<semaphore_mem>>
      %dma_start3A = arith.constant 0 : i32
      %dma_start3A_23 = tpu.memref_slice %arg4[%mul3A_0, %dma_start3A] : memref<10240x16xf32, #tpu.memory_space<vmem_shared>> -> memref<640x16xf32, #tpu.memory_space<vmem_shared>>
      %dma_start3A_24 = arith.constant 0 : i32
      %dma_start3A_25 = tpu.memref_slice %arg4[%mul3A_0, %dma_start3A_24] : memref<10240x16xf32, #tpu.memory_space<vmem_shared>> -> memref<640x16xf32, #tpu.memory_space<vmem_shared>>
      tpu.enqueue_dma source(%arg7 : memref<640x16xf32, #tpu.memory_space<vmem>>) target(%dma_start3A_25 : memref<640x16xf32, #tpu.memory_space<vmem_shared>>) target_semaphore(%run_scoped3A : memref<!tpu.dma_semaphore, #tpu.memory_space<semaphore_mem>>)
      %dma_wait3A = arith.constant 0 : i32
      %dma_wait3A_26 = tpu.memref_slice %arg4[%mul3A_0, %dma_wait3A] : memref<10240x16xf32, #tpu.memory_space<vmem_shared>> -> memref<640x16xf32, #tpu.memory_space<vmem_shared>>
      %dma_wait3A_27 = arith.constant 0 : i32
      %dma_wait3A_28 = tpu.memref_slice %arg4[%mul3A_0, %dma_wait3A_27] : memref<10240x16xf32, #tpu.memory_space<vmem_shared>> -> memref<640x16xf32, #tpu.memory_space<vmem_shared>>
      tpu.wait_dma2 semaphore(%run_scoped3A : memref<!tpu.dma_semaphore, #tpu.memory_space<semaphore_mem>>) src(%arg7 : memref<640x16xf32, #tpu.memory_space<vmem>>) dst(%dma_wait3A_28 : memref<640x16xf32, #tpu.memory_space<vmem_shared>>)
      tpu.yield
    }) : () -> ()
    %barrier3A = arith.constant 0 : index
    tpu.barrier barrier_id(%barrier3A)
    %mul3A_12 = arith.constant 16 : i32
    %mul3A_13 = arith.muli %arg0, %mul3A_12 : i32
    %add3A = arith.addi %mul3A_13, %arg1 : i32
    %mul3A_14 = arith.constant 10000 : i32
    %mul3A_15 = arith.muli %add3A, %mul3A_14 : i32
    %scan3A_16 = arith.constant 0 : i32
    %scan3A_17 = arith.constant 0 : i32
    %scan3A_18 = arith.constant 125 : i32
    %scan3A_19 = arith.addi %scan3A_17, %scan3A_18 : i32
    %scan3A_20 = arith.constant 1 : i32
    scf.for %scan3A_23 = %scan3A_17 to %scan3A_19 step %scan3A_20  : i32 {
      %mul3A_24 = arith.constant 80 : i32
      %mul3A_25 = arith.muli %scan3A_23, %mul3A_24 : i32
      %add3A_26 = arith.addi %mul3A_15, %mul3A_25 : i32
      "tpu.region"() ({
        %run_scoped3A = tpu.sem_alloc : memref<!tpu.dma_semaphore, #tpu.memory_space<semaphore_mem>>
        %dma_start3A = tpu.memref_slice %arg2[%add3A_26] : memref<320000xi32, #tpu.memory_space<hbm>> -> memref<80xi32, #tpu.memory_space<hbm>>
        %dma_start3A_27 = tpu.memref_slice %arg2[%add3A_26] : memref<320000xi32, #tpu.memory_space<hbm>> -> memref<80xi32, #tpu.memory_space<hbm>>
        tpu.enqueue_dma source(%dma_start3A_27 : memref<80xi32, #tpu.memory_space<hbm>>) target(%arg5 : memref<80xi32, #tpu.memory_space<vmem>>) target_semaphore(%run_scoped3A : memref<!tpu.dma_semaphore, #tpu.memory_space<semaphore_mem>>)
        %dma_wait3A = tpu.memref_slice %arg2[%add3A_26] : memref<320000xi32, #tpu.memory_space<hbm>> -> memref<80xi32, #tpu.memory_space<hbm>>
        %dma_wait3A_28 = tpu.memref_slice %arg2[%add3A_26] : memref<320000xi32, #tpu.memory_space<hbm>> -> memref<80xi32, #tpu.memory_space<hbm>>
        tpu.wait_dma2 semaphore(%run_scoped3A : memref<!tpu.dma_semaphore, #tpu.memory_space<semaphore_mem>>) src(%dma_wait3A_28 : memref<80xi32, #tpu.memory_space<hbm>>) dst(%arg5 : memref<80xi32, #tpu.memory_space<vmem>>)
        tpu.yield
      }) : () -> ()
      "tpu.region"() ({
        %run_scoped3A = tpu.sem_alloc : memref<!tpu.dma_semaphore, #tpu.memory_space<semaphore_mem>>
        %dma_start3A = arith.constant 0 : i32
        %dma_start3A_27 = arith.constant 0 : i32
        %dma_start3A_28 = tpu.memref_slice %arg4[%dma_start3A, %dma_start3A_27] : memref<10240x16xf32, #tpu.memory_space<vmem_shared>> -> memref<10240x16xf32, #tpu.memory_space<vmem_shared>>
        tpu.enqueue_indirect_dma source(%arg6 : memref<80x16xf32, #tpu.memory_space<vmem>>) target(%dma_start3A_28 : memref<10240x16xf32, #tpu.memory_space<vmem_shared>>) offsets(%arg5 : memref<80xi32, #tpu.memory_space<vmem>>) semaphore(%run_scoped3A : memref<!tpu.dma_semaphore, #tpu.memory_space<semaphore_mem>>) {add = true}
        %dma_wait3A = arith.constant 0 : i32
        %dma_wait3A_29 = arith.constant 0 : i32
        %dma_wait3A_30 = tpu.memref_slice %arg4[%dma_wait3A, %dma_wait3A_29] : memref<10240x16xf32, #tpu.memory_space<vmem_shared>> -> memref<10240x16xf32, #tpu.memory_space<vmem_shared>>
        tpu.wait_indirect_dma semaphore(%run_scoped3A : memref<!tpu.dma_semaphore, #tpu.memory_space<semaphore_mem>>) src(%arg6 : memref<80x16xf32, #tpu.memory_space<vmem>>) dst(%dma_wait3A_30 : memref<10240x16xf32, #tpu.memory_space<vmem_shared>>)
        tpu.yield
      }) : () -> ()
    }
    %scan3A_21 = arith.constant 125 : i32
    %barrier3A_22 = arith.constant 0 : index
    tpu.barrier barrier_id(%barrier3A_22)
    "tpu.region"() ({
      %run_scoped3A = tpu.sem_alloc : memref<!tpu.dma_semaphore, #tpu.memory_space<semaphore_mem>>
      %dma_start3A = arith.constant 0 : i32
      %dma_start3A_23 = tpu.memref_slice %arg4[%mul3A_0, %dma_start3A] : memref<10240x16xf32, #tpu.memory_space<vmem_shared>> -> memref<640x16xf32, #tpu.memory_space<vmem_shared>>
      %dma_start3A_24 = arith.constant 0 : i32
      %dma_start3A_25 = tpu.memref_slice %arg4[%mul3A_0, %dma_start3A_24] : memref<10240x16xf32, #tpu.memory_space<vmem_shared>> -> memref<640x16xf32, #tpu.memory_space<vmem_shared>>
      tpu.enqueue_dma source(%dma_start3A_25 : memref<640x16xf32, #tpu.memory_space<vmem_shared>>) target(%arg7 : memref<640x16xf32, #tpu.memory_space<vmem>>) target_semaphore(%run_scoped3A : memref<!tpu.dma_semaphore, #tpu.memory_space<semaphore_mem>>)
      %dma_wait3A = arith.constant 0 : i32
      %dma_wait3A_26 = tpu.memref_slice %arg4[%mul3A_0, %dma_wait3A] : memref<10240x16xf32, #tpu.memory_space<vmem_shared>> -> memref<640x16xf32, #tpu.memory_space<vmem_shared>>
      %dma_wait3A_27 = arith.constant 0 : i32
      %dma_wait3A_28 = tpu.memref_slice %arg4[%mul3A_0, %dma_wait3A_27] : memref<10240x16xf32, #tpu.memory_space<vmem_shared>> -> memref<640x16xf32, #tpu.memory_space<vmem_shared>>
      tpu.wait_dma2 semaphore(%run_scoped3A : memref<!tpu.dma_semaphore, #tpu.memory_space<semaphore_mem>>) src(%dma_wait3A_28 : memref<640x16xf32, #tpu.memory_space<vmem_shared>>) dst(%arg7 : memref<640x16xf32, #tpu.memory_space<vmem>>)
      tpu.yield
    }) : () -> ()
    "tpu.region"() ({
      %run_scoped3A = tpu.sem_alloc : memref<!tpu.dma_semaphore, #tpu.memory_space<semaphore_mem>>
      %dma_start3A = arith.constant 0 : i32
      %dma_start3A_23 = tpu.memref_slice %arg3[%arg0, %mul3A_0, %dma_start3A] : memref<2x10240x16xf32, #tpu.memory_space<hbm>> -> memref<1x640x16xf32, #tpu.memory_space<hbm>>
      %dma_start3A_24 = tpu.memref_squeeze %dma_start3A_23 : memref<1x640x16xf32, #tpu.memory_space<hbm>> -> memref<640x16xf32, #tpu.memory_space<hbm>>
      %dma_start3A_25 = arith.constant 0 : i32
      %dma_start3A_26 = tpu.memref_slice %arg3[%arg0, %mul3A_0, %dma_start3A_25] : memref<2x10240x16xf32, #tpu.memory_space<hbm>> -> memref<1x640x16xf32, #tpu.memory_space<hbm>>
      %dma_start3A_27 = tpu.memref_squeeze %dma_start3A_26 : memref<1x640x16xf32, #tpu.memory_space<hbm>> -> memref<640x16xf32, #tpu.memory_space<hbm>>
      tpu.enqueue_dma source(%arg7 : memref<640x16xf32, #tpu.memory_space<vmem>>) target(%dma_start3A_27 : memref<640x16xf32, #tpu.memory_space<hbm>>) target_semaphore(%run_scoped3A : memref<!tpu.dma_semaphore, #tpu.memory_space<semaphore_mem>>)
      %dma_wait3A = arith.constant 0 : i32
      %dma_wait3A_28 = tpu.memref_slice %arg3[%arg0, %mul3A_0, %dma_wait3A] : memref<2x10240x16xf32, #tpu.memory_space<hbm>> -> memref<1x640x16xf32, #tpu.memory_space<hbm>>
      %dma_wait3A_29 = tpu.memref_squeeze %dma_wait3A_28 : memref<1x640x16xf32, #tpu.memory_space<hbm>> -> memref<640x16xf32, #tpu.memory_space<hbm>>
      %dma_wait3A_30 = arith.constant 0 : i32
      %dma_wait3A_31 = tpu.memref_slice %arg3[%arg0, %mul3A_0, %dma_wait3A_30] : memref<2x10240x16xf32, #tpu.memory_space<hbm>> -> memref<1x640x16xf32, #tpu.memory_space<hbm>>
      %dma_wait3A_32 = tpu.memref_squeeze %dma_wait3A_31 : memref<1x640x16xf32, #tpu.memory_space<hbm>> -> memref<640x16xf32, #tpu.memory_space<hbm>>
      tpu.wait_dma2 semaphore(%run_scoped3A : memref<!tpu.dma_semaphore, #tpu.memory_space<semaphore_mem>>) src(%arg7 : memref<640x16xf32, #tpu.memory_space<vmem>>) dst(%dma_wait3A_32 : memref<640x16xf32, #tpu.memory_space<hbm>>)
      tpu.yield
    }) : () -> ()
    return
  }
}

#map = affine_map<(d0, d1) -> (0, 0)>
#map1 = affine_map<(d0, d1) -> (0)>
#map2 = affine_map<(d0, d1) -> (0, 0, 0)>
module attributes {stable_mosaic.version = 14 : i64} {
  func.func @_edge_scatter(%arg0: i32, %arg1: i32, %arg2: memref<10240x128xf32, #tpu.memory_space<hbm>>, %arg3: memref<327680xi32, #tpu.memory_space<hbm>>, %arg4: memref<2560x128xi32, #tpu.memory_space<hbm>>, %arg5: memref<2x10240x128xf32, #tpu.memory_space<hbm>>, %arg6: memref<10240x128xf32, #tpu.memory_space<vmem_shared>>, %arg7: memref<80x128xi32, #tpu.memory_space<vmem>>, %arg8: memref<128xi32, #tpu.memory_space<vmem>>, %arg9: memref<128xi32, #tpu.memory_space<vmem>>, %arg10: memref<128xi32, #tpu.memory_space<vmem>>, %arg11: memref<128xi32, #tpu.memory_space<vmem>>, %arg12: memref<128x128xf32, #tpu.memory_space<vmem>>, %arg13: memref<128x128xf32, #tpu.memory_space<vmem>>, %arg14: memref<!tpu.dma_semaphore, #tpu.memory_space<semaphore_mem>>, %arg15: memref<!tpu.dma_semaphore, #tpu.memory_space<semaphore_mem>>, %arg16: memref<!tpu.dma_semaphore, #tpu.memory_space<semaphore_mem>>, %arg17: memref<!tpu.dma_semaphore, #tpu.memory_space<semaphore_mem>>, %arg18: memref<!tpu.dma_semaphore, #tpu.memory_space<semaphore_mem>>, %arg19: memref<!tpu.dma_semaphore, #tpu.memory_space<semaphore_mem>>, %arg20: memref<!tpu.dma_semaphore, #tpu.memory_space<semaphore_mem>>, %arg21: memref<!tpu.dma_semaphore, #tpu.memory_space<semaphore_mem>>, %arg22: memref<!tpu.dma_semaphore, #tpu.memory_space<semaphore_mem>>, %arg23: memref<!tpu.dma_semaphore, #tpu.memory_space<semaphore_mem>>, %arg24: memref<!tpu.dma_semaphore, #tpu.memory_space<semaphore_mem>>, %arg25: memref<!tpu.dma_semaphore, #tpu.memory_space<semaphore_mem>>, %arg26: memref<!tpu.dma_semaphore, #tpu.memory_space<semaphore_mem>>) attributes {dimension_semantics = [#tpu.dimension_semantics<core_parallel>, #tpu.dimension_semantics<subcore_parallel>], iteration_bounds = array<i64: 2, 16>, scalar_prefetch = 0 : i64, scratch_operands = 21 : i64, tpu.core_type = #tpu.core_type<sc_vector_subcore>, window_params = [{transform_indices = #map}, {transform_indices = #map1}, {transform_indices = #map}, {transform_indices = #map2}]} {
    %mul3A = arith.constant 16 : i32
    %mul3A_0 = arith.muli %arg0, %mul3A : i32
    %add3A = arith.addi %mul3A_0, %arg1 : i32
    %mul3A_1 = arith.constant 640 : i32
    %mul3A_2 = arith.muli %arg1, %mul3A_1 : i32
    %mul3A_3 = arith.constant 80 : i32
    %mul3A_4 = arith.muli %add3A, %mul3A_3 : i32
    %mul3A_5 = arith.constant 128 : i32
    %mul3A_6 = arith.muli %mul3A_4, %mul3A_5 : i32
    %add3A_7 = arith.constant 0 : i32
    %add3A_8 = arith.addi %mul3A_6, %add3A_7 : i32
    %dma_start3A = tpu.memref_slice %arg3[%add3A_8] : memref<327680xi32, #tpu.memory_space<hbm>> -> memref<128xi32, #tpu.memory_space<hbm>>
    %dma_start3A_9 = tpu.memref_slice %arg3[%add3A_8] : memref<327680xi32, #tpu.memory_space<hbm>> -> memref<128xi32, #tpu.memory_space<hbm>>
    tpu.enqueue_dma source(%dma_start3A_9 : memref<128xi32, #tpu.memory_space<hbm>>) target(%arg8 : memref<128xi32, #tpu.memory_space<vmem>>) target_semaphore(%arg14 : memref<!tpu.dma_semaphore, #tpu.memory_space<semaphore_mem>>)
    %add3A_10 = arith.constant 128 : i32
    %add3A_11 = arith.addi %mul3A_6, %add3A_10 : i32
    %dma_start3A_12 = tpu.memref_slice %arg3[%add3A_11] : memref<327680xi32, #tpu.memory_space<hbm>> -> memref<128xi32, #tpu.memory_space<hbm>>
    %dma_start3A_13 = tpu.memref_slice %arg3[%add3A_11] : memref<327680xi32, #tpu.memory_space<hbm>> -> memref<128xi32, #tpu.memory_space<hbm>>
    tpu.enqueue_dma source(%dma_start3A_13 : memref<128xi32, #tpu.memory_space<hbm>>) target(%arg9 : memref<128xi32, #tpu.memory_space<vmem>>) target_semaphore(%arg15 : memref<!tpu.dma_semaphore, #tpu.memory_space<semaphore_mem>>)
    %add3A_14 = arith.constant 256 : i32
    %add3A_15 = arith.addi %mul3A_6, %add3A_14 : i32
    %dma_start3A_16 = tpu.memref_slice %arg3[%add3A_15] : memref<327680xi32, #tpu.memory_space<hbm>> -> memref<128xi32, #tpu.memory_space<hbm>>
    %dma_start3A_17 = tpu.memref_slice %arg3[%add3A_15] : memref<327680xi32, #tpu.memory_space<hbm>> -> memref<128xi32, #tpu.memory_space<hbm>>
    tpu.enqueue_dma source(%dma_start3A_17 : memref<128xi32, #tpu.memory_space<hbm>>) target(%arg10 : memref<128xi32, #tpu.memory_space<vmem>>) target_semaphore(%arg16 : memref<!tpu.dma_semaphore, #tpu.memory_space<semaphore_mem>>)
    %mul3A_18 = arith.constant 80 : i32
    %mul3A_19 = arith.muli %add3A, %mul3A_18 : i32
    "tpu.region"() ({
      %run_scoped3A = tpu.sem_alloc : memref<!tpu.dma_semaphore, #tpu.memory_space<semaphore_mem>>
      %dma_start3A_330 = arith.constant 0 : i32
      %dma_start3A_331 = tpu.memref_slice %arg4[%mul3A_19, %dma_start3A_330] : memref<2560x128xi32, #tpu.memory_space<hbm>> -> memref<80x128xi32, #tpu.memory_space<hbm>>
      %dma_start3A_332 = arith.constant 0 : i32
      %dma_start3A_333 = tpu.memref_slice %arg4[%mul3A_19, %dma_start3A_332] : memref<2560x128xi32, #tpu.memory_space<hbm>> -> memref<80x128xi32, #tpu.memory_space<hbm>>
      tpu.enqueue_dma source(%dma_start3A_333 : memref<80x128xi32, #tpu.memory_space<hbm>>) target(%arg7 : memref<80x128xi32, #tpu.memory_space<vmem>>) target_semaphore(%run_scoped3A : memref<!tpu.dma_semaphore, #tpu.memory_space<semaphore_mem>>)
      %dma_wait3A_334 = arith.constant 0 : i32
      %dma_wait3A_335 = tpu.memref_slice %arg4[%mul3A_19, %dma_wait3A_334] : memref<2560x128xi32, #tpu.memory_space<hbm>> -> memref<80x128xi32, #tpu.memory_space<hbm>>
      %dma_wait3A_336 = arith.constant 0 : i32
      %dma_wait3A_337 = tpu.memref_slice %arg4[%mul3A_19, %dma_wait3A_336] : memref<2560x128xi32, #tpu.memory_space<hbm>> -> memref<80x128xi32, #tpu.memory_space<hbm>>
      tpu.wait_dma2 semaphore(%run_scoped3A : memref<!tpu.dma_semaphore, #tpu.memory_space<semaphore_mem>>) src(%dma_wait3A_337 : memref<80x128xi32, #tpu.memory_space<hbm>>) dst(%arg7 : memref<80x128xi32, #tpu.memory_space<vmem>>)
      tpu.yield
    }) : () -> ()
    %scan3A = arith.constant 0 : i32
    %scan3A_20 = arith.constant 0 : i32
    %scan3A_21 = arith.constant 128 : i32
    %scan3A_22 = arith.addi %scan3A_20, %scan3A_21 : i32
    %scan3A_23 = arith.constant 1 : i32
    scf.for %scan3A_330 = %scan3A_20 to %scan3A_22 step %scan3A_23  : i32 {
      %broadcast_in_dim3A = arith.constant 0.000000e+00 : f32
      %broadcast_in_dim3A_331 = vector.broadcast %broadcast_in_dim3A : f32 to vector<16xf32>
      %swap3A = arith.index_cast %scan3A_330 : i32 to index
      %swap3A_332 = arith.constant 0 : index
      %swap3A_333 = tpu.vector_load %arg12[%swap3A, %swap3A_332] {strides = array<i32>} : memref<128x128xf32, #tpu.memory_space<vmem>>, vector<1x16xf32>,
      %swap3A_334 = vector.shape_cast %swap3A_333 : vector<1x16xf32> to vector<16xf32>
      %swap3A_335 = vector.shape_cast %broadcast_in_dim3A_331 : vector<16xf32> to vector<1x16xf32>
      tpu.vector_store %arg12[%swap3A, %swap3A_332], %swap3A_335 {strides = array<i32>} : memref<128x128xf32, #tpu.memory_space<vmem>>, vector<1x16xf32>,
      %broadcast_in_dim3A_336 = arith.constant 0.000000e+00 : f32
      %broadcast_in_dim3A_337 = vector.broadcast %broadcast_in_dim3A_336 : f32 to vector<16xf32>
      %swap3A_338 = arith.index_cast %scan3A_330 : i32 to index
      %swap3A_339 = arith.constant 16 : index
      %swap3A_340 = tpu.vector_load %arg12[%swap3A_338, %swap3A_339] {strides = array<i32>} : memref<128x128xf32, #tpu.memory_space<vmem>>, vector<1x16xf32>,
      %swap3A_341 = vector.shape_cast %swap3A_340 : vector<1x16xf32> to vector<16xf32>
      %swap3A_342 = vector.shape_cast %broadcast_in_dim3A_337 : vector<16xf32> to vector<1x16xf32>
      tpu.vector_store %arg12[%swap3A_338, %swap3A_339], %swap3A_342 {strides = array<i32>} : memref<128x128xf32, #tpu.memory_space<vmem>>, vector<1x16xf32>,
      %broadcast_in_dim3A_343 = arith.constant 0.000000e+00 : f32
      %broadcast_in_dim3A_344 = vector.broadcast %broadcast_in_dim3A_343 : f32 to vector<16xf32>
      %swap3A_345 = arith.index_cast %scan3A_330 : i32 to index
      %swap3A_346 = arith.constant 32 : index
      %swap3A_347 = tpu.vector_load %arg12[%swap3A_345, %swap3A_346] {strides = array<i32>} : memref<128x128xf32, #tpu.memory_space<vmem>>, vector<1x16xf32>,
      %swap3A_348 = vector.shape_cast %swap3A_347 : vector<1x16xf32> to vector<16xf32>
      %swap3A_349 = vector.shape_cast %broadcast_in_dim3A_344 : vector<16xf32> to vector<1x16xf32>
      tpu.vector_store %arg12[%swap3A_345, %swap3A_346], %swap3A_349 {strides = array<i32>} : memref<128x128xf32, #tpu.memory_space<vmem>>, vector<1x16xf32>,
      %broadcast_in_dim3A_350 = arith.constant 0.000000e+00 : f32
      %broadcast_in_dim3A_351 = vector.broadcast %broadcast_in_dim3A_350 : f32 to vector<16xf32>
      %swap3A_352 = arith.index_cast %scan3A_330 : i32 to index
      %swap3A_353 = arith.constant 48 : index
      %swap3A_354 = tpu.vector_load %arg12[%swap3A_352, %swap3A_353] {strides = array<i32>} : memref<128x128xf32, #tpu.memory_space<vmem>>, vector<1x16xf32>,
      %swap3A_355 = vector.shape_cast %swap3A_354 : vector<1x16xf32> to vector<16xf32>
      %swap3A_356 = vector.shape_cast %broadcast_in_dim3A_351 : vector<16xf32> to vector<1x16xf32>
      tpu.vector_store %arg12[%swap3A_352, %swap3A_353], %swap3A_356 {strides = array<i32>} : memref<128x128xf32, #tpu.memory_space<vmem>>, vector<1x16xf32>,
      %broadcast_in_dim3A_357 = arith.constant 0.000000e+00 : f32
      %broadcast_in_dim3A_358 = vector.broadcast %broadcast_in_dim3A_357 : f32 to vector<16xf32>
      %swap3A_359 = arith.index_cast %scan3A_330 : i32 to index
      %swap3A_360 = arith.constant 64 : index
      %swap3A_361 = tpu.vector_load %arg12[%swap3A_359, %swap3A_360] {strides = array<i32>} : memref<128x128xf32, #tpu.memory_space<vmem>>, vector<1x16xf32>,
      %swap3A_362 = vector.shape_cast %swap3A_361 : vector<1x16xf32> to vector<16xf32>
      %swap3A_363 = vector.shape_cast %broadcast_in_dim3A_358 : vector<16xf32> to vector<1x16xf32>
      tpu.vector_store %arg12[%swap3A_359, %swap3A_360], %swap3A_363 {strides = array<i32>} : memref<128x128xf32, #tpu.memory_space<vmem>>, vector<1x16xf32>,
      %broadcast_in_dim3A_364 = arith.constant 0.000000e+00 : f32
      %broadcast_in_dim3A_365 = vector.broadcast %broadcast_in_dim3A_364 : f32 to vector<16xf32>
      %swap3A_366 = arith.index_cast %scan3A_330 : i32 to index
      %swap3A_367 = arith.constant 80 : index
      %swap3A_368 = tpu.vector_load %arg12[%swap3A_366, %swap3A_367] {strides = array<i32>} : memref<128x128xf32, #tpu.memory_space<vmem>>, vector<1x16xf32>,
      %swap3A_369 = vector.shape_cast %swap3A_368 : vector<1x16xf32> to vector<16xf32>
      %swap3A_370 = vector.shape_cast %broadcast_in_dim3A_365 : vector<16xf32> to vector<1x16xf32>
      tpu.vector_store %arg12[%swap3A_366, %swap3A_367], %swap3A_370 {strides = array<i32>} : memref<128x128xf32, #tpu.memory_space<vmem>>, vector<1x16xf32>,
      %broadcast_in_dim3A_371 = arith.constant 0.000000e+00 : f32
      %broadcast_in_dim3A_372 = vector.broadcast %broadcast_in_dim3A_371 : f32 to vector<16xf32>
      %swap3A_373 = arith.index_cast %scan3A_330 : i32 to index
      %swap3A_374 = arith.constant 96 : index
      %swap3A_375 = tpu.vector_load %arg12[%swap3A_373, %swap3A_374] {strides = array<i32>} : memref<128x128xf32, #tpu.memory_space<vmem>>, vector<1x16xf32>,
      %swap3A_376 = vector.shape_cast %swap3A_375 : vector<1x16xf32> to vector<16xf32>
      %swap3A_377 = vector.shape_cast %broadcast_in_dim3A_372 : vector<16xf32> to vector<1x16xf32>
      tpu.vector_store %arg12[%swap3A_373, %swap3A_374], %swap3A_377 {strides = array<i32>} : memref<128x128xf32, #tpu.memory_space<vmem>>, vector<1x16xf32>,
      %broadcast_in_dim3A_378 = arith.constant 0.000000e+00 : f32
      %broadcast_in_dim3A_379 = vector.broadcast %broadcast_in_dim3A_378 : f32 to vector<16xf32>
      %swap3A_380 = arith.index_cast %scan3A_330 : i32 to index
      %swap3A_381 = arith.constant 112 : index
      %swap3A_382 = tpu.vector_load %arg12[%swap3A_380, %swap3A_381] {strides = array<i32>} : memref<128x128xf32, #tpu.memory_space<vmem>>, vector<1x16xf32>,
      %swap3A_383 = vector.shape_cast %swap3A_382 : vector<1x16xf32> to vector<16xf32>
      %swap3A_384 = vector.shape_cast %broadcast_in_dim3A_379 : vector<16xf32> to vector<1x16xf32>
      tpu.vector_store %arg12[%swap3A_380, %swap3A_381], %swap3A_384 {strides = array<i32>} : memref<128x128xf32, #tpu.memory_space<vmem>>, vector<1x16xf32>,
    }
    %scan3A_24 = arith.constant 128 : i32
    %add3A_25 = arith.constant 0 : i32
    %add3A_26 = arith.addi %mul3A_2, %add3A_25 : i32
    %dma_start3A_27 = arith.constant 0 : i32
    %dma_start3A_28 = tpu.memref_slice %arg6[%add3A_26, %dma_start3A_27] : memref<10240x128xf32, #tpu.memory_space<vmem_shared>> -> memref<128x128xf32, #tpu.memory_space<vmem_shared>>
    %dma_start3A_29 = arith.constant 0 : i32
    %dma_start3A_30 = tpu.memref_slice %arg6[%add3A_26, %dma_start3A_29] : memref<10240x128xf32, #tpu.memory_space<vmem_shared>> -> memref<128x128xf32, #tpu.memory_space<vmem_shared>>
    tpu.enqueue_dma source(%arg12 : memref<128x128xf32, #tpu.memory_space<vmem>>) target(%dma_start3A_30 : memref<128x128xf32, #tpu.memory_space<vmem_shared>>) target_semaphore(%arg22 : memref<!tpu.dma_semaphore, #tpu.memory_space<semaphore_mem>>)
    %add3A_31 = arith.constant 128 : i32
    %add3A_32 = arith.addi %mul3A_2, %add3A_31 : i32
    %dma_start3A_33 = arith.constant 0 : i32
    %dma_start3A_34 = tpu.memref_slice %arg6[%add3A_32, %dma_start3A_33] : memref<10240x128xf32, #tpu.memory_space<vmem_shared>> -> memref<128x128xf32, #tpu.memory_space<vmem_shared>>
    %dma_start3A_35 = arith.constant 0 : i32
    %dma_start3A_36 = tpu.memref_slice %arg6[%add3A_32, %dma_start3A_35] : memref<10240x128xf32, #tpu.memory_space<vmem_shared>> -> memref<128x128xf32, #tpu.memory_space<vmem_shared>>
    tpu.enqueue_dma source(%arg12 : memref<128x128xf32, #tpu.memory_space<vmem>>) target(%dma_start3A_36 : memref<128x128xf32, #tpu.memory_space<vmem_shared>>) target_semaphore(%arg22 : memref<!tpu.dma_semaphore, #tpu.memory_space<semaphore_mem>>)
    %add3A_37 = arith.constant 256 : i32
    %add3A_38 = arith.addi %mul3A_2, %add3A_37 : i32
    %dma_start3A_39 = arith.constant 0 : i32
    %dma_start3A_40 = tpu.memref_slice %arg6[%add3A_38, %dma_start3A_39] : memref<10240x128xf32, #tpu.memory_space<vmem_shared>> -> memref<128x128xf32, #tpu.memory_space<vmem_shared>>
    %dma_start3A_41 = arith.constant 0 : i32
    %dma_start3A_42 = tpu.memref_slice %arg6[%add3A_38, %dma_start3A_41] : memref<10240x128xf32, #tpu.memory_space<vmem_shared>> -> memref<128x128xf32, #tpu.memory_space<vmem_shared>>
    tpu.enqueue_dma source(%arg12 : memref<128x128xf32, #tpu.memory_space<vmem>>) target(%dma_start3A_42 : memref<128x128xf32, #tpu.memory_space<vmem_shared>>) target_semaphore(%arg22 : memref<!tpu.dma_semaphore, #tpu.memory_space<semaphore_mem>>)
    %add3A_43 = arith.constant 384 : i32
    %add3A_44 = arith.addi %mul3A_2, %add3A_43 : i32
    %dma_start3A_45 = arith.constant 0 : i32
    %dma_start3A_46 = tpu.memref_slice %arg6[%add3A_44, %dma_start3A_45] : memref<10240x128xf32, #tpu.memory_space<vmem_shared>> -> memref<128x128xf32, #tpu.memory_space<vmem_shared>>
    %dma_start3A_47 = arith.constant 0 : i32
    %dma_start3A_48 = tpu.memref_slice %arg6[%add3A_44, %dma_start3A_47] : memref<10240x128xf32, #tpu.memory_space<vmem_shared>> -> memref<128x128xf32, #tpu.memory_space<vmem_shared>>
    tpu.enqueue_dma source(%arg12 : memref<128x128xf32, #tpu.memory_space<vmem>>) target(%dma_start3A_48 : memref<128x128xf32, #tpu.memory_space<vmem_shared>>) target_semaphore(%arg22 : memref<!tpu.dma_semaphore, #tpu.memory_space<semaphore_mem>>)
    %add3A_49 = arith.constant 512 : i32
    %add3A_50 = arith.addi %mul3A_2, %add3A_49 : i32
    %dma_start3A_51 = arith.constant 0 : i32
    %dma_start3A_52 = tpu.memref_slice %arg6[%add3A_50, %dma_start3A_51] : memref<10240x128xf32, #tpu.memory_space<vmem_shared>> -> memref<128x128xf32, #tpu.memory_space<vmem_shared>>
    %dma_start3A_53 = arith.constant 0 : i32
    %dma_start3A_54 = tpu.memref_slice %arg6[%add3A_50, %dma_start3A_53] : memref<10240x128xf32, #tpu.memory_space<vmem_shared>> -> memref<128x128xf32, #tpu.memory_space<vmem_shared>>
    tpu.enqueue_dma source(%arg12 : memref<128x128xf32, #tpu.memory_space<vmem>>) target(%dma_start3A_54 : memref<128x128xf32, #tpu.memory_space<vmem_shared>>) target_semaphore(%arg22 : memref<!tpu.dma_semaphore, #tpu.memory_space<semaphore_mem>>)
    %add3A_55 = arith.constant 0 : i32
    %add3A_56 = arith.addi %mul3A_2, %add3A_55 : i32
    %dma_wait3A = arith.constant 0 : i32
    %dma_wait3A_57 = tpu.memref_slice %arg6[%add3A_56, %dma_wait3A] : memref<10240x128xf32, #tpu.memory_space<vmem_shared>> -> memref<128x128xf32, #tpu.memory_space<vmem_shared>>
    %dma_wait3A_58 = arith.constant 0 : i32
    %dma_wait3A_59 = tpu.memref_slice %arg6[%add3A_56, %dma_wait3A_58] : memref<10240x128xf32, #tpu.memory_space<vmem_shared>> -> memref<128x128xf32, #tpu.memory_space<vmem_shared>>
    tpu.wait_dma2 semaphore(%arg22 : memref<!tpu.dma_semaphore, #tpu.memory_space<semaphore_mem>>) src(%arg12 : memref<128x128xf32, #tpu.memory_space<vmem>>) dst(%dma_wait3A_59 : memref<128x128xf32, #tpu.memory_space<vmem_shared>>)
    %add3A_60 = arith.constant 128 : i32
    %add3A_61 = arith.addi %mul3A_2, %add3A_60 : i32
    %dma_wait3A_62 = arith.constant 0 : i32
    %dma_wait3A_63 = tpu.memref_slice %arg6[%add3A_61, %dma_wait3A_62] : memref<10240x128xf32, #tpu.memory_space<vmem_shared>> -> memref<128x128xf32, #tpu.memory_space<vmem_shared>>
    %dma_wait3A_64 = arith.constant 0 : i32
    %dma_wait3A_65 = tpu.memref_slice %arg6[%add3A_61, %dma_wait3A_64] : memref<10240x128xf32, #tpu.memory_space<vmem_shared>> -> memref<128x128xf32, #tpu.memory_space<vmem_shared>>
    tpu.wait_dma2 semaphore(%arg22 : memref<!tpu.dma_semaphore, #tpu.memory_space<semaphore_mem>>) src(%arg12 : memref<128x128xf32, #tpu.memory_space<vmem>>) dst(%dma_wait3A_65 : memref<128x128xf32, #tpu.memory_space<vmem_shared>>)
    %add3A_66 = arith.constant 256 : i32
    %add3A_67 = arith.addi %mul3A_2, %add3A_66 : i32
    %dma_wait3A_68 = arith.constant 0 : i32
    %dma_wait3A_69 = tpu.memref_slice %arg6[%add3A_67, %dma_wait3A_68] : memref<10240x128xf32, #tpu.memory_space<vmem_shared>> -> memref<128x128xf32, #tpu.memory_space<vmem_shared>>
    %dma_wait3A_70 = arith.constant 0 : i32
    %dma_wait3A_71 = tpu.memref_slice %arg6[%add3A_67, %dma_wait3A_70] : memref<10240x128xf32, #tpu.memory_space<vmem_shared>> -> memref<128x128xf32, #tpu.memory_space<vmem_shared>>
    tpu.wait_dma2 semaphore(%arg22 : memref<!tpu.dma_semaphore, #tpu.memory_space<semaphore_mem>>) src(%arg12 : memref<128x128xf32, #tpu.memory_space<vmem>>) dst(%dma_wait3A_71 : memref<128x128xf32, #tpu.memory_space<vmem_shared>>)
    %add3A_72 = arith.constant 384 : i32
    %add3A_73 = arith.addi %mul3A_2, %add3A_72 : i32
    %dma_wait3A_74 = arith.constant 0 : i32
    %dma_wait3A_75 = tpu.memref_slice %arg6[%add3A_73, %dma_wait3A_74] : memref<10240x128xf32, #tpu.memory_space<vmem_shared>> -> memref<128x128xf32, #tpu.memory_space<vmem_shared>>
    %dma_wait3A_76 = arith.constant 0 : i32
    %dma_wait3A_77 = tpu.memref_slice %arg6[%add3A_73, %dma_wait3A_76] : memref<10240x128xf32, #tpu.memory_space<vmem_shared>> -> memref<128x128xf32, #tpu.memory_space<vmem_shared>>
    tpu.wait_dma2 semaphore(%arg22 : memref<!tpu.dma_semaphore, #tpu.memory_space<semaphore_mem>>) src(%arg12 : memref<128x128xf32, #tpu.memory_space<vmem>>) dst(%dma_wait3A_77 : memref<128x128xf32, #tpu.memory_space<vmem_shared>>)
    %add3A_78 = arith.constant 512 : i32
    %add3A_79 = arith.addi %mul3A_2, %add3A_78 : i32
    %dma_wait3A_80 = arith.constant 0 : i32
    %dma_wait3A_81 = tpu.memref_slice %arg6[%add3A_79, %dma_wait3A_80] : memref<10240x128xf32, #tpu.memory_space<vmem_shared>> -> memref<128x128xf32, #tpu.memory_space<vmem_shared>>
    %dma_wait3A_82 = arith.constant 0 : i32
    %dma_wait3A_83 = tpu.memref_slice %arg6[%add3A_79, %dma_wait3A_82] : memref<10240x128xf32, #tpu.memory_space<vmem_shared>> -> memref<128x128xf32, #tpu.memory_space<vmem_shared>>
    tpu.wait_dma2 semaphore(%arg22 : memref<!tpu.dma_semaphore, #tpu.memory_space<semaphore_mem>>) src(%arg12 : memref<128x128xf32, #tpu.memory_space<vmem>>) dst(%dma_wait3A_83 : memref<128x128xf32, #tpu.memory_space<vmem_shared>>)
    %add3A_84 = arith.constant 0 : i32
    %add3A_85 = arith.addi %mul3A_6, %add3A_84 : i32
    %dma_wait3A_86 = tpu.memref_slice %arg3[%add3A_85] : memref<327680xi32, #tpu.memory_space<hbm>> -> memref<128xi32, #tpu.memory_space<hbm>>
    %dma_wait3A_87 = tpu.memref_slice %arg3[%add3A_85] : memref<327680xi32, #tpu.memory_space<hbm>> -> memref<128xi32, #tpu.memory_space<hbm>>
    tpu.wait_dma2 semaphore(%arg14 : memref<!tpu.dma_semaphore, #tpu.memory_space<semaphore_mem>>) src(%dma_wait3A_87 : memref<128xi32, #tpu.memory_space<hbm>>) dst(%arg8 : memref<128xi32, #tpu.memory_space<vmem>>)
    %dma_start3A_88 = arith.constant 0 : i32
    %dma_start3A_89 = arith.constant 0 : i32
    %dma_start3A_90 = tpu.memref_slice %arg2[%dma_start3A_88, %dma_start3A_89] : memref<10240x128xf32, #tpu.memory_space<hbm>> -> memref<10240x128xf32, #tpu.memory_space<hbm>>
    tpu.enqueue_indirect_dma source(%dma_start3A_90 : memref<10240x128xf32, #tpu.memory_space<hbm>>) target(%arg12 : memref<128x128xf32, #tpu.memory_space<vmem>>) offsets(%arg8 : memref<128xi32, #tpu.memory_space<vmem>>) semaphore(%arg18 : memref<!tpu.dma_semaphore, #tpu.memory_space<semaphore_mem>>)
    %barrier3A = arith.constant 0 : index
    tpu.barrier barrier_id(%barrier3A)
    %add3A_91 = arith.constant 128 : i32
    %add3A_92 = arith.addi %mul3A_6, %add3A_91 : i32
    %dma_wait3A_93 = tpu.memref_slice %arg3[%add3A_92] : memref<327680xi32, #tpu.memory_space<hbm>> -> memref<128xi32, #tpu.memory_space<hbm>>
    %dma_wait3A_94 = tpu.memref_slice %arg3[%add3A_92] : memref<327680xi32, #tpu.memory_space<hbm>> -> memref<128xi32, #tpu.memory_space<hbm>>
    tpu.wait_dma2 semaphore(%arg15 : memref<!tpu.dma_semaphore, #tpu.memory_space<semaphore_mem>>) src(%dma_wait3A_94 : memref<128xi32, #tpu.memory_space<hbm>>) dst(%arg9 : memref<128xi32, #tpu.memory_space<vmem>>)
    %dma_start3A_95 = arith.constant 0 : i32
    %dma_start3A_96 = arith.constant 0 : i32
    %dma_start3A_97 = tpu.memref_slice %arg2[%dma_start3A_95, %dma_start3A_96] : memref<10240x128xf32, #tpu.memory_space<hbm>> -> memref<10240x128xf32, #tpu.memory_space<hbm>>
    tpu.enqueue_indirect_dma source(%dma_start3A_97 : memref<10240x128xf32, #tpu.memory_space<hbm>>) target(%arg13 : memref<128x128xf32, #tpu.memory_space<vmem>>) offsets(%arg9 : memref<128xi32, #tpu.memory_space<vmem>>) semaphore(%arg19 : memref<!tpu.dma_semaphore, #tpu.memory_space<semaphore_mem>>)
    %add3A_98 = arith.constant 384 : i32
    %add3A_99 = arith.addi %mul3A_6, %add3A_98 : i32
    %dma_start3A_100 = tpu.memref_slice %arg3[%add3A_99] : memref<327680xi32, #tpu.memory_space<hbm>> -> memref<128xi32, #tpu.memory_space<hbm>>
    %dma_start3A_101 = tpu.memref_slice %arg3[%add3A_99] : memref<327680xi32, #tpu.memory_space<hbm>> -> memref<128xi32, #tpu.memory_space<hbm>>
    tpu.enqueue_dma source(%dma_start3A_101 : memref<128xi32, #tpu.memory_space<hbm>>) target(%arg11 : memref<128xi32, #tpu.memory_space<vmem>>) target_semaphore(%arg17 : memref<!tpu.dma_semaphore, #tpu.memory_space<semaphore_mem>>)
    %dma_wait3A_102 = arith.constant 0 : i32
    %dma_wait3A_103 = arith.constant 0 : i32
    %dma_wait3A_104 = tpu.memref_slice %arg2[%dma_wait3A_102, %dma_wait3A_103] : memref<10240x128xf32, #tpu.memory_space<hbm>> -> memref<10240x128xf32, #tpu.memory_space<hbm>>
    tpu.wait_indirect_dma semaphore(%arg18 : memref<!tpu.dma_semaphore, #tpu.memory_space<semaphore_mem>>) src(%dma_wait3A_104 : memref<10240x128xf32, #tpu.memory_space<hbm>>) dst(%arg12 : memref<128x128xf32, #tpu.memory_space<vmem>>)
    %dma_start3A_105 = arith.constant 0 : i32
    %dma_start3A_106 = arith.constant 0 : i32
    %dma_start3A_107 = tpu.memref_slice %arg7[%dma_start3A_105, %dma_start3A_106] : memref<80x128xi32, #tpu.memory_space<vmem>> -> memref<1x128xi32, #tpu.memory_space<vmem>>
    %dma_start3A_108 = tpu.memref_squeeze %dma_start3A_107 : memref<1x128xi32, #tpu.memory_space<vmem>> -> memref<128xi32, #tpu.memory_space<vmem>>
    %dma_start3A_109 = arith.constant 0 : i32
    %dma_start3A_110 = arith.constant 0 : i32
    %dma_start3A_111 = tpu.memref_slice %arg6[%dma_start3A_109, %dma_start3A_110] : memref<10240x128xf32, #tpu.memory_space<vmem_shared>> -> memref<10240x128xf32, #tpu.memory_space<vmem_shared>>
    tpu.enqueue_indirect_dma source(%arg12 : memref<128x128xf32, #tpu.memory_space<vmem>>) target(%dma_start3A_111 : memref<10240x128xf32, #tpu.memory_space<vmem_shared>>) offsets(%dma_start3A_108 : memref<128xi32, #tpu.memory_space<vmem>>) semaphore(%arg20 : memref<!tpu.dma_semaphore, #tpu.memory_space<semaphore_mem>>) {add = true}
    %scan3A_112 = arith.constant 0 : i32
    %scan3A_113 = arith.constant 19 : i32
    %scan3A_114 = arith.addi %scan3A_112, %scan3A_113 : i32
    %scan3A_115 = arith.constant 1 : i32
    scf.for %scan3A_330 = %scan3A_112 to %scan3A_114 step %scan3A_115  : i32 {
      %mul3A_331 = arith.constant 4 : i32
      %mul3A_332 = arith.muli %scan3A_330, %mul3A_331 : i32
      %add3A_333 = arith.constant 1 : i32
      %add3A_334 = arith.addi %add3A_333, %mul3A_332 : i32
      %add3A_335 = arith.constant 0 : i32
      %add3A_336 = arith.addi %add3A_334, %add3A_335 : i32
      %add3A_337 = arith.constant 1 : i32
      %add3A_338 = arith.addi %add3A_336, %add3A_337 : i32
      %mul3A_339 = arith.constant 128 : i32
      %mul3A_340 = arith.muli %add3A_338, %mul3A_339 : i32
      %add3A_341 = arith.addi %mul3A_6, %mul3A_340 : i32
      %dma_wait3A_342 = tpu.memref_slice %arg3[%add3A_341] : memref<327680xi32, #tpu.memory_space<hbm>> -> memref<128xi32, #tpu.memory_space<hbm>>
      %dma_wait3A_343 = tpu.memref_slice %arg3[%add3A_341] : memref<327680xi32, #tpu.memory_space<hbm>> -> memref<128xi32, #tpu.memory_space<hbm>>
      tpu.wait_dma2 semaphore(%arg16 : memref<!tpu.dma_semaphore, #tpu.memory_space<semaphore_mem>>) src(%dma_wait3A_343 : memref<128xi32, #tpu.memory_space<hbm>>) dst(%arg10 : memref<128xi32, #tpu.memory_space<vmem>>)
      %sub3A = arith.constant 1 : i32
      %sub3A_344 = arith.subi %add3A_336, %sub3A : i32
      %dma_wait3A_345 = arith.constant 0 : i32
      %dma_wait3A_346 = tpu.memref_slice %arg7[%sub3A_344, %dma_wait3A_345] : memref<80x128xi32, #tpu.memory_space<vmem>> -> memref<1x128xi32, #tpu.memory_space<vmem>>
      %dma_wait3A_347 = tpu.memref_squeeze %dma_wait3A_346 : memref<1x128xi32, #tpu.memory_space<vmem>> -> memref<128xi32, #tpu.memory_space<vmem>>
      %dma_wait3A_348 = arith.constant 0 : i32
      %dma_wait3A_349 = arith.constant 0 : i32
      %dma_wait3A_350 = tpu.memref_slice %arg6[%dma_wait3A_348, %dma_wait3A_349] : memref<10240x128xf32, #tpu.memory_space<vmem_shared>> -> memref<10240x128xf32, #tpu.memory_space<vmem_shared>>
      tpu.wait_indirect_dma semaphore(%arg20 : memref<!tpu.dma_semaphore, #tpu.memory_space<semaphore_mem>>) src(%arg12 : memref<128x128xf32, #tpu.memory_space<vmem>>) dst(%dma_wait3A_350 : memref<10240x128xf32, #tpu.memory_space<vmem_shared>>)
      %dma_start3A_351 = arith.constant 0 : i32
      %dma_start3A_352 = arith.constant 0 : i32
      %dma_start3A_353 = tpu.memref_slice %arg2[%dma_start3A_351, %dma_start3A_352] : memref<10240x128xf32, #tpu.memory_space<hbm>> -> memref<10240x128xf32, #tpu.memory_space<hbm>>
      tpu.enqueue_indirect_dma source(%dma_start3A_353 : memref<10240x128xf32, #tpu.memory_space<hbm>>) target(%arg12 : memref<128x128xf32, #tpu.memory_space<vmem>>) offsets(%arg10 : memref<128xi32, #tpu.memory_space<vmem>>) semaphore(%arg18 : memref<!tpu.dma_semaphore, #tpu.memory_space<semaphore_mem>>)
      %add3A_354 = arith.constant 3 : i32
      %add3A_355 = arith.addi %add3A_336, %add3A_354 : i32
      %mul3A_356 = arith.constant 128 : i32
      %mul3A_357 = arith.muli %add3A_355, %mul3A_356 : i32
      %add3A_358 = arith.addi %mul3A_6, %mul3A_357 : i32
      %dma_start3A_359 = tpu.memref_slice %arg3[%add3A_358] : memref<327680xi32, #tpu.memory_space<hbm>> -> memref<128xi32, #tpu.memory_space<hbm>>
      %dma_start3A_360 = tpu.memref_slice %arg3[%add3A_358] : memref<327680xi32, #tpu.memory_space<hbm>> -> memref<128xi32, #tpu.memory_space<hbm>>
      tpu.enqueue_dma source(%dma_start3A_360 : memref<128xi32, #tpu.memory_space<hbm>>) target(%arg8 : memref<128xi32, #tpu.memory_space<vmem>>) target_semaphore(%arg14 : memref<!tpu.dma_semaphore, #tpu.memory_space<semaphore_mem>>)
      %dma_wait3A_361 = arith.constant 0 : i32
      %dma_wait3A_362 = arith.constant 0 : i32
      %dma_wait3A_363 = tpu.memref_slice %arg2[%dma_wait3A_361, %dma_wait3A_362] : memref<10240x128xf32, #tpu.memory_space<hbm>> -> memref<10240x128xf32, #tpu.memory_space<hbm>>
      tpu.wait_indirect_dma semaphore(%arg19 : memref<!tpu.dma_semaphore, #tpu.memory_space<semaphore_mem>>) src(%dma_wait3A_363 : memref<10240x128xf32, #tpu.memory_space<hbm>>) dst(%arg13 : memref<128x128xf32, #tpu.memory_space<vmem>>)
      %dma_start3A_364 = arith.constant 0 : i32
      %dma_start3A_365 = tpu.memref_slice %arg7[%add3A_336, %dma_start3A_364] : memref<80x128xi32, #tpu.memory_space<vmem>> -> memref<1x128xi32, #tpu.memory_space<vmem>>
      %dma_start3A_366 = tpu.memref_squeeze %dma_start3A_365 : memref<1x128xi32, #tpu.memory_space<vmem>> -> memref<128xi32, #tpu.memory_space<vmem>>
      %dma_start3A_367 = arith.constant 0 : i32
      %dma_start3A_368 = arith.constant 0 : i32
      %dma_start3A_369 = tpu.memref_slice %arg6[%dma_start3A_367, %dma_start3A_368] : memref<10240x128xf32, #tpu.memory_space<vmem_shared>> -> memref<10240x128xf32, #tpu.memory_space<vmem_shared>>
      tpu.enqueue_indirect_dma source(%arg13 : memref<128x128xf32, #tpu.memory_space<vmem>>) target(%dma_start3A_369 : memref<10240x128xf32, #tpu.memory_space<vmem_shared>>) offsets(%dma_start3A_366 : memref<128xi32, #tpu.memory_space<vmem>>) semaphore(%arg21 : memref<!tpu.dma_semaphore, #tpu.memory_space<semaphore_mem>>) {add = true}
      %add3A_370 = arith.constant 1 : i32
      %add3A_371 = arith.addi %add3A_334, %add3A_370 : i32
      %add3A_372 = arith.constant 1 : i32
      %add3A_373 = arith.addi %add3A_371, %add3A_372 : i32
      %mul3A_374 = arith.constant 128 : i32
      %mul3A_375 = arith.muli %add3A_373, %mul3A_374 : i32
      %add3A_376 = arith.addi %mul3A_6, %mul3A_375 : i32
      %dma_wait3A_377 = tpu.memref_slice %arg3[%add3A_376] : memref<327680xi32, #tpu.memory_space<hbm>> -> memref<128xi32, #tpu.memory_space<hbm>>
      %dma_wait3A_378 = tpu.memref_slice %arg3[%add3A_376] : memref<327680xi32, #tpu.memory_space<hbm>> -> memref<128xi32, #tpu.memory_space<hbm>>
      tpu.wait_dma2 semaphore(%arg17 : memref<!tpu.dma_semaphore, #tpu.memory_space<semaphore_mem>>) src(%dma_wait3A_378 : memref<128xi32, #tpu.memory_space<hbm>>) dst(%arg11 : memref<128xi32, #tpu.memory_space<vmem>>)
      %sub3A_379 = arith.constant 1 : i32
      %sub3A_380 = arith.subi %add3A_371, %sub3A_379 : i32
      %dma_wait3A_381 = arith.constant 0 : i32
      %dma_wait3A_382 = tpu.memref_slice %arg7[%sub3A_380, %dma_wait3A_381] : memref<80x128xi32, #tpu.memory_space<vmem>> -> memref<1x128xi32, #tpu.memory_space<vmem>>
      %dma_wait3A_383 = tpu.memref_squeeze %dma_wait3A_382 : memref<1x128xi32, #tpu.memory_space<vmem>> -> memref<128xi32, #tpu.memory_space<vmem>>
      %dma_wait3A_384 = arith.constant 0 : i32
      %dma_wait3A_385 = arith.constant 0 : i32
      %dma_wait3A_386 = tpu.memref_slice %arg6[%dma_wait3A_384, %dma_wait3A_385] : memref<10240x128xf32, #tpu.memory_space<vmem_shared>> -> memref<10240x128xf32, #tpu.memory_space<vmem_shared>>
      tpu.wait_indirect_dma semaphore(%arg21 : memref<!tpu.dma_semaphore, #tpu.memory_space<semaphore_mem>>) src(%arg13 : memref<128x128xf32, #tpu.memory_space<vmem>>) dst(%dma_wait3A_386 : memref<10240x128xf32, #tpu.memory_space<vmem_shared>>)
      %dma_start3A_387 = arith.constant 0 : i32
      %dma_start3A_388 = arith.constant 0 : i32
      %dma_start3A_389 = tpu.memref_slice %arg2[%dma_start3A_387, %dma_start3A_388] : memref<10240x128xf32, #tpu.memory_space<hbm>> -> memref<10240x128xf32, #tpu.memory_space<hbm>>
      tpu.enqueue_indirect_dma source(%dma_start3A_389 : memref<10240x128xf32, #tpu.memory_space<hbm>>) target(%arg13 : memref<128x128xf32, #tpu.memory_space<vmem>>) offsets(%arg11 : memref<128xi32, #tpu.memory_space<vmem>>) semaphore(%arg19 : memref<!tpu.dma_semaphore, #tpu.memory_space<semaphore_mem>>)
      %add3A_390 = arith.constant 3 : i32
      %add3A_391 = arith.addi %add3A_371, %add3A_390 : i32
      %mul3A_392 = arith.constant 128 : i32
      %mul3A_393 = arith.muli %add3A_391, %mul3A_392 : i32
      %add3A_394 = arith.addi %mul3A_6, %mul3A_393 : i32
      %dma_start3A_395 = tpu.memref_slice %arg3[%add3A_394] : memref<327680xi32, #tpu.memory_space<hbm>> -> memref<128xi32, #tpu.memory_space<hbm>>
      %dma_start3A_396 = tpu.memref_slice %arg3[%add3A_394] : memref<327680xi32, #tpu.memory_space<hbm>> -> memref<128xi32, #tpu.memory_space<hbm>>
      tpu.enqueue_dma source(%dma_start3A_396 : memref<128xi32, #tpu.memory_space<hbm>>) target(%arg9 : memref<128xi32, #tpu.memory_space<vmem>>) target_semaphore(%arg15 : memref<!tpu.dma_semaphore, #tpu.memory_space<semaphore_mem>>)
      %dma_wait3A_397 = arith.constant 0 : i32
      %dma_wait3A_398 = arith.constant 0 : i32
      %dma_wait3A_399 = tpu.memref_slice %arg2[%dma_wait3A_397, %dma_wait3A_398] : memref<10240x128xf32, #tpu.memory_space<hbm>> -> memref<10240x128xf32, #tpu.memory_space<hbm>>
      tpu.wait_indirect_dma semaphore(%arg18 : memref<!tpu.dma_semaphore, #tpu.memory_space<semaphore_mem>>) src(%dma_wait3A_399 : memref<10240x128xf32, #tpu.memory_space<hbm>>) dst(%arg12 : memref<128x128xf32, #tpu.memory_space<vmem>>)
      %dma_start3A_400 = arith.constant 0 : i32
      %dma_start3A_401 = tpu.memref_slice %arg7[%add3A_371, %dma_start3A_400] : memref<80x128xi32, #tpu.memory_space<vmem>> -> memref<1x128xi32, #tpu.memory_space<vmem>>
      %dma_start3A_402 = tpu.memref_squeeze %dma_start3A_401 : memref<1x128xi32, #tpu.memory_space<vmem>> -> memref<128xi32, #tpu.memory_space<vmem>>
      %dma_start3A_403 = arith.constant 0 : i32
      %dma_start3A_404 = arith.constant 0 : i32
      %dma_start3A_405 = tpu.memref_slice %arg6[%dma_start3A_403, %dma_start3A_404] : memref<10240x128xf32, #tpu.memory_space<vmem_shared>> -> memref<10240x128xf32, #tpu.memory_space<vmem_shared>>
      tpu.enqueue_indirect_dma source(%arg12 : memref<128x128xf32, #tpu.memory_space<vmem>>) target(%dma_start3A_405 : memref<10240x128xf32, #tpu.memory_space<vmem_shared>>) offsets(%dma_start3A_402 : memref<128xi32, #tpu.memory_space<vmem>>) semaphore(%arg20 : memref<!tpu.dma_semaphore, #tpu.memory_space<semaphore_mem>>) {add = true}
      %add3A_406 = arith.constant 2 : i32
      %add3A_407 = arith.addi %add3A_334, %add3A_406 : i32
      %add3A_408 = arith.constant 1 : i32
      %add3A_409 = arith.addi %add3A_407, %add3A_408 : i32
      %mul3A_410 = arith.constant 128 : i32
      %mul3A_411 = arith.muli %add3A_409, %mul3A_410 : i32
      %add3A_412 = arith.addi %mul3A_6, %mul3A_411 : i32
      %dma_wait3A_413 = tpu.memref_slice %arg3[%add3A_412] : memref<327680xi32, #tpu.memory_space<hbm>> -> memref<128xi32, #tpu.memory_space<hbm>>
      %dma_wait3A_414 = tpu.memref_slice %arg3[%add3A_412] : memref<327680xi32, #tpu.memory_space<hbm>> -> memref<128xi32, #tpu.memory_space<hbm>>
      tpu.wait_dma2 semaphore(%arg14 : memref<!tpu.dma_semaphore, #tpu.memory_space<semaphore_mem>>) src(%dma_wait3A_414 : memref<128xi32, #tpu.memory_space<hbm>>) dst(%arg8 : memref<128xi32, #tpu.memory_space<vmem>>)
      %sub3A_415 = arith.constant 1 : i32
      %sub3A_416 = arith.subi %add3A_407, %sub3A_415 : i32
      %dma_wait3A_417 = arith.constant 0 : i32
      %dma_wait3A_418 = tpu.memref_slice %arg7[%sub3A_416, %dma_wait3A_417] : memref<80x128xi32, #tpu.memory_space<vmem>> -> memref<1x128xi32, #tpu.memory_space<vmem>>
      %dma_wait3A_419 = tpu.memref_squeeze %dma_wait3A_418 : memref<1x128xi32, #tpu.memory_space<vmem>> -> memref<128xi32, #tpu.memory_space<vmem>>
      %dma_wait3A_420 = arith.constant 0 : i32
      %dma_wait3A_421 = arith.constant 0 : i32
      %dma_wait3A_422 = tpu.memref_slice %arg6[%dma_wait3A_420, %dma_wait3A_421] : memref<10240x128xf32, #tpu.memory_space<vmem_shared>> -> memref<10240x128xf32, #tpu.memory_space<vmem_shared>>
      tpu.wait_indirect_dma semaphore(%arg20 : memref<!tpu.dma_semaphore, #tpu.memory_space<semaphore_mem>>) src(%arg12 : memref<128x128xf32, #tpu.memory_space<vmem>>) dst(%dma_wait3A_422 : memref<10240x128xf32, #tpu.memory_space<vmem_shared>>)
      %dma_start3A_423 = arith.constant 0 : i32
      %dma_start3A_424 = arith.constant 0 : i32
      %dma_start3A_425 = tpu.memref_slice %arg2[%dma_start3A_423, %dma_start3A_424] : memref<10240x128xf32, #tpu.memory_space<hbm>> -> memref<10240x128xf32, #tpu.memory_space<hbm>>
      tpu.enqueue_indirect_dma source(%dma_start3A_425 : memref<10240x128xf32, #tpu.memory_space<hbm>>) target(%arg12 : memref<128x128xf32, #tpu.memory_space<vmem>>) offsets(%arg8 : memref<128xi32, #tpu.memory_space<vmem>>) semaphore(%arg18 : memref<!tpu.dma_semaphore, #tpu.memory_space<semaphore_mem>>)
      %add3A_426 = arith.constant 3 : i32
      %add3A_427 = arith.addi %add3A_407, %add3A_426 : i32
      %mul3A_428 = arith.constant 128 : i32
      %mul3A_429 = arith.muli %add3A_427, %mul3A_428 : i32
      %add3A_430 = arith.addi %mul3A_6, %mul3A_429 : i32
      %dma_start3A_431 = tpu.memref_slice %arg3[%add3A_430] : memref<327680xi32, #tpu.memory_space<hbm>> -> memref<128xi32, #tpu.memory_space<hbm>>
      %dma_start3A_432 = tpu.memref_slice %arg3[%add3A_430] : memref<327680xi32, #tpu.memory_space<hbm>> -> memref<128xi32, #tpu.memory_space<hbm>>
      tpu.enqueue_dma source(%dma_start3A_432 : memref<128xi32, #tpu.memory_space<hbm>>) target(%arg10 : memref<128xi32, #tpu.memory_space<vmem>>) target_semaphore(%arg16 : memref<!tpu.dma_semaphore, #tpu.memory_space<semaphore_mem>>)
      %dma_wait3A_433 = arith.constant 0 : i32
      %dma_wait3A_434 = arith.constant 0 : i32
      %dma_wait3A_435 = tpu.memref_slice %arg2[%dma_wait3A_433, %dma_wait3A_434] : memref<10240x128xf32, #tpu.memory_space<hbm>> -> memref<10240x128xf32, #tpu.memory_space<hbm>>
      tpu.wait_indirect_dma semaphore(%arg19 : memref<!tpu.dma_semaphore, #tpu.memory_space<semaphore_mem>>) src(%dma_wait3A_435 : memref<10240x128xf32, #tpu.memory_space<hbm>>) dst(%arg13 : memref<128x128xf32, #tpu.memory_space<vmem>>)
      %dma_start3A_436 = arith.constant 0 : i32
      %dma_start3A_437 = tpu.memref_slice %arg7[%add3A_407, %dma_start3A_436] : memref<80x128xi32, #tpu.memory_space<vmem>> -> memref<1x128xi32, #tpu.memory_space<vmem>>
      %dma_start3A_438 = tpu.memref_squeeze %dma_start3A_437 : memref<1x128xi32, #tpu.memory_space<vmem>> -> memref<128xi32, #tpu.memory_space<vmem>>
      %dma_start3A_439 = arith.constant 0 : i32
      %dma_start3A_440 = arith.constant 0 : i32
      %dma_start3A_441 = tpu.memref_slice %arg6[%dma_start3A_439, %dma_start3A_440] : memref<10240x128xf32, #tpu.memory_space<vmem_shared>> -> memref<10240x128xf32, #tpu.memory_space<vmem_shared>>
      tpu.enqueue_indirect_dma source(%arg13 : memref<128x128xf32, #tpu.memory_space<vmem>>) target(%dma_start3A_441 : memref<10240x128xf32, #tpu.memory_space<vmem_shared>>) offsets(%dma_start3A_438 : memref<128xi32, #tpu.memory_space<vmem>>) semaphore(%arg21 : memref<!tpu.dma_semaphore, #tpu.memory_space<semaphore_mem>>) {add = true}
      %add3A_442 = arith.constant 3 : i32
      %add3A_443 = arith.addi %add3A_334, %add3A_442 : i32
      %add3A_444 = arith.constant 1 : i32
      %add3A_445 = arith.addi %add3A_443, %add3A_444 : i32
      %mul3A_446 = arith.constant 128 : i32
      %mul3A_447 = arith.muli %add3A_445, %mul3A_446 : i32
      %add3A_448 = arith.addi %mul3A_6, %mul3A_447 : i32
      %dma_wait3A_449 = tpu.memref_slice %arg3[%add3A_448] : memref<327680xi32, #tpu.memory_space<hbm>> -> memref<128xi32, #tpu.memory_space<hbm>>
      %dma_wait3A_450 = tpu.memref_slice %arg3[%add3A_448] : memref<327680xi32, #tpu.memory_space<hbm>> -> memref<128xi32, #tpu.memory_space<hbm>>
      tpu.wait_dma2 semaphore(%arg15 : memref<!tpu.dma_semaphore, #tpu.memory_space<semaphore_mem>>) src(%dma_wait3A_450 : memref<128xi32, #tpu.memory_space<hbm>>) dst(%arg9 : memref<128xi32, #tpu.memory_space<vmem>>)
      %sub3A_451 = arith.constant 1 : i32
      %sub3A_452 = arith.subi %add3A_443, %sub3A_451 : i32
      %dma_wait3A_453 = arith.constant 0 : i32
      %dma_wait3A_454 = tpu.memref_slice %arg7[%sub3A_452, %dma_wait3A_453] : memref<80x128xi32, #tpu.memory_space<vmem>> -> memref<1x128xi32, #tpu.memory_space<vmem>>
      %dma_wait3A_455 = tpu.memref_squeeze %dma_wait3A_454 : memref<1x128xi32, #tpu.memory_space<vmem>> -> memref<128xi32, #tpu.memory_space<vmem>>
      %dma_wait3A_456 = arith.constant 0 : i32
      %dma_wait3A_457 = arith.constant 0 : i32
      %dma_wait3A_458 = tpu.memref_slice %arg6[%dma_wait3A_456, %dma_wait3A_457] : memref<10240x128xf32, #tpu.memory_space<vmem_shared>> -> memref<10240x128xf32, #tpu.memory_space<vmem_shared>>
      tpu.wait_indirect_dma semaphore(%arg21 : memref<!tpu.dma_semaphore, #tpu.memory_space<semaphore_mem>>) src(%arg13 : memref<128x128xf32, #tpu.memory_space<vmem>>) dst(%dma_wait3A_458 : memref<10240x128xf32, #tpu.memory_space<vmem_shared>>)
      %dma_start3A_459 = arith.constant 0 : i32
      %dma_start3A_460 = arith.constant 0 : i32
      %dma_start3A_461 = tpu.memref_slice %arg2[%dma_start3A_459, %dma_start3A_460] : memref<10240x128xf32, #tpu.memory_space<hbm>> -> memref<10240x128xf32, #tpu.memory_space<hbm>>
      tpu.enqueue_indirect_dma source(%dma_start3A_461 : memref<10240x128xf32, #tpu.memory_space<hbm>>) target(%arg13 : memref<128x128xf32, #tpu.memory_space<vmem>>) offsets(%arg9 : memref<128xi32, #tpu.memory_space<vmem>>) semaphore(%arg19 : memref<!tpu.dma_semaphore, #tpu.memory_space<semaphore_mem>>)
      %add3A_462 = arith.constant 3 : i32
      %add3A_463 = arith.addi %add3A_443, %add3A_462 : i32
      %mul3A_464 = arith.constant 128 : i32
      %mul3A_465 = arith.muli %add3A_463, %mul3A_464 : i32
      %add3A_466 = arith.addi %mul3A_6, %mul3A_465 : i32
      %dma_start3A_467 = tpu.memref_slice %arg3[%add3A_466] : memref<327680xi32, #tpu.memory_space<hbm>> -> memref<128xi32, #tpu.memory_space<hbm>>
      %dma_start3A_468 = tpu.memref_slice %arg3[%add3A_466] : memref<327680xi32, #tpu.memory_space<hbm>> -> memref<128xi32, #tpu.memory_space<hbm>>
      tpu.enqueue_dma source(%dma_start3A_468 : memref<128xi32, #tpu.memory_space<hbm>>) target(%arg11 : memref<128xi32, #tpu.memory_space<vmem>>) target_semaphore(%arg17 : memref<!tpu.dma_semaphore, #tpu.memory_space<semaphore_mem>>)
      %dma_wait3A_469 = arith.constant 0 : i32
      %dma_wait3A_470 = arith.constant 0 : i32
      %dma_wait3A_471 = tpu.memref_slice %arg2[%dma_wait3A_469, %dma_wait3A_470] : memref<10240x128xf32, #tpu.memory_space<hbm>> -> memref<10240x128xf32, #tpu.memory_space<hbm>>
      tpu.wait_indirect_dma semaphore(%arg18 : memref<!tpu.dma_semaphore, #tpu.memory_space<semaphore_mem>>) src(%dma_wait3A_471 : memref<10240x128xf32, #tpu.memory_space<hbm>>) dst(%arg12 : memref<128x128xf32, #tpu.memory_space<vmem>>)
      %dma_start3A_472 = arith.constant 0 : i32
      %dma_start3A_473 = tpu.memref_slice %arg7[%add3A_443, %dma_start3A_472] : memref<80x128xi32, #tpu.memory_space<vmem>> -> memref<1x128xi32, #tpu.memory_space<vmem>>
      %dma_start3A_474 = tpu.memref_squeeze %dma_start3A_473 : memref<1x128xi32, #tpu.memory_space<vmem>> -> memref<128xi32, #tpu.memory_space<vmem>>
      %dma_start3A_475 = arith.constant 0 : i32
      %dma_start3A_476 = arith.constant 0 : i32
      %dma_start3A_477 = tpu.memref_slice %arg6[%dma_start3A_475, %dma_start3A_476] : memref<10240x128xf32, #tpu.memory_space<vmem_shared>> -> memref<10240x128xf32, #tpu.memory_space<vmem_shared>>
      tpu.enqueue_indirect_dma source(%arg12 : memref<128x128xf32, #tpu.memory_space<vmem>>) target(%dma_start3A_477 : memref<10240x128xf32, #tpu.memory_space<vmem_shared>>) offsets(%dma_start3A_474 : memref<128xi32, #tpu.memory_space<vmem>>) semaphore(%arg20 : memref<!tpu.dma_semaphore, #tpu.memory_space<semaphore_mem>>) {add = true}
    }
    %scan3A_116 = arith.constant 19 : i32
    %add3A_117 = arith.constant 9984 : i32
    %add3A_118 = arith.addi %mul3A_6, %add3A_117 : i32
    %dma_wait3A_119 = tpu.memref_slice %arg3[%add3A_118] : memref<327680xi32, #tpu.memory_space<hbm>> -> memref<128xi32, #tpu.memory_space<hbm>>
    %dma_wait3A_120 = tpu.memref_slice %arg3[%add3A_118] : memref<327680xi32, #tpu.memory_space<hbm>> -> memref<128xi32, #tpu.memory_space<hbm>>
    tpu.wait_dma2 semaphore(%arg16 : memref<!tpu.dma_semaphore, #tpu.memory_space<semaphore_mem>>) src(%dma_wait3A_120 : memref<128xi32, #tpu.memory_space<hbm>>) dst(%arg10 : memref<128xi32, #tpu.memory_space<vmem>>)
    %dma_wait3A_121 = arith.constant 76 : i32
    %dma_wait3A_122 = arith.constant 0 : i32
    %dma_wait3A_123 = tpu.memref_slice %arg7[%dma_wait3A_121, %dma_wait3A_122] : memref<80x128xi32, #tpu.memory_space<vmem>> -> memref<1x128xi32, #tpu.memory_space<vmem>>
    %dma_wait3A_124 = tpu.memref_squeeze %dma_wait3A_123 : memref<1x128xi32, #tpu.memory_space<vmem>> -> memref<128xi32, #tpu.memory_space<vmem>>
    %dma_wait3A_125 = arith.constant 0 : i32
    %dma_wait3A_126 = arith.constant 0 : i32
    %dma_wait3A_127 = tpu.memref_slice %arg6[%dma_wait3A_125, %dma_wait3A_126] : memref<10240x128xf32, #tpu.memory_space<vmem_shared>> -> memref<10240x128xf32, #tpu.memory_space<vmem_shared>>
    tpu.wait_indirect_dma semaphore(%arg20 : memref<!tpu.dma_semaphore, #tpu.memory_space<semaphore_mem>>) src(%arg12 : memref<128x128xf32, #tpu.memory_space<vmem>>) dst(%dma_wait3A_127 : memref<10240x128xf32, #tpu.memory_space<vmem_shared>>)
    %dma_start3A_128 = arith.constant 0 : i32
    %dma_start3A_129 = arith.constant 0 : i32
    %dma_start3A_130 = tpu.memref_slice %arg2[%dma_start3A_128, %dma_start3A_129] : memref<10240x128xf32, #tpu.memory_space<hbm>> -> memref<10240x128xf32, #tpu.memory_space<hbm>>
    tpu.enqueue_indirect_dma source(%dma_start3A_130 : memref<10240x128xf32, #tpu.memory_space<hbm>>) target(%arg12 : memref<128x128xf32, #tpu.memory_space<vmem>>) offsets(%arg10 : memref<128xi32, #tpu.memory_space<vmem>>) semaphore(%arg18 : memref<!tpu.dma_semaphore, #tpu.memory_space<semaphore_mem>>)
    %dma_wait3A_131 = arith.constant 0 : i32
    %dma_wait3A_132 = arith.constant 0 : i32
    %dma_wait3A_133 = tpu.memref_slice %arg2[%dma_wait3A_131, %dma_wait3A_132] : memref<10240x128xf32, #tpu.memory_space<hbm>> -> memref<10240x128xf32, #tpu.memory_space<hbm>>
    tpu.wait_indirect_dma semaphore(%arg19 : memref<!tpu.dma_semaphore, #tpu.memory_space<semaphore_mem>>) src(%dma_wait3A_133 : memref<10240x128xf32, #tpu.memory_space<hbm>>) dst(%arg13 : memref<128x128xf32, #tpu.memory_space<vmem>>)
    %dma_start3A_134 = arith.constant 77 : i32
    %dma_start3A_135 = arith.constant 0 : i32
    %dma_start3A_136 = tpu.memref_slice %arg7[%dma_start3A_134, %dma_start3A_135] : memref<80x128xi32, #tpu.memory_space<vmem>> -> memref<1x128xi32, #tpu.memory_space<vmem>>
    %dma_start3A_137 = tpu.memref_squeeze %dma_start3A_136 : memref<1x128xi32, #tpu.memory_space<vmem>> -> memref<128xi32, #tpu.memory_space<vmem>>
    %dma_start3A_138 = arith.constant 0 : i32
    %dma_start3A_139 = arith.constant 0 : i32
    %dma_start3A_140 = tpu.memref_slice %arg6[%dma_start3A_138, %dma_start3A_139] : memref<10240x128xf32, #tpu.memory_space<vmem_shared>> -> memref<10240x128xf32, #tpu.memory_space<vmem_shared>>
    tpu.enqueue_indirect_dma source(%arg13 : memref<128x128xf32, #tpu.memory_space<vmem>>) target(%dma_start3A_140 : memref<10240x128xf32, #tpu.memory_space<vmem_shared>>) offsets(%dma_start3A_137 : memref<128xi32, #tpu.memory_space<vmem>>) semaphore(%arg21 : memref<!tpu.dma_semaphore, #tpu.memory_space<semaphore_mem>>) {add = true}
    %add3A_141 = arith.constant 10112 : i32
    %add3A_142 = arith.addi %mul3A_6, %add3A_141 : i32
    %dma_wait3A_143 = tpu.memref_slice %arg3[%add3A_142] : memref<327680xi32, #tpu.memory_space<hbm>> -> memref<128xi32, #tpu.memory_space<hbm>>
    %dma_wait3A_144 = tpu.memref_slice %arg3[%add3A_142] : memref<327680xi32, #tpu.memory_space<hbm>> -> memref<128xi32, #tpu.memory_space<hbm>>
    tpu.wait_dma2 semaphore(%arg17 : memref<!tpu.dma_semaphore, #tpu.memory_space<semaphore_mem>>) src(%dma_wait3A_144 : memref<128xi32, #tpu.memory_space<hbm>>) dst(%arg11 : memref<128xi32, #tpu.memory_space<vmem>>)
    %dma_wait3A_145 = arith.constant 77 : i32
    %dma_wait3A_146 = arith.constant 0 : i32
    %dma_wait3A_147 = tpu.memref_slice %arg7[%dma_wait3A_145, %dma_wait3A_146] : memref<80x128xi32, #tpu.memory_space<vmem>> -> memref<1x128xi32, #tpu.memory_space<vmem>>
    %dma_wait3A_148 = tpu.memref_squeeze %dma_wait3A_147 : memref<1x128xi32, #tpu.memory_space<vmem>> -> memref<128xi32, #tpu.memory_space<vmem>>
    %dma_wait3A_149 = arith.constant 0 : i32
    %dma_wait3A_150 = arith.constant 0 : i32
    %dma_wait3A_151 = tpu.memref_slice %arg6[%dma_wait3A_149, %dma_wait3A_150] : memref<10240x128xf32, #tpu.memory_space<vmem_shared>> -> memref<10240x128xf32, #tpu.memory_space<vmem_shared>>
    tpu.wait_indirect_dma semaphore(%arg21 : memref<!tpu.dma_semaphore, #tpu.memory_space<semaphore_mem>>) src(%arg13 : memref<128x128xf32, #tpu.memory_space<vmem>>) dst(%dma_wait3A_151 : memref<10240x128xf32, #tpu.memory_space<vmem_shared>>)
    %dma_start3A_152 = arith.constant 0 : i32
    %dma_start3A_153 = arith.constant 0 : i32
    %dma_start3A_154 = tpu.memref_slice %arg2[%dma_start3A_152, %dma_start3A_153] : memref<10240x128xf32, #tpu.memory_space<hbm>> -> memref<10240x128xf32, #tpu.memory_space<hbm>>
    tpu.enqueue_indirect_dma source(%dma_start3A_154 : memref<10240x128xf32, #tpu.memory_space<hbm>>) target(%arg13 : memref<128x128xf32, #tpu.memory_space<vmem>>) offsets(%arg11 : memref<128xi32, #tpu.memory_space<vmem>>) semaphore(%arg19 : memref<!tpu.dma_semaphore, #tpu.memory_space<semaphore_mem>>)
    %dma_wait3A_155 = arith.constant 0 : i32
    %dma_wait3A_156 = arith.constant 0 : i32
    %dma_wait3A_157 = tpu.memref_slice %arg2[%dma_wait3A_155, %dma_wait3A_156] : memref<10240x128xf32, #tpu.memory_space<hbm>> -> memref<10240x128xf32, #tpu.memory_space<hbm>>
    tpu.wait_indirect_dma semaphore(%arg18 : memref<!tpu.dma_semaphore, #tpu.memory_space<semaphore_mem>>) src(%dma_wait3A_157 : memref<10240x128xf32, #tpu.memory_space<hbm>>) dst(%arg12 : memref<128x128xf32, #tpu.memory_space<vmem>>)
    %dma_start3A_158 = arith.constant 78 : i32
    %dma_start3A_159 = arith.constant 0 : i32
    %dma_start3A_160 = tpu.memref_slice %arg7[%dma_start3A_158, %dma_start3A_159] : memref<80x128xi32, #tpu.memory_space<vmem>> -> memref<1x128xi32, #tpu.memory_space<vmem>>
    %dma_start3A_161 = tpu.memref_squeeze %dma_start3A_160 : memref<1x128xi32, #tpu.memory_space<vmem>> -> memref<128xi32, #tpu.memory_space<vmem>>
    %dma_start3A_162 = arith.constant 0 : i32
    %dma_start3A_163 = arith.constant 0 : i32
    %dma_start3A_164 = tpu.memref_slice %arg6[%dma_start3A_162, %dma_start3A_163] : memref<10240x128xf32, #tpu.memory_space<vmem_shared>> -> memref<10240x128xf32, #tpu.memory_space<vmem_shared>>
    tpu.enqueue_indirect_dma source(%arg12 : memref<128x128xf32, #tpu.memory_space<vmem>>) target(%dma_start3A_164 : memref<10240x128xf32, #tpu.memory_space<vmem_shared>>) offsets(%dma_start3A_161 : memref<128xi32, #tpu.memory_space<vmem>>) semaphore(%arg20 : memref<!tpu.dma_semaphore, #tpu.memory_space<semaphore_mem>>) {add = true}
    %dma_wait3A_165 = arith.constant 78 : i32
    %dma_wait3A_166 = arith.constant 0 : i32
    %dma_wait3A_167 = tpu.memref_slice %arg7[%dma_wait3A_165, %dma_wait3A_166] : memref<80x128xi32, #tpu.memory_space<vmem>> -> memref<1x128xi32, #tpu.memory_space<vmem>>
    %dma_wait3A_168 = tpu.memref_squeeze %dma_wait3A_167 : memref<1x128xi32, #tpu.memory_space<vmem>> -> memref<128xi32, #tpu.memory_space<vmem>>
    %dma_wait3A_169 = arith.constant 0 : i32
    %dma_wait3A_170 = arith.constant 0 : i32
    %dma_wait3A_171 = tpu.memref_slice %arg6[%dma_wait3A_169, %dma_wait3A_170] : memref<10240x128xf32, #tpu.memory_space<vmem_shared>> -> memref<10240x128xf32, #tpu.memory_space<vmem_shared>>
    tpu.wait_indirect_dma semaphore(%arg20 : memref<!tpu.dma_semaphore, #tpu.memory_space<semaphore_mem>>) src(%arg12 : memref<128x128xf32, #tpu.memory_space<vmem>>) dst(%dma_wait3A_171 : memref<10240x128xf32, #tpu.memory_space<vmem_shared>>)
    %dma_wait3A_172 = arith.constant 0 : i32
    %dma_wait3A_173 = arith.constant 0 : i32
    %dma_wait3A_174 = tpu.memref_slice %arg2[%dma_wait3A_172, %dma_wait3A_173] : memref<10240x128xf32, #tpu.memory_space<hbm>> -> memref<10240x128xf32, #tpu.memory_space<hbm>>
    tpu.wait_indirect_dma semaphore(%arg19 : memref<!tpu.dma_semaphore, #tpu.memory_space<semaphore_mem>>) src(%dma_wait3A_174 : memref<10240x128xf32, #tpu.memory_space<hbm>>) dst(%arg13 : memref<128x128xf32, #tpu.memory_space<vmem>>)
    %dma_start3A_175 = arith.constant 79 : i32
    %dma_start3A_176 = arith.constant 0 : i32
    %dma_start3A_177 = tpu.memref_slice %arg7[%dma_start3A_175, %dma_start3A_176] : memref<80x128xi32, #tpu.memory_space<vmem>> -> memref<1x128xi32, #tpu.memory_space<vmem>>
    %dma_start3A_178 = tpu.memref_squeeze %dma_start3A_177 : memref<1x128xi32, #tpu.memory_space<vmem>> -> memref<128xi32, #tpu.memory_space<vmem>>
    %dma_start3A_179 = arith.constant 0 : i32
    %dma_start3A_180 = arith.constant 0 : i32
    %dma_start3A_181 = tpu.memref_slice %arg6[%dma_start3A_179, %dma_start3A_180] : memref<10240x128xf32, #tpu.memory_space<vmem_shared>> -> memref<10240x128xf32, #tpu.memory_space<vmem_shared>>
    tpu.enqueue_indirect_dma source(%arg13 : memref<128x128xf32, #tpu.memory_space<vmem>>) target(%dma_start3A_181 : memref<10240x128xf32, #tpu.memory_space<vmem_shared>>) offsets(%dma_start3A_178 : memref<128xi32, #tpu.memory_space<vmem>>) semaphore(%arg21 : memref<!tpu.dma_semaphore, #tpu.memory_space<semaphore_mem>>) {add = true}
    %dma_wait3A_182 = arith.constant 79 : i32
    %dma_wait3A_183 = arith.constant 0 : i32
    %dma_wait3A_184 = tpu.memref_slice %arg7[%dma_wait3A_182, %dma_wait3A_183] : memref<80x128xi32, #tpu.memory_space<vmem>> -> memref<1x128xi32, #tpu.memory_space<vmem>>
    %dma_wait3A_185 = tpu.memref_squeeze %dma_wait3A_184 : memref<1x128xi32, #tpu.memory_space<vmem>> -> memref<128xi32, #tpu.memory_space<vmem>>
    %dma_wait3A_186 = arith.constant 0 : i32
    %dma_wait3A_187 = arith.constant 0 : i32
    %dma_wait3A_188 = tpu.memref_slice %arg6[%dma_wait3A_186, %dma_wait3A_187] : memref<10240x128xf32, #tpu.memory_space<vmem_shared>> -> memref<10240x128xf32, #tpu.memory_space<vmem_shared>>
    tpu.wait_indirect_dma semaphore(%arg21 : memref<!tpu.dma_semaphore, #tpu.memory_space<semaphore_mem>>) src(%arg13 : memref<128x128xf32, #tpu.memory_space<vmem>>) dst(%dma_wait3A_188 : memref<10240x128xf32, #tpu.memory_space<vmem_shared>>)
    %barrier3A_189 = arith.constant 0 : index
    tpu.barrier barrier_id(%barrier3A_189)
    %add3A_190 = arith.constant 0 : i32
    %add3A_191 = arith.addi %mul3A_2, %add3A_190 : i32
    %dma_start3A_192 = arith.constant 0 : i32
    %dma_start3A_193 = tpu.memref_slice %arg6[%add3A_191, %dma_start3A_192] : memref<10240x128xf32, #tpu.memory_space<vmem_shared>> -> memref<128x128xf32, #tpu.memory_space<vmem_shared>>
    %dma_start3A_194 = arith.constant 0 : i32
    %dma_start3A_195 = tpu.memref_slice %arg6[%add3A_191, %dma_start3A_194] : memref<10240x128xf32, #tpu.memory_space<vmem_shared>> -> memref<128x128xf32, #tpu.memory_space<vmem_shared>>
    tpu.enqueue_dma source(%dma_start3A_195 : memref<128x128xf32, #tpu.memory_space<vmem_shared>>) target(%arg12 : memref<128x128xf32, #tpu.memory_space<vmem>>) target_semaphore(%arg23 : memref<!tpu.dma_semaphore, #tpu.memory_space<semaphore_mem>>)
    %add3A_196 = arith.constant 128 : i32
    %add3A_197 = arith.addi %mul3A_2, %add3A_196 : i32
    %dma_start3A_198 = arith.constant 0 : i32
    %dma_start3A_199 = tpu.memref_slice %arg6[%add3A_197, %dma_start3A_198] : memref<10240x128xf32, #tpu.memory_space<vmem_shared>> -> memref<128x128xf32, #tpu.memory_space<vmem_shared>>
    %dma_start3A_200 = arith.constant 0 : i32
    %dma_start3A_201 = tpu.memref_slice %arg6[%add3A_197, %dma_start3A_200] : memref<10240x128xf32, #tpu.memory_space<vmem_shared>> -> memref<128x128xf32, #tpu.memory_space<vmem_shared>>
    tpu.enqueue_dma source(%dma_start3A_201 : memref<128x128xf32, #tpu.memory_space<vmem_shared>>) target(%arg13 : memref<128x128xf32, #tpu.memory_space<vmem>>) target_semaphore(%arg24 : memref<!tpu.dma_semaphore, #tpu.memory_space<semaphore_mem>>)
    %add3A_202 = arith.constant 0 : i32
    %add3A_203 = arith.addi %mul3A_2, %add3A_202 : i32
    %dma_wait3A_204 = arith.constant 0 : i32
    %dma_wait3A_205 = tpu.memref_slice %arg6[%add3A_203, %dma_wait3A_204] : memref<10240x128xf32, #tpu.memory_space<vmem_shared>> -> memref<128x128xf32, #tpu.memory_space<vmem_shared>>
    %dma_wait3A_206 = arith.constant 0 : i32
    %dma_wait3A_207 = tpu.memref_slice %arg6[%add3A_203, %dma_wait3A_206] : memref<10240x128xf32, #tpu.memory_space<vmem_shared>> -> memref<128x128xf32, #tpu.memory_space<vmem_shared>>
    tpu.wait_dma2 semaphore(%arg23 : memref<!tpu.dma_semaphore, #tpu.memory_space<semaphore_mem>>) src(%dma_wait3A_207 : memref<128x128xf32, #tpu.memory_space<vmem_shared>>) dst(%arg12 : memref<128x128xf32, #tpu.memory_space<vmem>>)
    %add3A_208 = arith.constant 0 : i32
    %add3A_209 = arith.addi %mul3A_2, %add3A_208 : i32
    %dma_start3A_210 = arith.constant 0 : i32
    %dma_start3A_211 = tpu.memref_slice %arg5[%arg0, %add3A_209, %dma_start3A_210] : memref<2x10240x128xf32, #tpu.memory_space<hbm>> -> memref<1x128x128xf32, #tpu.memory_space<hbm>>
    %dma_start3A_212 = tpu.memref_squeeze %dma_start3A_211 : memref<1x128x128xf32, #tpu.memory_space<hbm>> -> memref<128x128xf32, #tpu.memory_space<hbm>>
    %dma_start3A_213 = arith.constant 0 : i32
    %dma_start3A_214 = tpu.memref_slice %arg5[%arg0, %add3A_209, %dma_start3A_213] : memref<2x10240x128xf32, #tpu.memory_space<hbm>> -> memref<1x128x128xf32, #tpu.memory_space<hbm>>
    %dma_start3A_215 = tpu.memref_squeeze %dma_start3A_214 : memref<1x128x128xf32, #tpu.memory_space<hbm>> -> memref<128x128xf32, #tpu.memory_space<hbm>>
    tpu.enqueue_dma source(%arg12 : memref<128x128xf32, #tpu.memory_space<vmem>>) target(%dma_start3A_215 : memref<128x128xf32, #tpu.memory_space<hbm>>) target_semaphore(%arg25 : memref<!tpu.dma_semaphore, #tpu.memory_space<semaphore_mem>>)
    %add3A_216 = arith.constant 0 : i32
    %add3A_217 = arith.addi %mul3A_2, %add3A_216 : i32
    %dma_wait3A_218 = arith.constant 0 : i32
    %dma_wait3A_219 = tpu.memref_slice %arg5[%arg0, %add3A_217, %dma_wait3A_218] : memref<2x10240x128xf32, #tpu.memory_space<hbm>> -> memref<1x128x128xf32, #tpu.memory_space<hbm>>
    %dma_wait3A_220 = tpu.memref_squeeze %dma_wait3A_219 : memref<1x128x128xf32, #tpu.memory_space<hbm>> -> memref<128x128xf32, #tpu.memory_space<hbm>>
    %dma_wait3A_221 = arith.constant 0 : i32
    %dma_wait3A_222 = tpu.memref_slice %arg5[%arg0, %add3A_217, %dma_wait3A_221] : memref<2x10240x128xf32, #tpu.memory_space<hbm>> -> memref<1x128x128xf32, #tpu.memory_space<hbm>>
    %dma_wait3A_223 = tpu.memref_squeeze %dma_wait3A_222 : memref<1x128x128xf32, #tpu.memory_space<hbm>> -> memref<128x128xf32, #tpu.memory_space<hbm>>
    tpu.wait_dma2 semaphore(%arg25 : memref<!tpu.dma_semaphore, #tpu.memory_space<semaphore_mem>>) src(%arg12 : memref<128x128xf32, #tpu.memory_space<vmem>>) dst(%dma_wait3A_223 : memref<128x128xf32, #tpu.memory_space<hbm>>)
    %add3A_224 = arith.constant 256 : i32
    %add3A_225 = arith.addi %mul3A_2, %add3A_224 : i32
    %dma_start3A_226 = arith.constant 0 : i32
    %dma_start3A_227 = tpu.memref_slice %arg6[%add3A_225, %dma_start3A_226] : memref<10240x128xf32, #tpu.memory_space<vmem_shared>> -> memref<128x128xf32, #tpu.memory_space<vmem_shared>>
    %dma_start3A_228 = arith.constant 0 : i32
    %dma_start3A_229 = tpu.memref_slice %arg6[%add3A_225, %dma_start3A_228] : memref<10240x128xf32, #tpu.memory_space<vmem_shared>> -> memref<128x128xf32, #tpu.memory_space<vmem_shared>>
    tpu.enqueue_dma source(%dma_start3A_229 : memref<128x128xf32, #tpu.memory_space<vmem_shared>>) target(%arg12 : memref<128x128xf32, #tpu.memory_space<vmem>>) target_semaphore(%arg23 : memref<!tpu.dma_semaphore, #tpu.memory_space<semaphore_mem>>)
    %add3A_230 = arith.constant 128 : i32
    %add3A_231 = arith.addi %mul3A_2, %add3A_230 : i32
    %dma_wait3A_232 = arith.constant 0 : i32
    %dma_wait3A_233 = tpu.memref_slice %arg6[%add3A_231, %dma_wait3A_232] : memref<10240x128xf32, #tpu.memory_space<vmem_shared>> -> memref<128x128xf32, #tpu.memory_space<vmem_shared>>
    %dma_wait3A_234 = arith.constant 0 : i32
    %dma_wait3A_235 = tpu.memref_slice %arg6[%add3A_231, %dma_wait3A_234] : memref<10240x128xf32, #tpu.memory_space<vmem_shared>> -> memref<128x128xf32, #tpu.memory_space<vmem_shared>>
    tpu.wait_dma2 semaphore(%arg24 : memref<!tpu.dma_semaphore, #tpu.memory_space<semaphore_mem>>) src(%dma_wait3A_235 : memref<128x128xf32, #tpu.memory_space<vmem_shared>>) dst(%arg13 : memref<128x128xf32, #tpu.memory_space<vmem>>)
    %add3A_236 = arith.constant 128 : i32
    %add3A_237 = arith.addi %mul3A_2, %add3A_236 : i32
    %dma_start3A_238 = arith.constant 0 : i32
    %dma_start3A_239 = tpu.memref_slice %arg5[%arg0, %add3A_237, %dma_start3A_238] : memref<2x10240x128xf32, #tpu.memory_space<hbm>> -> memref<1x128x128xf32, #tpu.memory_space<hbm>>
    %dma_start3A_240 = tpu.memref_squeeze %dma_start3A_239 : memref<1x128x128xf32, #tpu.memory_space<hbm>> -> memref<128x128xf32, #tpu.memory_space<hbm>>
    %dma_start3A_241 = arith.constant 0 : i32
    %dma_start3A_242 = tpu.memref_slice %arg5[%arg0, %add3A_237, %dma_start3A_241] : memref<2x10240x128xf32, #tpu.memory_space<hbm>> -> memref<1x128x128xf32, #tpu.memory_space<hbm>>
    %dma_start3A_243 = tpu.memref_squeeze %dma_start3A_242 : memref<1x128x128xf32, #tpu.memory_space<hbm>> -> memref<128x128xf32, #tpu.memory_space<hbm>>
    tpu.enqueue_dma source(%arg13 : memref<128x128xf32, #tpu.memory_space<vmem>>) target(%dma_start3A_243 : memref<128x128xf32, #tpu.memory_space<hbm>>) target_semaphore(%arg26 : memref<!tpu.dma_semaphore, #tpu.memory_space<semaphore_mem>>)
    %add3A_244 = arith.constant 128 : i32
    %add3A_245 = arith.addi %mul3A_2, %add3A_244 : i32
    %dma_wait3A_246 = arith.constant 0 : i32
    %dma_wait3A_247 = tpu.memref_slice %arg5[%arg0, %add3A_245, %dma_wait3A_246] : memref<2x10240x128xf32, #tpu.memory_space<hbm>> -> memref<1x128x128xf32, #tpu.memory_space<hbm>>
    %dma_wait3A_248 = tpu.memref_squeeze %dma_wait3A_247 : memref<1x128x128xf32, #tpu.memory_space<hbm>> -> memref<128x128xf32, #tpu.memory_space<hbm>>
    %dma_wait3A_249 = arith.constant 0 : i32
    %dma_wait3A_250 = tpu.memref_slice %arg5[%arg0, %add3A_245, %dma_wait3A_249] : memref<2x10240x128xf32, #tpu.memory_space<hbm>> -> memref<1x128x128xf32, #tpu.memory_space<hbm>>
    %dma_wait3A_251 = tpu.memref_squeeze %dma_wait3A_250 : memref<1x128x128xf32, #tpu.memory_space<hbm>> -> memref<128x128xf32, #tpu.memory_space<hbm>>
    tpu.wait_dma2 semaphore(%arg26 : memref<!tpu.dma_semaphore, #tpu.memory_space<semaphore_mem>>) src(%arg13 : memref<128x128xf32, #tpu.memory_space<vmem>>) dst(%dma_wait3A_251 : memref<128x128xf32, #tpu.memory_space<hbm>>)
    %add3A_252 = arith.constant 384 : i32
    %add3A_253 = arith.addi %mul3A_2, %add3A_252 : i32
    %dma_start3A_254 = arith.constant 0 : i32
    %dma_start3A_255 = tpu.memref_slice %arg6[%add3A_253, %dma_start3A_254] : memref<10240x128xf32, #tpu.memory_space<vmem_shared>> -> memref<128x128xf32, #tpu.memory_space<vmem_shared>>
    %dma_start3A_256 = arith.constant 0 : i32
    %dma_start3A_257 = tpu.memref_slice %arg6[%add3A_253, %dma_start3A_256] : memref<10240x128xf32, #tpu.memory_space<vmem_shared>> -> memref<128x128xf32, #tpu.memory_space<vmem_shared>>
    tpu.enqueue_dma source(%dma_start3A_257 : memref<128x128xf32, #tpu.memory_space<vmem_shared>>) target(%arg13 : memref<128x128xf32, #tpu.memory_space<vmem>>) target_semaphore(%arg24 : memref<!tpu.dma_semaphore, #tpu.memory_space<semaphore_mem>>)
    %add3A_258 = arith.constant 256 : i32
    %add3A_259 = arith.addi %mul3A_2, %add3A_258 : i32
    %dma_wait3A_260 = arith.constant 0 : i32
    %dma_wait3A_261 = tpu.memref_slice %arg6[%add3A_259, %dma_wait3A_260] : memref<10240x128xf32, #tpu.memory_space<vmem_shared>> -> memref<128x128xf32, #tpu.memory_space<vmem_shared>>
    %dma_wait3A_262 = arith.constant 0 : i32
    %dma_wait3A_263 = tpu.memref_slice %arg6[%add3A_259, %dma_wait3A_262] : memref<10240x128xf32, #tpu.memory_space<vmem_shared>> -> memref<128x128xf32, #tpu.memory_space<vmem_shared>>
    tpu.wait_dma2 semaphore(%arg23 : memref<!tpu.dma_semaphore, #tpu.memory_space<semaphore_mem>>) src(%dma_wait3A_263 : memref<128x128xf32, #tpu.memory_space<vmem_shared>>) dst(%arg12 : memref<128x128xf32, #tpu.memory_space<vmem>>)
    %add3A_264 = arith.constant 256 : i32
    %add3A_265 = arith.addi %mul3A_2, %add3A_264 : i32
    %dma_start3A_266 = arith.constant 0 : i32
    %dma_start3A_267 = tpu.memref_slice %arg5[%arg0, %add3A_265, %dma_start3A_266] : memref<2x10240x128xf32, #tpu.memory_space<hbm>> -> memref<1x128x128xf32, #tpu.memory_space<hbm>>
    %dma_start3A_268 = tpu.memref_squeeze %dma_start3A_267 : memref<1x128x128xf32, #tpu.memory_space<hbm>> -> memref<128x128xf32, #tpu.memory_space<hbm>>
    %dma_start3A_269 = arith.constant 0 : i32
    %dma_start3A_270 = tpu.memref_slice %arg5[%arg0, %add3A_265, %dma_start3A_269] : memref<2x10240x128xf32, #tpu.memory_space<hbm>> -> memref<1x128x128xf32, #tpu.memory_space<hbm>>
    %dma_start3A_271 = tpu.memref_squeeze %dma_start3A_270 : memref<1x128x128xf32, #tpu.memory_space<hbm>> -> memref<128x128xf32, #tpu.memory_space<hbm>>
    tpu.enqueue_dma source(%arg12 : memref<128x128xf32, #tpu.memory_space<vmem>>) target(%dma_start3A_271 : memref<128x128xf32, #tpu.memory_space<hbm>>) target_semaphore(%arg25 : memref<!tpu.dma_semaphore, #tpu.memory_space<semaphore_mem>>)
    %add3A_272 = arith.constant 256 : i32
    %add3A_273 = arith.addi %mul3A_2, %add3A_272 : i32
    %dma_wait3A_274 = arith.constant 0 : i32
    %dma_wait3A_275 = tpu.memref_slice %arg5[%arg0, %add3A_273, %dma_wait3A_274] : memref<2x10240x128xf32, #tpu.memory_space<hbm>> -> memref<1x128x128xf32, #tpu.memory_space<hbm>>
    %dma_wait3A_276 = tpu.memref_squeeze %dma_wait3A_275 : memref<1x128x128xf32, #tpu.memory_space<hbm>> -> memref<128x128xf32, #tpu.memory_space<hbm>>
    %dma_wait3A_277 = arith.constant 0 : i32
    %dma_wait3A_278 = tpu.memref_slice %arg5[%arg0, %add3A_273, %dma_wait3A_277] : memref<2x10240x128xf32, #tpu.memory_space<hbm>> -> memref<1x128x128xf32, #tpu.memory_space<hbm>>
    %dma_wait3A_279 = tpu.memref_squeeze %dma_wait3A_278 : memref<1x128x128xf32, #tpu.memory_space<hbm>> -> memref<128x128xf32, #tpu.memory_space<hbm>>
    tpu.wait_dma2 semaphore(%arg25 : memref<!tpu.dma_semaphore, #tpu.memory_space<semaphore_mem>>) src(%arg12 : memref<128x128xf32, #tpu.memory_space<vmem>>) dst(%dma_wait3A_279 : memref<128x128xf32, #tpu.memory_space<hbm>>)
    %add3A_280 = arith.constant 512 : i32
    %add3A_281 = arith.addi %mul3A_2, %add3A_280 : i32
    %dma_start3A_282 = arith.constant 0 : i32
    %dma_start3A_283 = tpu.memref_slice %arg6[%add3A_281, %dma_start3A_282] : memref<10240x128xf32, #tpu.memory_space<vmem_shared>> -> memref<128x128xf32, #tpu.memory_space<vmem_shared>>
    %dma_start3A_284 = arith.constant 0 : i32
    %dma_start3A_285 = tpu.memref_slice %arg6[%add3A_281, %dma_start3A_284] : memref<10240x128xf32, #tpu.memory_space<vmem_shared>> -> memref<128x128xf32, #tpu.memory_space<vmem_shared>>
    tpu.enqueue_dma source(%dma_start3A_285 : memref<128x128xf32, #tpu.memory_space<vmem_shared>>) target(%arg12 : memref<128x128xf32, #tpu.memory_space<vmem>>) target_semaphore(%arg23 : memref<!tpu.dma_semaphore, #tpu.memory_space<semaphore_mem>>)
    %add3A_286 = arith.constant 384 : i32
    %add3A_287 = arith.addi %mul3A_2, %add3A_286 : i32
    %dma_wait3A_288 = arith.constant 0 : i32
    %dma_wait3A_289 = tpu.memref_slice %arg6[%add3A_287, %dma_wait3A_288] : memref<10240x128xf32, #tpu.memory_space<vmem_shared>> -> memref<128x128xf32, #tpu.memory_space<vmem_shared>>
    %dma_wait3A_290 = arith.constant 0 : i32
    %dma_wait3A_291 = tpu.memref_slice %arg6[%add3A_287, %dma_wait3A_290] : memref<10240x128xf32, #tpu.memory_space<vmem_shared>> -> memref<128x128xf32, #tpu.memory_space<vmem_shared>>
    tpu.wait_dma2 semaphore(%arg24 : memref<!tpu.dma_semaphore, #tpu.memory_space<semaphore_mem>>) src(%dma_wait3A_291 : memref<128x128xf32, #tpu.memory_space<vmem_shared>>) dst(%arg13 : memref<128x128xf32, #tpu.memory_space<vmem>>)
    %add3A_292 = arith.constant 384 : i32
    %add3A_293 = arith.addi %mul3A_2, %add3A_292 : i32
    %dma_start3A_294 = arith.constant 0 : i32
    %dma_start3A_295 = tpu.memref_slice %arg5[%arg0, %add3A_293, %dma_start3A_294] : memref<2x10240x128xf32, #tpu.memory_space<hbm>> -> memref<1x128x128xf32, #tpu.memory_space<hbm>>
    %dma_start3A_296 = tpu.memref_squeeze %dma_start3A_295 : memref<1x128x128xf32, #tpu.memory_space<hbm>> -> memref<128x128xf32, #tpu.memory_space<hbm>>
    %dma_start3A_297 = arith.constant 0 : i32
    %dma_start3A_298 = tpu.memref_slice %arg5[%arg0, %add3A_293, %dma_start3A_297] : memref<2x10240x128xf32, #tpu.memory_space<hbm>> -> memref<1x128x128xf32, #tpu.memory_space<hbm>>
    %dma_start3A_299 = tpu.memref_squeeze %dma_start3A_298 : memref<1x128x128xf32, #tpu.memory_space<hbm>> -> memref<128x128xf32, #tpu.memory_space<hbm>>
    tpu.enqueue_dma source(%arg13 : memref<128x128xf32, #tpu.memory_space<vmem>>) target(%dma_start3A_299 : memref<128x128xf32, #tpu.memory_space<hbm>>) target_semaphore(%arg26 : memref<!tpu.dma_semaphore, #tpu.memory_space<semaphore_mem>>)
    %add3A_300 = arith.constant 512 : i32
    %add3A_301 = arith.addi %mul3A_2, %add3A_300 : i32
    %dma_wait3A_302 = arith.constant 0 : i32
    %dma_wait3A_303 = tpu.memref_slice %arg6[%add3A_301, %dma_wait3A_302] : memref<10240x128xf32, #tpu.memory_space<vmem_shared>> -> memref<128x128xf32, #tpu.memory_space<vmem_shared>>
    %dma_wait3A_304 = arith.constant 0 : i32
    %dma_wait3A_305 = tpu.memref_slice %arg6[%add3A_301, %dma_wait3A_304] : memref<10240x128xf32, #tpu.memory_space<vmem_shared>> -> memref<128x128xf32, #tpu.memory_space<vmem_shared>>
    tpu.wait_dma2 semaphore(%arg23 : memref<!tpu.dma_semaphore, #tpu.memory_space<semaphore_mem>>) src(%dma_wait3A_305 : memref<128x128xf32, #tpu.memory_space<vmem_shared>>) dst(%arg12 : memref<128x128xf32, #tpu.memory_space<vmem>>)
    %add3A_306 = arith.constant 512 : i32
    %add3A_307 = arith.addi %mul3A_2, %add3A_306 : i32
    %dma_start3A_308 = arith.constant 0 : i32
    %dma_start3A_309 = tpu.memref_slice %arg5[%arg0, %add3A_307, %dma_start3A_308] : memref<2x10240x128xf32, #tpu.memory_space<hbm>> -> memref<1x128x128xf32, #tpu.memory_space<hbm>>
    %dma_start3A_310 = tpu.memref_squeeze %dma_start3A_309 : memref<1x128x128xf32, #tpu.memory_space<hbm>> -> memref<128x128xf32, #tpu.memory_space<hbm>>
    %dma_start3A_311 = arith.constant 0 : i32
    %dma_start3A_312 = tpu.memref_slice %arg5[%arg0, %add3A_307, %dma_start3A_311] : memref<2x10240x128xf32, #tpu.memory_space<hbm>> -> memref<1x128x128xf32, #tpu.memory_space<hbm>>
    %dma_start3A_313 = tpu.memref_squeeze %dma_start3A_312 : memref<1x128x128xf32, #tpu.memory_space<hbm>> -> memref<128x128xf32, #tpu.memory_space<hbm>>
    tpu.enqueue_dma source(%arg12 : memref<128x128xf32, #tpu.memory_space<vmem>>) target(%dma_start3A_313 : memref<128x128xf32, #tpu.memory_space<hbm>>) target_semaphore(%arg25 : memref<!tpu.dma_semaphore, #tpu.memory_space<semaphore_mem>>)
    %add3A_314 = arith.constant 384 : i32
    %add3A_315 = arith.addi %mul3A_2, %add3A_314 : i32
    %dma_wait3A_316 = arith.constant 0 : i32
    %dma_wait3A_317 = tpu.memref_slice %arg5[%arg0, %add3A_315, %dma_wait3A_316] : memref<2x10240x128xf32, #tpu.memory_space<hbm>> -> memref<1x128x128xf32, #tpu.memory_space<hbm>>
    %dma_wait3A_318 = tpu.memref_squeeze %dma_wait3A_317 : memref<1x128x128xf32, #tpu.memory_space<hbm>> -> memref<128x128xf32, #tpu.memory_space<hbm>>
    %dma_wait3A_319 = arith.constant 0 : i32
    %dma_wait3A_320 = tpu.memref_slice %arg5[%arg0, %add3A_315, %dma_wait3A_319] : memref<2x10240x128xf32, #tpu.memory_space<hbm>> -> memref<1x128x128xf32, #tpu.memory_space<hbm>>
    %dma_wait3A_321 = tpu.memref_squeeze %dma_wait3A_320 : memref<1x128x128xf32, #tpu.memory_space<hbm>> -> memref<128x128xf32, #tpu.memory_space<hbm>>
    tpu.wait_dma2 semaphore(%arg26 : memref<!tpu.dma_semaphore, #tpu.memory_space<semaphore_mem>>) src(%arg13 : memref<128x128xf32, #tpu.memory_space<vmem>>) dst(%dma_wait3A_321 : memref<128x128xf32, #tpu.memory_space<hbm>>)
    %add3A_322 = arith.constant 512 : i32
    %add3A_323 = arith.addi %mul3A_2, %add3A_322 : i32
    %dma_wait3A_324 = arith.constant 0 : i32
    %dma_wait3A_325 = tpu.memref_slice %arg5[%arg0, %add3A_323, %dma_wait3A_324] : memref<2x10240x128xf32, #tpu.memory_space<hbm>> -> memref<1x128x128xf32, #tpu.memory_space<hbm>>
    %dma_wait3A_326 = tpu.memref_squeeze %dma_wait3A_325 : memref<1x128x128xf32, #tpu.memory_space<hbm>> -> memref<128x128xf32, #tpu.memory_space<hbm>>
    %dma_wait3A_327 = arith.constant 0 : i32
    %dma_wait3A_328 = tpu.memref_slice %arg5[%arg0, %add3A_323, %dma_wait3A_327] : memref<2x10240x128xf32, #tpu.memory_space<hbm>> -> memref<1x128x128xf32, #tpu.memory_space<hbm>>
    %dma_wait3A_329 = tpu.memref_squeeze %dma_wait3A_328 : memref<1x128x128xf32, #tpu.memory_space<hbm>> -> memref<128x128xf32, #tpu.memory_space<hbm>>
    tpu.wait_dma2 semaphore(%arg25 : memref<!tpu.dma_semaphore, #tpu.memory_space<semaphore_mem>>) src(%arg12 : memref<128x128xf32, #tpu.memory_space<vmem>>) dst(%dma_wait3A_329 : memref<128x128xf32, #tpu.memory_space<hbm>>)
    return
  }
}

#map = affine_map<(d0, d1) -> (0, 0)>
#map1 = affine_map<(d0, d1) -> (0)>
#map2 = affine_map<(d0, d1) -> (0, 0, 0)>
module attributes {stable_mosaic.version = 14 : i64} {
  func.func @_edge_scatter(%arg0: i32, %arg1: i32, %arg2: memref<10240x128xf32, #tpu.memory_space<hbm>>, %arg3: memref<327680xi32, #tpu.memory_space<hbm>>, %arg4: memref<2560x128xi32, #tpu.memory_space<hbm>>, %arg5: memref<2x10240x128xf32, #tpu.memory_space<hbm>>, %arg6: memref<10240x128xf32, #tpu.memory_space<vmem_shared>>, %arg7: memref<80x128xi32, #tpu.memory_space<vmem>>, %arg8: memref<128xi32, #tpu.memory_space<vmem>>, %arg9: memref<128xi32, #tpu.memory_space<vmem>>, %arg10: memref<128xi32, #tpu.memory_space<vmem>>, %arg11: memref<128xi32, #tpu.memory_space<vmem>>, %arg12: memref<128x128xf32, #tpu.memory_space<vmem>>, %arg13: memref<128x128xf32, #tpu.memory_space<vmem>>, %arg14: memref<!tpu.dma_semaphore, #tpu.memory_space<semaphore_mem>>, %arg15: memref<!tpu.dma_semaphore, #tpu.memory_space<semaphore_mem>>, %arg16: memref<!tpu.dma_semaphore, #tpu.memory_space<semaphore_mem>>, %arg17: memref<!tpu.dma_semaphore, #tpu.memory_space<semaphore_mem>>, %arg18: memref<!tpu.dma_semaphore, #tpu.memory_space<semaphore_mem>>, %arg19: memref<!tpu.dma_semaphore, #tpu.memory_space<semaphore_mem>>, %arg20: memref<!tpu.dma_semaphore, #tpu.memory_space<semaphore_mem>>, %arg21: memref<!tpu.dma_semaphore, #tpu.memory_space<semaphore_mem>>, %arg22: memref<!tpu.dma_semaphore, #tpu.memory_space<semaphore_mem>>, %arg23: memref<!tpu.dma_semaphore, #tpu.memory_space<semaphore_mem>>, %arg24: memref<!tpu.dma_semaphore, #tpu.memory_space<semaphore_mem>>, %arg25: memref<!tpu.dma_semaphore, #tpu.memory_space<semaphore_mem>>, %arg26: memref<!tpu.dma_semaphore, #tpu.memory_space<semaphore_mem>>) attributes {dimension_semantics = [#tpu.dimension_semantics<core_parallel>, #tpu.dimension_semantics<subcore_parallel>], iteration_bounds = array<i64: 2, 16>, scalar_prefetch = 0 : i64, scratch_operands = 21 : i64, tpu.core_type = #tpu.core_type<sc_vector_subcore>, window_params = [{transform_indices = #map}, {transform_indices = #map1}, {transform_indices = #map}, {transform_indices = #map2}]} {
    %mul3A = arith.constant 16 : i32
    %mul3A_0 = arith.muli %arg0, %mul3A : i32
    %add3A = arith.addi %mul3A_0, %arg1 : i32
    %mul3A_1 = arith.constant 640 : i32
    %mul3A_2 = arith.muli %arg1, %mul3A_1 : i32
    %mul3A_3 = arith.constant 80 : i32
    %mul3A_4 = arith.muli %add3A, %mul3A_3 : i32
    %mul3A_5 = arith.constant 128 : i32
    %mul3A_6 = arith.muli %mul3A_4, %mul3A_5 : i32
    %add3A_7 = arith.constant 0 : i32
    %add3A_8 = arith.addi %mul3A_6, %add3A_7 : i32
    %dma_start3A = tpu.memref_slice %arg3[%add3A_8] : memref<327680xi32, #tpu.memory_space<hbm>> -> memref<128xi32, #tpu.memory_space<hbm>>
    %dma_start3A_9 = tpu.memref_slice %arg3[%add3A_8] : memref<327680xi32, #tpu.memory_space<hbm>> -> memref<128xi32, #tpu.memory_space<hbm>>
    tpu.enqueue_dma source(%dma_start3A_9 : memref<128xi32, #tpu.memory_space<hbm>>) target(%arg8 : memref<128xi32, #tpu.memory_space<vmem>>) target_semaphore(%arg14 : memref<!tpu.dma_semaphore, #tpu.memory_space<semaphore_mem>>)
    %add3A_10 = arith.constant 128 : i32
    %add3A_11 = arith.addi %mul3A_6, %add3A_10 : i32
    %dma_start3A_12 = tpu.memref_slice %arg3[%add3A_11] : memref<327680xi32, #tpu.memory_space<hbm>> -> memref<128xi32, #tpu.memory_space<hbm>>
    %dma_start3A_13 = tpu.memref_slice %arg3[%add3A_11] : memref<327680xi32, #tpu.memory_space<hbm>> -> memref<128xi32, #tpu.memory_space<hbm>>
    tpu.enqueue_dma source(%dma_start3A_13 : memref<128xi32, #tpu.memory_space<hbm>>) target(%arg9 : memref<128xi32, #tpu.memory_space<vmem>>) target_semaphore(%arg15 : memref<!tpu.dma_semaphore, #tpu.memory_space<semaphore_mem>>)
    %add3A_14 = arith.constant 256 : i32
    %add3A_15 = arith.addi %mul3A_6, %add3A_14 : i32
    %dma_start3A_16 = tpu.memref_slice %arg3[%add3A_15] : memref<327680xi32, #tpu.memory_space<hbm>> -> memref<128xi32, #tpu.memory_space<hbm>>
    %dma_start3A_17 = tpu.memref_slice %arg3[%add3A_15] : memref<327680xi32, #tpu.memory_space<hbm>> -> memref<128xi32, #tpu.memory_space<hbm>>
    tpu.enqueue_dma source(%dma_start3A_17 : memref<128xi32, #tpu.memory_space<hbm>>) target(%arg10 : memref<128xi32, #tpu.memory_space<vmem>>) target_semaphore(%arg16 : memref<!tpu.dma_semaphore, #tpu.memory_space<semaphore_mem>>)
    %mul3A_18 = arith.constant 80 : i32
    %mul3A_19 = arith.muli %add3A, %mul3A_18 : i32
    "tpu.region"() ({
      %run_scoped3A = tpu.sem_alloc : memref<!tpu.dma_semaphore, #tpu.memory_space<semaphore_mem>>
      %dma_start3A_330 = arith.constant 0 : i32
      %dma_start3A_331 = tpu.memref_slice %arg4[%mul3A_19, %dma_start3A_330] : memref<2560x128xi32, #tpu.memory_space<hbm>> -> memref<80x128xi32, #tpu.memory_space<hbm>>
      %dma_start3A_332 = arith.constant 0 : i32
      %dma_start3A_333 = tpu.memref_slice %arg4[%mul3A_19, %dma_start3A_332] : memref<2560x128xi32, #tpu.memory_space<hbm>> -> memref<80x128xi32, #tpu.memory_space<hbm>>
      tpu.enqueue_dma source(%dma_start3A_333 : memref<80x128xi32, #tpu.memory_space<hbm>>) target(%arg7 : memref<80x128xi32, #tpu.memory_space<vmem>>) target_semaphore(%run_scoped3A : memref<!tpu.dma_semaphore, #tpu.memory_space<semaphore_mem>>)
      %dma_wait3A_334 = arith.constant 0 : i32
      %dma_wait3A_335 = tpu.memref_slice %arg4[%mul3A_19, %dma_wait3A_334] : memref<2560x128xi32, #tpu.memory_space<hbm>> -> memref<80x128xi32, #tpu.memory_space<hbm>>
      %dma_wait3A_336 = arith.constant 0 : i32
      %dma_wait3A_337 = tpu.memref_slice %arg4[%mul3A_19, %dma_wait3A_336] : memref<2560x128xi32, #tpu.memory_space<hbm>> -> memref<80x128xi32, #tpu.memory_space<hbm>>
      tpu.wait_dma2 semaphore(%run_scoped3A : memref<!tpu.dma_semaphore, #tpu.memory_space<semaphore_mem>>) src(%dma_wait3A_337 : memref<80x128xi32, #tpu.memory_space<hbm>>) dst(%arg7 : memref<80x128xi32, #tpu.memory_space<vmem>>)
      tpu.yield
    }) : () -> ()
    %scan3A = arith.constant 0 : i32
    %scan3A_20 = arith.constant 0 : i32
    %scan3A_21 = arith.constant 128 : i32
    %scan3A_22 = arith.addi %scan3A_20, %scan3A_21 : i32
    %scan3A_23 = arith.constant 1 : i32
    scf.for %scan3A_330 = %scan3A_20 to %scan3A_22 step %scan3A_23  : i32 {
      %broadcast_in_dim3A = arith.constant 0.000000e+00 : f32
      %broadcast_in_dim3A_331 = vector.broadcast %broadcast_in_dim3A : f32 to vector<16xf32>
      %swap3A = arith.index_cast %scan3A_330 : i32 to index
      %swap3A_332 = arith.constant 0 : index
      %swap3A_333 = tpu.vector_load %arg12[%swap3A, %swap3A_332] {strides = array<i32>} : memref<128x128xf32, #tpu.memory_space<vmem>>, vector<1x16xf32>,
      %swap3A_334 = vector.shape_cast %swap3A_333 : vector<1x16xf32> to vector<16xf32>
      %swap3A_335 = vector.shape_cast %broadcast_in_dim3A_331 : vector<16xf32> to vector<1x16xf32>
      tpu.vector_store %arg12[%swap3A, %swap3A_332], %swap3A_335 {strides = array<i32>} : memref<128x128xf32, #tpu.memory_space<vmem>>, vector<1x16xf32>,
      %broadcast_in_dim3A_336 = arith.constant 0.000000e+00 : f32
      %broadcast_in_dim3A_337 = vector.broadcast %broadcast_in_dim3A_336 : f32 to vector<16xf32>
      %swap3A_338 = arith.index_cast %scan3A_330 : i32 to index
      %swap3A_339 = arith.constant 16 : index
      %swap3A_340 = tpu.vector_load %arg12[%swap3A_338, %swap3A_339] {strides = array<i32>} : memref<128x128xf32, #tpu.memory_space<vmem>>, vector<1x16xf32>,
      %swap3A_341 = vector.shape_cast %swap3A_340 : vector<1x16xf32> to vector<16xf32>
      %swap3A_342 = vector.shape_cast %broadcast_in_dim3A_337 : vector<16xf32> to vector<1x16xf32>
      tpu.vector_store %arg12[%swap3A_338, %swap3A_339], %swap3A_342 {strides = array<i32>} : memref<128x128xf32, #tpu.memory_space<vmem>>, vector<1x16xf32>,
      %broadcast_in_dim3A_343 = arith.constant 0.000000e+00 : f32
      %broadcast_in_dim3A_344 = vector.broadcast %broadcast_in_dim3A_343 : f32 to vector<16xf32>
      %swap3A_345 = arith.index_cast %scan3A_330 : i32 to index
      %swap3A_346 = arith.constant 32 : index
      %swap3A_347 = tpu.vector_load %arg12[%swap3A_345, %swap3A_346] {strides = array<i32>} : memref<128x128xf32, #tpu.memory_space<vmem>>, vector<1x16xf32>,
      %swap3A_348 = vector.shape_cast %swap3A_347 : vector<1x16xf32> to vector<16xf32>
      %swap3A_349 = vector.shape_cast %broadcast_in_dim3A_344 : vector<16xf32> to vector<1x16xf32>
      tpu.vector_store %arg12[%swap3A_345, %swap3A_346], %swap3A_349 {strides = array<i32>} : memref<128x128xf32, #tpu.memory_space<vmem>>, vector<1x16xf32>,
      %broadcast_in_dim3A_350 = arith.constant 0.000000e+00 : f32
      %broadcast_in_dim3A_351 = vector.broadcast %broadcast_in_dim3A_350 : f32 to vector<16xf32>
      %swap3A_352 = arith.index_cast %scan3A_330 : i32 to index
      %swap3A_353 = arith.constant 48 : index
      %swap3A_354 = tpu.vector_load %arg12[%swap3A_352, %swap3A_353] {strides = array<i32>} : memref<128x128xf32, #tpu.memory_space<vmem>>, vector<1x16xf32>,
      %swap3A_355 = vector.shape_cast %swap3A_354 : vector<1x16xf32> to vector<16xf32>
      %swap3A_356 = vector.shape_cast %broadcast_in_dim3A_351 : vector<16xf32> to vector<1x16xf32>
      tpu.vector_store %arg12[%swap3A_352, %swap3A_353], %swap3A_356 {strides = array<i32>} : memref<128x128xf32, #tpu.memory_space<vmem>>, vector<1x16xf32>,
      %broadcast_in_dim3A_357 = arith.constant 0.000000e+00 : f32
      %broadcast_in_dim3A_358 = vector.broadcast %broadcast_in_dim3A_357 : f32 to vector<16xf32>
      %swap3A_359 = arith.index_cast %scan3A_330 : i32 to index
      %swap3A_360 = arith.constant 64 : index
      %swap3A_361 = tpu.vector_load %arg12[%swap3A_359, %swap3A_360] {strides = array<i32>} : memref<128x128xf32, #tpu.memory_space<vmem>>, vector<1x16xf32>,
      %swap3A_362 = vector.shape_cast %swap3A_361 : vector<1x16xf32> to vector<16xf32>
      %swap3A_363 = vector.shape_cast %broadcast_in_dim3A_358 : vector<16xf32> to vector<1x16xf32>
      tpu.vector_store %arg12[%swap3A_359, %swap3A_360], %swap3A_363 {strides = array<i32>} : memref<128x128xf32, #tpu.memory_space<vmem>>, vector<1x16xf32>,
      %broadcast_in_dim3A_364 = arith.constant 0.000000e+00 : f32
      %broadcast_in_dim3A_365 = vector.broadcast %broadcast_in_dim3A_364 : f32 to vector<16xf32>
      %swap3A_366 = arith.index_cast %scan3A_330 : i32 to index
      %swap3A_367 = arith.constant 80 : index
      %swap3A_368 = tpu.vector_load %arg12[%swap3A_366, %swap3A_367] {strides = array<i32>} : memref<128x128xf32, #tpu.memory_space<vmem>>, vector<1x16xf32>,
      %swap3A_369 = vector.shape_cast %swap3A_368 : vector<1x16xf32> to vector<16xf32>
      %swap3A_370 = vector.shape_cast %broadcast_in_dim3A_365 : vector<16xf32> to vector<1x16xf32>
      tpu.vector_store %arg12[%swap3A_366, %swap3A_367], %swap3A_370 {strides = array<i32>} : memref<128x128xf32, #tpu.memory_space<vmem>>, vector<1x16xf32>,
      %broadcast_in_dim3A_371 = arith.constant 0.000000e+00 : f32
      %broadcast_in_dim3A_372 = vector.broadcast %broadcast_in_dim3A_371 : f32 to vector<16xf32>
      %swap3A_373 = arith.index_cast %scan3A_330 : i32 to index
      %swap3A_374 = arith.constant 96 : index
      %swap3A_375 = tpu.vector_load %arg12[%swap3A_373, %swap3A_374] {strides = array<i32>} : memref<128x128xf32, #tpu.memory_space<vmem>>, vector<1x16xf32>,
      %swap3A_376 = vector.shape_cast %swap3A_375 : vector<1x16xf32> to vector<16xf32>
      %swap3A_377 = vector.shape_cast %broadcast_in_dim3A_372 : vector<16xf32> to vector<1x16xf32>
      tpu.vector_store %arg12[%swap3A_373, %swap3A_374], %swap3A_377 {strides = array<i32>} : memref<128x128xf32, #tpu.memory_space<vmem>>, vector<1x16xf32>,
      %broadcast_in_dim3A_378 = arith.constant 0.000000e+00 : f32
      %broadcast_in_dim3A_379 = vector.broadcast %broadcast_in_dim3A_378 : f32 to vector<16xf32>
      %swap3A_380 = arith.index_cast %scan3A_330 : i32 to index
      %swap3A_381 = arith.constant 112 : index
      %swap3A_382 = tpu.vector_load %arg12[%swap3A_380, %swap3A_381] {strides = array<i32>} : memref<128x128xf32, #tpu.memory_space<vmem>>, vector<1x16xf32>,
      %swap3A_383 = vector.shape_cast %swap3A_382 : vector<1x16xf32> to vector<16xf32>
      %swap3A_384 = vector.shape_cast %broadcast_in_dim3A_379 : vector<16xf32> to vector<1x16xf32>
      tpu.vector_store %arg12[%swap3A_380, %swap3A_381], %swap3A_384 {strides = array<i32>} : memref<128x128xf32, #tpu.memory_space<vmem>>, vector<1x16xf32>,
    }
    %scan3A_24 = arith.constant 128 : i32
    %add3A_25 = arith.constant 0 : i32
    %add3A_26 = arith.addi %mul3A_2, %add3A_25 : i32
    %dma_start3A_27 = arith.constant 0 : i32
    %dma_start3A_28 = tpu.memref_slice %arg6[%add3A_26, %dma_start3A_27] : memref<10240x128xf32, #tpu.memory_space<vmem_shared>> -> memref<128x128xf32, #tpu.memory_space<vmem_shared>>
    %dma_start3A_29 = arith.constant 0 : i32
    %dma_start3A_30 = tpu.memref_slice %arg6[%add3A_26, %dma_start3A_29] : memref<10240x128xf32, #tpu.memory_space<vmem_shared>> -> memref<128x128xf32, #tpu.memory_space<vmem_shared>>
    tpu.enqueue_dma source(%arg12 : memref<128x128xf32, #tpu.memory_space<vmem>>) target(%dma_start3A_30 : memref<128x128xf32, #tpu.memory_space<vmem_shared>>) target_semaphore(%arg22 : memref<!tpu.dma_semaphore, #tpu.memory_space<semaphore_mem>>)
    %add3A_31 = arith.constant 128 : i32
    %add3A_32 = arith.addi %mul3A_2, %add3A_31 : i32
    %dma_start3A_33 = arith.constant 0 : i32
    %dma_start3A_34 = tpu.memref_slice %arg6[%add3A_32, %dma_start3A_33] : memref<10240x128xf32, #tpu.memory_space<vmem_shared>> -> memref<128x128xf32, #tpu.memory_space<vmem_shared>>
    %dma_start3A_35 = arith.constant 0 : i32
    %dma_start3A_36 = tpu.memref_slice %arg6[%add3A_32, %dma_start3A_35] : memref<10240x128xf32, #tpu.memory_space<vmem_shared>> -> memref<128x128xf32, #tpu.memory_space<vmem_shared>>
    tpu.enqueue_dma source(%arg12 : memref<128x128xf32, #tpu.memory_space<vmem>>) target(%dma_start3A_36 : memref<128x128xf32, #tpu.memory_space<vmem_shared>>) target_semaphore(%arg22 : memref<!tpu.dma_semaphore, #tpu.memory_space<semaphore_mem>>)
    %add3A_37 = arith.constant 256 : i32
    %add3A_38 = arith.addi %mul3A_2, %add3A_37 : i32
    %dma_start3A_39 = arith.constant 0 : i32
    %dma_start3A_40 = tpu.memref_slice %arg6[%add3A_38, %dma_start3A_39] : memref<10240x128xf32, #tpu.memory_space<vmem_shared>> -> memref<128x128xf32, #tpu.memory_space<vmem_shared>>
    %dma_start3A_41 = arith.constant 0 : i32
    %dma_start3A_42 = tpu.memref_slice %arg6[%add3A_38, %dma_start3A_41] : memref<10240x128xf32, #tpu.memory_space<vmem_shared>> -> memref<128x128xf32, #tpu.memory_space<vmem_shared>>
    tpu.enqueue_dma source(%arg12 : memref<128x128xf32, #tpu.memory_space<vmem>>) target(%dma_start3A_42 : memref<128x128xf32, #tpu.memory_space<vmem_shared>>) target_semaphore(%arg22 : memref<!tpu.dma_semaphore, #tpu.memory_space<semaphore_mem>>)
    %add3A_43 = arith.constant 384 : i32
    %add3A_44 = arith.addi %mul3A_2, %add3A_43 : i32
    %dma_start3A_45 = arith.constant 0 : i32
    %dma_start3A_46 = tpu.memref_slice %arg6[%add3A_44, %dma_start3A_45] : memref<10240x128xf32, #tpu.memory_space<vmem_shared>> -> memref<128x128xf32, #tpu.memory_space<vmem_shared>>
    %dma_start3A_47 = arith.constant 0 : i32
    %dma_start3A_48 = tpu.memref_slice %arg6[%add3A_44, %dma_start3A_47] : memref<10240x128xf32, #tpu.memory_space<vmem_shared>> -> memref<128x128xf32, #tpu.memory_space<vmem_shared>>
    tpu.enqueue_dma source(%arg12 : memref<128x128xf32, #tpu.memory_space<vmem>>) target(%dma_start3A_48 : memref<128x128xf32, #tpu.memory_space<vmem_shared>>) target_semaphore(%arg22 : memref<!tpu.dma_semaphore, #tpu.memory_space<semaphore_mem>>)
    %add3A_49 = arith.constant 512 : i32
    %add3A_50 = arith.addi %mul3A_2, %add3A_49 : i32
    %dma_start3A_51 = arith.constant 0 : i32
    %dma_start3A_52 = tpu.memref_slice %arg6[%add3A_50, %dma_start3A_51] : memref<10240x128xf32, #tpu.memory_space<vmem_shared>> -> memref<128x128xf32, #tpu.memory_space<vmem_shared>>
    %dma_start3A_53 = arith.constant 0 : i32
    %dma_start3A_54 = tpu.memref_slice %arg6[%add3A_50, %dma_start3A_53] : memref<10240x128xf32, #tpu.memory_space<vmem_shared>> -> memref<128x128xf32, #tpu.memory_space<vmem_shared>>
    tpu.enqueue_dma source(%arg12 : memref<128x128xf32, #tpu.memory_space<vmem>>) target(%dma_start3A_54 : memref<128x128xf32, #tpu.memory_space<vmem_shared>>) target_semaphore(%arg22 : memref<!tpu.dma_semaphore, #tpu.memory_space<semaphore_mem>>)
    %add3A_55 = arith.constant 0 : i32
    %add3A_56 = arith.addi %mul3A_2, %add3A_55 : i32
    %dma_wait3A = arith.constant 0 : i32
    %dma_wait3A_57 = tpu.memref_slice %arg6[%add3A_56, %dma_wait3A] : memref<10240x128xf32, #tpu.memory_space<vmem_shared>> -> memref<128x128xf32, #tpu.memory_space<vmem_shared>>
    %dma_wait3A_58 = arith.constant 0 : i32
    %dma_wait3A_59 = tpu.memref_slice %arg6[%add3A_56, %dma_wait3A_58] : memref<10240x128xf32, #tpu.memory_space<vmem_shared>> -> memref<128x128xf32, #tpu.memory_space<vmem_shared>>
    tpu.wait_dma2 semaphore(%arg22 : memref<!tpu.dma_semaphore, #tpu.memory_space<semaphore_mem>>) src(%arg12 : memref<128x128xf32, #tpu.memory_space<vmem>>) dst(%dma_wait3A_59 : memref<128x128xf32, #tpu.memory_space<vmem_shared>>)
    %add3A_60 = arith.constant 128 : i32
    %add3A_61 = arith.addi %mul3A_2, %add3A_60 : i32
    %dma_wait3A_62 = arith.constant 0 : i32
    %dma_wait3A_63 = tpu.memref_slice %arg6[%add3A_61, %dma_wait3A_62] : memref<10240x128xf32, #tpu.memory_space<vmem_shared>> -> memref<128x128xf32, #tpu.memory_space<vmem_shared>>
    %dma_wait3A_64 = arith.constant 0 : i32
    %dma_wait3A_65 = tpu.memref_slice %arg6[%add3A_61, %dma_wait3A_64] : memref<10240x128xf32, #tpu.memory_space<vmem_shared>> -> memref<128x128xf32, #tpu.memory_space<vmem_shared>>
    tpu.wait_dma2 semaphore(%arg22 : memref<!tpu.dma_semaphore, #tpu.memory_space<semaphore_mem>>) src(%arg12 : memref<128x128xf32, #tpu.memory_space<vmem>>) dst(%dma_wait3A_65 : memref<128x128xf32, #tpu.memory_space<vmem_shared>>)
    %add3A_66 = arith.constant 256 : i32
    %add3A_67 = arith.addi %mul3A_2, %add3A_66 : i32
    %dma_wait3A_68 = arith.constant 0 : i32
    %dma_wait3A_69 = tpu.memref_slice %arg6[%add3A_67, %dma_wait3A_68] : memref<10240x128xf32, #tpu.memory_space<vmem_shared>> -> memref<128x128xf32, #tpu.memory_space<vmem_shared>>
    %dma_wait3A_70 = arith.constant 0 : i32
    %dma_wait3A_71 = tpu.memref_slice %arg6[%add3A_67, %dma_wait3A_70] : memref<10240x128xf32, #tpu.memory_space<vmem_shared>> -> memref<128x128xf32, #tpu.memory_space<vmem_shared>>
    tpu.wait_dma2 semaphore(%arg22 : memref<!tpu.dma_semaphore, #tpu.memory_space<semaphore_mem>>) src(%arg12 : memref<128x128xf32, #tpu.memory_space<vmem>>) dst(%dma_wait3A_71 : memref<128x128xf32, #tpu.memory_space<vmem_shared>>)
    %add3A_72 = arith.constant 384 : i32
    %add3A_73 = arith.addi %mul3A_2, %add3A_72 : i32
    %dma_wait3A_74 = arith.constant 0 : i32
    %dma_wait3A_75 = tpu.memref_slice %arg6[%add3A_73, %dma_wait3A_74] : memref<10240x128xf32, #tpu.memory_space<vmem_shared>> -> memref<128x128xf32, #tpu.memory_space<vmem_shared>>
    %dma_wait3A_76 = arith.constant 0 : i32
    %dma_wait3A_77 = tpu.memref_slice %arg6[%add3A_73, %dma_wait3A_76] : memref<10240x128xf32, #tpu.memory_space<vmem_shared>> -> memref<128x128xf32, #tpu.memory_space<vmem_shared>>
    tpu.wait_dma2 semaphore(%arg22 : memref<!tpu.dma_semaphore, #tpu.memory_space<semaphore_mem>>) src(%arg12 : memref<128x128xf32, #tpu.memory_space<vmem>>) dst(%dma_wait3A_77 : memref<128x128xf32, #tpu.memory_space<vmem_shared>>)
    %add3A_78 = arith.constant 512 : i32
    %add3A_79 = arith.addi %mul3A_2, %add3A_78 : i32
    %dma_wait3A_80 = arith.constant 0 : i32
    %dma_wait3A_81 = tpu.memref_slice %arg6[%add3A_79, %dma_wait3A_80] : memref<10240x128xf32, #tpu.memory_space<vmem_shared>> -> memref<128x128xf32, #tpu.memory_space<vmem_shared>>
    %dma_wait3A_82 = arith.constant 0 : i32
    %dma_wait3A_83 = tpu.memref_slice %arg6[%add3A_79, %dma_wait3A_82] : memref<10240x128xf32, #tpu.memory_space<vmem_shared>> -> memref<128x128xf32, #tpu.memory_space<vmem_shared>>
    tpu.wait_dma2 semaphore(%arg22 : memref<!tpu.dma_semaphore, #tpu.memory_space<semaphore_mem>>) src(%arg12 : memref<128x128xf32, #tpu.memory_space<vmem>>) dst(%dma_wait3A_83 : memref<128x128xf32, #tpu.memory_space<vmem_shared>>)
    %add3A_84 = arith.constant 0 : i32
    %add3A_85 = arith.addi %mul3A_6, %add3A_84 : i32
    %dma_wait3A_86 = tpu.memref_slice %arg3[%add3A_85] : memref<327680xi32, #tpu.memory_space<hbm>> -> memref<128xi32, #tpu.memory_space<hbm>>
    %dma_wait3A_87 = tpu.memref_slice %arg3[%add3A_85] : memref<327680xi32, #tpu.memory_space<hbm>> -> memref<128xi32, #tpu.memory_space<hbm>>
    tpu.wait_dma2 semaphore(%arg14 : memref<!tpu.dma_semaphore, #tpu.memory_space<semaphore_mem>>) src(%dma_wait3A_87 : memref<128xi32, #tpu.memory_space<hbm>>) dst(%arg8 : memref<128xi32, #tpu.memory_space<vmem>>)
    %dma_start3A_88 = arith.constant 0 : i32
    %dma_start3A_89 = arith.constant 0 : i32
    %dma_start3A_90 = tpu.memref_slice %arg2[%dma_start3A_88, %dma_start3A_89] : memref<10240x128xf32, #tpu.memory_space<hbm>> -> memref<10240x128xf32, #tpu.memory_space<hbm>>
    tpu.enqueue_indirect_dma source(%dma_start3A_90 : memref<10240x128xf32, #tpu.memory_space<hbm>>) target(%arg12 : memref<128x128xf32, #tpu.memory_space<vmem>>) offsets(%arg8 : memref<128xi32, #tpu.memory_space<vmem>>) semaphore(%arg18 : memref<!tpu.dma_semaphore, #tpu.memory_space<semaphore_mem>>)
    %barrier3A = arith.constant 0 : index
    tpu.barrier barrier_id(%barrier3A)
    %add3A_91 = arith.constant 128 : i32
    %add3A_92 = arith.addi %mul3A_6, %add3A_91 : i32
    %dma_wait3A_93 = tpu.memref_slice %arg3[%add3A_92] : memref<327680xi32, #tpu.memory_space<hbm>> -> memref<128xi32, #tpu.memory_space<hbm>>
    %dma_wait3A_94 = tpu.memref_slice %arg3[%add3A_92] : memref<327680xi32, #tpu.memory_space<hbm>> -> memref<128xi32, #tpu.memory_space<hbm>>
    tpu.wait_dma2 semaphore(%arg15 : memref<!tpu.dma_semaphore, #tpu.memory_space<semaphore_mem>>) src(%dma_wait3A_94 : memref<128xi32, #tpu.memory_space<hbm>>) dst(%arg9 : memref<128xi32, #tpu.memory_space<vmem>>)
    %dma_start3A_95 = arith.constant 0 : i32
    %dma_start3A_96 = arith.constant 0 : i32
    %dma_start3A_97 = tpu.memref_slice %arg2[%dma_start3A_95, %dma_start3A_96] : memref<10240x128xf32, #tpu.memory_space<hbm>> -> memref<10240x128xf32, #tpu.memory_space<hbm>>
    tpu.enqueue_indirect_dma source(%dma_start3A_97 : memref<10240x128xf32, #tpu.memory_space<hbm>>) target(%arg13 : memref<128x128xf32, #tpu.memory_space<vmem>>) offsets(%arg9 : memref<128xi32, #tpu.memory_space<vmem>>) semaphore(%arg19 : memref<!tpu.dma_semaphore, #tpu.memory_space<semaphore_mem>>)
    %add3A_98 = arith.constant 384 : i32
    %add3A_99 = arith.addi %mul3A_6, %add3A_98 : i32
    %dma_start3A_100 = tpu.memref_slice %arg3[%add3A_99] : memref<327680xi32, #tpu.memory_space<hbm>> -> memref<128xi32, #tpu.memory_space<hbm>>
    %dma_start3A_101 = tpu.memref_slice %arg3[%add3A_99] : memref<327680xi32, #tpu.memory_space<hbm>> -> memref<128xi32, #tpu.memory_space<hbm>>
    tpu.enqueue_dma source(%dma_start3A_101 : memref<128xi32, #tpu.memory_space<hbm>>) target(%arg11 : memref<128xi32, #tpu.memory_space<vmem>>) target_semaphore(%arg17 : memref<!tpu.dma_semaphore, #tpu.memory_space<semaphore_mem>>)
    %dma_wait3A_102 = arith.constant 0 : i32
    %dma_wait3A_103 = arith.constant 0 : i32
    %dma_wait3A_104 = tpu.memref_slice %arg2[%dma_wait3A_102, %dma_wait3A_103] : memref<10240x128xf32, #tpu.memory_space<hbm>> -> memref<10240x128xf32, #tpu.memory_space<hbm>>
    tpu.wait_indirect_dma semaphore(%arg18 : memref<!tpu.dma_semaphore, #tpu.memory_space<semaphore_mem>>) src(%dma_wait3A_104 : memref<10240x128xf32, #tpu.memory_space<hbm>>) dst(%arg12 : memref<128x128xf32, #tpu.memory_space<vmem>>)
    %dma_start3A_105 = arith.constant 0 : i32
    %dma_start3A_106 = arith.constant 0 : i32
    %dma_start3A_107 = tpu.memref_slice %arg7[%dma_start3A_105, %dma_start3A_106] : memref<80x128xi32, #tpu.memory_space<vmem>> -> memref<1x128xi32, #tpu.memory_space<vmem>>
    %dma_start3A_108 = tpu.memref_squeeze %dma_start3A_107 : memref<1x128xi32, #tpu.memory_space<vmem>> -> memref<128xi32, #tpu.memory_space<vmem>>
    %dma_start3A_109 = arith.constant 0 : i32
    %dma_start3A_110 = arith.constant 0 : i32
    %dma_start3A_111 = tpu.memref_slice %arg6[%dma_start3A_109, %dma_start3A_110] : memref<10240x128xf32, #tpu.memory_space<vmem_shared>> -> memref<10240x128xf32, #tpu.memory_space<vmem_shared>>
    tpu.enqueue_indirect_dma source(%arg12 : memref<128x128xf32, #tpu.memory_space<vmem>>) target(%dma_start3A_111 : memref<10240x128xf32, #tpu.memory_space<vmem_shared>>) offsets(%dma_start3A_108 : memref<128xi32, #tpu.memory_space<vmem>>) semaphore(%arg20 : memref<!tpu.dma_semaphore, #tpu.memory_space<semaphore_mem>>) {add = true}
    %scan3A_112 = arith.constant 0 : i32
    %scan3A_113 = arith.constant 19 : i32
    %scan3A_114 = arith.addi %scan3A_112, %scan3A_113 : i32
    %scan3A_115 = arith.constant 1 : i32
    scf.for %scan3A_330 = %scan3A_112 to %scan3A_114 step %scan3A_115  : i32 {
      %mul3A_331 = arith.constant 4 : i32
      %mul3A_332 = arith.muli %scan3A_330, %mul3A_331 : i32
      %add3A_333 = arith.constant 1 : i32
      %add3A_334 = arith.addi %add3A_333, %mul3A_332 : i32
      %add3A_335 = arith.constant 0 : i32
      %add3A_336 = arith.addi %add3A_334, %add3A_335 : i32
      %add3A_337 = arith.constant 1 : i32
      %add3A_338 = arith.addi %add3A_336, %add3A_337 : i32
      %mul3A_339 = arith.constant 128 : i32
      %mul3A_340 = arith.muli %add3A_338, %mul3A_339 : i32
      %add3A_341 = arith.addi %mul3A_6, %mul3A_340 : i32
      %dma_wait3A_342 = tpu.memref_slice %arg3[%add3A_341] : memref<327680xi32, #tpu.memory_space<hbm>> -> memref<128xi32, #tpu.memory_space<hbm>>
      %dma_wait3A_343 = tpu.memref_slice %arg3[%add3A_341] : memref<327680xi32, #tpu.memory_space<hbm>> -> memref<128xi32, #tpu.memory_space<hbm>>
      tpu.wait_dma2 semaphore(%arg16 : memref<!tpu.dma_semaphore, #tpu.memory_space<semaphore_mem>>) src(%dma_wait3A_343 : memref<128xi32, #tpu.memory_space<hbm>>) dst(%arg10 : memref<128xi32, #tpu.memory_space<vmem>>)
      %sub3A = arith.constant 1 : i32
      %sub3A_344 = arith.subi %add3A_336, %sub3A : i32
      %dma_wait3A_345 = arith.constant 0 : i32
      %dma_wait3A_346 = tpu.memref_slice %arg7[%sub3A_344, %dma_wait3A_345] : memref<80x128xi32, #tpu.memory_space<vmem>> -> memref<1x128xi32, #tpu.memory_space<vmem>>
      %dma_wait3A_347 = tpu.memref_squeeze %dma_wait3A_346 : memref<1x128xi32, #tpu.memory_space<vmem>> -> memref<128xi32, #tpu.memory_space<vmem>>
      %dma_wait3A_348 = arith.constant 0 : i32
      %dma_wait3A_349 = arith.constant 0 : i32
      %dma_wait3A_350 = tpu.memref_slice %arg6[%dma_wait3A_348, %dma_wait3A_349] : memref<10240x128xf32, #tpu.memory_space<vmem_shared>> -> memref<10240x128xf32, #tpu.memory_space<vmem_shared>>
      tpu.wait_indirect_dma semaphore(%arg20 : memref<!tpu.dma_semaphore, #tpu.memory_space<semaphore_mem>>) src(%arg12 : memref<128x128xf32, #tpu.memory_space<vmem>>) dst(%dma_wait3A_350 : memref<10240x128xf32, #tpu.memory_space<vmem_shared>>)
      %dma_start3A_351 = arith.constant 0 : i32
      %dma_start3A_352 = arith.constant 0 : i32
      %dma_start3A_353 = tpu.memref_slice %arg2[%dma_start3A_351, %dma_start3A_352] : memref<10240x128xf32, #tpu.memory_space<hbm>> -> memref<10240x128xf32, #tpu.memory_space<hbm>>
      tpu.enqueue_indirect_dma source(%dma_start3A_353 : memref<10240x128xf32, #tpu.memory_space<hbm>>) target(%arg12 : memref<128x128xf32, #tpu.memory_space<vmem>>) offsets(%arg10 : memref<128xi32, #tpu.memory_space<vmem>>) semaphore(%arg18 : memref<!tpu.dma_semaphore, #tpu.memory_space<semaphore_mem>>)
      %add3A_354 = arith.constant 3 : i32
      %add3A_355 = arith.addi %add3A_336, %add3A_354 : i32
      %mul3A_356 = arith.constant 128 : i32
      %mul3A_357 = arith.muli %add3A_355, %mul3A_356 : i32
      %add3A_358 = arith.addi %mul3A_6, %mul3A_357 : i32
      %dma_start3A_359 = tpu.memref_slice %arg3[%add3A_358] : memref<327680xi32, #tpu.memory_space<hbm>> -> memref<128xi32, #tpu.memory_space<hbm>>
      %dma_start3A_360 = tpu.memref_slice %arg3[%add3A_358] : memref<327680xi32, #tpu.memory_space<hbm>> -> memref<128xi32, #tpu.memory_space<hbm>>
      tpu.enqueue_dma source(%dma_start3A_360 : memref<128xi32, #tpu.memory_space<hbm>>) target(%arg8 : memref<128xi32, #tpu.memory_space<vmem>>) target_semaphore(%arg14 : memref<!tpu.dma_semaphore, #tpu.memory_space<semaphore_mem>>)
      %dma_wait3A_361 = arith.constant 0 : i32
      %dma_wait3A_362 = arith.constant 0 : i32
      %dma_wait3A_363 = tpu.memref_slice %arg2[%dma_wait3A_361, %dma_wait3A_362] : memref<10240x128xf32, #tpu.memory_space<hbm>> -> memref<10240x128xf32, #tpu.memory_space<hbm>>
      tpu.wait_indirect_dma semaphore(%arg19 : memref<!tpu.dma_semaphore, #tpu.memory_space<semaphore_mem>>) src(%dma_wait3A_363 : memref<10240x128xf32, #tpu.memory_space<hbm>>) dst(%arg13 : memref<128x128xf32, #tpu.memory_space<vmem>>)
      %dma_start3A_364 = arith.constant 0 : i32
      %dma_start3A_365 = tpu.memref_slice %arg7[%add3A_336, %dma_start3A_364] : memref<80x128xi32, #tpu.memory_space<vmem>> -> memref<1x128xi32, #tpu.memory_space<vmem>>
      %dma_start3A_366 = tpu.memref_squeeze %dma_start3A_365 : memref<1x128xi32, #tpu.memory_space<vmem>> -> memref<128xi32, #tpu.memory_space<vmem>>
      %dma_start3A_367 = arith.constant 0 : i32
      %dma_start3A_368 = arith.constant 0 : i32
      %dma_start3A_369 = tpu.memref_slice %arg6[%dma_start3A_367, %dma_start3A_368] : memref<10240x128xf32, #tpu.memory_space<vmem_shared>> -> memref<10240x128xf32, #tpu.memory_space<vmem_shared>>
      tpu.enqueue_indirect_dma source(%arg13 : memref<128x128xf32, #tpu.memory_space<vmem>>) target(%dma_start3A_369 : memref<10240x128xf32, #tpu.memory_space<vmem_shared>>) offsets(%dma_start3A_366 : memref<128xi32, #tpu.memory_space<vmem>>) semaphore(%arg21 : memref<!tpu.dma_semaphore, #tpu.memory_space<semaphore_mem>>) {add = true}
      %add3A_370 = arith.constant 1 : i32
      %add3A_371 = arith.addi %add3A_334, %add3A_370 : i32
      %add3A_372 = arith.constant 1 : i32
      %add3A_373 = arith.addi %add3A_371, %add3A_372 : i32
      %mul3A_374 = arith.constant 128 : i32
      %mul3A_375 = arith.muli %add3A_373, %mul3A_374 : i32
      %add3A_376 = arith.addi %mul3A_6, %mul3A_375 : i32
      %dma_wait3A_377 = tpu.memref_slice %arg3[%add3A_376] : memref<327680xi32, #tpu.memory_space<hbm>> -> memref<128xi32, #tpu.memory_space<hbm>>
      %dma_wait3A_378 = tpu.memref_slice %arg3[%add3A_376] : memref<327680xi32, #tpu.memory_space<hbm>> -> memref<128xi32, #tpu.memory_space<hbm>>
      tpu.wait_dma2 semaphore(%arg17 : memref<!tpu.dma_semaphore, #tpu.memory_space<semaphore_mem>>) src(%dma_wait3A_378 : memref<128xi32, #tpu.memory_space<hbm>>) dst(%arg11 : memref<128xi32, #tpu.memory_space<vmem>>)
      %sub3A_379 = arith.constant 1 : i32
      %sub3A_380 = arith.subi %add3A_371, %sub3A_379 : i32
      %dma_wait3A_381 = arith.constant 0 : i32
      %dma_wait3A_382 = tpu.memref_slice %arg7[%sub3A_380, %dma_wait3A_381] : memref<80x128xi32, #tpu.memory_space<vmem>> -> memref<1x128xi32, #tpu.memory_space<vmem>>
      %dma_wait3A_383 = tpu.memref_squeeze %dma_wait3A_382 : memref<1x128xi32, #tpu.memory_space<vmem>> -> memref<128xi32, #tpu.memory_space<vmem>>
      %dma_wait3A_384 = arith.constant 0 : i32
      %dma_wait3A_385 = arith.constant 0 : i32
      %dma_wait3A_386 = tpu.memref_slice %arg6[%dma_wait3A_384, %dma_wait3A_385] : memref<10240x128xf32, #tpu.memory_space<vmem_shared>> -> memref<10240x128xf32, #tpu.memory_space<vmem_shared>>
      tpu.wait_indirect_dma semaphore(%arg21 : memref<!tpu.dma_semaphore, #tpu.memory_space<semaphore_mem>>) src(%arg13 : memref<128x128xf32, #tpu.memory_space<vmem>>) dst(%dma_wait3A_386 : memref<10240x128xf32, #tpu.memory_space<vmem_shared>>)
      %dma_start3A_387 = arith.constant 0 : i32
      %dma_start3A_388 = arith.constant 0 : i32
      %dma_start3A_389 = tpu.memref_slice %arg2[%dma_start3A_387, %dma_start3A_388] : memref<10240x128xf32, #tpu.memory_space<hbm>> -> memref<10240x128xf32, #tpu.memory_space<hbm>>
      tpu.enqueue_indirect_dma source(%dma_start3A_389 : memref<10240x128xf32, #tpu.memory_space<hbm>>) target(%arg13 : memref<128x128xf32, #tpu.memory_space<vmem>>) offsets(%arg11 : memref<128xi32, #tpu.memory_space<vmem>>) semaphore(%arg19 : memref<!tpu.dma_semaphore, #tpu.memory_space<semaphore_mem>>)
      %add3A_390 = arith.constant 3 : i32
      %add3A_391 = arith.addi %add3A_371, %add3A_390 : i32
      %mul3A_392 = arith.constant 128 : i32
      %mul3A_393 = arith.muli %add3A_391, %mul3A_392 : i32
      %add3A_394 = arith.addi %mul3A_6, %mul3A_393 : i32
      %dma_start3A_395 = tpu.memref_slice %arg3[%add3A_394] : memref<327680xi32, #tpu.memory_space<hbm>> -> memref<128xi32, #tpu.memory_space<hbm>>
      %dma_start3A_396 = tpu.memref_slice %arg3[%add3A_394] : memref<327680xi32, #tpu.memory_space<hbm>> -> memref<128xi32, #tpu.memory_space<hbm>>
      tpu.enqueue_dma source(%dma_start3A_396 : memref<128xi32, #tpu.memory_space<hbm>>) target(%arg9 : memref<128xi32, #tpu.memory_space<vmem>>) target_semaphore(%arg15 : memref<!tpu.dma_semaphore, #tpu.memory_space<semaphore_mem>>)
      %dma_wait3A_397 = arith.constant 0 : i32
      %dma_wait3A_398 = arith.constant 0 : i32
      %dma_wait3A_399 = tpu.memref_slice %arg2[%dma_wait3A_397, %dma_wait3A_398] : memref<10240x128xf32, #tpu.memory_space<hbm>> -> memref<10240x128xf32, #tpu.memory_space<hbm>>
      tpu.wait_indirect_dma semaphore(%arg18 : memref<!tpu.dma_semaphore, #tpu.memory_space<semaphore_mem>>) src(%dma_wait3A_399 : memref<10240x128xf32, #tpu.memory_space<hbm>>) dst(%arg12 : memref<128x128xf32, #tpu.memory_space<vmem>>)
      %dma_start3A_400 = arith.constant 0 : i32
      %dma_start3A_401 = tpu.memref_slice %arg7[%add3A_371, %dma_start3A_400] : memref<80x128xi32, #tpu.memory_space<vmem>> -> memref<1x128xi32, #tpu.memory_space<vmem>>
      %dma_start3A_402 = tpu.memref_squeeze %dma_start3A_401 : memref<1x128xi32, #tpu.memory_space<vmem>> -> memref<128xi32, #tpu.memory_space<vmem>>
      %dma_start3A_403 = arith.constant 0 : i32
      %dma_start3A_404 = arith.constant 0 : i32
      %dma_start3A_405 = tpu.memref_slice %arg6[%dma_start3A_403, %dma_start3A_404] : memref<10240x128xf32, #tpu.memory_space<vmem_shared>> -> memref<10240x128xf32, #tpu.memory_space<vmem_shared>>
      tpu.enqueue_indirect_dma source(%arg12 : memref<128x128xf32, #tpu.memory_space<vmem>>) target(%dma_start3A_405 : memref<10240x128xf32, #tpu.memory_space<vmem_shared>>) offsets(%dma_start3A_402 : memref<128xi32, #tpu.memory_space<vmem>>) semaphore(%arg20 : memref<!tpu.dma_semaphore, #tpu.memory_space<semaphore_mem>>) {add = true}
      %add3A_406 = arith.constant 2 : i32
      %add3A_407 = arith.addi %add3A_334, %add3A_406 : i32
      %add3A_408 = arith.constant 1 : i32
      %add3A_409 = arith.addi %add3A_407, %add3A_408 : i32
      %mul3A_410 = arith.constant 128 : i32
      %mul3A_411 = arith.muli %add3A_409, %mul3A_410 : i32
      %add3A_412 = arith.addi %mul3A_6, %mul3A_411 : i32
      %dma_wait3A_413 = tpu.memref_slice %arg3[%add3A_412] : memref<327680xi32, #tpu.memory_space<hbm>> -> memref<128xi32, #tpu.memory_space<hbm>>
      %dma_wait3A_414 = tpu.memref_slice %arg3[%add3A_412] : memref<327680xi32, #tpu.memory_space<hbm>> -> memref<128xi32, #tpu.memory_space<hbm>>
      tpu.wait_dma2 semaphore(%arg14 : memref<!tpu.dma_semaphore, #tpu.memory_space<semaphore_mem>>) src(%dma_wait3A_414 : memref<128xi32, #tpu.memory_space<hbm>>) dst(%arg8 : memref<128xi32, #tpu.memory_space<vmem>>)
      %sub3A_415 = arith.constant 1 : i32
      %sub3A_416 = arith.subi %add3A_407, %sub3A_415 : i32
      %dma_wait3A_417 = arith.constant 0 : i32
      %dma_wait3A_418 = tpu.memref_slice %arg7[%sub3A_416, %dma_wait3A_417] : memref<80x128xi32, #tpu.memory_space<vmem>> -> memref<1x128xi32, #tpu.memory_space<vmem>>
      %dma_wait3A_419 = tpu.memref_squeeze %dma_wait3A_418 : memref<1x128xi32, #tpu.memory_space<vmem>> -> memref<128xi32, #tpu.memory_space<vmem>>
      %dma_wait3A_420 = arith.constant 0 : i32
      %dma_wait3A_421 = arith.constant 0 : i32
      %dma_wait3A_422 = tpu.memref_slice %arg6[%dma_wait3A_420, %dma_wait3A_421] : memref<10240x128xf32, #tpu.memory_space<vmem_shared>> -> memref<10240x128xf32, #tpu.memory_space<vmem_shared>>
      tpu.wait_indirect_dma semaphore(%arg20 : memref<!tpu.dma_semaphore, #tpu.memory_space<semaphore_mem>>) src(%arg12 : memref<128x128xf32, #tpu.memory_space<vmem>>) dst(%dma_wait3A_422 : memref<10240x128xf32, #tpu.memory_space<vmem_shared>>)
      %dma_start3A_423 = arith.constant 0 : i32
      %dma_start3A_424 = arith.constant 0 : i32
      %dma_start3A_425 = tpu.memref_slice %arg2[%dma_start3A_423, %dma_start3A_424] : memref<10240x128xf32, #tpu.memory_space<hbm>> -> memref<10240x128xf32, #tpu.memory_space<hbm>>
      tpu.enqueue_indirect_dma source(%dma_start3A_425 : memref<10240x128xf32, #tpu.memory_space<hbm>>) target(%arg12 : memref<128x128xf32, #tpu.memory_space<vmem>>) offsets(%arg8 : memref<128xi32, #tpu.memory_space<vmem>>) semaphore(%arg18 : memref<!tpu.dma_semaphore, #tpu.memory_space<semaphore_mem>>)
      %add3A_426 = arith.constant 3 : i32
      %add3A_427 = arith.addi %add3A_407, %add3A_426 : i32
      %mul3A_428 = arith.constant 128 : i32
      %mul3A_429 = arith.muli %add3A_427, %mul3A_428 : i32
      %add3A_430 = arith.addi %mul3A_6, %mul3A_429 : i32
      %dma_start3A_431 = tpu.memref_slice %arg3[%add3A_430] : memref<327680xi32, #tpu.memory_space<hbm>> -> memref<128xi32, #tpu.memory_space<hbm>>
      %dma_start3A_432 = tpu.memref_slice %arg3[%add3A_430] : memref<327680xi32, #tpu.memory_space<hbm>> -> memref<128xi32, #tpu.memory_space<hbm>>
      tpu.enqueue_dma source(%dma_start3A_432 : memref<128xi32, #tpu.memory_space<hbm>>) target(%arg10 : memref<128xi32, #tpu.memory_space<vmem>>) target_semaphore(%arg16 : memref<!tpu.dma_semaphore, #tpu.memory_space<semaphore_mem>>)
      %dma_wait3A_433 = arith.constant 0 : i32
      %dma_wait3A_434 = arith.constant 0 : i32
      %dma_wait3A_435 = tpu.memref_slice %arg2[%dma_wait3A_433, %dma_wait3A_434] : memref<10240x128xf32, #tpu.memory_space<hbm>> -> memref<10240x128xf32, #tpu.memory_space<hbm>>
      tpu.wait_indirect_dma semaphore(%arg19 : memref<!tpu.dma_semaphore, #tpu.memory_space<semaphore_mem>>) src(%dma_wait3A_435 : memref<10240x128xf32, #tpu.memory_space<hbm>>) dst(%arg13 : memref<128x128xf32, #tpu.memory_space<vmem>>)
      %dma_start3A_436 = arith.constant 0 : i32
      %dma_start3A_437 = tpu.memref_slice %arg7[%add3A_407, %dma_start3A_436] : memref<80x128xi32, #tpu.memory_space<vmem>> -> memref<1x128xi32, #tpu.memory_space<vmem>>
      %dma_start3A_438 = tpu.memref_squeeze %dma_start3A_437 : memref<1x128xi32, #tpu.memory_space<vmem>> -> memref<128xi32, #tpu.memory_space<vmem>>
      %dma_start3A_439 = arith.constant 0 : i32
      %dma_start3A_440 = arith.constant 0 : i32
      %dma_start3A_441 = tpu.memref_slice %arg6[%dma_start3A_439, %dma_start3A_440] : memref<10240x128xf32, #tpu.memory_space<vmem_shared>> -> memref<10240x128xf32, #tpu.memory_space<vmem_shared>>
      tpu.enqueue_indirect_dma source(%arg13 : memref<128x128xf32, #tpu.memory_space<vmem>>) target(%dma_start3A_441 : memref<10240x128xf32, #tpu.memory_space<vmem_shared>>) offsets(%dma_start3A_438 : memref<128xi32, #tpu.memory_space<vmem>>) semaphore(%arg21 : memref<!tpu.dma_semaphore, #tpu.memory_space<semaphore_mem>>) {add = true}
      %add3A_442 = arith.constant 3 : i32
      %add3A_443 = arith.addi %add3A_334, %add3A_442 : i32
      %add3A_444 = arith.constant 1 : i32
      %add3A_445 = arith.addi %add3A_443, %add3A_444 : i32
      %mul3A_446 = arith.constant 128 : i32
      %mul3A_447 = arith.muli %add3A_445, %mul3A_446 : i32
      %add3A_448 = arith.addi %mul3A_6, %mul3A_447 : i32
      %dma_wait3A_449 = tpu.memref_slice %arg3[%add3A_448] : memref<327680xi32, #tpu.memory_space<hbm>> -> memref<128xi32, #tpu.memory_space<hbm>>
      %dma_wait3A_450 = tpu.memref_slice %arg3[%add3A_448] : memref<327680xi32, #tpu.memory_space<hbm>> -> memref<128xi32, #tpu.memory_space<hbm>>
      tpu.wait_dma2 semaphore(%arg15 : memref<!tpu.dma_semaphore, #tpu.memory_space<semaphore_mem>>) src(%dma_wait3A_450 : memref<128xi32, #tpu.memory_space<hbm>>) dst(%arg9 : memref<128xi32, #tpu.memory_space<vmem>>)
      %sub3A_451 = arith.constant 1 : i32
      %sub3A_452 = arith.subi %add3A_443, %sub3A_451 : i32
      %dma_wait3A_453 = arith.constant 0 : i32
      %dma_wait3A_454 = tpu.memref_slice %arg7[%sub3A_452, %dma_wait3A_453] : memref<80x128xi32, #tpu.memory_space<vmem>> -> memref<1x128xi32, #tpu.memory_space<vmem>>
      %dma_wait3A_455 = tpu.memref_squeeze %dma_wait3A_454 : memref<1x128xi32, #tpu.memory_space<vmem>> -> memref<128xi32, #tpu.memory_space<vmem>>
      %dma_wait3A_456 = arith.constant 0 : i32
      %dma_wait3A_457 = arith.constant 0 : i32
      %dma_wait3A_458 = tpu.memref_slice %arg6[%dma_wait3A_456, %dma_wait3A_457] : memref<10240x128xf32, #tpu.memory_space<vmem_shared>> -> memref<10240x128xf32, #tpu.memory_space<vmem_shared>>
      tpu.wait_indirect_dma semaphore(%arg21 : memref<!tpu.dma_semaphore, #tpu.memory_space<semaphore_mem>>) src(%arg13 : memref<128x128xf32, #tpu.memory_space<vmem>>) dst(%dma_wait3A_458 : memref<10240x128xf32, #tpu.memory_space<vmem_shared>>)
      %dma_start3A_459 = arith.constant 0 : i32
      %dma_start3A_460 = arith.constant 0 : i32
      %dma_start3A_461 = tpu.memref_slice %arg2[%dma_start3A_459, %dma_start3A_460] : memref<10240x128xf32, #tpu.memory_space<hbm>> -> memref<10240x128xf32, #tpu.memory_space<hbm>>
      tpu.enqueue_indirect_dma source(%dma_start3A_461 : memref<10240x128xf32, #tpu.memory_space<hbm>>) target(%arg13 : memref<128x128xf32, #tpu.memory_space<vmem>>) offsets(%arg9 : memref<128xi32, #tpu.memory_space<vmem>>) semaphore(%arg19 : memref<!tpu.dma_semaphore, #tpu.memory_space<semaphore_mem>>)
      %add3A_462 = arith.constant 3 : i32
      %add3A_463 = arith.addi %add3A_443, %add3A_462 : i32
      %mul3A_464 = arith.constant 128 : i32
      %mul3A_465 = arith.muli %add3A_463, %mul3A_464 : i32
      %add3A_466 = arith.addi %mul3A_6, %mul3A_465 : i32
      %dma_start3A_467 = tpu.memref_slice %arg3[%add3A_466] : memref<327680xi32, #tpu.memory_space<hbm>> -> memref<128xi32, #tpu.memory_space<hbm>>
      %dma_start3A_468 = tpu.memref_slice %arg3[%add3A_466] : memref<327680xi32, #tpu.memory_space<hbm>> -> memref<128xi32, #tpu.memory_space<hbm>>
      tpu.enqueue_dma source(%dma_start3A_468 : memref<128xi32, #tpu.memory_space<hbm>>) target(%arg11 : memref<128xi32, #tpu.memory_space<vmem>>) target_semaphore(%arg17 : memref<!tpu.dma_semaphore, #tpu.memory_space<semaphore_mem>>)
      %dma_wait3A_469 = arith.constant 0 : i32
      %dma_wait3A_470 = arith.constant 0 : i32
      %dma_wait3A_471 = tpu.memref_slice %arg2[%dma_wait3A_469, %dma_wait3A_470] : memref<10240x128xf32, #tpu.memory_space<hbm>> -> memref<10240x128xf32, #tpu.memory_space<hbm>>
      tpu.wait_indirect_dma semaphore(%arg18 : memref<!tpu.dma_semaphore, #tpu.memory_space<semaphore_mem>>) src(%dma_wait3A_471 : memref<10240x128xf32, #tpu.memory_space<hbm>>) dst(%arg12 : memref<128x128xf32, #tpu.memory_space<vmem>>)
      %dma_start3A_472 = arith.constant 0 : i32
      %dma_start3A_473 = tpu.memref_slice %arg7[%add3A_443, %dma_start3A_472] : memref<80x128xi32, #tpu.memory_space<vmem>> -> memref<1x128xi32, #tpu.memory_space<vmem>>
      %dma_start3A_474 = tpu.memref_squeeze %dma_start3A_473 : memref<1x128xi32, #tpu.memory_space<vmem>> -> memref<128xi32, #tpu.memory_space<vmem>>
      %dma_start3A_475 = arith.constant 0 : i32
      %dma_start3A_476 = arith.constant 0 : i32
      %dma_start3A_477 = tpu.memref_slice %arg6[%dma_start3A_475, %dma_start3A_476] : memref<10240x128xf32, #tpu.memory_space<vmem_shared>> -> memref<10240x128xf32, #tpu.memory_space<vmem_shared>>
      tpu.enqueue_indirect_dma source(%arg12 : memref<128x128xf32, #tpu.memory_space<vmem>>) target(%dma_start3A_477 : memref<10240x128xf32, #tpu.memory_space<vmem_shared>>) offsets(%dma_start3A_474 : memref<128xi32, #tpu.memory_space<vmem>>) semaphore(%arg20 : memref<!tpu.dma_semaphore, #tpu.memory_space<semaphore_mem>>) {add = true}
    }
    %scan3A_116 = arith.constant 19 : i32
    %add3A_117 = arith.constant 9984 : i32
    %add3A_118 = arith.addi %mul3A_6, %add3A_117 : i32
    %dma_wait3A_119 = tpu.memref_slice %arg3[%add3A_118] : memref<327680xi32, #tpu.memory_space<hbm>> -> memref<128xi32, #tpu.memory_space<hbm>>
    %dma_wait3A_120 = tpu.memref_slice %arg3[%add3A_118] : memref<327680xi32, #tpu.memory_space<hbm>> -> memref<128xi32, #tpu.memory_space<hbm>>
    tpu.wait_dma2 semaphore(%arg16 : memref<!tpu.dma_semaphore, #tpu.memory_space<semaphore_mem>>) src(%dma_wait3A_120 : memref<128xi32, #tpu.memory_space<hbm>>) dst(%arg10 : memref<128xi32, #tpu.memory_space<vmem>>)
    %dma_wait3A_121 = arith.constant 76 : i32
    %dma_wait3A_122 = arith.constant 0 : i32
    %dma_wait3A_123 = tpu.memref_slice %arg7[%dma_wait3A_121, %dma_wait3A_122] : memref<80x128xi32, #tpu.memory_space<vmem>> -> memref<1x128xi32, #tpu.memory_space<vmem>>
    %dma_wait3A_124 = tpu.memref_squeeze %dma_wait3A_123 : memref<1x128xi32, #tpu.memory_space<vmem>> -> memref<128xi32, #tpu.memory_space<vmem>>
    %dma_wait3A_125 = arith.constant 0 : i32
    %dma_wait3A_126 = arith.constant 0 : i32
    %dma_wait3A_127 = tpu.memref_slice %arg6[%dma_wait3A_125, %dma_wait3A_126] : memref<10240x128xf32, #tpu.memory_space<vmem_shared>> -> memref<10240x128xf32, #tpu.memory_space<vmem_shared>>
    tpu.wait_indirect_dma semaphore(%arg20 : memref<!tpu.dma_semaphore, #tpu.memory_space<semaphore_mem>>) src(%arg12 : memref<128x128xf32, #tpu.memory_space<vmem>>) dst(%dma_wait3A_127 : memref<10240x128xf32, #tpu.memory_space<vmem_shared>>)
    %dma_start3A_128 = arith.constant 0 : i32
    %dma_start3A_129 = arith.constant 0 : i32
    %dma_start3A_130 = tpu.memref_slice %arg2[%dma_start3A_128, %dma_start3A_129] : memref<10240x128xf32, #tpu.memory_space<hbm>> -> memref<10240x128xf32, #tpu.memory_space<hbm>>
    tpu.enqueue_indirect_dma source(%dma_start3A_130 : memref<10240x128xf32, #tpu.memory_space<hbm>>) target(%arg12 : memref<128x128xf32, #tpu.memory_space<vmem>>) offsets(%arg10 : memref<128xi32, #tpu.memory_space<vmem>>) semaphore(%arg18 : memref<!tpu.dma_semaphore, #tpu.memory_space<semaphore_mem>>)
    %dma_wait3A_131 = arith.constant 0 : i32
    %dma_wait3A_132 = arith.constant 0 : i32
    %dma_wait3A_133 = tpu.memref_slice %arg2[%dma_wait3A_131, %dma_wait3A_132] : memref<10240x128xf32, #tpu.memory_space<hbm>> -> memref<10240x128xf32, #tpu.memory_space<hbm>>
    tpu.wait_indirect_dma semaphore(%arg19 : memref<!tpu.dma_semaphore, #tpu.memory_space<semaphore_mem>>) src(%dma_wait3A_133 : memref<10240x128xf32, #tpu.memory_space<hbm>>) dst(%arg13 : memref<128x128xf32, #tpu.memory_space<vmem>>)
    %dma_start3A_134 = arith.constant 77 : i32
    %dma_start3A_135 = arith.constant 0 : i32
    %dma_start3A_136 = tpu.memref_slice %arg7[%dma_start3A_134, %dma_start3A_135] : memref<80x128xi32, #tpu.memory_space<vmem>> -> memref<1x128xi32, #tpu.memory_space<vmem>>
    %dma_start3A_137 = tpu.memref_squeeze %dma_start3A_136 : memref<1x128xi32, #tpu.memory_space<vmem>> -> memref<128xi32, #tpu.memory_space<vmem>>
    %dma_start3A_138 = arith.constant 0 : i32
    %dma_start3A_139 = arith.constant 0 : i32
    %dma_start3A_140 = tpu.memref_slice %arg6[%dma_start3A_138, %dma_start3A_139] : memref<10240x128xf32, #tpu.memory_space<vmem_shared>> -> memref<10240x128xf32, #tpu.memory_space<vmem_shared>>
    tpu.enqueue_indirect_dma source(%arg13 : memref<128x128xf32, #tpu.memory_space<vmem>>) target(%dma_start3A_140 : memref<10240x128xf32, #tpu.memory_space<vmem_shared>>) offsets(%dma_start3A_137 : memref<128xi32, #tpu.memory_space<vmem>>) semaphore(%arg21 : memref<!tpu.dma_semaphore, #tpu.memory_space<semaphore_mem>>) {add = true}
    %add3A_141 = arith.constant 10112 : i32
    %add3A_142 = arith.addi %mul3A_6, %add3A_141 : i32
    %dma_wait3A_143 = tpu.memref_slice %arg3[%add3A_142] : memref<327680xi32, #tpu.memory_space<hbm>> -> memref<128xi32, #tpu.memory_space<hbm>>
    %dma_wait3A_144 = tpu.memref_slice %arg3[%add3A_142] : memref<327680xi32, #tpu.memory_space<hbm>> -> memref<128xi32, #tpu.memory_space<hbm>>
    tpu.wait_dma2 semaphore(%arg17 : memref<!tpu.dma_semaphore, #tpu.memory_space<semaphore_mem>>) src(%dma_wait3A_144 : memref<128xi32, #tpu.memory_space<hbm>>) dst(%arg11 : memref<128xi32, #tpu.memory_space<vmem>>)
    %dma_wait3A_145 = arith.constant 77 : i32
    %dma_wait3A_146 = arith.constant 0 : i32
    %dma_wait3A_147 = tpu.memref_slice %arg7[%dma_wait3A_145, %dma_wait3A_146] : memref<80x128xi32, #tpu.memory_space<vmem>> -> memref<1x128xi32, #tpu.memory_space<vmem>>
    %dma_wait3A_148 = tpu.memref_squeeze %dma_wait3A_147 : memref<1x128xi32, #tpu.memory_space<vmem>> -> memref<128xi32, #tpu.memory_space<vmem>>
    %dma_wait3A_149 = arith.constant 0 : i32
    %dma_wait3A_150 = arith.constant 0 : i32
    %dma_wait3A_151 = tpu.memref_slice %arg6[%dma_wait3A_149, %dma_wait3A_150] : memref<10240x128xf32, #tpu.memory_space<vmem_shared>> -> memref<10240x128xf32, #tpu.memory_space<vmem_shared>>
    tpu.wait_indirect_dma semaphore(%arg21 : memref<!tpu.dma_semaphore, #tpu.memory_space<semaphore_mem>>) src(%arg13 : memref<128x128xf32, #tpu.memory_space<vmem>>) dst(%dma_wait3A_151 : memref<10240x128xf32, #tpu.memory_space<vmem_shared>>)
    %dma_start3A_152 = arith.constant 0 : i32
    %dma_start3A_153 = arith.constant 0 : i32
    %dma_start3A_154 = tpu.memref_slice %arg2[%dma_start3A_152, %dma_start3A_153] : memref<10240x128xf32, #tpu.memory_space<hbm>> -> memref<10240x128xf32, #tpu.memory_space<hbm>>
    tpu.enqueue_indirect_dma source(%dma_start3A_154 : memref<10240x128xf32, #tpu.memory_space<hbm>>) target(%arg13 : memref<128x128xf32, #tpu.memory_space<vmem>>) offsets(%arg11 : memref<128xi32, #tpu.memory_space<vmem>>) semaphore(%arg19 : memref<!tpu.dma_semaphore, #tpu.memory_space<semaphore_mem>>)
    %dma_wait3A_155 = arith.constant 0 : i32
    %dma_wait3A_156 = arith.constant 0 : i32
    %dma_wait3A_157 = tpu.memref_slice %arg2[%dma_wait3A_155, %dma_wait3A_156] : memref<10240x128xf32, #tpu.memory_space<hbm>> -> memref<10240x128xf32, #tpu.memory_space<hbm>>
    tpu.wait_indirect_dma semaphore(%arg18 : memref<!tpu.dma_semaphore, #tpu.memory_space<semaphore_mem>>) src(%dma_wait3A_157 : memref<10240x128xf32, #tpu.memory_space<hbm>>) dst(%arg12 : memref<128x128xf32, #tpu.memory_space<vmem>>)
    %dma_start3A_158 = arith.constant 78 : i32
    %dma_start3A_159 = arith.constant 0 : i32
    %dma_start3A_160 = tpu.memref_slice %arg7[%dma_start3A_158, %dma_start3A_159] : memref<80x128xi32, #tpu.memory_space<vmem>> -> memref<1x128xi32, #tpu.memory_space<vmem>>
    %dma_start3A_161 = tpu.memref_squeeze %dma_start3A_160 : memref<1x128xi32, #tpu.memory_space<vmem>> -> memref<128xi32, #tpu.memory_space<vmem>>
    %dma_start3A_162 = arith.constant 0 : i32
    %dma_start3A_163 = arith.constant 0 : i32
    %dma_start3A_164 = tpu.memref_slice %arg6[%dma_start3A_162, %dma_start3A_163] : memref<10240x128xf32, #tpu.memory_space<vmem_shared>> -> memref<10240x128xf32, #tpu.memory_space<vmem_shared>>
    tpu.enqueue_indirect_dma source(%arg12 : memref<128x128xf32, #tpu.memory_space<vmem>>) target(%dma_start3A_164 : memref<10240x128xf32, #tpu.memory_space<vmem_shared>>) offsets(%dma_start3A_161 : memref<128xi32, #tpu.memory_space<vmem>>) semaphore(%arg20 : memref<!tpu.dma_semaphore, #tpu.memory_space<semaphore_mem>>) {add = true}
    %dma_wait3A_165 = arith.constant 78 : i32
    %dma_wait3A_166 = arith.constant 0 : i32
    %dma_wait3A_167 = tpu.memref_slice %arg7[%dma_wait3A_165, %dma_wait3A_166] : memref<80x128xi32, #tpu.memory_space<vmem>> -> memref<1x128xi32, #tpu.memory_space<vmem>>
    %dma_wait3A_168 = tpu.memref_squeeze %dma_wait3A_167 : memref<1x128xi32, #tpu.memory_space<vmem>> -> memref<128xi32, #tpu.memory_space<vmem>>
    %dma_wait3A_169 = arith.constant 0 : i32
    %dma_wait3A_170 = arith.constant 0 : i32
    %dma_wait3A_171 = tpu.memref_slice %arg6[%dma_wait3A_169, %dma_wait3A_170] : memref<10240x128xf32, #tpu.memory_space<vmem_shared>> -> memref<10240x128xf32, #tpu.memory_space<vmem_shared>>
    tpu.wait_indirect_dma semaphore(%arg20 : memref<!tpu.dma_semaphore, #tpu.memory_space<semaphore_mem>>) src(%arg12 : memref<128x128xf32, #tpu.memory_space<vmem>>) dst(%dma_wait3A_171 : memref<10240x128xf32, #tpu.memory_space<vmem_shared>>)
    %dma_wait3A_172 = arith.constant 0 : i32
    %dma_wait3A_173 = arith.constant 0 : i32
    %dma_wait3A_174 = tpu.memref_slice %arg2[%dma_wait3A_172, %dma_wait3A_173] : memref<10240x128xf32, #tpu.memory_space<hbm>> -> memref<10240x128xf32, #tpu.memory_space<hbm>>
    tpu.wait_indirect_dma semaphore(%arg19 : memref<!tpu.dma_semaphore, #tpu.memory_space<semaphore_mem>>) src(%dma_wait3A_174 : memref<10240x128xf32, #tpu.memory_space<hbm>>) dst(%arg13 : memref<128x128xf32, #tpu.memory_space<vmem>>)
    %dma_start3A_175 = arith.constant 79 : i32
    %dma_start3A_176 = arith.constant 0 : i32
    %dma_start3A_177 = tpu.memref_slice %arg7[%dma_start3A_175, %dma_start3A_176] : memref<80x128xi32, #tpu.memory_space<vmem>> -> memref<1x128xi32, #tpu.memory_space<vmem>>
    %dma_start3A_178 = tpu.memref_squeeze %dma_start3A_177 : memref<1x128xi32, #tpu.memory_space<vmem>> -> memref<128xi32, #tpu.memory_space<vmem>>
    %dma_start3A_179 = arith.constant 0 : i32
    %dma_start3A_180 = arith.constant 0 : i32
    %dma_start3A_181 = tpu.memref_slice %arg6[%dma_start3A_179, %dma_start3A_180] : memref<10240x128xf32, #tpu.memory_space<vmem_shared>> -> memref<10240x128xf32, #tpu.memory_space<vmem_shared>>
    tpu.enqueue_indirect_dma source(%arg13 : memref<128x128xf32, #tpu.memory_space<vmem>>) target(%dma_start3A_181 : memref<10240x128xf32, #tpu.memory_space<vmem_shared>>) offsets(%dma_start3A_178 : memref<128xi32, #tpu.memory_space<vmem>>) semaphore(%arg21 : memref<!tpu.dma_semaphore, #tpu.memory_space<semaphore_mem>>) {add = true}
    %dma_wait3A_182 = arith.constant 79 : i32
    %dma_wait3A_183 = arith.constant 0 : i32
    %dma_wait3A_184 = tpu.memref_slice %arg7[%dma_wait3A_182, %dma_wait3A_183] : memref<80x128xi32, #tpu.memory_space<vmem>> -> memref<1x128xi32, #tpu.memory_space<vmem>>
    %dma_wait3A_185 = tpu.memref_squeeze %dma_wait3A_184 : memref<1x128xi32, #tpu.memory_space<vmem>> -> memref<128xi32, #tpu.memory_space<vmem>>
    %dma_wait3A_186 = arith.constant 0 : i32
    %dma_wait3A_187 = arith.constant 0 : i32
    %dma_wait3A_188 = tpu.memref_slice %arg6[%dma_wait3A_186, %dma_wait3A_187] : memref<10240x128xf32, #tpu.memory_space<vmem_shared>> -> memref<10240x128xf32, #tpu.memory_space<vmem_shared>>
    tpu.wait_indirect_dma semaphore(%arg21 : memref<!tpu.dma_semaphore, #tpu.memory_space<semaphore_mem>>) src(%arg13 : memref<128x128xf32, #tpu.memory_space<vmem>>) dst(%dma_wait3A_188 : memref<10240x128xf32, #tpu.memory_space<vmem_shared>>)
    %barrier3A_189 = arith.constant 0 : index
    tpu.barrier barrier_id(%barrier3A_189)
    %add3A_190 = arith.constant 0 : i32
    %add3A_191 = arith.addi %mul3A_2, %add3A_190 : i32
    %dma_start3A_192 = arith.constant 0 : i32
    %dma_start3A_193 = tpu.memref_slice %arg6[%add3A_191, %dma_start3A_192] : memref<10240x128xf32, #tpu.memory_space<vmem_shared>> -> memref<128x128xf32, #tpu.memory_space<vmem_shared>>
    %dma_start3A_194 = arith.constant 0 : i32
    %dma_start3A_195 = tpu.memref_slice %arg6[%add3A_191, %dma_start3A_194] : memref<10240x128xf32, #tpu.memory_space<vmem_shared>> -> memref<128x128xf32, #tpu.memory_space<vmem_shared>>
    tpu.enqueue_dma source(%dma_start3A_195 : memref<128x128xf32, #tpu.memory_space<vmem_shared>>) target(%arg12 : memref<128x128xf32, #tpu.memory_space<vmem>>) target_semaphore(%arg23 : memref<!tpu.dma_semaphore, #tpu.memory_space<semaphore_mem>>)
    %add3A_196 = arith.constant 128 : i32
    %add3A_197 = arith.addi %mul3A_2, %add3A_196 : i32
    %dma_start3A_198 = arith.constant 0 : i32
    %dma_start3A_199 = tpu.memref_slice %arg6[%add3A_197, %dma_start3A_198] : memref<10240x128xf32, #tpu.memory_space<vmem_shared>> -> memref<128x128xf32, #tpu.memory_space<vmem_shared>>
    %dma_start3A_200 = arith.constant 0 : i32
    %dma_start3A_201 = tpu.memref_slice %arg6[%add3A_197, %dma_start3A_200] : memref<10240x128xf32, #tpu.memory_space<vmem_shared>> -> memref<128x128xf32, #tpu.memory_space<vmem_shared>>
    tpu.enqueue_dma source(%dma_start3A_201 : memref<128x128xf32, #tpu.memory_space<vmem_shared>>) target(%arg13 : memref<128x128xf32, #tpu.memory_space<vmem>>) target_semaphore(%arg24 : memref<!tpu.dma_semaphore, #tpu.memory_space<semaphore_mem>>)
    %add3A_202 = arith.constant 0 : i32
    %add3A_203 = arith.addi %mul3A_2, %add3A_202 : i32
    %dma_wait3A_204 = arith.constant 0 : i32
    %dma_wait3A_205 = tpu.memref_slice %arg6[%add3A_203, %dma_wait3A_204] : memref<10240x128xf32, #tpu.memory_space<vmem_shared>> -> memref<128x128xf32, #tpu.memory_space<vmem_shared>>
    %dma_wait3A_206 = arith.constant 0 : i32
    %dma_wait3A_207 = tpu.memref_slice %arg6[%add3A_203, %dma_wait3A_206] : memref<10240x128xf32, #tpu.memory_space<vmem_shared>> -> memref<128x128xf32, #tpu.memory_space<vmem_shared>>
    tpu.wait_dma2 semaphore(%arg23 : memref<!tpu.dma_semaphore, #tpu.memory_space<semaphore_mem>>) src(%dma_wait3A_207 : memref<128x128xf32, #tpu.memory_space<vmem_shared>>) dst(%arg12 : memref<128x128xf32, #tpu.memory_space<vmem>>)
    %add3A_208 = arith.constant 0 : i32
    %add3A_209 = arith.addi %mul3A_2, %add3A_208 : i32
    %dma_start3A_210 = arith.constant 0 : i32
    %dma_start3A_211 = tpu.memref_slice %arg5[%arg0, %add3A_209, %dma_start3A_210] : memref<2x10240x128xf32, #tpu.memory_space<hbm>> -> memref<1x128x128xf32, #tpu.memory_space<hbm>>
    %dma_start3A_212 = tpu.memref_squeeze %dma_start3A_211 : memref<1x128x128xf32, #tpu.memory_space<hbm>> -> memref<128x128xf32, #tpu.memory_space<hbm>>
    %dma_start3A_213 = arith.constant 0 : i32
    %dma_start3A_214 = tpu.memref_slice %arg5[%arg0, %add3A_209, %dma_start3A_213] : memref<2x10240x128xf32, #tpu.memory_space<hbm>> -> memref<1x128x128xf32, #tpu.memory_space<hbm>>
    %dma_start3A_215 = tpu.memref_squeeze %dma_start3A_214 : memref<1x128x128xf32, #tpu.memory_space<hbm>> -> memref<128x128xf32, #tpu.memory_space<hbm>>
    tpu.enqueue_dma source(%arg12 : memref<128x128xf32, #tpu.memory_space<vmem>>) target(%dma_start3A_215 : memref<128x128xf32, #tpu.memory_space<hbm>>) target_semaphore(%arg25 : memref<!tpu.dma_semaphore, #tpu.memory_space<semaphore_mem>>)
    %add3A_216 = arith.constant 0 : i32
    %add3A_217 = arith.addi %mul3A_2, %add3A_216 : i32
    %dma_wait3A_218 = arith.constant 0 : i32
    %dma_wait3A_219 = tpu.memref_slice %arg5[%arg0, %add3A_217, %dma_wait3A_218] : memref<2x10240x128xf32, #tpu.memory_space<hbm>> -> memref<1x128x128xf32, #tpu.memory_space<hbm>>
    %dma_wait3A_220 = tpu.memref_squeeze %dma_wait3A_219 : memref<1x128x128xf32, #tpu.memory_space<hbm>> -> memref<128x128xf32, #tpu.memory_space<hbm>>
    %dma_wait3A_221 = arith.constant 0 : i32
    %dma_wait3A_222 = tpu.memref_slice %arg5[%arg0, %add3A_217, %dma_wait3A_221] : memref<2x10240x128xf32, #tpu.memory_space<hbm>> -> memref<1x128x128xf32, #tpu.memory_space<hbm>>
    %dma_wait3A_223 = tpu.memref_squeeze %dma_wait3A_222 : memref<1x128x128xf32, #tpu.memory_space<hbm>> -> memref<128x128xf32, #tpu.memory_space<hbm>>
    tpu.wait_dma2 semaphore(%arg25 : memref<!tpu.dma_semaphore, #tpu.memory_space<semaphore_mem>>) src(%arg12 : memref<128x128xf32, #tpu.memory_space<vmem>>) dst(%dma_wait3A_223 : memref<128x128xf32, #tpu.memory_space<hbm>>)
    %add3A_224 = arith.constant 256 : i32
    %add3A_225 = arith.addi %mul3A_2, %add3A_224 : i32
    %dma_start3A_226 = arith.constant 0 : i32
    %dma_start3A_227 = tpu.memref_slice %arg6[%add3A_225, %dma_start3A_226] : memref<10240x128xf32, #tpu.memory_space<vmem_shared>> -> memref<128x128xf32, #tpu.memory_space<vmem_shared>>
    %dma_start3A_228 = arith.constant 0 : i32
    %dma_start3A_229 = tpu.memref_slice %arg6[%add3A_225, %dma_start3A_228] : memref<10240x128xf32, #tpu.memory_space<vmem_shared>> -> memref<128x128xf32, #tpu.memory_space<vmem_shared>>
    tpu.enqueue_dma source(%dma_start3A_229 : memref<128x128xf32, #tpu.memory_space<vmem_shared>>) target(%arg12 : memref<128x128xf32, #tpu.memory_space<vmem>>) target_semaphore(%arg23 : memref<!tpu.dma_semaphore, #tpu.memory_space<semaphore_mem>>)
    %add3A_230 = arith.constant 128 : i32
    %add3A_231 = arith.addi %mul3A_2, %add3A_230 : i32
    %dma_wait3A_232 = arith.constant 0 : i32
    %dma_wait3A_233 = tpu.memref_slice %arg6[%add3A_231, %dma_wait3A_232] : memref<10240x128xf32, #tpu.memory_space<vmem_shared>> -> memref<128x128xf32, #tpu.memory_space<vmem_shared>>
    %dma_wait3A_234 = arith.constant 0 : i32
    %dma_wait3A_235 = tpu.memref_slice %arg6[%add3A_231, %dma_wait3A_234] : memref<10240x128xf32, #tpu.memory_space<vmem_shared>> -> memref<128x128xf32, #tpu.memory_space<vmem_shared>>
    tpu.wait_dma2 semaphore(%arg24 : memref<!tpu.dma_semaphore, #tpu.memory_space<semaphore_mem>>) src(%dma_wait3A_235 : memref<128x128xf32, #tpu.memory_space<vmem_shared>>) dst(%arg13 : memref<128x128xf32, #tpu.memory_space<vmem>>)
    %add3A_236 = arith.constant 128 : i32
    %add3A_237 = arith.addi %mul3A_2, %add3A_236 : i32
    %dma_start3A_238 = arith.constant 0 : i32
    %dma_start3A_239 = tpu.memref_slice %arg5[%arg0, %add3A_237, %dma_start3A_238] : memref<2x10240x128xf32, #tpu.memory_space<hbm>> -> memref<1x128x128xf32, #tpu.memory_space<hbm>>
    %dma_start3A_240 = tpu.memref_squeeze %dma_start3A_239 : memref<1x128x128xf32, #tpu.memory_space<hbm>> -> memref<128x128xf32, #tpu.memory_space<hbm>>
    %dma_start3A_241 = arith.constant 0 : i32
    %dma_start3A_242 = tpu.memref_slice %arg5[%arg0, %add3A_237, %dma_start3A_241] : memref<2x10240x128xf32, #tpu.memory_space<hbm>> -> memref<1x128x128xf32, #tpu.memory_space<hbm>>
    %dma_start3A_243 = tpu.memref_squeeze %dma_start3A_242 : memref<1x128x128xf32, #tpu.memory_space<hbm>> -> memref<128x128xf32, #tpu.memory_space<hbm>>
    tpu.enqueue_dma source(%arg13 : memref<128x128xf32, #tpu.memory_space<vmem>>) target(%dma_start3A_243 : memref<128x128xf32, #tpu.memory_space<hbm>>) target_semaphore(%arg26 : memref<!tpu.dma_semaphore, #tpu.memory_space<semaphore_mem>>)
    %add3A_244 = arith.constant 128 : i32
    %add3A_245 = arith.addi %mul3A_2, %add3A_244 : i32
    %dma_wait3A_246 = arith.constant 0 : i32
    %dma_wait3A_247 = tpu.memref_slice %arg5[%arg0, %add3A_245, %dma_wait3A_246] : memref<2x10240x128xf32, #tpu.memory_space<hbm>> -> memref<1x128x128xf32, #tpu.memory_space<hbm>>
    %dma_wait3A_248 = tpu.memref_squeeze %dma_wait3A_247 : memref<1x128x128xf32, #tpu.memory_space<hbm>> -> memref<128x128xf32, #tpu.memory_space<hbm>>
    %dma_wait3A_249 = arith.constant 0 : i32
    %dma_wait3A_250 = tpu.memref_slice %arg5[%arg0, %add3A_245, %dma_wait3A_249] : memref<2x10240x128xf32, #tpu.memory_space<hbm>> -> memref<1x128x128xf32, #tpu.memory_space<hbm>>
    %dma_wait3A_251 = tpu.memref_squeeze %dma_wait3A_250 : memref<1x128x128xf32, #tpu.memory_space<hbm>> -> memref<128x128xf32, #tpu.memory_space<hbm>>
    tpu.wait_dma2 semaphore(%arg26 : memref<!tpu.dma_semaphore, #tpu.memory_space<semaphore_mem>>) src(%arg13 : memref<128x128xf32, #tpu.memory_space<vmem>>) dst(%dma_wait3A_251 : memref<128x128xf32, #tpu.memory_space<hbm>>)
    %add3A_252 = arith.constant 384 : i32
    %add3A_253 = arith.addi %mul3A_2, %add3A_252 : i32
    %dma_start3A_254 = arith.constant 0 : i32
    %dma_start3A_255 = tpu.memref_slice %arg6[%add3A_253, %dma_start3A_254] : memref<10240x128xf32, #tpu.memory_space<vmem_shared>> -> memref<128x128xf32, #tpu.memory_space<vmem_shared>>
    %dma_start3A_256 = arith.constant 0 : i32
    %dma_start3A_257 = tpu.memref_slice %arg6[%add3A_253, %dma_start3A_256] : memref<10240x128xf32, #tpu.memory_space<vmem_shared>> -> memref<128x128xf32, #tpu.memory_space<vmem_shared>>
    tpu.enqueue_dma source(%dma_start3A_257 : memref<128x128xf32, #tpu.memory_space<vmem_shared>>) target(%arg13 : memref<128x128xf32, #tpu.memory_space<vmem>>) target_semaphore(%arg24 : memref<!tpu.dma_semaphore, #tpu.memory_space<semaphore_mem>>)
    %add3A_258 = arith.constant 256 : i32
    %add3A_259 = arith.addi %mul3A_2, %add3A_258 : i32
    %dma_wait3A_260 = arith.constant 0 : i32
    %dma_wait3A_261 = tpu.memref_slice %arg6[%add3A_259, %dma_wait3A_260] : memref<10240x128xf32, #tpu.memory_space<vmem_shared>> -> memref<128x128xf32, #tpu.memory_space<vmem_shared>>
    %dma_wait3A_262 = arith.constant 0 : i32
    %dma_wait3A_263 = tpu.memref_slice %arg6[%add3A_259, %dma_wait3A_262] : memref<10240x128xf32, #tpu.memory_space<vmem_shared>> -> memref<128x128xf32, #tpu.memory_space<vmem_shared>>
    tpu.wait_dma2 semaphore(%arg23 : memref<!tpu.dma_semaphore, #tpu.memory_space<semaphore_mem>>) src(%dma_wait3A_263 : memref<128x128xf32, #tpu.memory_space<vmem_shared>>) dst(%arg12 : memref<128x128xf32, #tpu.memory_space<vmem>>)
    %add3A_264 = arith.constant 256 : i32
    %add3A_265 = arith.addi %mul3A_2, %add3A_264 : i32
    %dma_start3A_266 = arith.constant 0 : i32
    %dma_start3A_267 = tpu.memref_slice %arg5[%arg0, %add3A_265, %dma_start3A_266] : memref<2x10240x128xf32, #tpu.memory_space<hbm>> -> memref<1x128x128xf32, #tpu.memory_space<hbm>>
    %dma_start3A_268 = tpu.memref_squeeze %dma_start3A_267 : memref<1x128x128xf32, #tpu.memory_space<hbm>> -> memref<128x128xf32, #tpu.memory_space<hbm>>
    %dma_start3A_269 = arith.constant 0 : i32
    %dma_start3A_270 = tpu.memref_slice %arg5[%arg0, %add3A_265, %dma_start3A_269] : memref<2x10240x128xf32, #tpu.memory_space<hbm>> -> memref<1x128x128xf32, #tpu.memory_space<hbm>>
    %dma_start3A_271 = tpu.memref_squeeze %dma_start3A_270 : memref<1x128x128xf32, #tpu.memory_space<hbm>> -> memref<128x128xf32, #tpu.memory_space<hbm>>
    tpu.enqueue_dma source(%arg12 : memref<128x128xf32, #tpu.memory_space<vmem>>) target(%dma_start3A_271 : memref<128x128xf32, #tpu.memory_space<hbm>>) target_semaphore(%arg25 : memref<!tpu.dma_semaphore, #tpu.memory_space<semaphore_mem>>)
    %add3A_272 = arith.constant 256 : i32
    %add3A_273 = arith.addi %mul3A_2, %add3A_272 : i32
    %dma_wait3A_274 = arith.constant 0 : i32
    %dma_wait3A_275 = tpu.memref_slice %arg5[%arg0, %add3A_273, %dma_wait3A_274] : memref<2x10240x128xf32, #tpu.memory_space<hbm>> -> memref<1x128x128xf32, #tpu.memory_space<hbm>>
    %dma_wait3A_276 = tpu.memref_squeeze %dma_wait3A_275 : memref<1x128x128xf32, #tpu.memory_space<hbm>> -> memref<128x128xf32, #tpu.memory_space<hbm>>
    %dma_wait3A_277 = arith.constant 0 : i32
    %dma_wait3A_278 = tpu.memref_slice %arg5[%arg0, %add3A_273, %dma_wait3A_277] : memref<2x10240x128xf32, #tpu.memory_space<hbm>> -> memref<1x128x128xf32, #tpu.memory_space<hbm>>
    %dma_wait3A_279 = tpu.memref_squeeze %dma_wait3A_278 : memref<1x128x128xf32, #tpu.memory_space<hbm>> -> memref<128x128xf32, #tpu.memory_space<hbm>>
    tpu.wait_dma2 semaphore(%arg25 : memref<!tpu.dma_semaphore, #tpu.memory_space<semaphore_mem>>) src(%arg12 : memref<128x128xf32, #tpu.memory_space<vmem>>) dst(%dma_wait3A_279 : memref<128x128xf32, #tpu.memory_space<hbm>>)
    %add3A_280 = arith.constant 512 : i32
    %add3A_281 = arith.addi %mul3A_2, %add3A_280 : i32
    %dma_start3A_282 = arith.constant 0 : i32
    %dma_start3A_283 = tpu.memref_slice %arg6[%add3A_281, %dma_start3A_282] : memref<10240x128xf32, #tpu.memory_space<vmem_shared>> -> memref<128x128xf32, #tpu.memory_space<vmem_shared>>
    %dma_start3A_284 = arith.constant 0 : i32
    %dma_start3A_285 = tpu.memref_slice %arg6[%add3A_281, %dma_start3A_284] : memref<10240x128xf32, #tpu.memory_space<vmem_shared>> -> memref<128x128xf32, #tpu.memory_space<vmem_shared>>
    tpu.enqueue_dma source(%dma_start3A_285 : memref<128x128xf32, #tpu.memory_space<vmem_shared>>) target(%arg12 : memref<128x128xf32, #tpu.memory_space<vmem>>) target_semaphore(%arg23 : memref<!tpu.dma_semaphore, #tpu.memory_space<semaphore_mem>>)
    %add3A_286 = arith.constant 384 : i32
    %add3A_287 = arith.addi %mul3A_2, %add3A_286 : i32
    %dma_wait3A_288 = arith.constant 0 : i32
    %dma_wait3A_289 = tpu.memref_slice %arg6[%add3A_287, %dma_wait3A_288] : memref<10240x128xf32, #tpu.memory_space<vmem_shared>> -> memref<128x128xf32, #tpu.memory_space<vmem_shared>>
    %dma_wait3A_290 = arith.constant 0 : i32
    %dma_wait3A_291 = tpu.memref_slice %arg6[%add3A_287, %dma_wait3A_290] : memref<10240x128xf32, #tpu.memory_space<vmem_shared>> -> memref<128x128xf32, #tpu.memory_space<vmem_shared>>
    tpu.wait_dma2 semaphore(%arg24 : memref<!tpu.dma_semaphore, #tpu.memory_space<semaphore_mem>>) src(%dma_wait3A_291 : memref<128x128xf32, #tpu.memory_space<vmem_shared>>) dst(%arg13 : memref<128x128xf32, #tpu.memory_space<vmem>>)
    %add3A_292 = arith.constant 384 : i32
    %add3A_293 = arith.addi %mul3A_2, %add3A_292 : i32
    %dma_start3A_294 = arith.constant 0 : i32
    %dma_start3A_295 = tpu.memref_slice %arg5[%arg0, %add3A_293, %dma_start3A_294] : memref<2x10240x128xf32, #tpu.memory_space<hbm>> -> memref<1x128x128xf32, #tpu.memory_space<hbm>>
    %dma_start3A_296 = tpu.memref_squeeze %dma_start3A_295 : memref<1x128x128xf32, #tpu.memory_space<hbm>> -> memref<128x128xf32, #tpu.memory_space<hbm>>
    %dma_start3A_297 = arith.constant 0 : i32
    %dma_start3A_298 = tpu.memref_slice %arg5[%arg0, %add3A_293, %dma_start3A_297] : memref<2x10240x128xf32, #tpu.memory_space<hbm>> -> memref<1x128x128xf32, #tpu.memory_space<hbm>>
    %dma_start3A_299 = tpu.memref_squeeze %dma_start3A_298 : memref<1x128x128xf32, #tpu.memory_space<hbm>> -> memref<128x128xf32, #tpu.memory_space<hbm>>
    tpu.enqueue_dma source(%arg13 : memref<128x128xf32, #tpu.memory_space<vmem>>) target(%dma_start3A_299 : memref<128x128xf32, #tpu.memory_space<hbm>>) target_semaphore(%arg26 : memref<!tpu.dma_semaphore, #tpu.memory_space<semaphore_mem>>)
    %add3A_300 = arith.constant 512 : i32
    %add3A_301 = arith.addi %mul3A_2, %add3A_300 : i32
    %dma_wait3A_302 = arith.constant 0 : i32
    %dma_wait3A_303 = tpu.memref_slice %arg6[%add3A_301, %dma_wait3A_302] : memref<10240x128xf32, #tpu.memory_space<vmem_shared>> -> memref<128x128xf32, #tpu.memory_space<vmem_shared>>
    %dma_wait3A_304 = arith.constant 0 : i32
    %dma_wait3A_305 = tpu.memref_slice %arg6[%add3A_301, %dma_wait3A_304] : memref<10240x128xf32, #tpu.memory_space<vmem_shared>> -> memref<128x128xf32, #tpu.memory_space<vmem_shared>>
    tpu.wait_dma2 semaphore(%arg23 : memref<!tpu.dma_semaphore, #tpu.memory_space<semaphore_mem>>) src(%dma_wait3A_305 : memref<128x128xf32, #tpu.memory_space<vmem_shared>>) dst(%arg12 : memref<128x128xf32, #tpu.memory_space<vmem>>)
    %add3A_306 = arith.constant 512 : i32
    %add3A_307 = arith.addi %mul3A_2, %add3A_306 : i32
    %dma_start3A_308 = arith.constant 0 : i32
    %dma_start3A_309 = tpu.memref_slice %arg5[%arg0, %add3A_307, %dma_start3A_308] : memref<2x10240x128xf32, #tpu.memory_space<hbm>> -> memref<1x128x128xf32, #tpu.memory_space<hbm>>
    %dma_start3A_310 = tpu.memref_squeeze %dma_start3A_309 : memref<1x128x128xf32, #tpu.memory_space<hbm>> -> memref<128x128xf32, #tpu.memory_space<hbm>>
    %dma_start3A_311 = arith.constant 0 : i32
    %dma_start3A_312 = tpu.memref_slice %arg5[%arg0, %add3A_307, %dma_start3A_311] : memref<2x10240x128xf32, #tpu.memory_space<hbm>> -> memref<1x128x128xf32, #tpu.memory_space<hbm>>
    %dma_start3A_313 = tpu.memref_squeeze %dma_start3A_312 : memref<1x128x128xf32, #tpu.memory_space<hbm>> -> memref<128x128xf32, #tpu.memory_space<hbm>>
    tpu.enqueue_dma source(%arg12 : memref<128x128xf32, #tpu.memory_space<vmem>>) target(%dma_start3A_313 : memref<128x128xf32, #tpu.memory_space<hbm>>) target_semaphore(%arg25 : memref<!tpu.dma_semaphore, #tpu.memory_space<semaphore_mem>>)
    %add3A_314 = arith.constant 384 : i32
    %add3A_315 = arith.addi %mul3A_2, %add3A_314 : i32
    %dma_wait3A_316 = arith.constant 0 : i32
    %dma_wait3A_317 = tpu.memref_slice %arg5[%arg0, %add3A_315, %dma_wait3A_316] : memref<2x10240x128xf32, #tpu.memory_space<hbm>> -> memref<1x128x128xf32, #tpu.memory_space<hbm>>
    %dma_wait3A_318 = tpu.memref_squeeze %dma_wait3A_317 : memref<1x128x128xf32, #tpu.memory_space<hbm>> -> memref<128x128xf32, #tpu.memory_space<hbm>>
    %dma_wait3A_319 = arith.constant 0 : i32
    %dma_wait3A_320 = tpu.memref_slice %arg5[%arg0, %add3A_315, %dma_wait3A_319] : memref<2x10240x128xf32, #tpu.memory_space<hbm>> -> memref<1x128x128xf32, #tpu.memory_space<hbm>>
    %dma_wait3A_321 = tpu.memref_squeeze %dma_wait3A_320 : memref<1x128x128xf32, #tpu.memory_space<hbm>> -> memref<128x128xf32, #tpu.memory_space<hbm>>
    tpu.wait_dma2 semaphore(%arg26 : memref<!tpu.dma_semaphore, #tpu.memory_space<semaphore_mem>>) src(%arg13 : memref<128x128xf32, #tpu.memory_space<vmem>>) dst(%dma_wait3A_321 : memref<128x128xf32, #tpu.memory_space<hbm>>)
    %add3A_322 = arith.constant 512 : i32
    %add3A_323 = arith.addi %mul3A_2, %add3A_322 : i32
    %dma_wait3A_324 = arith.constant 0 : i32
    %dma_wait3A_325 = tpu.memref_slice %arg5[%arg0, %add3A_323, %dma_wait3A_324] : memref<2x10240x128xf32, #tpu.memory_space<hbm>> -> memref<1x128x128xf32, #tpu.memory_space<hbm>>
    %dma_wait3A_326 = tpu.memref_squeeze %dma_wait3A_325 : memref<1x128x128xf32, #tpu.memory_space<hbm>> -> memref<128x128xf32, #tpu.memory_space<hbm>>
    %dma_wait3A_327 = arith.constant 0 : i32
    %dma_wait3A_328 = tpu.memref_slice %arg5[%arg0, %add3A_323, %dma_wait3A_327] : memref<2x10240x128xf32, #tpu.memory_space<hbm>> -> memref<1x128x128xf32, #tpu.memory_space<hbm>>
    %dma_wait3A_329 = tpu.memref_squeeze %dma_wait3A_328 : memref<1x128x128xf32, #tpu.memory_space<hbm>> -> memref<128x128xf32, #tpu.memory_space<hbm>>
    tpu.wait_dma2 semaphore(%arg25 : memref<!tpu.dma_semaphore, #tpu.memory_space<semaphore_mem>>) src(%arg12 : memref<128x128xf32, #tpu.memory_space<vmem>>) dst(%dma_wait3A_329 : memref<128x128xf32, #tpu.memory_space<hbm>>)
    return
  }
}

#map = affine_map<(d0, d1) -> (0, 0)>
#map1 = affine_map<(d0, d1) -> (0)>
#map2 = affine_map<(d0, d1) -> (0, 0, 0)>
module attributes {stable_mosaic.version = 14 : i64} {
  func.func @_edge_scatter(%arg0: i32, %arg1: i32, %arg2: memref<10240x128xf32, #tpu.memory_space<hbm>>, %arg3: memref<327680xi32, #tpu.memory_space<hbm>>, %arg4: memref<2560x128xi32, #tpu.memory_space<hbm>>, %arg5: memref<2x10240x128xf32, #tpu.memory_space<hbm>>, %arg6: memref<10240x128xf32, #tpu.memory_space<vmem_shared>>, %arg7: memref<80x128xi32, #tpu.memory_space<vmem>>, %arg8: memref<128xi32, #tpu.memory_space<vmem>>, %arg9: memref<128xi32, #tpu.memory_space<vmem>>, %arg10: memref<128xi32, #tpu.memory_space<vmem>>, %arg11: memref<128xi32, #tpu.memory_space<vmem>>, %arg12: memref<128x128xf32, #tpu.memory_space<vmem>>, %arg13: memref<128x128xf32, #tpu.memory_space<vmem>>, %arg14: memref<!tpu.dma_semaphore, #tpu.memory_space<semaphore_mem>>, %arg15: memref<!tpu.dma_semaphore, #tpu.memory_space<semaphore_mem>>, %arg16: memref<!tpu.dma_semaphore, #tpu.memory_space<semaphore_mem>>, %arg17: memref<!tpu.dma_semaphore, #tpu.memory_space<semaphore_mem>>, %arg18: memref<!tpu.dma_semaphore, #tpu.memory_space<semaphore_mem>>, %arg19: memref<!tpu.dma_semaphore, #tpu.memory_space<semaphore_mem>>, %arg20: memref<!tpu.dma_semaphore, #tpu.memory_space<semaphore_mem>>, %arg21: memref<!tpu.dma_semaphore, #tpu.memory_space<semaphore_mem>>, %arg22: memref<!tpu.dma_semaphore, #tpu.memory_space<semaphore_mem>>, %arg23: memref<!tpu.dma_semaphore, #tpu.memory_space<semaphore_mem>>, %arg24: memref<!tpu.dma_semaphore, #tpu.memory_space<semaphore_mem>>, %arg25: memref<!tpu.dma_semaphore, #tpu.memory_space<semaphore_mem>>, %arg26: memref<!tpu.dma_semaphore, #tpu.memory_space<semaphore_mem>>) attributes {dimension_semantics = [#tpu.dimension_semantics<core_parallel>, #tpu.dimension_semantics<subcore_parallel>], iteration_bounds = array<i64: 2, 16>, scalar_prefetch = 0 : i64, scratch_operands = 21 : i64, tpu.core_type = #tpu.core_type<sc_vector_subcore>, window_params = [{transform_indices = #map}, {transform_indices = #map1}, {transform_indices = #map}, {transform_indices = #map2}]} {
    %mul3A = arith.constant 16 : i32
    %mul3A_0 = arith.muli %arg0, %mul3A : i32
    %add3A = arith.addi %mul3A_0, %arg1 : i32
    %mul3A_1 = arith.constant 640 : i32
    %mul3A_2 = arith.muli %arg1, %mul3A_1 : i32
    %mul3A_3 = arith.constant 80 : i32
    %mul3A_4 = arith.muli %add3A, %mul3A_3 : i32
    %mul3A_5 = arith.constant 128 : i32
    %mul3A_6 = arith.muli %mul3A_4, %mul3A_5 : i32
    %add3A_7 = arith.constant 0 : i32
    %add3A_8 = arith.addi %mul3A_6, %add3A_7 : i32
    %dma_start3A = tpu.memref_slice %arg3[%add3A_8] : memref<327680xi32, #tpu.memory_space<hbm>> -> memref<128xi32, #tpu.memory_space<hbm>>
    %dma_start3A_9 = tpu.memref_slice %arg3[%add3A_8] : memref<327680xi32, #tpu.memory_space<hbm>> -> memref<128xi32, #tpu.memory_space<hbm>>
    tpu.enqueue_dma source(%dma_start3A_9 : memref<128xi32, #tpu.memory_space<hbm>>) target(%arg8 : memref<128xi32, #tpu.memory_space<vmem>>) target_semaphore(%arg14 : memref<!tpu.dma_semaphore, #tpu.memory_space<semaphore_mem>>)
    %add3A_10 = arith.constant 128 : i32
    %add3A_11 = arith.addi %mul3A_6, %add3A_10 : i32
    %dma_start3A_12 = tpu.memref_slice %arg3[%add3A_11] : memref<327680xi32, #tpu.memory_space<hbm>> -> memref<128xi32, #tpu.memory_space<hbm>>
    %dma_start3A_13 = tpu.memref_slice %arg3[%add3A_11] : memref<327680xi32, #tpu.memory_space<hbm>> -> memref<128xi32, #tpu.memory_space<hbm>>
    tpu.enqueue_dma source(%dma_start3A_13 : memref<128xi32, #tpu.memory_space<hbm>>) target(%arg9 : memref<128xi32, #tpu.memory_space<vmem>>) target_semaphore(%arg15 : memref<!tpu.dma_semaphore, #tpu.memory_space<semaphore_mem>>)
    %add3A_14 = arith.constant 256 : i32
    %add3A_15 = arith.addi %mul3A_6, %add3A_14 : i32
    %dma_start3A_16 = tpu.memref_slice %arg3[%add3A_15] : memref<327680xi32, #tpu.memory_space<hbm>> -> memref<128xi32, #tpu.memory_space<hbm>>
    %dma_start3A_17 = tpu.memref_slice %arg3[%add3A_15] : memref<327680xi32, #tpu.memory_space<hbm>> -> memref<128xi32, #tpu.memory_space<hbm>>
    tpu.enqueue_dma source(%dma_start3A_17 : memref<128xi32, #tpu.memory_space<hbm>>) target(%arg10 : memref<128xi32, #tpu.memory_space<vmem>>) target_semaphore(%arg16 : memref<!tpu.dma_semaphore, #tpu.memory_space<semaphore_mem>>)
    %mul3A_18 = arith.constant 80 : i32
    %mul3A_19 = arith.muli %add3A, %mul3A_18 : i32
    "tpu.region"() ({
      %run_scoped3A = tpu.sem_alloc : memref<!tpu.dma_semaphore, #tpu.memory_space<semaphore_mem>>
      %dma_start3A_330 = arith.constant 0 : i32
      %dma_start3A_331 = tpu.memref_slice %arg4[%mul3A_19, %dma_start3A_330] : memref<2560x128xi32, #tpu.memory_space<hbm>> -> memref<80x128xi32, #tpu.memory_space<hbm>>
      %dma_start3A_332 = arith.constant 0 : i32
      %dma_start3A_333 = tpu.memref_slice %arg4[%mul3A_19, %dma_start3A_332] : memref<2560x128xi32, #tpu.memory_space<hbm>> -> memref<80x128xi32, #tpu.memory_space<hbm>>
      tpu.enqueue_dma source(%dma_start3A_333 : memref<80x128xi32, #tpu.memory_space<hbm>>) target(%arg7 : memref<80x128xi32, #tpu.memory_space<vmem>>) target_semaphore(%run_scoped3A : memref<!tpu.dma_semaphore, #tpu.memory_space<semaphore_mem>>)
      %dma_wait3A_334 = arith.constant 0 : i32
      %dma_wait3A_335 = tpu.memref_slice %arg4[%mul3A_19, %dma_wait3A_334] : memref<2560x128xi32, #tpu.memory_space<hbm>> -> memref<80x128xi32, #tpu.memory_space<hbm>>
      %dma_wait3A_336 = arith.constant 0 : i32
      %dma_wait3A_337 = tpu.memref_slice %arg4[%mul3A_19, %dma_wait3A_336] : memref<2560x128xi32, #tpu.memory_space<hbm>> -> memref<80x128xi32, #tpu.memory_space<hbm>>
      tpu.wait_dma2 semaphore(%run_scoped3A : memref<!tpu.dma_semaphore, #tpu.memory_space<semaphore_mem>>) src(%dma_wait3A_337 : memref<80x128xi32, #tpu.memory_space<hbm>>) dst(%arg7 : memref<80x128xi32, #tpu.memory_space<vmem>>)
      tpu.yield
    }) : () -> ()
    %scan3A = arith.constant 0 : i32
    %scan3A_20 = arith.constant 0 : i32
    %scan3A_21 = arith.constant 128 : i32
    %scan3A_22 = arith.addi %scan3A_20, %scan3A_21 : i32
    %scan3A_23 = arith.constant 1 : i32
    scf.for %scan3A_330 = %scan3A_20 to %scan3A_22 step %scan3A_23  : i32 {
      %broadcast_in_dim3A = arith.constant 0.000000e+00 : f32
      %broadcast_in_dim3A_331 = vector.broadcast %broadcast_in_dim3A : f32 to vector<16xf32>
      %swap3A = arith.index_cast %scan3A_330 : i32 to index
      %swap3A_332 = arith.constant 0 : index
      %swap3A_333 = tpu.vector_load %arg12[%swap3A, %swap3A_332] {strides = array<i32>} : memref<128x128xf32, #tpu.memory_space<vmem>>, vector<1x16xf32>,
      %swap3A_334 = vector.shape_cast %swap3A_333 : vector<1x16xf32> to vector<16xf32>
      %swap3A_335 = vector.shape_cast %broadcast_in_dim3A_331 : vector<16xf32> to vector<1x16xf32>
      tpu.vector_store %arg12[%swap3A, %swap3A_332], %swap3A_335 {strides = array<i32>} : memref<128x128xf32, #tpu.memory_space<vmem>>, vector<1x16xf32>,
      %broadcast_in_dim3A_336 = arith.constant 0.000000e+00 : f32
      %broadcast_in_dim3A_337 = vector.broadcast %broadcast_in_dim3A_336 : f32 to vector<16xf32>
      %swap3A_338 = arith.index_cast %scan3A_330 : i32 to index
      %swap3A_339 = arith.constant 16 : index
      %swap3A_340 = tpu.vector_load %arg12[%swap3A_338, %swap3A_339] {strides = array<i32>} : memref<128x128xf32, #tpu.memory_space<vmem>>, vector<1x16xf32>,
      %swap3A_341 = vector.shape_cast %swap3A_340 : vector<1x16xf32> to vector<16xf32>
      %swap3A_342 = vector.shape_cast %broadcast_in_dim3A_337 : vector<16xf32> to vector<1x16xf32>
      tpu.vector_store %arg12[%swap3A_338, %swap3A_339], %swap3A_342 {strides = array<i32>} : memref<128x128xf32, #tpu.memory_space<vmem>>, vector<1x16xf32>,
      %broadcast_in_dim3A_343 = arith.constant 0.000000e+00 : f32
      %broadcast_in_dim3A_344 = vector.broadcast %broadcast_in_dim3A_343 : f32 to vector<16xf32>
      %swap3A_345 = arith.index_cast %scan3A_330 : i32 to index
      %swap3A_346 = arith.constant 32 : index
      %swap3A_347 = tpu.vector_load %arg12[%swap3A_345, %swap3A_346] {strides = array<i32>} : memref<128x128xf32, #tpu.memory_space<vmem>>, vector<1x16xf32>,
      %swap3A_348 = vector.shape_cast %swap3A_347 : vector<1x16xf32> to vector<16xf32>
      %swap3A_349 = vector.shape_cast %broadcast_in_dim3A_344 : vector<16xf32> to vector<1x16xf32>
      tpu.vector_store %arg12[%swap3A_345, %swap3A_346], %swap3A_349 {strides = array<i32>} : memref<128x128xf32, #tpu.memory_space<vmem>>, vector<1x16xf32>,
      %broadcast_in_dim3A_350 = arith.constant 0.000000e+00 : f32
      %broadcast_in_dim3A_351 = vector.broadcast %broadcast_in_dim3A_350 : f32 to vector<16xf32>
      %swap3A_352 = arith.index_cast %scan3A_330 : i32 to index
      %swap3A_353 = arith.constant 48 : index
      %swap3A_354 = tpu.vector_load %arg12[%swap3A_352, %swap3A_353] {strides = array<i32>} : memref<128x128xf32, #tpu.memory_space<vmem>>, vector<1x16xf32>,
      %swap3A_355 = vector.shape_cast %swap3A_354 : vector<1x16xf32> to vector<16xf32>
      %swap3A_356 = vector.shape_cast %broadcast_in_dim3A_351 : vector<16xf32> to vector<1x16xf32>
      tpu.vector_store %arg12[%swap3A_352, %swap3A_353], %swap3A_356 {strides = array<i32>} : memref<128x128xf32, #tpu.memory_space<vmem>>, vector<1x16xf32>,
      %broadcast_in_dim3A_357 = arith.constant 0.000000e+00 : f32
      %broadcast_in_dim3A_358 = vector.broadcast %broadcast_in_dim3A_357 : f32 to vector<16xf32>
      %swap3A_359 = arith.index_cast %scan3A_330 : i32 to index
      %swap3A_360 = arith.constant 64 : index
      %swap3A_361 = tpu.vector_load %arg12[%swap3A_359, %swap3A_360] {strides = array<i32>} : memref<128x128xf32, #tpu.memory_space<vmem>>, vector<1x16xf32>,
      %swap3A_362 = vector.shape_cast %swap3A_361 : vector<1x16xf32> to vector<16xf32>
      %swap3A_363 = vector.shape_cast %broadcast_in_dim3A_358 : vector<16xf32> to vector<1x16xf32>
      tpu.vector_store %arg12[%swap3A_359, %swap3A_360], %swap3A_363 {strides = array<i32>} : memref<128x128xf32, #tpu.memory_space<vmem>>, vector<1x16xf32>,
      %broadcast_in_dim3A_364 = arith.constant 0.000000e+00 : f32
      %broadcast_in_dim3A_365 = vector.broadcast %broadcast_in_dim3A_364 : f32 to vector<16xf32>
      %swap3A_366 = arith.index_cast %scan3A_330 : i32 to index
      %swap3A_367 = arith.constant 80 : index
      %swap3A_368 = tpu.vector_load %arg12[%swap3A_366, %swap3A_367] {strides = array<i32>} : memref<128x128xf32, #tpu.memory_space<vmem>>, vector<1x16xf32>,
      %swap3A_369 = vector.shape_cast %swap3A_368 : vector<1x16xf32> to vector<16xf32>
      %swap3A_370 = vector.shape_cast %broadcast_in_dim3A_365 : vector<16xf32> to vector<1x16xf32>
      tpu.vector_store %arg12[%swap3A_366, %swap3A_367], %swap3A_370 {strides = array<i32>} : memref<128x128xf32, #tpu.memory_space<vmem>>, vector<1x16xf32>,
      %broadcast_in_dim3A_371 = arith.constant 0.000000e+00 : f32
      %broadcast_in_dim3A_372 = vector.broadcast %broadcast_in_dim3A_371 : f32 to vector<16xf32>
      %swap3A_373 = arith.index_cast %scan3A_330 : i32 to index
      %swap3A_374 = arith.constant 96 : index
      %swap3A_375 = tpu.vector_load %arg12[%swap3A_373, %swap3A_374] {strides = array<i32>} : memref<128x128xf32, #tpu.memory_space<vmem>>, vector<1x16xf32>,
      %swap3A_376 = vector.shape_cast %swap3A_375 : vector<1x16xf32> to vector<16xf32>
      %swap3A_377 = vector.shape_cast %broadcast_in_dim3A_372 : vector<16xf32> to vector<1x16xf32>
      tpu.vector_store %arg12[%swap3A_373, %swap3A_374], %swap3A_377 {strides = array<i32>} : memref<128x128xf32, #tpu.memory_space<vmem>>, vector<1x16xf32>,
      %broadcast_in_dim3A_378 = arith.constant 0.000000e+00 : f32
      %broadcast_in_dim3A_379 = vector.broadcast %broadcast_in_dim3A_378 : f32 to vector<16xf32>
      %swap3A_380 = arith.index_cast %scan3A_330 : i32 to index
      %swap3A_381 = arith.constant 112 : index
      %swap3A_382 = tpu.vector_load %arg12[%swap3A_380, %swap3A_381] {strides = array<i32>} : memref<128x128xf32, #tpu.memory_space<vmem>>, vector<1x16xf32>,
      %swap3A_383 = vector.shape_cast %swap3A_382 : vector<1x16xf32> to vector<16xf32>
      %swap3A_384 = vector.shape_cast %broadcast_in_dim3A_379 : vector<16xf32> to vector<1x16xf32>
      tpu.vector_store %arg12[%swap3A_380, %swap3A_381], %swap3A_384 {strides = array<i32>} : memref<128x128xf32, #tpu.memory_space<vmem>>, vector<1x16xf32>,
    }
    %scan3A_24 = arith.constant 128 : i32
    %add3A_25 = arith.constant 0 : i32
    %add3A_26 = arith.addi %mul3A_2, %add3A_25 : i32
    %dma_start3A_27 = arith.constant 0 : i32
    %dma_start3A_28 = tpu.memref_slice %arg6[%add3A_26, %dma_start3A_27] : memref<10240x128xf32, #tpu.memory_space<vmem_shared>> -> memref<128x128xf32, #tpu.memory_space<vmem_shared>>
    %dma_start3A_29 = arith.constant 0 : i32
    %dma_start3A_30 = tpu.memref_slice %arg6[%add3A_26, %dma_start3A_29] : memref<10240x128xf32, #tpu.memory_space<vmem_shared>> -> memref<128x128xf32, #tpu.memory_space<vmem_shared>>
    tpu.enqueue_dma source(%arg12 : memref<128x128xf32, #tpu.memory_space<vmem>>) target(%dma_start3A_30 : memref<128x128xf32, #tpu.memory_space<vmem_shared>>) target_semaphore(%arg22 : memref<!tpu.dma_semaphore, #tpu.memory_space<semaphore_mem>>)
    %add3A_31 = arith.constant 128 : i32
    %add3A_32 = arith.addi %mul3A_2, %add3A_31 : i32
    %dma_start3A_33 = arith.constant 0 : i32
    %dma_start3A_34 = tpu.memref_slice %arg6[%add3A_32, %dma_start3A_33] : memref<10240x128xf32, #tpu.memory_space<vmem_shared>> -> memref<128x128xf32, #tpu.memory_space<vmem_shared>>
    %dma_start3A_35 = arith.constant 0 : i32
    %dma_start3A_36 = tpu.memref_slice %arg6[%add3A_32, %dma_start3A_35] : memref<10240x128xf32, #tpu.memory_space<vmem_shared>> -> memref<128x128xf32, #tpu.memory_space<vmem_shared>>
    tpu.enqueue_dma source(%arg12 : memref<128x128xf32, #tpu.memory_space<vmem>>) target(%dma_start3A_36 : memref<128x128xf32, #tpu.memory_space<vmem_shared>>) target_semaphore(%arg22 : memref<!tpu.dma_semaphore, #tpu.memory_space<semaphore_mem>>)
    %add3A_37 = arith.constant 256 : i32
    %add3A_38 = arith.addi %mul3A_2, %add3A_37 : i32
    %dma_start3A_39 = arith.constant 0 : i32
    %dma_start3A_40 = tpu.memref_slice %arg6[%add3A_38, %dma_start3A_39] : memref<10240x128xf32, #tpu.memory_space<vmem_shared>> -> memref<128x128xf32, #tpu.memory_space<vmem_shared>>
    %dma_start3A_41 = arith.constant 0 : i32
    %dma_start3A_42 = tpu.memref_slice %arg6[%add3A_38, %dma_start3A_41] : memref<10240x128xf32, #tpu.memory_space<vmem_shared>> -> memref<128x128xf32, #tpu.memory_space<vmem_shared>>
    tpu.enqueue_dma source(%arg12 : memref<128x128xf32, #tpu.memory_space<vmem>>) target(%dma_start3A_42 : memref<128x128xf32, #tpu.memory_space<vmem_shared>>) target_semaphore(%arg22 : memref<!tpu.dma_semaphore, #tpu.memory_space<semaphore_mem>>)
    %add3A_43 = arith.constant 384 : i32
    %add3A_44 = arith.addi %mul3A_2, %add3A_43 : i32
    %dma_start3A_45 = arith.constant 0 : i32
    %dma_start3A_46 = tpu.memref_slice %arg6[%add3A_44, %dma_start3A_45] : memref<10240x128xf32, #tpu.memory_space<vmem_shared>> -> memref<128x128xf32, #tpu.memory_space<vmem_shared>>
    %dma_start3A_47 = arith.constant 0 : i32
    %dma_start3A_48 = tpu.memref_slice %arg6[%add3A_44, %dma_start3A_47] : memref<10240x128xf32, #tpu.memory_space<vmem_shared>> -> memref<128x128xf32, #tpu.memory_space<vmem_shared>>
    tpu.enqueue_dma source(%arg12 : memref<128x128xf32, #tpu.memory_space<vmem>>) target(%dma_start3A_48 : memref<128x128xf32, #tpu.memory_space<vmem_shared>>) target_semaphore(%arg22 : memref<!tpu.dma_semaphore, #tpu.memory_space<semaphore_mem>>)
    %add3A_49 = arith.constant 512 : i32
    %add3A_50 = arith.addi %mul3A_2, %add3A_49 : i32
    %dma_start3A_51 = arith.constant 0 : i32
    %dma_start3A_52 = tpu.memref_slice %arg6[%add3A_50, %dma_start3A_51] : memref<10240x128xf32, #tpu.memory_space<vmem_shared>> -> memref<128x128xf32, #tpu.memory_space<vmem_shared>>
    %dma_start3A_53 = arith.constant 0 : i32
    %dma_start3A_54 = tpu.memref_slice %arg6[%add3A_50, %dma_start3A_53] : memref<10240x128xf32, #tpu.memory_space<vmem_shared>> -> memref<128x128xf32, #tpu.memory_space<vmem_shared>>
    tpu.enqueue_dma source(%arg12 : memref<128x128xf32, #tpu.memory_space<vmem>>) target(%dma_start3A_54 : memref<128x128xf32, #tpu.memory_space<vmem_shared>>) target_semaphore(%arg22 : memref<!tpu.dma_semaphore, #tpu.memory_space<semaphore_mem>>)
    %add3A_55 = arith.constant 0 : i32
    %add3A_56 = arith.addi %mul3A_2, %add3A_55 : i32
    %dma_wait3A = arith.constant 0 : i32
    %dma_wait3A_57 = tpu.memref_slice %arg6[%add3A_56, %dma_wait3A] : memref<10240x128xf32, #tpu.memory_space<vmem_shared>> -> memref<128x128xf32, #tpu.memory_space<vmem_shared>>
    %dma_wait3A_58 = arith.constant 0 : i32
    %dma_wait3A_59 = tpu.memref_slice %arg6[%add3A_56, %dma_wait3A_58] : memref<10240x128xf32, #tpu.memory_space<vmem_shared>> -> memref<128x128xf32, #tpu.memory_space<vmem_shared>>
    tpu.wait_dma2 semaphore(%arg22 : memref<!tpu.dma_semaphore, #tpu.memory_space<semaphore_mem>>) src(%arg12 : memref<128x128xf32, #tpu.memory_space<vmem>>) dst(%dma_wait3A_59 : memref<128x128xf32, #tpu.memory_space<vmem_shared>>)
    %add3A_60 = arith.constant 128 : i32
    %add3A_61 = arith.addi %mul3A_2, %add3A_60 : i32
    %dma_wait3A_62 = arith.constant 0 : i32
    %dma_wait3A_63 = tpu.memref_slice %arg6[%add3A_61, %dma_wait3A_62] : memref<10240x128xf32, #tpu.memory_space<vmem_shared>> -> memref<128x128xf32, #tpu.memory_space<vmem_shared>>
    %dma_wait3A_64 = arith.constant 0 : i32
    %dma_wait3A_65 = tpu.memref_slice %arg6[%add3A_61, %dma_wait3A_64] : memref<10240x128xf32, #tpu.memory_space<vmem_shared>> -> memref<128x128xf32, #tpu.memory_space<vmem_shared>>
    tpu.wait_dma2 semaphore(%arg22 : memref<!tpu.dma_semaphore, #tpu.memory_space<semaphore_mem>>) src(%arg12 : memref<128x128xf32, #tpu.memory_space<vmem>>) dst(%dma_wait3A_65 : memref<128x128xf32, #tpu.memory_space<vmem_shared>>)
    %add3A_66 = arith.constant 256 : i32
    %add3A_67 = arith.addi %mul3A_2, %add3A_66 : i32
    %dma_wait3A_68 = arith.constant 0 : i32
    %dma_wait3A_69 = tpu.memref_slice %arg6[%add3A_67, %dma_wait3A_68] : memref<10240x128xf32, #tpu.memory_space<vmem_shared>> -> memref<128x128xf32, #tpu.memory_space<vmem_shared>>
    %dma_wait3A_70 = arith.constant 0 : i32
    %dma_wait3A_71 = tpu.memref_slice %arg6[%add3A_67, %dma_wait3A_70] : memref<10240x128xf32, #tpu.memory_space<vmem_shared>> -> memref<128x128xf32, #tpu.memory_space<vmem_shared>>
    tpu.wait_dma2 semaphore(%arg22 : memref<!tpu.dma_semaphore, #tpu.memory_space<semaphore_mem>>) src(%arg12 : memref<128x128xf32, #tpu.memory_space<vmem>>) dst(%dma_wait3A_71 : memref<128x128xf32, #tpu.memory_space<vmem_shared>>)
    %add3A_72 = arith.constant 384 : i32
    %add3A_73 = arith.addi %mul3A_2, %add3A_72 : i32
    %dma_wait3A_74 = arith.constant 0 : i32
    %dma_wait3A_75 = tpu.memref_slice %arg6[%add3A_73, %dma_wait3A_74] : memref<10240x128xf32, #tpu.memory_space<vmem_shared>> -> memref<128x128xf32, #tpu.memory_space<vmem_shared>>
    %dma_wait3A_76 = arith.constant 0 : i32
    %dma_wait3A_77 = tpu.memref_slice %arg6[%add3A_73, %dma_wait3A_76] : memref<10240x128xf32, #tpu.memory_space<vmem_shared>> -> memref<128x128xf32, #tpu.memory_space<vmem_shared>>
    tpu.wait_dma2 semaphore(%arg22 : memref<!tpu.dma_semaphore, #tpu.memory_space<semaphore_mem>>) src(%arg12 : memref<128x128xf32, #tpu.memory_space<vmem>>) dst(%dma_wait3A_77 : memref<128x128xf32, #tpu.memory_space<vmem_shared>>)
    %add3A_78 = arith.constant 512 : i32
    %add3A_79 = arith.addi %mul3A_2, %add3A_78 : i32
    %dma_wait3A_80 = arith.constant 0 : i32
    %dma_wait3A_81 = tpu.memref_slice %arg6[%add3A_79, %dma_wait3A_80] : memref<10240x128xf32, #tpu.memory_space<vmem_shared>> -> memref<128x128xf32, #tpu.memory_space<vmem_shared>>
    %dma_wait3A_82 = arith.constant 0 : i32
    %dma_wait3A_83 = tpu.memref_slice %arg6[%add3A_79, %dma_wait3A_82] : memref<10240x128xf32, #tpu.memory_space<vmem_shared>> -> memref<128x128xf32, #tpu.memory_space<vmem_shared>>
    tpu.wait_dma2 semaphore(%arg22 : memref<!tpu.dma_semaphore, #tpu.memory_space<semaphore_mem>>) src(%arg12 : memref<128x128xf32, #tpu.memory_space<vmem>>) dst(%dma_wait3A_83 : memref<128x128xf32, #tpu.memory_space<vmem_shared>>)
    %add3A_84 = arith.constant 0 : i32
    %add3A_85 = arith.addi %mul3A_6, %add3A_84 : i32
    %dma_wait3A_86 = tpu.memref_slice %arg3[%add3A_85] : memref<327680xi32, #tpu.memory_space<hbm>> -> memref<128xi32, #tpu.memory_space<hbm>>
    %dma_wait3A_87 = tpu.memref_slice %arg3[%add3A_85] : memref<327680xi32, #tpu.memory_space<hbm>> -> memref<128xi32, #tpu.memory_space<hbm>>
    tpu.wait_dma2 semaphore(%arg14 : memref<!tpu.dma_semaphore, #tpu.memory_space<semaphore_mem>>) src(%dma_wait3A_87 : memref<128xi32, #tpu.memory_space<hbm>>) dst(%arg8 : memref<128xi32, #tpu.memory_space<vmem>>)
    %dma_start3A_88 = arith.constant 0 : i32
    %dma_start3A_89 = arith.constant 0 : i32
    %dma_start3A_90 = tpu.memref_slice %arg2[%dma_start3A_88, %dma_start3A_89] : memref<10240x128xf32, #tpu.memory_space<hbm>> -> memref<10240x128xf32, #tpu.memory_space<hbm>>
    tpu.enqueue_indirect_dma source(%dma_start3A_90 : memref<10240x128xf32, #tpu.memory_space<hbm>>) target(%arg12 : memref<128x128xf32, #tpu.memory_space<vmem>>) offsets(%arg8 : memref<128xi32, #tpu.memory_space<vmem>>) semaphore(%arg18 : memref<!tpu.dma_semaphore, #tpu.memory_space<semaphore_mem>>)
    %barrier3A = arith.constant 0 : index
    tpu.barrier barrier_id(%barrier3A)
    %add3A_91 = arith.constant 128 : i32
    %add3A_92 = arith.addi %mul3A_6, %add3A_91 : i32
    %dma_wait3A_93 = tpu.memref_slice %arg3[%add3A_92] : memref<327680xi32, #tpu.memory_space<hbm>> -> memref<128xi32, #tpu.memory_space<hbm>>
    %dma_wait3A_94 = tpu.memref_slice %arg3[%add3A_92] : memref<327680xi32, #tpu.memory_space<hbm>> -> memref<128xi32, #tpu.memory_space<hbm>>
    tpu.wait_dma2 semaphore(%arg15 : memref<!tpu.dma_semaphore, #tpu.memory_space<semaphore_mem>>) src(%dma_wait3A_94 : memref<128xi32, #tpu.memory_space<hbm>>) dst(%arg9 : memref<128xi32, #tpu.memory_space<vmem>>)
    %dma_start3A_95 = arith.constant 0 : i32
    %dma_start3A_96 = arith.constant 0 : i32
    %dma_start3A_97 = tpu.memref_slice %arg2[%dma_start3A_95, %dma_start3A_96] : memref<10240x128xf32, #tpu.memory_space<hbm>> -> memref<10240x128xf32, #tpu.memory_space<hbm>>
    tpu.enqueue_indirect_dma source(%dma_start3A_97 : memref<10240x128xf32, #tpu.memory_space<hbm>>) target(%arg13 : memref<128x128xf32, #tpu.memory_space<vmem>>) offsets(%arg9 : memref<128xi32, #tpu.memory_space<vmem>>) semaphore(%arg19 : memref<!tpu.dma_semaphore, #tpu.memory_space<semaphore_mem>>)
    %add3A_98 = arith.constant 384 : i32
    %add3A_99 = arith.addi %mul3A_6, %add3A_98 : i32
    %dma_start3A_100 = tpu.memref_slice %arg3[%add3A_99] : memref<327680xi32, #tpu.memory_space<hbm>> -> memref<128xi32, #tpu.memory_space<hbm>>
    %dma_start3A_101 = tpu.memref_slice %arg3[%add3A_99] : memref<327680xi32, #tpu.memory_space<hbm>> -> memref<128xi32, #tpu.memory_space<hbm>>
    tpu.enqueue_dma source(%dma_start3A_101 : memref<128xi32, #tpu.memory_space<hbm>>) target(%arg11 : memref<128xi32, #tpu.memory_space<vmem>>) target_semaphore(%arg17 : memref<!tpu.dma_semaphore, #tpu.memory_space<semaphore_mem>>)
    %dma_wait3A_102 = arith.constant 0 : i32
    %dma_wait3A_103 = arith.constant 0 : i32
    %dma_wait3A_104 = tpu.memref_slice %arg2[%dma_wait3A_102, %dma_wait3A_103] : memref<10240x128xf32, #tpu.memory_space<hbm>> -> memref<10240x128xf32, #tpu.memory_space<hbm>>
    tpu.wait_indirect_dma semaphore(%arg18 : memref<!tpu.dma_semaphore, #tpu.memory_space<semaphore_mem>>) src(%dma_wait3A_104 : memref<10240x128xf32, #tpu.memory_space<hbm>>) dst(%arg12 : memref<128x128xf32, #tpu.memory_space<vmem>>)
    %dma_start3A_105 = arith.constant 0 : i32
    %dma_start3A_106 = arith.constant 0 : i32
    %dma_start3A_107 = tpu.memref_slice %arg7[%dma_start3A_105, %dma_start3A_106] : memref<80x128xi32, #tpu.memory_space<vmem>> -> memref<1x128xi32, #tpu.memory_space<vmem>>
    %dma_start3A_108 = tpu.memref_squeeze %dma_start3A_107 : memref<1x128xi32, #tpu.memory_space<vmem>> -> memref<128xi32, #tpu.memory_space<vmem>>
    %dma_start3A_109 = arith.constant 0 : i32
    %dma_start3A_110 = arith.constant 0 : i32
    %dma_start3A_111 = tpu.memref_slice %arg6[%dma_start3A_109, %dma_start3A_110] : memref<10240x128xf32, #tpu.memory_space<vmem_shared>> -> memref<10240x128xf32, #tpu.memory_space<vmem_shared>>
    tpu.enqueue_indirect_dma source(%arg12 : memref<128x128xf32, #tpu.memory_space<vmem>>) target(%dma_start3A_111 : memref<10240x128xf32, #tpu.memory_space<vmem_shared>>) offsets(%dma_start3A_108 : memref<128xi32, #tpu.memory_space<vmem>>) semaphore(%arg20 : memref<!tpu.dma_semaphore, #tpu.memory_space<semaphore_mem>>) {add = true}
    %scan3A_112 = arith.constant 0 : i32
    %scan3A_113 = arith.constant 19 : i32
    %scan3A_114 = arith.addi %scan3A_112, %scan3A_113 : i32
    %scan3A_115 = arith.constant 1 : i32
    scf.for %scan3A_330 = %scan3A_112 to %scan3A_114 step %scan3A_115  : i32 {
      %mul3A_331 = arith.constant 4 : i32
      %mul3A_332 = arith.muli %scan3A_330, %mul3A_331 : i32
      %add3A_333 = arith.constant 1 : i32
      %add3A_334 = arith.addi %add3A_333, %mul3A_332 : i32
      %add3A_335 = arith.constant 0 : i32
      %add3A_336 = arith.addi %add3A_334, %add3A_335 : i32
      %add3A_337 = arith.constant 1 : i32
      %add3A_338 = arith.addi %add3A_336, %add3A_337 : i32
      %mul3A_339 = arith.constant 128 : i32
      %mul3A_340 = arith.muli %add3A_338, %mul3A_339 : i32
      %add3A_341 = arith.addi %mul3A_6, %mul3A_340 : i32
      %dma_wait3A_342 = tpu.memref_slice %arg3[%add3A_341] : memref<327680xi32, #tpu.memory_space<hbm>> -> memref<128xi32, #tpu.memory_space<hbm>>
      %dma_wait3A_343 = tpu.memref_slice %arg3[%add3A_341] : memref<327680xi32, #tpu.memory_space<hbm>> -> memref<128xi32, #tpu.memory_space<hbm>>
      tpu.wait_dma2 semaphore(%arg16 : memref<!tpu.dma_semaphore, #tpu.memory_space<semaphore_mem>>) src(%dma_wait3A_343 : memref<128xi32, #tpu.memory_space<hbm>>) dst(%arg10 : memref<128xi32, #tpu.memory_space<vmem>>)
      %sub3A = arith.constant 1 : i32
      %sub3A_344 = arith.subi %add3A_336, %sub3A : i32
      %dma_wait3A_345 = arith.constant 0 : i32
      %dma_wait3A_346 = tpu.memref_slice %arg7[%sub3A_344, %dma_wait3A_345] : memref<80x128xi32, #tpu.memory_space<vmem>> -> memref<1x128xi32, #tpu.memory_space<vmem>>
      %dma_wait3A_347 = tpu.memref_squeeze %dma_wait3A_346 : memref<1x128xi32, #tpu.memory_space<vmem>> -> memref<128xi32, #tpu.memory_space<vmem>>
      %dma_wait3A_348 = arith.constant 0 : i32
      %dma_wait3A_349 = arith.constant 0 : i32
      %dma_wait3A_350 = tpu.memref_slice %arg6[%dma_wait3A_348, %dma_wait3A_349] : memref<10240x128xf32, #tpu.memory_space<vmem_shared>> -> memref<10240x128xf32, #tpu.memory_space<vmem_shared>>
      tpu.wait_indirect_dma semaphore(%arg20 : memref<!tpu.dma_semaphore, #tpu.memory_space<semaphore_mem>>) src(%arg12 : memref<128x128xf32, #tpu.memory_space<vmem>>) dst(%dma_wait3A_350 : memref<10240x128xf32, #tpu.memory_space<vmem_shared>>)
      %dma_start3A_351 = arith.constant 0 : i32
      %dma_start3A_352 = arith.constant 0 : i32
      %dma_start3A_353 = tpu.memref_slice %arg2[%dma_start3A_351, %dma_start3A_352] : memref<10240x128xf32, #tpu.memory_space<hbm>> -> memref<10240x128xf32, #tpu.memory_space<hbm>>
      tpu.enqueue_indirect_dma source(%dma_start3A_353 : memref<10240x128xf32, #tpu.memory_space<hbm>>) target(%arg12 : memref<128x128xf32, #tpu.memory_space<vmem>>) offsets(%arg10 : memref<128xi32, #tpu.memory_space<vmem>>) semaphore(%arg18 : memref<!tpu.dma_semaphore, #tpu.memory_space<semaphore_mem>>)
      %add3A_354 = arith.constant 3 : i32
      %add3A_355 = arith.addi %add3A_336, %add3A_354 : i32
      %mul3A_356 = arith.constant 128 : i32
      %mul3A_357 = arith.muli %add3A_355, %mul3A_356 : i32
      %add3A_358 = arith.addi %mul3A_6, %mul3A_357 : i32
      %dma_start3A_359 = tpu.memref_slice %arg3[%add3A_358] : memref<327680xi32, #tpu.memory_space<hbm>> -> memref<128xi32, #tpu.memory_space<hbm>>
      %dma_start3A_360 = tpu.memref_slice %arg3[%add3A_358] : memref<327680xi32, #tpu.memory_space<hbm>> -> memref<128xi32, #tpu.memory_space<hbm>>
      tpu.enqueue_dma source(%dma_start3A_360 : memref<128xi32, #tpu.memory_space<hbm>>) target(%arg8 : memref<128xi32, #tpu.memory_space<vmem>>) target_semaphore(%arg14 : memref<!tpu.dma_semaphore, #tpu.memory_space<semaphore_mem>>)
      %dma_wait3A_361 = arith.constant 0 : i32
      %dma_wait3A_362 = arith.constant 0 : i32
      %dma_wait3A_363 = tpu.memref_slice %arg2[%dma_wait3A_361, %dma_wait3A_362] : memref<10240x128xf32, #tpu.memory_space<hbm>> -> memref<10240x128xf32, #tpu.memory_space<hbm>>
      tpu.wait_indirect_dma semaphore(%arg19 : memref<!tpu.dma_semaphore, #tpu.memory_space<semaphore_mem>>) src(%dma_wait3A_363 : memref<10240x128xf32, #tpu.memory_space<hbm>>) dst(%arg13 : memref<128x128xf32, #tpu.memory_space<vmem>>)
      %dma_start3A_364 = arith.constant 0 : i32
      %dma_start3A_365 = tpu.memref_slice %arg7[%add3A_336, %dma_start3A_364] : memref<80x128xi32, #tpu.memory_space<vmem>> -> memref<1x128xi32, #tpu.memory_space<vmem>>
      %dma_start3A_366 = tpu.memref_squeeze %dma_start3A_365 : memref<1x128xi32, #tpu.memory_space<vmem>> -> memref<128xi32, #tpu.memory_space<vmem>>
      %dma_start3A_367 = arith.constant 0 : i32
      %dma_start3A_368 = arith.constant 0 : i32
      %dma_start3A_369 = tpu.memref_slice %arg6[%dma_start3A_367, %dma_start3A_368] : memref<10240x128xf32, #tpu.memory_space<vmem_shared>> -> memref<10240x128xf32, #tpu.memory_space<vmem_shared>>
      tpu.enqueue_indirect_dma source(%arg13 : memref<128x128xf32, #tpu.memory_space<vmem>>) target(%dma_start3A_369 : memref<10240x128xf32, #tpu.memory_space<vmem_shared>>) offsets(%dma_start3A_366 : memref<128xi32, #tpu.memory_space<vmem>>) semaphore(%arg21 : memref<!tpu.dma_semaphore, #tpu.memory_space<semaphore_mem>>) {add = true}
      %add3A_370 = arith.constant 1 : i32
      %add3A_371 = arith.addi %add3A_334, %add3A_370 : i32
      %add3A_372 = arith.constant 1 : i32
      %add3A_373 = arith.addi %add3A_371, %add3A_372 : i32
      %mul3A_374 = arith.constant 128 : i32
      %mul3A_375 = arith.muli %add3A_373, %mul3A_374 : i32
      %add3A_376 = arith.addi %mul3A_6, %mul3A_375 : i32
      %dma_wait3A_377 = tpu.memref_slice %arg3[%add3A_376] : memref<327680xi32, #tpu.memory_space<hbm>> -> memref<128xi32, #tpu.memory_space<hbm>>
      %dma_wait3A_378 = tpu.memref_slice %arg3[%add3A_376] : memref<327680xi32, #tpu.memory_space<hbm>> -> memref<128xi32, #tpu.memory_space<hbm>>
      tpu.wait_dma2 semaphore(%arg17 : memref<!tpu.dma_semaphore, #tpu.memory_space<semaphore_mem>>) src(%dma_wait3A_378 : memref<128xi32, #tpu.memory_space<hbm>>) dst(%arg11 : memref<128xi32, #tpu.memory_space<vmem>>)
      %sub3A_379 = arith.constant 1 : i32
      %sub3A_380 = arith.subi %add3A_371, %sub3A_379 : i32
      %dma_wait3A_381 = arith.constant 0 : i32
      %dma_wait3A_382 = tpu.memref_slice %arg7[%sub3A_380, %dma_wait3A_381] : memref<80x128xi32, #tpu.memory_space<vmem>> -> memref<1x128xi32, #tpu.memory_space<vmem>>
      %dma_wait3A_383 = tpu.memref_squeeze %dma_wait3A_382 : memref<1x128xi32, #tpu.memory_space<vmem>> -> memref<128xi32, #tpu.memory_space<vmem>>
      %dma_wait3A_384 = arith.constant 0 : i32
      %dma_wait3A_385 = arith.constant 0 : i32
      %dma_wait3A_386 = tpu.memref_slice %arg6[%dma_wait3A_384, %dma_wait3A_385] : memref<10240x128xf32, #tpu.memory_space<vmem_shared>> -> memref<10240x128xf32, #tpu.memory_space<vmem_shared>>
      tpu.wait_indirect_dma semaphore(%arg21 : memref<!tpu.dma_semaphore, #tpu.memory_space<semaphore_mem>>) src(%arg13 : memref<128x128xf32, #tpu.memory_space<vmem>>) dst(%dma_wait3A_386 : memref<10240x128xf32, #tpu.memory_space<vmem_shared>>)
      %dma_start3A_387 = arith.constant 0 : i32
      %dma_start3A_388 = arith.constant 0 : i32
      %dma_start3A_389 = tpu.memref_slice %arg2[%dma_start3A_387, %dma_start3A_388] : memref<10240x128xf32, #tpu.memory_space<hbm>> -> memref<10240x128xf32, #tpu.memory_space<hbm>>
      tpu.enqueue_indirect_dma source(%dma_start3A_389 : memref<10240x128xf32, #tpu.memory_space<hbm>>) target(%arg13 : memref<128x128xf32, #tpu.memory_space<vmem>>) offsets(%arg11 : memref<128xi32, #tpu.memory_space<vmem>>) semaphore(%arg19 : memref<!tpu.dma_semaphore, #tpu.memory_space<semaphore_mem>>)
      %add3A_390 = arith.constant 3 : i32
      %add3A_391 = arith.addi %add3A_371, %add3A_390 : i32
      %mul3A_392 = arith.constant 128 : i32
      %mul3A_393 = arith.muli %add3A_391, %mul3A_392 : i32
      %add3A_394 = arith.addi %mul3A_6, %mul3A_393 : i32
      %dma_start3A_395 = tpu.memref_slice %arg3[%add3A_394] : memref<327680xi32, #tpu.memory_space<hbm>> -> memref<128xi32, #tpu.memory_space<hbm>>
      %dma_start3A_396 = tpu.memref_slice %arg3[%add3A_394] : memref<327680xi32, #tpu.memory_space<hbm>> -> memref<128xi32, #tpu.memory_space<hbm>>
      tpu.enqueue_dma source(%dma_start3A_396 : memref<128xi32, #tpu.memory_space<hbm>>) target(%arg9 : memref<128xi32, #tpu.memory_space<vmem>>) target_semaphore(%arg15 : memref<!tpu.dma_semaphore, #tpu.memory_space<semaphore_mem>>)
      %dma_wait3A_397 = arith.constant 0 : i32
      %dma_wait3A_398 = arith.constant 0 : i32
      %dma_wait3A_399 = tpu.memref_slice %arg2[%dma_wait3A_397, %dma_wait3A_398] : memref<10240x128xf32, #tpu.memory_space<hbm>> -> memref<10240x128xf32, #tpu.memory_space<hbm>>
      tpu.wait_indirect_dma semaphore(%arg18 : memref<!tpu.dma_semaphore, #tpu.memory_space<semaphore_mem>>) src(%dma_wait3A_399 : memref<10240x128xf32, #tpu.memory_space<hbm>>) dst(%arg12 : memref<128x128xf32, #tpu.memory_space<vmem>>)
      %dma_start3A_400 = arith.constant 0 : i32
      %dma_start3A_401 = tpu.memref_slice %arg7[%add3A_371, %dma_start3A_400] : memref<80x128xi32, #tpu.memory_space<vmem>> -> memref<1x128xi32, #tpu.memory_space<vmem>>
      %dma_start3A_402 = tpu.memref_squeeze %dma_start3A_401 : memref<1x128xi32, #tpu.memory_space<vmem>> -> memref<128xi32, #tpu.memory_space<vmem>>
      %dma_start3A_403 = arith.constant 0 : i32
      %dma_start3A_404 = arith.constant 0 : i32
      %dma_start3A_405 = tpu.memref_slice %arg6[%dma_start3A_403, %dma_start3A_404] : memref<10240x128xf32, #tpu.memory_space<vmem_shared>> -> memref<10240x128xf32, #tpu.memory_space<vmem_shared>>
      tpu.enqueue_indirect_dma source(%arg12 : memref<128x128xf32, #tpu.memory_space<vmem>>) target(%dma_start3A_405 : memref<10240x128xf32, #tpu.memory_space<vmem_shared>>) offsets(%dma_start3A_402 : memref<128xi32, #tpu.memory_space<vmem>>) semaphore(%arg20 : memref<!tpu.dma_semaphore, #tpu.memory_space<semaphore_mem>>) {add = true}
      %add3A_406 = arith.constant 2 : i32
      %add3A_407 = arith.addi %add3A_334, %add3A_406 : i32
      %add3A_408 = arith.constant 1 : i32
      %add3A_409 = arith.addi %add3A_407, %add3A_408 : i32
      %mul3A_410 = arith.constant 128 : i32
      %mul3A_411 = arith.muli %add3A_409, %mul3A_410 : i32
      %add3A_412 = arith.addi %mul3A_6, %mul3A_411 : i32
      %dma_wait3A_413 = tpu.memref_slice %arg3[%add3A_412] : memref<327680xi32, #tpu.memory_space<hbm>> -> memref<128xi32, #tpu.memory_space<hbm>>
      %dma_wait3A_414 = tpu.memref_slice %arg3[%add3A_412] : memref<327680xi32, #tpu.memory_space<hbm>> -> memref<128xi32, #tpu.memory_space<hbm>>
      tpu.wait_dma2 semaphore(%arg14 : memref<!tpu.dma_semaphore, #tpu.memory_space<semaphore_mem>>) src(%dma_wait3A_414 : memref<128xi32, #tpu.memory_space<hbm>>) dst(%arg8 : memref<128xi32, #tpu.memory_space<vmem>>)
      %sub3A_415 = arith.constant 1 : i32
      %sub3A_416 = arith.subi %add3A_407, %sub3A_415 : i32
      %dma_wait3A_417 = arith.constant 0 : i32
      %dma_wait3A_418 = tpu.memref_slice %arg7[%sub3A_416, %dma_wait3A_417] : memref<80x128xi32, #tpu.memory_space<vmem>> -> memref<1x128xi32, #tpu.memory_space<vmem>>
      %dma_wait3A_419 = tpu.memref_squeeze %dma_wait3A_418 : memref<1x128xi32, #tpu.memory_space<vmem>> -> memref<128xi32, #tpu.memory_space<vmem>>
      %dma_wait3A_420 = arith.constant 0 : i32
      %dma_wait3A_421 = arith.constant 0 : i32
      %dma_wait3A_422 = tpu.memref_slice %arg6[%dma_wait3A_420, %dma_wait3A_421] : memref<10240x128xf32, #tpu.memory_space<vmem_shared>> -> memref<10240x128xf32, #tpu.memory_space<vmem_shared>>
      tpu.wait_indirect_dma semaphore(%arg20 : memref<!tpu.dma_semaphore, #tpu.memory_space<semaphore_mem>>) src(%arg12 : memref<128x128xf32, #tpu.memory_space<vmem>>) dst(%dma_wait3A_422 : memref<10240x128xf32, #tpu.memory_space<vmem_shared>>)
      %dma_start3A_423 = arith.constant 0 : i32
      %dma_start3A_424 = arith.constant 0 : i32
      %dma_start3A_425 = tpu.memref_slice %arg2[%dma_start3A_423, %dma_start3A_424] : memref<10240x128xf32, #tpu.memory_space<hbm>> -> memref<10240x128xf32, #tpu.memory_space<hbm>>
      tpu.enqueue_indirect_dma source(%dma_start3A_425 : memref<10240x128xf32, #tpu.memory_space<hbm>>) target(%arg12 : memref<128x128xf32, #tpu.memory_space<vmem>>) offsets(%arg8 : memref<128xi32, #tpu.memory_space<vmem>>) semaphore(%arg18 : memref<!tpu.dma_semaphore, #tpu.memory_space<semaphore_mem>>)
      %add3A_426 = arith.constant 3 : i32
      %add3A_427 = arith.addi %add3A_407, %add3A_426 : i32
      %mul3A_428 = arith.constant 128 : i32
      %mul3A_429 = arith.muli %add3A_427, %mul3A_428 : i32
      %add3A_430 = arith.addi %mul3A_6, %mul3A_429 : i32
      %dma_start3A_431 = tpu.memref_slice %arg3[%add3A_430] : memref<327680xi32, #tpu.memory_space<hbm>> -> memref<128xi32, #tpu.memory_space<hbm>>
      %dma_start3A_432 = tpu.memref_slice %arg3[%add3A_430] : memref<327680xi32, #tpu.memory_space<hbm>> -> memref<128xi32, #tpu.memory_space<hbm>>
      tpu.enqueue_dma source(%dma_start3A_432 : memref<128xi32, #tpu.memory_space<hbm>>) target(%arg10 : memref<128xi32, #tpu.memory_space<vmem>>) target_semaphore(%arg16 : memref<!tpu.dma_semaphore, #tpu.memory_space<semaphore_mem>>)
      %dma_wait3A_433 = arith.constant 0 : i32
      %dma_wait3A_434 = arith.constant 0 : i32
      %dma_wait3A_435 = tpu.memref_slice %arg2[%dma_wait3A_433, %dma_wait3A_434] : memref<10240x128xf32, #tpu.memory_space<hbm>> -> memref<10240x128xf32, #tpu.memory_space<hbm>>
      tpu.wait_indirect_dma semaphore(%arg19 : memref<!tpu.dma_semaphore, #tpu.memory_space<semaphore_mem>>) src(%dma_wait3A_435 : memref<10240x128xf32, #tpu.memory_space<hbm>>) dst(%arg13 : memref<128x128xf32, #tpu.memory_space<vmem>>)
      %dma_start3A_436 = arith.constant 0 : i32
      %dma_start3A_437 = tpu.memref_slice %arg7[%add3A_407, %dma_start3A_436] : memref<80x128xi32, #tpu.memory_space<vmem>> -> memref<1x128xi32, #tpu.memory_space<vmem>>
      %dma_start3A_438 = tpu.memref_squeeze %dma_start3A_437 : memref<1x128xi32, #tpu.memory_space<vmem>> -> memref<128xi32, #tpu.memory_space<vmem>>
      %dma_start3A_439 = arith.constant 0 : i32
      %dma_start3A_440 = arith.constant 0 : i32
      %dma_start3A_441 = tpu.memref_slice %arg6[%dma_start3A_439, %dma_start3A_440] : memref<10240x128xf32, #tpu.memory_space<vmem_shared>> -> memref<10240x128xf32, #tpu.memory_space<vmem_shared>>
      tpu.enqueue_indirect_dma source(%arg13 : memref<128x128xf32, #tpu.memory_space<vmem>>) target(%dma_start3A_441 : memref<10240x128xf32, #tpu.memory_space<vmem_shared>>) offsets(%dma_start3A_438 : memref<128xi32, #tpu.memory_space<vmem>>) semaphore(%arg21 : memref<!tpu.dma_semaphore, #tpu.memory_space<semaphore_mem>>) {add = true}
      %add3A_442 = arith.constant 3 : i32
      %add3A_443 = arith.addi %add3A_334, %add3A_442 : i32
      %add3A_444 = arith.constant 1 : i32
      %add3A_445 = arith.addi %add3A_443, %add3A_444 : i32
      %mul3A_446 = arith.constant 128 : i32
      %mul3A_447 = arith.muli %add3A_445, %mul3A_446 : i32
      %add3A_448 = arith.addi %mul3A_6, %mul3A_447 : i32
      %dma_wait3A_449 = tpu.memref_slice %arg3[%add3A_448] : memref<327680xi32, #tpu.memory_space<hbm>> -> memref<128xi32, #tpu.memory_space<hbm>>
      %dma_wait3A_450 = tpu.memref_slice %arg3[%add3A_448] : memref<327680xi32, #tpu.memory_space<hbm>> -> memref<128xi32, #tpu.memory_space<hbm>>
      tpu.wait_dma2 semaphore(%arg15 : memref<!tpu.dma_semaphore, #tpu.memory_space<semaphore_mem>>) src(%dma_wait3A_450 : memref<128xi32, #tpu.memory_space<hbm>>) dst(%arg9 : memref<128xi32, #tpu.memory_space<vmem>>)
      %sub3A_451 = arith.constant 1 : i32
      %sub3A_452 = arith.subi %add3A_443, %sub3A_451 : i32
      %dma_wait3A_453 = arith.constant 0 : i32
      %dma_wait3A_454 = tpu.memref_slice %arg7[%sub3A_452, %dma_wait3A_453] : memref<80x128xi32, #tpu.memory_space<vmem>> -> memref<1x128xi32, #tpu.memory_space<vmem>>
      %dma_wait3A_455 = tpu.memref_squeeze %dma_wait3A_454 : memref<1x128xi32, #tpu.memory_space<vmem>> -> memref<128xi32, #tpu.memory_space<vmem>>
      %dma_wait3A_456 = arith.constant 0 : i32
      %dma_wait3A_457 = arith.constant 0 : i32
      %dma_wait3A_458 = tpu.memref_slice %arg6[%dma_wait3A_456, %dma_wait3A_457] : memref<10240x128xf32, #tpu.memory_space<vmem_shared>> -> memref<10240x128xf32, #tpu.memory_space<vmem_shared>>
      tpu.wait_indirect_dma semaphore(%arg21 : memref<!tpu.dma_semaphore, #tpu.memory_space<semaphore_mem>>) src(%arg13 : memref<128x128xf32, #tpu.memory_space<vmem>>) dst(%dma_wait3A_458 : memref<10240x128xf32, #tpu.memory_space<vmem_shared>>)
      %dma_start3A_459 = arith.constant 0 : i32
      %dma_start3A_460 = arith.constant 0 : i32
      %dma_start3A_461 = tpu.memref_slice %arg2[%dma_start3A_459, %dma_start3A_460] : memref<10240x128xf32, #tpu.memory_space<hbm>> -> memref<10240x128xf32, #tpu.memory_space<hbm>>
      tpu.enqueue_indirect_dma source(%dma_start3A_461 : memref<10240x128xf32, #tpu.memory_space<hbm>>) target(%arg13 : memref<128x128xf32, #tpu.memory_space<vmem>>) offsets(%arg9 : memref<128xi32, #tpu.memory_space<vmem>>) semaphore(%arg19 : memref<!tpu.dma_semaphore, #tpu.memory_space<semaphore_mem>>)
      %add3A_462 = arith.constant 3 : i32
      %add3A_463 = arith.addi %add3A_443, %add3A_462 : i32
      %mul3A_464 = arith.constant 128 : i32
      %mul3A_465 = arith.muli %add3A_463, %mul3A_464 : i32
      %add3A_466 = arith.addi %mul3A_6, %mul3A_465 : i32
      %dma_start3A_467 = tpu.memref_slice %arg3[%add3A_466] : memref<327680xi32, #tpu.memory_space<hbm>> -> memref<128xi32, #tpu.memory_space<hbm>>
      %dma_start3A_468 = tpu.memref_slice %arg3[%add3A_466] : memref<327680xi32, #tpu.memory_space<hbm>> -> memref<128xi32, #tpu.memory_space<hbm>>
      tpu.enqueue_dma source(%dma_start3A_468 : memref<128xi32, #tpu.memory_space<hbm>>) target(%arg11 : memref<128xi32, #tpu.memory_space<vmem>>) target_semaphore(%arg17 : memref<!tpu.dma_semaphore, #tpu.memory_space<semaphore_mem>>)
      %dma_wait3A_469 = arith.constant 0 : i32
      %dma_wait3A_470 = arith.constant 0 : i32
      %dma_wait3A_471 = tpu.memref_slice %arg2[%dma_wait3A_469, %dma_wait3A_470] : memref<10240x128xf32, #tpu.memory_space<hbm>> -> memref<10240x128xf32, #tpu.memory_space<hbm>>
      tpu.wait_indirect_dma semaphore(%arg18 : memref<!tpu.dma_semaphore, #tpu.memory_space<semaphore_mem>>) src(%dma_wait3A_471 : memref<10240x128xf32, #tpu.memory_space<hbm>>) dst(%arg12 : memref<128x128xf32, #tpu.memory_space<vmem>>)
      %dma_start3A_472 = arith.constant 0 : i32
      %dma_start3A_473 = tpu.memref_slice %arg7[%add3A_443, %dma_start3A_472] : memref<80x128xi32, #tpu.memory_space<vmem>> -> memref<1x128xi32, #tpu.memory_space<vmem>>
      %dma_start3A_474 = tpu.memref_squeeze %dma_start3A_473 : memref<1x128xi32, #tpu.memory_space<vmem>> -> memref<128xi32, #tpu.memory_space<vmem>>
      %dma_start3A_475 = arith.constant 0 : i32
      %dma_start3A_476 = arith.constant 0 : i32
      %dma_start3A_477 = tpu.memref_slice %arg6[%dma_start3A_475, %dma_start3A_476] : memref<10240x128xf32, #tpu.memory_space<vmem_shared>> -> memref<10240x128xf32, #tpu.memory_space<vmem_shared>>
      tpu.enqueue_indirect_dma source(%arg12 : memref<128x128xf32, #tpu.memory_space<vmem>>) target(%dma_start3A_477 : memref<10240x128xf32, #tpu.memory_space<vmem_shared>>) offsets(%dma_start3A_474 : memref<128xi32, #tpu.memory_space<vmem>>) semaphore(%arg20 : memref<!tpu.dma_semaphore, #tpu.memory_space<semaphore_mem>>) {add = true}
    }
    %scan3A_116 = arith.constant 19 : i32
    %add3A_117 = arith.constant 9984 : i32
    %add3A_118 = arith.addi %mul3A_6, %add3A_117 : i32
    %dma_wait3A_119 = tpu.memref_slice %arg3[%add3A_118] : memref<327680xi32, #tpu.memory_space<hbm>> -> memref<128xi32, #tpu.memory_space<hbm>>
    %dma_wait3A_120 = tpu.memref_slice %arg3[%add3A_118] : memref<327680xi32, #tpu.memory_space<hbm>> -> memref<128xi32, #tpu.memory_space<hbm>>
    tpu.wait_dma2 semaphore(%arg16 : memref<!tpu.dma_semaphore, #tpu.memory_space<semaphore_mem>>) src(%dma_wait3A_120 : memref<128xi32, #tpu.memory_space<hbm>>) dst(%arg10 : memref<128xi32, #tpu.memory_space<vmem>>)
    %dma_wait3A_121 = arith.constant 76 : i32
    %dma_wait3A_122 = arith.constant 0 : i32
    %dma_wait3A_123 = tpu.memref_slice %arg7[%dma_wait3A_121, %dma_wait3A_122] : memref<80x128xi32, #tpu.memory_space<vmem>> -> memref<1x128xi32, #tpu.memory_space<vmem>>
    %dma_wait3A_124 = tpu.memref_squeeze %dma_wait3A_123 : memref<1x128xi32, #tpu.memory_space<vmem>> -> memref<128xi32, #tpu.memory_space<vmem>>
    %dma_wait3A_125 = arith.constant 0 : i32
    %dma_wait3A_126 = arith.constant 0 : i32
    %dma_wait3A_127 = tpu.memref_slice %arg6[%dma_wait3A_125, %dma_wait3A_126] : memref<10240x128xf32, #tpu.memory_space<vmem_shared>> -> memref<10240x128xf32, #tpu.memory_space<vmem_shared>>
    tpu.wait_indirect_dma semaphore(%arg20 : memref<!tpu.dma_semaphore, #tpu.memory_space<semaphore_mem>>) src(%arg12 : memref<128x128xf32, #tpu.memory_space<vmem>>) dst(%dma_wait3A_127 : memref<10240x128xf32, #tpu.memory_space<vmem_shared>>)
    %dma_start3A_128 = arith.constant 0 : i32
    %dma_start3A_129 = arith.constant 0 : i32
    %dma_start3A_130 = tpu.memref_slice %arg2[%dma_start3A_128, %dma_start3A_129] : memref<10240x128xf32, #tpu.memory_space<hbm>> -> memref<10240x128xf32, #tpu.memory_space<hbm>>
    tpu.enqueue_indirect_dma source(%dma_start3A_130 : memref<10240x128xf32, #tpu.memory_space<hbm>>) target(%arg12 : memref<128x128xf32, #tpu.memory_space<vmem>>) offsets(%arg10 : memref<128xi32, #tpu.memory_space<vmem>>) semaphore(%arg18 : memref<!tpu.dma_semaphore, #tpu.memory_space<semaphore_mem>>)
    %dma_wait3A_131 = arith.constant 0 : i32
    %dma_wait3A_132 = arith.constant 0 : i32
    %dma_wait3A_133 = tpu.memref_slice %arg2[%dma_wait3A_131, %dma_wait3A_132] : memref<10240x128xf32, #tpu.memory_space<hbm>> -> memref<10240x128xf32, #tpu.memory_space<hbm>>
    tpu.wait_indirect_dma semaphore(%arg19 : memref<!tpu.dma_semaphore, #tpu.memory_space<semaphore_mem>>) src(%dma_wait3A_133 : memref<10240x128xf32, #tpu.memory_space<hbm>>) dst(%arg13 : memref<128x128xf32, #tpu.memory_space<vmem>>)
    %dma_start3A_134 = arith.constant 77 : i32
    %dma_start3A_135 = arith.constant 0 : i32
    %dma_start3A_136 = tpu.memref_slice %arg7[%dma_start3A_134, %dma_start3A_135] : memref<80x128xi32, #tpu.memory_space<vmem>> -> memref<1x128xi32, #tpu.memory_space<vmem>>
    %dma_start3A_137 = tpu.memref_squeeze %dma_start3A_136 : memref<1x128xi32, #tpu.memory_space<vmem>> -> memref<128xi32, #tpu.memory_space<vmem>>
    %dma_start3A_138 = arith.constant 0 : i32
    %dma_start3A_139 = arith.constant 0 : i32
    %dma_start3A_140 = tpu.memref_slice %arg6[%dma_start3A_138, %dma_start3A_139] : memref<10240x128xf32, #tpu.memory_space<vmem_shared>> -> memref<10240x128xf32, #tpu.memory_space<vmem_shared>>
    tpu.enqueue_indirect_dma source(%arg13 : memref<128x128xf32, #tpu.memory_space<vmem>>) target(%dma_start3A_140 : memref<10240x128xf32, #tpu.memory_space<vmem_shared>>) offsets(%dma_start3A_137 : memref<128xi32, #tpu.memory_space<vmem>>) semaphore(%arg21 : memref<!tpu.dma_semaphore, #tpu.memory_space<semaphore_mem>>) {add = true}
    %add3A_141 = arith.constant 10112 : i32
    %add3A_142 = arith.addi %mul3A_6, %add3A_141 : i32
    %dma_wait3A_143 = tpu.memref_slice %arg3[%add3A_142] : memref<327680xi32, #tpu.memory_space<hbm>> -> memref<128xi32, #tpu.memory_space<hbm>>
    %dma_wait3A_144 = tpu.memref_slice %arg3[%add3A_142] : memref<327680xi32, #tpu.memory_space<hbm>> -> memref<128xi32, #tpu.memory_space<hbm>>
    tpu.wait_dma2 semaphore(%arg17 : memref<!tpu.dma_semaphore, #tpu.memory_space<semaphore_mem>>) src(%dma_wait3A_144 : memref<128xi32, #tpu.memory_space<hbm>>) dst(%arg11 : memref<128xi32, #tpu.memory_space<vmem>>)
    %dma_wait3A_145 = arith.constant 77 : i32
    %dma_wait3A_146 = arith.constant 0 : i32
    %dma_wait3A_147 = tpu.memref_slice %arg7[%dma_wait3A_145, %dma_wait3A_146] : memref<80x128xi32, #tpu.memory_space<vmem>> -> memref<1x128xi32, #tpu.memory_space<vmem>>
    %dma_wait3A_148 = tpu.memref_squeeze %dma_wait3A_147 : memref<1x128xi32, #tpu.memory_space<vmem>> -> memref<128xi32, #tpu.memory_space<vmem>>
    %dma_wait3A_149 = arith.constant 0 : i32
    %dma_wait3A_150 = arith.constant 0 : i32
    %dma_wait3A_151 = tpu.memref_slice %arg6[%dma_wait3A_149, %dma_wait3A_150] : memref<10240x128xf32, #tpu.memory_space<vmem_shared>> -> memref<10240x128xf32, #tpu.memory_space<vmem_shared>>
    tpu.wait_indirect_dma semaphore(%arg21 : memref<!tpu.dma_semaphore, #tpu.memory_space<semaphore_mem>>) src(%arg13 : memref<128x128xf32, #tpu.memory_space<vmem>>) dst(%dma_wait3A_151 : memref<10240x128xf32, #tpu.memory_space<vmem_shared>>)
    %dma_start3A_152 = arith.constant 0 : i32
    %dma_start3A_153 = arith.constant 0 : i32
    %dma_start3A_154 = tpu.memref_slice %arg2[%dma_start3A_152, %dma_start3A_153] : memref<10240x128xf32, #tpu.memory_space<hbm>> -> memref<10240x128xf32, #tpu.memory_space<hbm>>
    tpu.enqueue_indirect_dma source(%dma_start3A_154 : memref<10240x128xf32, #tpu.memory_space<hbm>>) target(%arg13 : memref<128x128xf32, #tpu.memory_space<vmem>>) offsets(%arg11 : memref<128xi32, #tpu.memory_space<vmem>>) semaphore(%arg19 : memref<!tpu.dma_semaphore, #tpu.memory_space<semaphore_mem>>)
    %dma_wait3A_155 = arith.constant 0 : i32
    %dma_wait3A_156 = arith.constant 0 : i32
    %dma_wait3A_157 = tpu.memref_slice %arg2[%dma_wait3A_155, %dma_wait3A_156] : memref<10240x128xf32, #tpu.memory_space<hbm>> -> memref<10240x128xf32, #tpu.memory_space<hbm>>
    tpu.wait_indirect_dma semaphore(%arg18 : memref<!tpu.dma_semaphore, #tpu.memory_space<semaphore_mem>>) src(%dma_wait3A_157 : memref<10240x128xf32, #tpu.memory_space<hbm>>) dst(%arg12 : memref<128x128xf32, #tpu.memory_space<vmem>>)
    %dma_start3A_158 = arith.constant 78 : i32
    %dma_start3A_159 = arith.constant 0 : i32
    %dma_start3A_160 = tpu.memref_slice %arg7[%dma_start3A_158, %dma_start3A_159] : memref<80x128xi32, #tpu.memory_space<vmem>> -> memref<1x128xi32, #tpu.memory_space<vmem>>
    %dma_start3A_161 = tpu.memref_squeeze %dma_start3A_160 : memref<1x128xi32, #tpu.memory_space<vmem>> -> memref<128xi32, #tpu.memory_space<vmem>>
    %dma_start3A_162 = arith.constant 0 : i32
    %dma_start3A_163 = arith.constant 0 : i32
    %dma_start3A_164 = tpu.memref_slice %arg6[%dma_start3A_162, %dma_start3A_163] : memref<10240x128xf32, #tpu.memory_space<vmem_shared>> -> memref<10240x128xf32, #tpu.memory_space<vmem_shared>>
    tpu.enqueue_indirect_dma source(%arg12 : memref<128x128xf32, #tpu.memory_space<vmem>>) target(%dma_start3A_164 : memref<10240x128xf32, #tpu.memory_space<vmem_shared>>) offsets(%dma_start3A_161 : memref<128xi32, #tpu.memory_space<vmem>>) semaphore(%arg20 : memref<!tpu.dma_semaphore, #tpu.memory_space<semaphore_mem>>) {add = true}
    %dma_wait3A_165 = arith.constant 78 : i32
    %dma_wait3A_166 = arith.constant 0 : i32
    %dma_wait3A_167 = tpu.memref_slice %arg7[%dma_wait3A_165, %dma_wait3A_166] : memref<80x128xi32, #tpu.memory_space<vmem>> -> memref<1x128xi32, #tpu.memory_space<vmem>>
    %dma_wait3A_168 = tpu.memref_squeeze %dma_wait3A_167 : memref<1x128xi32, #tpu.memory_space<vmem>> -> memref<128xi32, #tpu.memory_space<vmem>>
    %dma_wait3A_169 = arith.constant 0 : i32
    %dma_wait3A_170 = arith.constant 0 : i32
    %dma_wait3A_171 = tpu.memref_slice %arg6[%dma_wait3A_169, %dma_wait3A_170] : memref<10240x128xf32, #tpu.memory_space<vmem_shared>> -> memref<10240x128xf32, #tpu.memory_space<vmem_shared>>
    tpu.wait_indirect_dma semaphore(%arg20 : memref<!tpu.dma_semaphore, #tpu.memory_space<semaphore_mem>>) src(%arg12 : memref<128x128xf32, #tpu.memory_space<vmem>>) dst(%dma_wait3A_171 : memref<10240x128xf32, #tpu.memory_space<vmem_shared>>)
    %dma_wait3A_172 = arith.constant 0 : i32
    %dma_wait3A_173 = arith.constant 0 : i32
    %dma_wait3A_174 = tpu.memref_slice %arg2[%dma_wait3A_172, %dma_wait3A_173] : memref<10240x128xf32, #tpu.memory_space<hbm>> -> memref<10240x128xf32, #tpu.memory_space<hbm>>
    tpu.wait_indirect_dma semaphore(%arg19 : memref<!tpu.dma_semaphore, #tpu.memory_space<semaphore_mem>>) src(%dma_wait3A_174 : memref<10240x128xf32, #tpu.memory_space<hbm>>) dst(%arg13 : memref<128x128xf32, #tpu.memory_space<vmem>>)
    %dma_start3A_175 = arith.constant 79 : i32
    %dma_start3A_176 = arith.constant 0 : i32
    %dma_start3A_177 = tpu.memref_slice %arg7[%dma_start3A_175, %dma_start3A_176] : memref<80x128xi32, #tpu.memory_space<vmem>> -> memref<1x128xi32, #tpu.memory_space<vmem>>
    %dma_start3A_178 = tpu.memref_squeeze %dma_start3A_177 : memref<1x128xi32, #tpu.memory_space<vmem>> -> memref<128xi32, #tpu.memory_space<vmem>>
    %dma_start3A_179 = arith.constant 0 : i32
    %dma_start3A_180 = arith.constant 0 : i32
    %dma_start3A_181 = tpu.memref_slice %arg6[%dma_start3A_179, %dma_start3A_180] : memref<10240x128xf32, #tpu.memory_space<vmem_shared>> -> memref<10240x128xf32, #tpu.memory_space<vmem_shared>>
    tpu.enqueue_indirect_dma source(%arg13 : memref<128x128xf32, #tpu.memory_space<vmem>>) target(%dma_start3A_181 : memref<10240x128xf32, #tpu.memory_space<vmem_shared>>) offsets(%dma_start3A_178 : memref<128xi32, #tpu.memory_space<vmem>>) semaphore(%arg21 : memref<!tpu.dma_semaphore, #tpu.memory_space<semaphore_mem>>) {add = true}
    %dma_wait3A_182 = arith.constant 79 : i32
    %dma_wait3A_183 = arith.constant 0 : i32
    %dma_wait3A_184 = tpu.memref_slice %arg7[%dma_wait3A_182, %dma_wait3A_183] : memref<80x128xi32, #tpu.memory_space<vmem>> -> memref<1x128xi32, #tpu.memory_space<vmem>>
    %dma_wait3A_185 = tpu.memref_squeeze %dma_wait3A_184 : memref<1x128xi32, #tpu.memory_space<vmem>> -> memref<128xi32, #tpu.memory_space<vmem>>
    %dma_wait3A_186 = arith.constant 0 : i32
    %dma_wait3A_187 = arith.constant 0 : i32
    %dma_wait3A_188 = tpu.memref_slice %arg6[%dma_wait3A_186, %dma_wait3A_187] : memref<10240x128xf32, #tpu.memory_space<vmem_shared>> -> memref<10240x128xf32, #tpu.memory_space<vmem_shared>>
    tpu.wait_indirect_dma semaphore(%arg21 : memref<!tpu.dma_semaphore, #tpu.memory_space<semaphore_mem>>) src(%arg13 : memref<128x128xf32, #tpu.memory_space<vmem>>) dst(%dma_wait3A_188 : memref<10240x128xf32, #tpu.memory_space<vmem_shared>>)
    %barrier3A_189 = arith.constant 0 : index
    tpu.barrier barrier_id(%barrier3A_189)
    %add3A_190 = arith.constant 0 : i32
    %add3A_191 = arith.addi %mul3A_2, %add3A_190 : i32
    %dma_start3A_192 = arith.constant 0 : i32
    %dma_start3A_193 = tpu.memref_slice %arg6[%add3A_191, %dma_start3A_192] : memref<10240x128xf32, #tpu.memory_space<vmem_shared>> -> memref<128x128xf32, #tpu.memory_space<vmem_shared>>
    %dma_start3A_194 = arith.constant 0 : i32
    %dma_start3A_195 = tpu.memref_slice %arg6[%add3A_191, %dma_start3A_194] : memref<10240x128xf32, #tpu.memory_space<vmem_shared>> -> memref<128x128xf32, #tpu.memory_space<vmem_shared>>
    tpu.enqueue_dma source(%dma_start3A_195 : memref<128x128xf32, #tpu.memory_space<vmem_shared>>) target(%arg12 : memref<128x128xf32, #tpu.memory_space<vmem>>) target_semaphore(%arg23 : memref<!tpu.dma_semaphore, #tpu.memory_space<semaphore_mem>>)
    %add3A_196 = arith.constant 128 : i32
    %add3A_197 = arith.addi %mul3A_2, %add3A_196 : i32
    %dma_start3A_198 = arith.constant 0 : i32
    %dma_start3A_199 = tpu.memref_slice %arg6[%add3A_197, %dma_start3A_198] : memref<10240x128xf32, #tpu.memory_space<vmem_shared>> -> memref<128x128xf32, #tpu.memory_space<vmem_shared>>
    %dma_start3A_200 = arith.constant 0 : i32
    %dma_start3A_201 = tpu.memref_slice %arg6[%add3A_197, %dma_start3A_200] : memref<10240x128xf32, #tpu.memory_space<vmem_shared>> -> memref<128x128xf32, #tpu.memory_space<vmem_shared>>
    tpu.enqueue_dma source(%dma_start3A_201 : memref<128x128xf32, #tpu.memory_space<vmem_shared>>) target(%arg13 : memref<128x128xf32, #tpu.memory_space<vmem>>) target_semaphore(%arg24 : memref<!tpu.dma_semaphore, #tpu.memory_space<semaphore_mem>>)
    %add3A_202 = arith.constant 0 : i32
    %add3A_203 = arith.addi %mul3A_2, %add3A_202 : i32
    %dma_wait3A_204 = arith.constant 0 : i32
    %dma_wait3A_205 = tpu.memref_slice %arg6[%add3A_203, %dma_wait3A_204] : memref<10240x128xf32, #tpu.memory_space<vmem_shared>> -> memref<128x128xf32, #tpu.memory_space<vmem_shared>>
    %dma_wait3A_206 = arith.constant 0 : i32
    %dma_wait3A_207 = tpu.memref_slice %arg6[%add3A_203, %dma_wait3A_206] : memref<10240x128xf32, #tpu.memory_space<vmem_shared>> -> memref<128x128xf32, #tpu.memory_space<vmem_shared>>
    tpu.wait_dma2 semaphore(%arg23 : memref<!tpu.dma_semaphore, #tpu.memory_space<semaphore_mem>>) src(%dma_wait3A_207 : memref<128x128xf32, #tpu.memory_space<vmem_shared>>) dst(%arg12 : memref<128x128xf32, #tpu.memory_space<vmem>>)
    %add3A_208 = arith.constant 0 : i32
    %add3A_209 = arith.addi %mul3A_2, %add3A_208 : i32
    %dma_start3A_210 = arith.constant 0 : i32
    %dma_start3A_211 = tpu.memref_slice %arg5[%arg0, %add3A_209, %dma_start3A_210] : memref<2x10240x128xf32, #tpu.memory_space<hbm>> -> memref<1x128x128xf32, #tpu.memory_space<hbm>>
    %dma_start3A_212 = tpu.memref_squeeze %dma_start3A_211 : memref<1x128x128xf32, #tpu.memory_space<hbm>> -> memref<128x128xf32, #tpu.memory_space<hbm>>
    %dma_start3A_213 = arith.constant 0 : i32
    %dma_start3A_214 = tpu.memref_slice %arg5[%arg0, %add3A_209, %dma_start3A_213] : memref<2x10240x128xf32, #tpu.memory_space<hbm>> -> memref<1x128x128xf32, #tpu.memory_space<hbm>>
    %dma_start3A_215 = tpu.memref_squeeze %dma_start3A_214 : memref<1x128x128xf32, #tpu.memory_space<hbm>> -> memref<128x128xf32, #tpu.memory_space<hbm>>
    tpu.enqueue_dma source(%arg12 : memref<128x128xf32, #tpu.memory_space<vmem>>) target(%dma_start3A_215 : memref<128x128xf32, #tpu.memory_space<hbm>>) target_semaphore(%arg25 : memref<!tpu.dma_semaphore, #tpu.memory_space<semaphore_mem>>)
    %add3A_216 = arith.constant 0 : i32
    %add3A_217 = arith.addi %mul3A_2, %add3A_216 : i32
    %dma_wait3A_218 = arith.constant 0 : i32
    %dma_wait3A_219 = tpu.memref_slice %arg5[%arg0, %add3A_217, %dma_wait3A_218] : memref<2x10240x128xf32, #tpu.memory_space<hbm>> -> memref<1x128x128xf32, #tpu.memory_space<hbm>>
    %dma_wait3A_220 = tpu.memref_squeeze %dma_wait3A_219 : memref<1x128x128xf32, #tpu.memory_space<hbm>> -> memref<128x128xf32, #tpu.memory_space<hbm>>
    %dma_wait3A_221 = arith.constant 0 : i32
    %dma_wait3A_222 = tpu.memref_slice %arg5[%arg0, %add3A_217, %dma_wait3A_221] : memref<2x10240x128xf32, #tpu.memory_space<hbm>> -> memref<1x128x128xf32, #tpu.memory_space<hbm>>
    %dma_wait3A_223 = tpu.memref_squeeze %dma_wait3A_222 : memref<1x128x128xf32, #tpu.memory_space<hbm>> -> memref<128x128xf32, #tpu.memory_space<hbm>>
    tpu.wait_dma2 semaphore(%arg25 : memref<!tpu.dma_semaphore, #tpu.memory_space<semaphore_mem>>) src(%arg12 : memref<128x128xf32, #tpu.memory_space<vmem>>) dst(%dma_wait3A_223 : memref<128x128xf32, #tpu.memory_space<hbm>>)
    %add3A_224 = arith.constant 256 : i32
    %add3A_225 = arith.addi %mul3A_2, %add3A_224 : i32
    %dma_start3A_226 = arith.constant 0 : i32
    %dma_start3A_227 = tpu.memref_slice %arg6[%add3A_225, %dma_start3A_226] : memref<10240x128xf32, #tpu.memory_space<vmem_shared>> -> memref<128x128xf32, #tpu.memory_space<vmem_shared>>
    %dma_start3A_228 = arith.constant 0 : i32
    %dma_start3A_229 = tpu.memref_slice %arg6[%add3A_225, %dma_start3A_228] : memref<10240x128xf32, #tpu.memory_space<vmem_shared>> -> memref<128x128xf32, #tpu.memory_space<vmem_shared>>
    tpu.enqueue_dma source(%dma_start3A_229 : memref<128x128xf32, #tpu.memory_space<vmem_shared>>) target(%arg12 : memref<128x128xf32, #tpu.memory_space<vmem>>) target_semaphore(%arg23 : memref<!tpu.dma_semaphore, #tpu.memory_space<semaphore_mem>>)
    %add3A_230 = arith.constant 128 : i32
    %add3A_231 = arith.addi %mul3A_2, %add3A_230 : i32
    %dma_wait3A_232 = arith.constant 0 : i32
    %dma_wait3A_233 = tpu.memref_slice %arg6[%add3A_231, %dma_wait3A_232] : memref<10240x128xf32, #tpu.memory_space<vmem_shared>> -> memref<128x128xf32, #tpu.memory_space<vmem_shared>>
    %dma_wait3A_234 = arith.constant 0 : i32
    %dma_wait3A_235 = tpu.memref_slice %arg6[%add3A_231, %dma_wait3A_234] : memref<10240x128xf32, #tpu.memory_space<vmem_shared>> -> memref<128x128xf32, #tpu.memory_space<vmem_shared>>
    tpu.wait_dma2 semaphore(%arg24 : memref<!tpu.dma_semaphore, #tpu.memory_space<semaphore_mem>>) src(%dma_wait3A_235 : memref<128x128xf32, #tpu.memory_space<vmem_shared>>) dst(%arg13 : memref<128x128xf32, #tpu.memory_space<vmem>>)
    %add3A_236 = arith.constant 128 : i32
    %add3A_237 = arith.addi %mul3A_2, %add3A_236 : i32
    %dma_start3A_238 = arith.constant 0 : i32
    %dma_start3A_239 = tpu.memref_slice %arg5[%arg0, %add3A_237, %dma_start3A_238] : memref<2x10240x128xf32, #tpu.memory_space<hbm>> -> memref<1x128x128xf32, #tpu.memory_space<hbm>>
    %dma_start3A_240 = tpu.memref_squeeze %dma_start3A_239 : memref<1x128x128xf32, #tpu.memory_space<hbm>> -> memref<128x128xf32, #tpu.memory_space<hbm>>
    %dma_start3A_241 = arith.constant 0 : i32
    %dma_start3A_242 = tpu.memref_slice %arg5[%arg0, %add3A_237, %dma_start3A_241] : memref<2x10240x128xf32, #tpu.memory_space<hbm>> -> memref<1x128x128xf32, #tpu.memory_space<hbm>>
    %dma_start3A_243 = tpu.memref_squeeze %dma_start3A_242 : memref<1x128x128xf32, #tpu.memory_space<hbm>> -> memref<128x128xf32, #tpu.memory_space<hbm>>
    tpu.enqueue_dma source(%arg13 : memref<128x128xf32, #tpu.memory_space<vmem>>) target(%dma_start3A_243 : memref<128x128xf32, #tpu.memory_space<hbm>>) target_semaphore(%arg26 : memref<!tpu.dma_semaphore, #tpu.memory_space<semaphore_mem>>)
    %add3A_244 = arith.constant 128 : i32
    %add3A_245 = arith.addi %mul3A_2, %add3A_244 : i32
    %dma_wait3A_246 = arith.constant 0 : i32
    %dma_wait3A_247 = tpu.memref_slice %arg5[%arg0, %add3A_245, %dma_wait3A_246] : memref<2x10240x128xf32, #tpu.memory_space<hbm>> -> memref<1x128x128xf32, #tpu.memory_space<hbm>>
    %dma_wait3A_248 = tpu.memref_squeeze %dma_wait3A_247 : memref<1x128x128xf32, #tpu.memory_space<hbm>> -> memref<128x128xf32, #tpu.memory_space<hbm>>
    %dma_wait3A_249 = arith.constant 0 : i32
    %dma_wait3A_250 = tpu.memref_slice %arg5[%arg0, %add3A_245, %dma_wait3A_249] : memref<2x10240x128xf32, #tpu.memory_space<hbm>> -> memref<1x128x128xf32, #tpu.memory_space<hbm>>
    %dma_wait3A_251 = tpu.memref_squeeze %dma_wait3A_250 : memref<1x128x128xf32, #tpu.memory_space<hbm>> -> memref<128x128xf32, #tpu.memory_space<hbm>>
    tpu.wait_dma2 semaphore(%arg26 : memref<!tpu.dma_semaphore, #tpu.memory_space<semaphore_mem>>) src(%arg13 : memref<128x128xf32, #tpu.memory_space<vmem>>) dst(%dma_wait3A_251 : memref<128x128xf32, #tpu.memory_space<hbm>>)
    %add3A_252 = arith.constant 384 : i32
    %add3A_253 = arith.addi %mul3A_2, %add3A_252 : i32
    %dma_start3A_254 = arith.constant 0 : i32
    %dma_start3A_255 = tpu.memref_slice %arg6[%add3A_253, %dma_start3A_254] : memref<10240x128xf32, #tpu.memory_space<vmem_shared>> -> memref<128x128xf32, #tpu.memory_space<vmem_shared>>
    %dma_start3A_256 = arith.constant 0 : i32
    %dma_start3A_257 = tpu.memref_slice %arg6[%add3A_253, %dma_start3A_256] : memref<10240x128xf32, #tpu.memory_space<vmem_shared>> -> memref<128x128xf32, #tpu.memory_space<vmem_shared>>
    tpu.enqueue_dma source(%dma_start3A_257 : memref<128x128xf32, #tpu.memory_space<vmem_shared>>) target(%arg13 : memref<128x128xf32, #tpu.memory_space<vmem>>) target_semaphore(%arg24 : memref<!tpu.dma_semaphore, #tpu.memory_space<semaphore_mem>>)
    %add3A_258 = arith.constant 256 : i32
    %add3A_259 = arith.addi %mul3A_2, %add3A_258 : i32
    %dma_wait3A_260 = arith.constant 0 : i32
    %dma_wait3A_261 = tpu.memref_slice %arg6[%add3A_259, %dma_wait3A_260] : memref<10240x128xf32, #tpu.memory_space<vmem_shared>> -> memref<128x128xf32, #tpu.memory_space<vmem_shared>>
    %dma_wait3A_262 = arith.constant 0 : i32
    %dma_wait3A_263 = tpu.memref_slice %arg6[%add3A_259, %dma_wait3A_262] : memref<10240x128xf32, #tpu.memory_space<vmem_shared>> -> memref<128x128xf32, #tpu.memory_space<vmem_shared>>
    tpu.wait_dma2 semaphore(%arg23 : memref<!tpu.dma_semaphore, #tpu.memory_space<semaphore_mem>>) src(%dma_wait3A_263 : memref<128x128xf32, #tpu.memory_space<vmem_shared>>) dst(%arg12 : memref<128x128xf32, #tpu.memory_space<vmem>>)
    %add3A_264 = arith.constant 256 : i32
    %add3A_265 = arith.addi %mul3A_2, %add3A_264 : i32
    %dma_start3A_266 = arith.constant 0 : i32
    %dma_start3A_267 = tpu.memref_slice %arg5[%arg0, %add3A_265, %dma_start3A_266] : memref<2x10240x128xf32, #tpu.memory_space<hbm>> -> memref<1x128x128xf32, #tpu.memory_space<hbm>>
    %dma_start3A_268 = tpu.memref_squeeze %dma_start3A_267 : memref<1x128x128xf32, #tpu.memory_space<hbm>> -> memref<128x128xf32, #tpu.memory_space<hbm>>
    %dma_start3A_269 = arith.constant 0 : i32
    %dma_start3A_270 = tpu.memref_slice %arg5[%arg0, %add3A_265, %dma_start3A_269] : memref<2x10240x128xf32, #tpu.memory_space<hbm>> -> memref<1x128x128xf32, #tpu.memory_space<hbm>>
    %dma_start3A_271 = tpu.memref_squeeze %dma_start3A_270 : memref<1x128x128xf32, #tpu.memory_space<hbm>> -> memref<128x128xf32, #tpu.memory_space<hbm>>
    tpu.enqueue_dma source(%arg12 : memref<128x128xf32, #tpu.memory_space<vmem>>) target(%dma_start3A_271 : memref<128x128xf32, #tpu.memory_space<hbm>>) target_semaphore(%arg25 : memref<!tpu.dma_semaphore, #tpu.memory_space<semaphore_mem>>)
    %add3A_272 = arith.constant 256 : i32
    %add3A_273 = arith.addi %mul3A_2, %add3A_272 : i32
    %dma_wait3A_274 = arith.constant 0 : i32
    %dma_wait3A_275 = tpu.memref_slice %arg5[%arg0, %add3A_273, %dma_wait3A_274] : memref<2x10240x128xf32, #tpu.memory_space<hbm>> -> memref<1x128x128xf32, #tpu.memory_space<hbm>>
    %dma_wait3A_276 = tpu.memref_squeeze %dma_wait3A_275 : memref<1x128x128xf32, #tpu.memory_space<hbm>> -> memref<128x128xf32, #tpu.memory_space<hbm>>
    %dma_wait3A_277 = arith.constant 0 : i32
    %dma_wait3A_278 = tpu.memref_slice %arg5[%arg0, %add3A_273, %dma_wait3A_277] : memref<2x10240x128xf32, #tpu.memory_space<hbm>> -> memref<1x128x128xf32, #tpu.memory_space<hbm>>
    %dma_wait3A_279 = tpu.memref_squeeze %dma_wait3A_278 : memref<1x128x128xf32, #tpu.memory_space<hbm>> -> memref<128x128xf32, #tpu.memory_space<hbm>>
    tpu.wait_dma2 semaphore(%arg25 : memref<!tpu.dma_semaphore, #tpu.memory_space<semaphore_mem>>) src(%arg12 : memref<128x128xf32, #tpu.memory_space<vmem>>) dst(%dma_wait3A_279 : memref<128x128xf32, #tpu.memory_space<hbm>>)
    %add3A_280 = arith.constant 512 : i32
    %add3A_281 = arith.addi %mul3A_2, %add3A_280 : i32
    %dma_start3A_282 = arith.constant 0 : i32
    %dma_start3A_283 = tpu.memref_slice %arg6[%add3A_281, %dma_start3A_282] : memref<10240x128xf32, #tpu.memory_space<vmem_shared>> -> memref<128x128xf32, #tpu.memory_space<vmem_shared>>
    %dma_start3A_284 = arith.constant 0 : i32
    %dma_start3A_285 = tpu.memref_slice %arg6[%add3A_281, %dma_start3A_284] : memref<10240x128xf32, #tpu.memory_space<vmem_shared>> -> memref<128x128xf32, #tpu.memory_space<vmem_shared>>
    tpu.enqueue_dma source(%dma_start3A_285 : memref<128x128xf32, #tpu.memory_space<vmem_shared>>) target(%arg12 : memref<128x128xf32, #tpu.memory_space<vmem>>) target_semaphore(%arg23 : memref<!tpu.dma_semaphore, #tpu.memory_space<semaphore_mem>>)
    %add3A_286 = arith.constant 384 : i32
    %add3A_287 = arith.addi %mul3A_2, %add3A_286 : i32
    %dma_wait3A_288 = arith.constant 0 : i32
    %dma_wait3A_289 = tpu.memref_slice %arg6[%add3A_287, %dma_wait3A_288] : memref<10240x128xf32, #tpu.memory_space<vmem_shared>> -> memref<128x128xf32, #tpu.memory_space<vmem_shared>>
    %dma_wait3A_290 = arith.constant 0 : i32
    %dma_wait3A_291 = tpu.memref_slice %arg6[%add3A_287, %dma_wait3A_290] : memref<10240x128xf32, #tpu.memory_space<vmem_shared>> -> memref<128x128xf32, #tpu.memory_space<vmem_shared>>
    tpu.wait_dma2 semaphore(%arg24 : memref<!tpu.dma_semaphore, #tpu.memory_space<semaphore_mem>>) src(%dma_wait3A_291 : memref<128x128xf32, #tpu.memory_space<vmem_shared>>) dst(%arg13 : memref<128x128xf32, #tpu.memory_space<vmem>>)
    %add3A_292 = arith.constant 384 : i32
    %add3A_293 = arith.addi %mul3A_2, %add3A_292 : i32
    %dma_start3A_294 = arith.constant 0 : i32
    %dma_start3A_295 = tpu.memref_slice %arg5[%arg0, %add3A_293, %dma_start3A_294] : memref<2x10240x128xf32, #tpu.memory_space<hbm>> -> memref<1x128x128xf32, #tpu.memory_space<hbm>>
    %dma_start3A_296 = tpu.memref_squeeze %dma_start3A_295 : memref<1x128x128xf32, #tpu.memory_space<hbm>> -> memref<128x128xf32, #tpu.memory_space<hbm>>
    %dma_start3A_297 = arith.constant 0 : i32
    %dma_start3A_298 = tpu.memref_slice %arg5[%arg0, %add3A_293, %dma_start3A_297] : memref<2x10240x128xf32, #tpu.memory_space<hbm>> -> memref<1x128x128xf32, #tpu.memory_space<hbm>>
    %dma_start3A_299 = tpu.memref_squeeze %dma_start3A_298 : memref<1x128x128xf32, #tpu.memory_space<hbm>> -> memref<128x128xf32, #tpu.memory_space<hbm>>
    tpu.enqueue_dma source(%arg13 : memref<128x128xf32, #tpu.memory_space<vmem>>) target(%dma_start3A_299 : memref<128x128xf32, #tpu.memory_space<hbm>>) target_semaphore(%arg26 : memref<!tpu.dma_semaphore, #tpu.memory_space<semaphore_mem>>)
    %add3A_300 = arith.constant 512 : i32
    %add3A_301 = arith.addi %mul3A_2, %add3A_300 : i32
    %dma_wait3A_302 = arith.constant 0 : i32
    %dma_wait3A_303 = tpu.memref_slice %arg6[%add3A_301, %dma_wait3A_302] : memref<10240x128xf32, #tpu.memory_space<vmem_shared>> -> memref<128x128xf32, #tpu.memory_space<vmem_shared>>
    %dma_wait3A_304 = arith.constant 0 : i32
    %dma_wait3A_305 = tpu.memref_slice %arg6[%add3A_301, %dma_wait3A_304] : memref<10240x128xf32, #tpu.memory_space<vmem_shared>> -> memref<128x128xf32, #tpu.memory_space<vmem_shared>>
    tpu.wait_dma2 semaphore(%arg23 : memref<!tpu.dma_semaphore, #tpu.memory_space<semaphore_mem>>) src(%dma_wait3A_305 : memref<128x128xf32, #tpu.memory_space<vmem_shared>>) dst(%arg12 : memref<128x128xf32, #tpu.memory_space<vmem>>)
    %add3A_306 = arith.constant 512 : i32
    %add3A_307 = arith.addi %mul3A_2, %add3A_306 : i32
    %dma_start3A_308 = arith.constant 0 : i32
    %dma_start3A_309 = tpu.memref_slice %arg5[%arg0, %add3A_307, %dma_start3A_308] : memref<2x10240x128xf32, #tpu.memory_space<hbm>> -> memref<1x128x128xf32, #tpu.memory_space<hbm>>
    %dma_start3A_310 = tpu.memref_squeeze %dma_start3A_309 : memref<1x128x128xf32, #tpu.memory_space<hbm>> -> memref<128x128xf32, #tpu.memory_space<hbm>>
    %dma_start3A_311 = arith.constant 0 : i32
    %dma_start3A_312 = tpu.memref_slice %arg5[%arg0, %add3A_307, %dma_start3A_311] : memref<2x10240x128xf32, #tpu.memory_space<hbm>> -> memref<1x128x128xf32, #tpu.memory_space<hbm>>
    %dma_start3A_313 = tpu.memref_squeeze %dma_start3A_312 : memref<1x128x128xf32, #tpu.memory_space<hbm>> -> memref<128x128xf32, #tpu.memory_space<hbm>>
    tpu.enqueue_dma source(%arg12 : memref<128x128xf32, #tpu.memory_space<vmem>>) target(%dma_start3A_313 : memref<128x128xf32, #tpu.memory_space<hbm>>) target_semaphore(%arg25 : memref<!tpu.dma_semaphore, #tpu.memory_space<semaphore_mem>>)
    %add3A_314 = arith.constant 384 : i32
    %add3A_315 = arith.addi %mul3A_2, %add3A_314 : i32
    %dma_wait3A_316 = arith.constant 0 : i32
    %dma_wait3A_317 = tpu.memref_slice %arg5[%arg0, %add3A_315, %dma_wait3A_316] : memref<2x10240x128xf32, #tpu.memory_space<hbm>> -> memref<1x128x128xf32, #tpu.memory_space<hbm>>
    %dma_wait3A_318 = tpu.memref_squeeze %dma_wait3A_317 : memref<1x128x128xf32, #tpu.memory_space<hbm>> -> memref<128x128xf32, #tpu.memory_space<hbm>>
    %dma_wait3A_319 = arith.constant 0 : i32
    %dma_wait3A_320 = tpu.memref_slice %arg5[%arg0, %add3A_315, %dma_wait3A_319] : memref<2x10240x128xf32, #tpu.memory_space<hbm>> -> memref<1x128x128xf32, #tpu.memory_space<hbm>>
    %dma_wait3A_321 = tpu.memref_squeeze %dma_wait3A_320 : memref<1x128x128xf32, #tpu.memory_space<hbm>> -> memref<128x128xf32, #tpu.memory_space<hbm>>
    tpu.wait_dma2 semaphore(%arg26 : memref<!tpu.dma_semaphore, #tpu.memory_space<semaphore_mem>>) src(%arg13 : memref<128x128xf32, #tpu.memory_space<vmem>>) dst(%dma_wait3A_321 : memref<128x128xf32, #tpu.memory_space<hbm>>)
    %add3A_322 = arith.constant 512 : i32
    %add3A_323 = arith.addi %mul3A_2, %add3A_322 : i32
    %dma_wait3A_324 = arith.constant 0 : i32
    %dma_wait3A_325 = tpu.memref_slice %arg5[%arg0, %add3A_323, %dma_wait3A_324] : memref<2x10240x128xf32, #tpu.memory_space<hbm>> -> memref<1x128x128xf32, #tpu.memory_space<hbm>>
    %dma_wait3A_326 = tpu.memref_squeeze %dma_wait3A_325 : memref<1x128x128xf32, #tpu.memory_space<hbm>> -> memref<128x128xf32, #tpu.memory_space<hbm>>
    %dma_wait3A_327 = arith.constant 0 : i32
    %dma_wait3A_328 = tpu.memref_slice %arg5[%arg0, %add3A_323, %dma_wait3A_327] : memref<2x10240x128xf32, #tpu.memory_space<hbm>> -> memref<1x128x128xf32, #tpu.memory_space<hbm>>
    %dma_wait3A_329 = tpu.memref_squeeze %dma_wait3A_328 : memref<1x128x128xf32, #tpu.memory_space<hbm>> -> memref<128x128xf32, #tpu.memory_space<hbm>>
    tpu.wait_dma2 semaphore(%arg25 : memref<!tpu.dma_semaphore, #tpu.memory_space<semaphore_mem>>) src(%arg12 : memref<128x128xf32, #tpu.memory_space<vmem>>) dst(%dma_wait3A_329 : memref<128x128xf32, #tpu.memory_space<hbm>>)
    return
  }
}

module attributes {stable_mosaic.version = 14 : i64} {
  func.func @_embed_body(%arg0: memref<10000x128xf32, #tpu.memory_space<vmem>>, %arg1: memref<128x128xf32, #tpu.memory_space<vmem>>, %arg2: memref<1x128xf32, #tpu.memory_space<vmem>>, %arg3: memref<128x128xf32, #tpu.memory_space<vmem>>, %arg4: memref<10000x128xf32, #tpu.memory_space<vmem>>, %arg5: memref<10000x128xf32, #tpu.memory_space<vmem>>) attributes {dimension_semantics = [], scalar_prefetch = 0 : i64, scratch_operands = 0 : i64, tpu.core_type = #tpu.core_type<tc>} {
    %get3A = arith.constant 0 : index
    %get3A_0 = arith.constant 0 : index
    %get3A_1 = vector.load %arg0[%get3A, %get3A_0] : memref<10000x128xf32, #tpu.memory_space<vmem>>, vector<10000x128xf32>
    %get3A_2 = arith.constant 0 : index
    %get3A_3 = arith.constant 0 : index
    %get3A_4 = vector.load %arg1[%get3A_2, %get3A_3] : memref<128x128xf32, #tpu.memory_space<vmem>>, vector<128x128xf32>
    %dot_general3A = arith.constant dense<0.000000e+00> : vector<10000x128xf32>
    %dot_general3A_5 = tpu.matmul %get3A_1, %get3A_4, %dot_general3A {dimension_numbers = #tpu.dot_dimension_numbers<[1], [0], [0], [1], [0, 0, 1, 1], [], []>, precision = #tpu.contract_precision<fp32>, transpose_lhs_hint = false} : vector<10000x128xf32>, vector<128x128xf32>, vector<10000x128xf32> -> vector<10000x128xf32>
    %get3A_6 = arith.constant 0 : index
    %get3A_7 = arith.constant 0 : index
    %get3A_8 = vector.load %arg2[%get3A_6, %get3A_7] : memref<1x128xf32, #tpu.memory_space<vmem>>, vector<1x128xf32>
    %add3A = vector.broadcast %get3A_8 : vector<1x128xf32> to vector<10000x128xf32>
    %add3A_9 = arith.addf %dot_general3A_5, %add3A : vector<10000x128xf32>
    %max3A = arith.constant 0.000000e+00 : f32
    %max3A_10 = vector.broadcast %max3A : f32 to vector<10000x128xf32>
    %max3A_11 = arith.maximumf %add3A_9, %max3A_10 : vector<10000x128xf32>
    %swap3A = arith.constant 0 : index
    %swap3A_12 = arith.constant 0 : index
    %swap3A_13 = vector.load %arg4[%swap3A, %swap3A_12] : memref<10000x128xf32, #tpu.memory_space<vmem>>, vector<10000x128xf32>
    tpu.vector_store %arg4[%swap3A, %swap3A_12], %max3A_11 {strides = array<i32>} : memref<10000x128xf32, #tpu.memory_space<vmem>>, vector<10000x128xf32>,
    %get3A_14 = arith.constant 0 : index
    %get3A_15 = arith.constant 0 : index
    %get3A_16 = vector.load %arg3[%get3A_14, %get3A_15] : memref<128x128xf32, #tpu.memory_space<vmem>>, vector<128x128xf32>
    %dot_general3A_17 = arith.constant dense<0.000000e+00> : vector<10000x128xf32>
    %dot_general3A_18 = tpu.matmul %max3A_11, %get3A_16, %dot_general3A_17 {dimension_numbers = #tpu.dot_dimension_numbers<[1], [0], [0], [1], [0, 0, 1, 1], [], []>, precision = #tpu.contract_precision<fp32>, transpose_lhs_hint = false} : vector<10000x128xf32>, vector<128x128xf32>, vector<10000x128xf32> -> vector<10000x128xf32>
    %swap3A_19 = arith.constant 0 : index
    %swap3A_20 = arith.constant 0 : index
    %swap3A_21 = vector.load %arg5[%swap3A_19, %swap3A_20] : memref<10000x128xf32, #tpu.memory_space<vmem>>, vector<10000x128xf32>
    tpu.vector_store %arg5[%swap3A_19, %swap3A_20], %dot_general3A_18 {strides = array<i32>} : memref<10000x128xf32, #tpu.memory_space<vmem>>, vector<10000x128xf32>,
    return
  }
}

module attributes {stable_mosaic.version = 14 : i64} {
  func.func @_scale_body(%arg0: memref<10000x128xf32, #tpu.memory_space<vmem>>, %arg1: memref<2x10240x16xf32, #tpu.memory_space<vmem>>, %arg2: memref<10240x128xf32, #tpu.memory_space<vmem>>, %arg3: memref<10000x1xf32, #tpu.memory_space<vmem>>) attributes {dimension_semantics = [], scalar_prefetch = 0 : i64, scratch_operands = 0 : i64, tpu.core_type = #tpu.core_type<tc>} {
    %get3A = arith.constant 0 : index
    %get3A_0 = arith.constant 0 : index
    %get3A_1 = arith.constant 0 : index
    %get3A_2 = vector.load %arg1[%get3A, %get3A_0, %get3A_1] : memref<2x10240x16xf32, #tpu.memory_space<vmem>>, vector<1x10000x1xf32>
    %get3A_3 = vector.shape_cast %get3A_2 : vector<1x10000x1xf32> to vector<10000x1xf32>
    %get3A_4 = arith.constant 1 : index
    %get3A_5 = arith.constant 0 : index
    %get3A_6 = arith.constant 0 : index
    %get3A_7 = vector.load %arg1[%get3A_4, %get3A_5, %get3A_6] : memref<2x10240x16xf32, #tpu.memory_space<vmem>>, vector<1x10000x1xf32>
    %get3A_8 = vector.shape_cast %get3A_7 : vector<1x10000x1xf32> to vector<10000x1xf32>
    %add3A = arith.addf %get3A_3, %get3A_8 : vector<10000x1xf32>
    %add3A_9 = arith.constant 1.000000e+00 : f32
    %add3A_10 = vector.broadcast %add3A_9 : f32 to vector<10000x1xf32>
    %add3A_11 = arith.addf %add3A, %add3A_10 : vector<10000x1xf32>
    %rsqrt3A = math.rsqrt %add3A_11 : vector<10000x1xf32>
    %get3A_12 = arith.constant 0 : index
    %get3A_13 = arith.constant 0 : index
    %get3A_14 = vector.load %arg0[%get3A_12, %get3A_13] : memref<10000x128xf32, #tpu.memory_space<vmem>>, vector<10000x128xf32>
    %mul3A = vector.broadcast %rsqrt3A : vector<10000x1xf32> to vector<10000x128xf32>
    %mul3A_15 = arith.mulf %get3A_14, %mul3A : vector<10000x128xf32>
    %broadcast_in_dim3A = arith.constant 0.000000e+00 : f32
    %broadcast_in_dim3A_16 = vector.broadcast %broadcast_in_dim3A : f32 to vector<240x128xf32>
    %concatenate3A = tpu.concatenate %mul3A_15, %broadcast_in_dim3A_16 in 0 : vector<10000x128xf32>, vector<240x128xf32> -> vector<10240x128xf32>
    %swap3A = arith.constant 0 : index
    %swap3A_17 = arith.constant 0 : index
    %swap3A_18 = vector.load %arg2[%swap3A, %swap3A_17] : memref<10240x128xf32, #tpu.memory_space<vmem>>, vector<10240x128xf32>
    tpu.vector_store %arg2[%swap3A, %swap3A_17], %concatenate3A {strides = array<i32>} : memref<10240x128xf32, #tpu.memory_space<vmem>>, vector<10240x128xf32>,
    %swap3A_19 = arith.constant 0 : index
    %swap3A_20 = arith.constant 0 : index
    %swap3A_21 = vector.load %arg3[%swap3A_19, %swap3A_20] : memref<10000x1xf32, #tpu.memory_space<vmem>>, vector<10000x1xf32>
    tpu.vector_store %arg3[%swap3A_19, %swap3A_20], %rsqrt3A {strides = array<i32>} : memref<10000x1xf32, #tpu.memory_space<vmem>>, vector<10000x1xf32>,
    return
  }
}

module attributes {stable_mosaic.version = 14 : i64} {
  func.func @_layer_body(%arg0: memref<2x10240x128xf32, #tpu.memory_space<vmem>>, %arg1: memref<10240x128xf32, #tpu.memory_space<vmem>>, %arg2: memref<10000x128xf32, #tpu.memory_space<vmem>>, %arg3: memref<10000x1xf32, #tpu.memory_space<vmem>>, %arg4: memref<1x128xf32, #tpu.memory_space<vmem>>, %arg5: memref<1x128xf32, #tpu.memory_space<vmem>>, %arg6: memref<1x128xf32, #tpu.memory_space<vmem>>, %arg7: memref<128x128xf32, #tpu.memory_space<vmem>>, %arg8: memref<10000x128xf32, #tpu.memory_space<vmem>>, %arg9: memref<10240x128xf32, #tpu.memory_space<vmem>>) attributes {dimension_semantics = [], scalar_prefetch = 0 : i64, scratch_operands = 0 : i64, tpu.core_type = #tpu.core_type<tc>} {
    %get3A = arith.constant 0 : index
    %get3A_0 = arith.constant 0 : index
    %get3A_1 = arith.constant 0 : index
    %get3A_2 = vector.load %arg0[%get3A, %get3A_0, %get3A_1] : memref<2x10240x128xf32, #tpu.memory_space<vmem>>, vector<1x10000x128xf32>
    %get3A_3 = vector.shape_cast %get3A_2 : vector<1x10000x128xf32> to vector<10000x128xf32>
    %get3A_4 = arith.constant 1 : index
    %get3A_5 = arith.constant 0 : index
    %get3A_6 = arith.constant 0 : index
    %get3A_7 = vector.load %arg0[%get3A_4, %get3A_5, %get3A_6] : memref<2x10240x128xf32, #tpu.memory_space<vmem>>, vector<1x10000x128xf32>
    %get3A_8 = vector.shape_cast %get3A_7 : vector<1x10000x128xf32> to vector<10000x128xf32>
    %add3A = arith.addf %get3A_3, %get3A_8 : vector<10000x128xf32>
    %get3A_9 = arith.constant 0 : index
    %get3A_10 = arith.constant 0 : index
    %get3A_11 = vector.load %arg1[%get3A_9, %get3A_10] : memref<10240x128xf32, #tpu.memory_space<vmem>>, vector<10000x128xf32>
    %add3A_12 = arith.addf %add3A, %get3A_11 : vector<10000x128xf32>
    %get3A_13 = arith.constant 0 : index
    %get3A_14 = arith.constant 0 : index
    %get3A_15 = vector.load %arg3[%get3A_13, %get3A_14] : memref<10000x1xf32, #tpu.memory_space<vmem>>, vector<10000x1xf32>
    %mul3A = vector.broadcast %get3A_15 : vector<10000x1xf32> to vector<10000x128xf32>
    %mul3A_16 = arith.mulf %add3A_12, %mul3A : vector<10000x128xf32>
    %get3A_17 = arith.constant 0 : index
    %get3A_18 = arith.constant 0 : index
    %get3A_19 = vector.load %arg4[%get3A_17, %get3A_18] : memref<1x128xf32, #tpu.memory_space<vmem>>, vector<1x128xf32>
    %add3A_20 = vector.broadcast %get3A_19 : vector<1x128xf32> to vector<10000x128xf32>
    %add3A_21 = arith.addf %mul3A_16, %add3A_20 : vector<10000x128xf32>
    %reduce_sum3A = arith.constant dense<0.000000e+00> : vector<128xf32>
    %reduce_sum3A_22 = vector.multi_reduction <add>, %add3A_21, %reduce_sum3A [0] : vector<10000x128xf32> to vector<128xf32>
    %broadcast_in_dim3A = vector.shape_cast %reduce_sum3A_22 : vector<128xf32> to vector<1x128xf32>
    %div3A = arith.constant 1.000000e+04 : f32
    %div3A_23 = vector.broadcast %div3A : f32 to vector<1x128xf32>
    %div3A_24 = arith.divf %broadcast_in_dim3A, %div3A_23 : vector<1x128xf32>
    %sub3A = vector.broadcast %div3A_24 : vector<1x128xf32> to vector<10000x128xf32>
    %sub3A_25 = arith.subf %add3A_21, %sub3A : vector<10000x128xf32>
    %integer_pow3A = arith.mulf %sub3A_25, %sub3A_25 : vector<10000x128xf32>
    %reduce_sum3A_26 = arith.constant dense<0.000000e+00> : vector<128xf32>
    %reduce_sum3A_27 = vector.multi_reduction <add>, %integer_pow3A, %reduce_sum3A_26 [0] : vector<10000x128xf32> to vector<128xf32>
    %broadcast_in_dim3A_28 = vector.shape_cast %reduce_sum3A_27 : vector<128xf32> to vector<1x128xf32>
    %div3A_29 = arith.constant 1.000000e+04 : f32
    %div3A_30 = vector.broadcast %div3A_29 : f32 to vector<1x128xf32>
    %div3A_31 = arith.divf %broadcast_in_dim3A_28, %div3A_30 : vector<1x128xf32>
    %sub3A_32 = vector.broadcast %div3A_24 : vector<1x128xf32> to vector<10000x128xf32>
    %sub3A_33 = arith.subf %add3A_21, %sub3A_32 : vector<10000x128xf32>
    %add3A_34 = arith.constant 9.99999974E-6 : f32
    %add3A_35 = vector.broadcast %add3A_34 : f32 to vector<1x128xf32>
    %add3A_36 = arith.addf %div3A_31, %add3A_35 : vector<1x128xf32>
    %rsqrt3A = math.rsqrt %add3A_36 : vector<1x128xf32>
    %mul3A_37 = vector.broadcast %rsqrt3A : vector<1x128xf32> to vector<10000x128xf32>
    %mul3A_38 = arith.mulf %sub3A_33, %mul3A_37 : vector<10000x128xf32>
    %get3A_39 = arith.constant 0 : index
    %get3A_40 = arith.constant 0 : index
    %get3A_41 = vector.load %arg5[%get3A_39, %get3A_40] : memref<1x128xf32, #tpu.memory_space<vmem>>, vector<1x128xf32>
    %mul3A_42 = vector.broadcast %get3A_41 : vector<1x128xf32> to vector<10000x128xf32>
    %mul3A_43 = arith.mulf %mul3A_38, %mul3A_42 : vector<10000x128xf32>
    %get3A_44 = arith.constant 0 : index
    %get3A_45 = arith.constant 0 : index
    %get3A_46 = vector.load %arg6[%get3A_44, %get3A_45] : memref<1x128xf32, #tpu.memory_space<vmem>>, vector<1x128xf32>
    %add3A_47 = vector.broadcast %get3A_46 : vector<1x128xf32> to vector<10000x128xf32>
    %add3A_48 = arith.addf %mul3A_43, %add3A_47 : vector<10000x128xf32>
    %max3A = arith.constant 0.000000e+00 : f32
    %max3A_49 = vector.broadcast %max3A : f32 to vector<10000x128xf32>
    %max3A_50 = arith.maximumf %add3A_48, %max3A_49 : vector<10000x128xf32>
    %get3A_51 = arith.constant 0 : index
    %get3A_52 = arith.constant 0 : index
    %get3A_53 = vector.load %arg2[%get3A_51, %get3A_52] : memref<10000x128xf32, #tpu.memory_space<vmem>>, vector<10000x128xf32>
    %add3A_54 = arith.addf %max3A_50, %get3A_53 : vector<10000x128xf32>
    %swap3A = arith.constant 0 : index
    %swap3A_55 = arith.constant 0 : index
    %swap3A_56 = vector.load %arg8[%swap3A, %swap3A_55] : memref<10000x128xf32, #tpu.memory_space<vmem>>, vector<10000x128xf32>
    tpu.vector_store %arg8[%swap3A, %swap3A_55], %add3A_54 {strides = array<i32>} : memref<10000x128xf32, #tpu.memory_space<vmem>>, vector<10000x128xf32>,
    %get3A_57 = arith.constant 0 : index
    %get3A_58 = arith.constant 0 : index
    %get3A_59 = vector.load %arg7[%get3A_57, %get3A_58] : memref<128x128xf32, #tpu.memory_space<vmem>>, vector<128x128xf32>
    %dot_general3A = arith.constant dense<0.000000e+00> : vector<10000x128xf32>
    %dot_general3A_60 = tpu.matmul %add3A_54, %get3A_59, %dot_general3A {dimension_numbers = #tpu.dot_dimension_numbers<[1], [0], [0], [1], [0, 0, 1, 1], [], []>, precision = #tpu.contract_precision<fp32>, transpose_lhs_hint = false} : vector<10000x128xf32>, vector<128x128xf32>, vector<10000x128xf32> -> vector<10000x128xf32>
    %get3A_61 = arith.constant 0 : index
    %get3A_62 = arith.constant 0 : index
    %get3A_63 = vector.load %arg3[%get3A_61, %get3A_62] : memref<10000x1xf32, #tpu.memory_space<vmem>>, vector<10000x1xf32>
    %mul3A_64 = vector.broadcast %get3A_63 : vector<10000x1xf32> to vector<10000x128xf32>
    %mul3A_65 = arith.mulf %dot_general3A_60, %mul3A_64 : vector<10000x128xf32>
    %broadcast_in_dim3A_66 = arith.constant 0.000000e+00 : f32
    %broadcast_in_dim3A_67 = vector.broadcast %broadcast_in_dim3A_66 : f32 to vector<240x128xf32>
    %concatenate3A = tpu.concatenate %mul3A_65, %broadcast_in_dim3A_67 in 0 : vector<10000x128xf32>, vector<240x128xf32> -> vector<10240x128xf32>
    %swap3A_68 = arith.constant 0 : index
    %swap3A_69 = arith.constant 0 : index
    %swap3A_70 = vector.load %arg9[%swap3A_68, %swap3A_69] : memref<10240x128xf32, #tpu.memory_space<vmem>>, vector<10240x128xf32>
    tpu.vector_store %arg9[%swap3A_68, %swap3A_69], %concatenate3A {strides = array<i32>} : memref<10240x128xf32, #tpu.memory_space<vmem>>, vector<10240x128xf32>,
    return
  }
}

module attributes {stable_mosaic.version = 14 : i64} {
  func.func @_final_body(%arg0: memref<2x10240x128xf32, #tpu.memory_space<vmem>>, %arg1: memref<10240x128xf32, #tpu.memory_space<vmem>>, %arg2: memref<10000x128xf32, #tpu.memory_space<vmem>>, %arg3: memref<10000x1xf32, #tpu.memory_space<vmem>>, %arg4: memref<1x128xf32, #tpu.memory_space<vmem>>, %arg5: memref<1x128xf32, #tpu.memory_space<vmem>>, %arg6: memref<1x128xf32, #tpu.memory_space<vmem>>, %arg7: memref<10000x1xi32, #tpu.memory_space<vmem>>, %arg8: memref<128x128xf32, #tpu.memory_space<vmem>>, %arg9: memref<1x128xf32, #tpu.memory_space<vmem>>, %arg10: memref<128x128xf32, #tpu.memory_space<vmem>>, %arg11: memref<1x128xf32, #tpu.memory_space<vmem>>, %arg12: memref<16x128xf32, #tpu.memory_space<vmem>>) attributes {dimension_semantics = [], scalar_prefetch = 0 : i64, scratch_operands = 0 : i64, tpu.core_type = #tpu.core_type<tc>} {
    %get3A = arith.constant 0 : index
    %get3A_0 = arith.constant 0 : index
    %get3A_1 = arith.constant 0 : index
    %get3A_2 = vector.load %arg0[%get3A, %get3A_0, %get3A_1] : memref<2x10240x128xf32, #tpu.memory_space<vmem>>, vector<1x10000x128xf32>
    %get3A_3 = vector.shape_cast %get3A_2 : vector<1x10000x128xf32> to vector<10000x128xf32>
    %get3A_4 = arith.constant 1 : index
    %get3A_5 = arith.constant 0 : index
    %get3A_6 = arith.constant 0 : index
    %get3A_7 = vector.load %arg0[%get3A_4, %get3A_5, %get3A_6] : memref<2x10240x128xf32, #tpu.memory_space<vmem>>, vector<1x10000x128xf32>
    %get3A_8 = vector.shape_cast %get3A_7 : vector<1x10000x128xf32> to vector<10000x128xf32>
    %add3A = arith.addf %get3A_3, %get3A_8 : vector<10000x128xf32>
    %get3A_9 = arith.constant 0 : index
    %get3A_10 = arith.constant 0 : index
    %get3A_11 = vector.load %arg1[%get3A_9, %get3A_10] : memref<10240x128xf32, #tpu.memory_space<vmem>>, vector<10000x128xf32>
    %add3A_12 = arith.addf %add3A, %get3A_11 : vector<10000x128xf32>
    %get3A_13 = arith.constant 0 : index
    %get3A_14 = arith.constant 0 : index
    %get3A_15 = vector.load %arg3[%get3A_13, %get3A_14] : memref<10000x1xf32, #tpu.memory_space<vmem>>, vector<10000x1xf32>
    %mul3A = vector.broadcast %get3A_15 : vector<10000x1xf32> to vector<10000x128xf32>
    %mul3A_16 = arith.mulf %add3A_12, %mul3A : vector<10000x128xf32>
    %get3A_17 = arith.constant 0 : index
    %get3A_18 = arith.constant 0 : index
    %get3A_19 = vector.load %arg4[%get3A_17, %get3A_18] : memref<1x128xf32, #tpu.memory_space<vmem>>, vector<1x128xf32>
    %add3A_20 = vector.broadcast %get3A_19 : vector<1x128xf32> to vector<10000x128xf32>
    %add3A_21 = arith.addf %mul3A_16, %add3A_20 : vector<10000x128xf32>
    %reduce_sum3A = arith.constant dense<0.000000e+00> : vector<128xf32>
    %reduce_sum3A_22 = vector.multi_reduction <add>, %add3A_21, %reduce_sum3A [0] : vector<10000x128xf32> to vector<128xf32>
    %broadcast_in_dim3A = vector.shape_cast %reduce_sum3A_22 : vector<128xf32> to vector<1x128xf32>
    %div3A = arith.constant 1.000000e+04 : f32
    %div3A_23 = vector.broadcast %div3A : f32 to vector<1x128xf32>
    %div3A_24 = arith.divf %broadcast_in_dim3A, %div3A_23 : vector<1x128xf32>
    %sub3A = vector.broadcast %div3A_24 : vector<1x128xf32> to vector<10000x128xf32>
    %sub3A_25 = arith.subf %add3A_21, %sub3A : vector<10000x128xf32>
    %integer_pow3A = arith.mulf %sub3A_25, %sub3A_25 : vector<10000x128xf32>
    %reduce_sum3A_26 = arith.constant dense<0.000000e+00> : vector<128xf32>
    %reduce_sum3A_27 = vector.multi_reduction <add>, %integer_pow3A, %reduce_sum3A_26 [0] : vector<10000x128xf32> to vector<128xf32>
    %broadcast_in_dim3A_28 = vector.shape_cast %reduce_sum3A_27 : vector<128xf32> to vector<1x128xf32>
    %div3A_29 = arith.constant 1.000000e+04 : f32
    %div3A_30 = vector.broadcast %div3A_29 : f32 to vector<1x128xf32>
    %div3A_31 = arith.divf %broadcast_in_dim3A_28, %div3A_30 : vector<1x128xf32>
    %sub3A_32 = vector.broadcast %div3A_24 : vector<1x128xf32> to vector<10000x128xf32>
    %sub3A_33 = arith.subf %add3A_21, %sub3A_32 : vector<10000x128xf32>
    %add3A_34 = arith.constant 9.99999974E-6 : f32
    %add3A_35 = vector.broadcast %add3A_34 : f32 to vector<1x128xf32>
    %add3A_36 = arith.addf %div3A_31, %add3A_35 : vector<1x128xf32>
    %rsqrt3A = math.rsqrt %add3A_36 : vector<1x128xf32>
    %mul3A_37 = vector.broadcast %rsqrt3A : vector<1x128xf32> to vector<10000x128xf32>
    %mul3A_38 = arith.mulf %sub3A_33, %mul3A_37 : vector<10000x128xf32>
    %get3A_39 = arith.constant 0 : index
    %get3A_40 = arith.constant 0 : index
    %get3A_41 = vector.load %arg5[%get3A_39, %get3A_40] : memref<1x128xf32, #tpu.memory_space<vmem>>, vector<1x128xf32>
    %mul3A_42 = vector.broadcast %get3A_41 : vector<1x128xf32> to vector<10000x128xf32>
    %mul3A_43 = arith.mulf %mul3A_38, %mul3A_42 : vector<10000x128xf32>
    %get3A_44 = arith.constant 0 : index
    %get3A_45 = arith.constant 0 : index
    %get3A_46 = vector.load %arg6[%get3A_44, %get3A_45] : memref<1x128xf32, #tpu.memory_space<vmem>>, vector<1x128xf32>
    %add3A_47 = vector.broadcast %get3A_46 : vector<1x128xf32> to vector<10000x128xf32>
    %add3A_48 = arith.addf %mul3A_43, %add3A_47 : vector<10000x128xf32>
    %max3A = arith.constant 0.000000e+00 : f32
    %max3A_49 = vector.broadcast %max3A : f32 to vector<10000x128xf32>
    %max3A_50 = arith.maximumf %add3A_48, %max3A_49 : vector<10000x128xf32>
    %get3A_51 = arith.constant 0 : index
    %get3A_52 = arith.constant 0 : index
    %get3A_53 = vector.load %arg2[%get3A_51, %get3A_52] : memref<10000x128xf32, #tpu.memory_space<vmem>>, vector<10000x128xf32>
    %add3A_54 = arith.addf %max3A_50, %get3A_53 : vector<10000x128xf32>
    %get3A_55 = arith.constant 0 : index
    %get3A_56 = arith.constant 0 : index
    %get3A_57 = vector.load %arg7[%get3A_55, %get3A_56] : memref<10000x1xi32, #tpu.memory_space<vmem>>, vector<10000x1xi32>
    %iota3A = tpu.iota {dimensions = array<i32: 1>} : vector<1x16xi32>
    %eq3A = vector.broadcast %get3A_57 : vector<10000x1xi32> to vector<10000x16xi32>
    %eq3A_58 = vector.broadcast %iota3A : vector<1x16xi32> to vector<10000x16xi32>
    %eq3A_59 = arith.cmpi eq, %eq3A, %eq3A_58 : vector<10000x16xi32>
    %convert_element_type3A = arith.extui %eq3A_59 : vector<10000x16xi1> to vector<10000x16xi32>
    %convert_element_type3A_60 = arith.sitofp %convert_element_type3A : vector<10000x16xi32> to vector<10000x16xf32>
    %dot_general3A = arith.constant dense<0.000000e+00> : vector<16x128xf32>
    %dot_general3A_61 = tpu.matmul %convert_element_type3A_60, %add3A_54, %dot_general3A {dimension_numbers = #tpu.dot_dimension_numbers<[0], [0], [1], [1], [0, 1, 1, 1], [], []>, precision = #tpu.contract_precision<fp32>, transpose_lhs_hint = false} : vector<10000x16xf32>, vector<10000x128xf32>, vector<16x128xf32> -> vector<16x128xf32>
    %broadcast_in_dim3A_62 = arith.constant 1.000000e+00 : f32
    %broadcast_in_dim3A_63 = vector.broadcast %broadcast_in_dim3A_62 : f32 to vector<10000x1xf32>
    %dot_general3A_64 = arith.constant dense<0.000000e+00> : vector<16x1xf32>
    %dot_general3A_65 = tpu.matmul %convert_element_type3A_60, %broadcast_in_dim3A_63, %dot_general3A_64 {dimension_numbers = #tpu.dot_dimension_numbers<[0], [0], [1], [1], [0, 1, 1, 1], [], []>, precision = #tpu.contract_precision<fp32>, transpose_lhs_hint = false} : vector<10000x16xf32>, vector<10000x1xf32>, vector<16x1xf32> -> vector<16x1xf32>
    %max3A_66 = arith.constant 1.000000e+00 : f32
    %max3A_67 = vector.broadcast %max3A_66 : f32 to vector<16x1xf32>
    %max3A_68 = arith.maximumf %dot_general3A_65, %max3A_67 : vector<16x1xf32>
    %div3A_69 = vector.broadcast %max3A_68 : vector<16x1xf32> to vector<16x128xf32>
    %div3A_70 = arith.divf %dot_general3A_61, %div3A_69 : vector<16x128xf32>
    %get3A_71 = arith.constant 0 : index
    %get3A_72 = arith.constant 0 : index
    %get3A_73 = vector.load %arg8[%get3A_71, %get3A_72] : memref<128x128xf32, #tpu.memory_space<vmem>>, vector<128x128xf32>
    %dot_general3A_74 = arith.constant dense<0.000000e+00> : vector<16x128xf32>
    %dot_general3A_75 = tpu.matmul %div3A_70, %get3A_73, %dot_general3A_74 {dimension_numbers = #tpu.dot_dimension_numbers<[1], [0], [0], [1], [0, 0, 1, 1], [], []>, precision = #tpu.contract_precision<fp32>, transpose_lhs_hint = false} : vector<16x128xf32>, vector<128x128xf32>, vector<16x128xf32> -> vector<16x128xf32>
    %get3A_76 = arith.constant 0 : index
    %get3A_77 = arith.constant 0 : index
    %get3A_78 = vector.load %arg9[%get3A_76, %get3A_77] : memref<1x128xf32, #tpu.memory_space<vmem>>, vector<1x128xf32>
    %add3A_79 = vector.broadcast %get3A_78 : vector<1x128xf32> to vector<16x128xf32>
    %add3A_80 = arith.addf %dot_general3A_75, %add3A_79 : vector<16x128xf32>
    %max3A_81 = arith.constant 0.000000e+00 : f32
    %max3A_82 = vector.broadcast %max3A_81 : f32 to vector<16x128xf32>
    %max3A_83 = arith.maximumf %add3A_80, %max3A_82 : vector<16x128xf32>
    %get3A_84 = arith.constant 0 : index
    %get3A_85 = arith.constant 0 : index
    %get3A_86 = vector.load %arg10[%get3A_84, %get3A_85] : memref<128x128xf32, #tpu.memory_space<vmem>>, vector<128x128xf32>
    %dot_general3A_87 = arith.constant dense<0.000000e+00> : vector<16x128xf32>
    %dot_general3A_88 = tpu.matmul %max3A_83, %get3A_86, %dot_general3A_87 {dimension_numbers = #tpu.dot_dimension_numbers<[1], [0], [0], [1], [0, 0, 1, 1], [], []>, precision = #tpu.contract_precision<fp32>, transpose_lhs_hint = false} : vector<16x128xf32>, vector<128x128xf32>, vector<16x128xf32> -> vector<16x128xf32>
    %get3A_89 = arith.constant 0 : index
    %get3A_90 = arith.constant 0 : index
    %get3A_91 = vector.load %arg11[%get3A_89, %get3A_90] : memref<1x128xf32, #tpu.memory_space<vmem>>, vector<1x128xf32>
    %add3A_92 = vector.broadcast %get3A_91 : vector<1x128xf32> to vector<16x128xf32>
    %add3A_93 = arith.addf %dot_general3A_88, %add3A_92 : vector<16x128xf32>
    %swap3A = arith.constant 0 : index
    %swap3A_94 = arith.constant 0 : index
    %swap3A_95 = vector.load %arg12[%swap3A, %swap3A_94] : memref<16x128xf32, #tpu.memory_space<vmem>>, vector<16x128xf32>
    tpu.vector_store %arg12[%swap3A, %swap3A_94], %add3A_93 {strides = array<i32>} : memref<16x128xf32, #tpu.memory_space<vmem>>, vector<16x128xf32>,
    return
  }
}

</mosaic_0001>

<sc_bundles>
// kernel: kernel.11.cloned.1.call-start
scs
__scs_entry_jumppad:
0x0: {  	(pc) =	sbr.rel $0x88, $3  }
0x1: {  	(tag) =	ssettag $0x0;
	lr =	simm.s32 $0x1  }
0x2: {  	[smem:$0x3F94] =	sst lr;
	_ =	strace $0xD0000000  }
0x3: {  	_ = 	snop  }
0x4: {  	_ = 	snop  }
0x5: {  	_ = 	snop  }
0x6: {  	_ = 	snop  }
0x7: {  	_ = 	snop  }
__scs_overlays_trampoline_lowered:
0x8: {  	[smem:$0x3FA3] =	sst s0  }
0x9: {  	[smem:$0x3FA4] =	sst s1  }
0xa: {  	[smem:$0x3FA5] =	sst s2  }
0xb: {  	[smem:$0x3FA6] =	sst s3  }
0xc: {  	[smem:$0x3FA7] =	sst s4  }
0xd: {  	[smem:$0x3FA8] =	sst s5  }
0xe: {  	[smem:$0x3FA9] =	sst s6  }
0xf: {  	[smem:$0x3FAA] =	sst s7  }
0x10: {  	[smem:$0x3FAB] =	sst s8  }
0x11: {  	[smem:$0x3FAC] =	sst s9;
	s0 =	simm.s32 @!p0 $0x0  }
0x12: {  	s1 =	sld [smem:$0x3F92];
	s0 =	simm.s32 @p0 $0x1  }
0x13: {  	[smem:$0x3FAD] =	sst s0;
	s0 =	simm.s32 @!p1 $0x0  }
0x14: {  	s2 =	sld [smem:$0x3F91];
	s0 =	simm.s32 @p1 $0x1  }
0x15: {  	[smem:$0x3FAE] =	sst s0;
	s0 =	simm.s32 @!p2 $0x0  }
0x16: {  	s3 =	sld [smem:$0x3FDB];
	s0 =	simm.s32 @p2 $0x1  }
0x17: {  	s4 =	simm.s32 $0x1BF5;
	[smem:$0x3FB0] =	sst s0  }
0x18: {  	s0 =	sld [smem:$0x3F93];
	_ =	swait.ge [sflag:s4], $0x0  }
0x19: {  	s7 =	sld [smem:$0x3F94]  }
0x1a: {  	s8 =	sadd.s32 $0xFFFFE003, lr  }
0x1b: {  	s9 =	sadd.s32 $0xFFFFFEF7, lr;
	s5 =	simm.s32 $0xFFFFFFFF;
	p2 =	slt.u32 s8, $0xFFFFF086  }
0x1c: {  	p1 =	slt.u32 s9, $0xF7A;
	s5 =	simm.s32 @!p2 $0x0  }
0x1d: {  	s5 =	simm.s32 @p1 $0x1;
	p0 =	seq.s32 s7, s2  }
0x1e: {  	s7 =	smul.u32 @!p0 $0xF7A, s2;
	p2 =	seq.s32 @!p0 s5, $0x0  }
0x1f: {  	s9 =	smul.u32 $0xF7A, s1;
	s8 =	simm.s32 @!p0 $0x1BF5;
	p2 =	por !p2, p0  }
0x20: {  	[sflag:s8] =	ssyncset.s32 @!p0 $0xFFFFF086;
	s6 =	sadd.s32 @!p0 s3, s7;
	s7 =	simm.s32 @!p0 $0x108  }
0x21: {  	s3 =	sadd.s32 s3, s9;
	s6 =	sadd.s32 @!p0 $0x88, s6;
	s7 =	simm.s32 @p2 $0x1082  }
0x22: {  	[simem:s7], [sflag:s8] =	dma.local @!p0 [hbm:s6], $0xF7A  }
0x23: {  	s9 =	sor.u32 $0xD0000000, s2;
	s6 =	simm.s32 $0x108;
	_ =	swait.ge @!p0 [sflag:s8], $0x0  }
0x24: {  	s3 =	sadd.s32 $0x88, s3;
	s6 =	simm.s32 @!p1 $0x1082;
	[sflag:s4] =	ssyncset.s32 $0xFFFFF086  }
0x25: {  	[simem:s6], [sflag:s4] =	dma.local [hbm:s3], $0xF7A  }
0x26: {  	[smem:$0x3F94] =	sst s1;
	(tag) =	ssettag s2;
	_ =	strace s9  }
0x27: {  	s1 =	sld [smem:$0x3FA4]  }
0x28: {  	s2 =	sld [smem:$0x3FA5]  }
0x29: {  	s4 =	sld [smem:$0x3FA7]  }
0x2a: {  	p0 =	seq.s32 s5, $0x0;
	s5 =	sld [smem:$0x3FA8]  }
0x2b: {  	s6 =	sld [smem:$0x3FA9]  }
0x2c: {  	s7 =	sld [smem:$0x3FAA]  }
0x2d: {  	s3 =	simm.s32 $0x108;
	s8 =	sld [smem:$0x3FAB]  }
0x2e: {  	s3 =	simm.s32 @!p0 $0x1082;
	s9 =	sld [smem:$0x3FAC]  }
0x2f: {  	lr =	sadd.s32 s0, s3;
	s0 =	sld [smem:$0x3FA3]  }
0x30: {  	s3 =	sld [smem:$0x3FA6]  }
0x31: {  	[smem:$0x3FAF] =	sst s10  }
0x32: {  	s10 =	sld [smem:$0x3FAD];
	_ =	sdelay $0x3  }
0x33: {  	p0 =	seq.s32 s10, $0x1;
	s10 =	sld [smem:$0x3FAF];
	_ =	sdelay $0x3  }
0x34: {  	[smem:$0x3FAF] =	sst s10  }
0x35: {  	s10 =	sld [smem:$0x3FAE];
	_ =	sdelay $0x3  }
0x36: {  	p1 =	seq.s32 s10, $0x1;
	s10 =	sld [smem:$0x3FAF];
	_ =	sdelay $0x3  }
0x37: {  	[smem:$0x3FAF] =	sst s10  }
0x38: {  	s10 =	sld [smem:$0x3FB0]  }
0x39: {  	_ = 	snop;
	(pc) =	sbr.ind lr, $3  }
0x3a: {  	_ = 	snop  }
0x3b: {  	_ = 	snop  }
0x3c: {  	p2 =	seq.s32 s10, $0x1;
	s10 =	sld [smem:$0x3FAF]  }
0x3d: {  	_ =	shalt  }
0x3e: {  	_ =	shalt  }
0x3f: {  	_ =	shalt  }
0x40: {  	_ =	shalt  }
0x41: {  	_ =	shalt  }
0x42: {  	_ =	shalt  }
0x43: {  	_ =	shalt  }
0x44: {  	_ =	shalt  }
0x45: {  	_ =	shalt  }
0x46: {  	_ =	shalt  }
0x47: {  	_ =	shalt  }
0x48: {  	_ =	shalt  }
0x49: {  	_ =	shalt  }
0x4a: {  	_ =	shalt  }
0x4b: {  	_ =	shalt  }
0x4c: {  	_ =	shalt  }
0x4d: {  	_ =	shalt  }
0x4e: {  	_ =	shalt  }
0x4f: {  	_ =	shalt  }
0x50: {  	_ =	shalt  }
0x51: {  	_ =	shalt  }
0x52: {  	_ =	shalt  }
0x53: {  	_ =	shalt  }
0x54: {  	_ =	shalt  }
0x55: {  	_ =	shalt  }
0x56: {  	_ =	shalt  }
0x57: {  	_ =	shalt  }
0x58: {  	_ =	shalt  }
0x59: {  	_ =	shalt  }
0x5a: {  	_ =	shalt  }
0x5b: {  	_ =	shalt  }
0x5c: {  	_ =	shalt  }
0x5d: {  	_ =	shalt  }
0x5e: {  	_ =	shalt  }
0x5f: {  	_ =	shalt  }
0x60: {  	_ =	shalt  }
0x61: {  	_ =	shalt  }
0x62: {  	_ =	shalt  }
0x63: {  	_ =	shalt  }
0x64: {  	_ =	shalt  }
0x65: {  	_ =	shalt  }
0x66: {  	_ =	shalt  }
0x67: {  	_ =	shalt  }
0x68: {  	_ =	shalt  }
0x69: {  	_ =	shalt  }
0x6a: {  	_ =	shalt  }
0x6b: {  	_ =	shalt  }
0x6c: {  	_ =	shalt  }
0x6d: {  	_ =	shalt  }
0x6e: {  	_ =	shalt  }
0x6f: {  	_ =	shalt  }
0x70: {  	_ =	shalt  }
0x71: {  	_ =	shalt  }
0x72: {  	_ =	shalt  }
0x73: {  	_ =	shalt  }
0x74: {  	_ =	shalt  }
0x75: {  	_ =	shalt  }
0x76: {  	_ =	shalt  }
0x77: {  	_ =	shalt  }
0x78: {  	_ =	shalt  }
0x79: {  	_ =	shalt  }
0x7a: {  	_ =	shalt  }
0x7b: {  	_ =	shalt  }
0x7c: {  	_ =	shalt  }
0x7d: {  	_ =	shalt  }
0x7e: {  	_ =	shalt  }
0x7f: {  	_ =	shalt  }
0x80: {  	_ =	shalt  }
0x81: {  	_ =	shalt  }
0x82: {  	_ =	shalt  }
0x83: {  	_ =	shalt  }
0x84: {  	_ =	shalt  }
0x85: {  	_ =	shalt  }
0x86: {  	_ =	shalt  }
0x87: {  	_ =	shalt  }
.Lfunc_end0:
.L_simem_size_0:
called_computation_lowered:
.L_overlay_start_0:
0x88: {  	s2 =	sld [smem:$0x3FD9]  }
0x89: {  	s3 =	sld [smem:$0x3FFE];
	_ =	sdelay $0x1  }
0x8a: {  	s1 =	srdreg.scid  }
0x8b: {  	s0 =	sand.u32 $0x1, s1  }
0x8c: {  	s16 =	sshll.u32 s0, $0xA;
	s2 =	sadd.s32 s3, s2  }
0x8d: {  	s2 =	sadd.s32 s2, s16  }
0x8e: {  	[smem:$0x3FBB] =	sst s2  }
0x8f: {  	_ = 	snop  }
0x90: {  	(tm) =	ssettm $0x1  }
0x91: {  	s17 =	sld [smem:$0x3FFB];
	_ =	sdelay $0x3  }
0x92: {  	_ =	strace s17  }
0x93: {  	s2 =	sld [smem:$0x3FFC];
	_ =	sdelay $0x3  }
0x94: {  	_ =	strace s2  }
0x95: {  	s2 =	sld [smem:$0x3FFD];
	_ =	sdelay $0x3  }
0x96: {  	_ =	strace s2  }
0x97: {  	_ =	strace $0x8FFFFFFF  }
0x98: {  	s18 =	sld [smem:$0x3FDB];
	_ =	sdelay $0x1  }
0x99: {  	s19 =	simm.s32 $_scs_section_size  }
0x9a: {  	s4 =	simm.s32 $_size__tile_overlayer_lowered;
	s5 =	simm.s32 $_tile_overlayer_lowered  }
0x9b: {  	s22 =	simm.s32 $0x1BFF;
	s21 =	sshll.u32 s5, $0x1;
	s2 =	sadd.s32 s19, s18  }
0x9c: {  	s6 =	simm.s32 $0x0;
	s20 =	sshll.u32 s4, $0x1;
	s4 =	sadd.s32 s21, s2  }
0x9d: {  	[timem:s6], [sflag:s22] =	dma.local [hbm:s4], s20  }
0x9e: {  	_ =	swait.ge [sflag:s22], s20  }
0x9f: {  	s3 =	ssub.s32 $0x0, s20;
	[sflag:s22] =	ssyncset.done $0x0  }
0xa0: {  	[sflag:s22] =	ssyncadd.s32 s3;
	_ =	sdelay $0x1  }
0xa1: {  	s23 =	simm.s32 $0x1B8B  }
0xa2: {  	_ =	swait.ge [sflag:s23], $0x1  }
0xa3: {  	[sflag:s23] =	ssyncset.done $0x0  }
0xa4: {  	s25 =	simm.s32 $0x1B8E;
	s24 =	sld [smem:$0x3FFE];
	[sflag:s23] =	ssyncadd.s32 $0xFFFFFFFF  }
0xa5: {  	s26 =	simm.s32 $execute0_lowered;
	[smem:$0x3FD2] =	sst s25  }
0xa6: {  	s4 =	sshll.u32 s26, $0x1;
	_ =	strace $0x80000046;
	[dreg:$0x1] =	wrdreg $0xFFFFFFFF  }
0xa7: {  	s28 =	simm.s32 $_size_execute0_lowered;
	s2 =	sadd.s32 s2, s4;
	[dreg:$0x0] =	wrdreg $0x0  }
0xa8: {  	s4 =	sshll.u32 s28, $0x1;
	[dreg:$0x2] =	wrdreg s2  }
0xa9: {  	[dreg:$0x3] =	wrdreg s4  }
0xaa: {  	[dreg:$0x4] =	wrdreg $0xC0  }
0xab: {  	_ =	task [dreg:s6], $0x5FFFF  }
0xac: {  	[dreg:$0x1] =	wrdreg $0xFFFFFFFF  }
0xad: {  	[dreg:$0x0] =	wrdreg $0x60  }
0xae: {  	[dreg:$0x2] =	wrdreg s24  }
0xaf: {  	[dreg:$0x3] =	wrdreg $0x0  }
0xb0: {  	[dreg:$0x4] =	wrdreg $0x9  }
0xb1: {  	_ =	task.clear_ibuf [dreg:s6], $0x5FFFF;
	_ =	strace $0x90000046  }
0xb2: {  	s29 =	simm.s32 $0x9;
	_ =	strace $0x80000048  }
0xb3: {  	_ =	swait.ge [sflag:s29], $0x1  }
0xb4: {  	[sflag:s29] =	ssyncadd.s32 $0xFFFFFFFF  }
0xb5: {  	_ =	strace $0x90000048  }
0xb6: {  	_ =	sfence  }
0xb7: {  	s30 =	sld [smem:$0x0];
	_ =	sdelay $0x2  }
0xb8: {  	s31 =	sshll.u32 s1, $0xD;
	s1 =	sshrl.u32 s1, $0x2  }
0xb9: {  	s3 =	sand.u32 $0x4000, s31;
	s1 =	sadd.s32 s1, s30  }
0xba: {  	s0 =	sor.u32 s3, s0;
	s1 =	sshll.u32 s1, $0x11  }
0xbb: {  	s0 =	sor.u32 s1, s0  }
0xbc: {  	s0 =	sadd.s32 $0x8F2B, s0  }
0xbd: {  	[sflag:s0] =	ssyncadd.remote.s32 $0x1  }
0xbe: {  	_ =	sfence.sel $0xFFFF  }
0xbf: {  	[dreg:$0x0] =	wrdreg $0xFFFFFFFF;
	(pc) =	sbr.abs _section_cstart, $3  }
0xc0: {  	[dreg:$0x1] =	wrdreg $0xFFFFFFFF  }
0xc1: {  	_ =	task.clear_ibuf [dreg:s6], $0x2FFFF;
	_ =	strace $0x9FFFFFFF  }
0xc2: {  	(tm) =	ssettm $0x7FFFFFFF  }
0xc3: {  	_ =	shalt  }
tec
execute0_lowered:
.L_overlay_start_1:
0x0: {  	(tag) =	ssettag $0x1  }
0x1: {  	s4 =	rddreg [dreg:$0x0]  }
0x2: {  	s0 =	srdreg.scid;
	s2 =	rddreg [dreg:$0x1]  }
0x3: {  	s1 =	rddreg [dreg:$0x2];
	s5 =	sand.u32 $0x1, s0  }
0x4: {  	s0 =	stileid.u32;
	s6 =	smul.u32 $0x27100, s5  }
0x5: {  	s3 =	simm.s32 $0x0;
	s11 =	simm.s32 $0x50;
	s7 =	smul.u32 $0x2710, s0  }
0x6: {  	s12 =	simm.s32 $0x2880;
	[smem:$0x7FF] =	sst s3;
	s8 =	smul.u32 $0x140000, s5  }
0x7: {  	s13 =	simm.s32 $0x0;
	s28 =	smul.u32 $0x14000, s0;
	_ =	strace $0x80000047  }
0x8: {  	s9 =	smul.u32 $0x50000, s0;
	s5 =	ssub.s32 $0x2, s5;
	s6 =	sadd.s32 s7, s6  }
0x9: {  	s30 =	sshrl.u32 s5, $0x1;
	s29 =	sadd.s32 s28, s8;
	s6 =	sshrl.u32 s6, $0x3  }
0xa: {  	s31 =	sshrl.u32 s9, $0x2;
	s10 =	sadd.s32 s6, s4;
	s6 =	sshrl.u32 s29, $0x3  }
0xb: {  	s7 =	ssub.s32 s5, s30;
	s8 =	simm.s32 $0x5080;
	s6 =	sadd.s32 s6, s4  }
0xc: {  	s9 =	simm.s32 $0x1;
	s4 =	sadd.s32 s31, s2;
	s5 =	sadd.s32 $0xCE00, s6  }
0xd: {  	v0 =	vimm.f32 $1.000000000e+00;
	v1 =	vimm.f32 $0.0e+00;
	s6 =	smax.u32 s7, $0x1;
	s7 =	sadd.s32 $0x3000, s10;
	s10 =	simm.s32 $0x2800  }
.LBB2_1:
0xe: {  	s14 =	simm.s32 $0x0  }
.LBB2_2:
0xf: {  	p0 =	sne.s32 s14, $0x9E00  }
.Ltmp0:
0x10: {  	_ = 	snop;
	(pc) =	sbr.rel @p0 .LBB2_2-.Ltmp0, $3  }
0x11: {  	_ =	sdelay $0x1  }
0x12: {  	s15 =	sshra.s32 s14, $0x2  }
0x13: {  	s14 =	sadd.s32 $0x200, s14;
	[tilespmem:s15+$0x2880] =	vst v0  }
0x14: {  	s14 =	simm.s32 $0x200;
	s15 =	simm.s32 $0x0  }
.LBB2_4:
0x15: {  	p0 =	sne.s32 s14, $0x4FE00;
	[tilespmem:s15+$0x5080] =	vst v1;
	s15 =	smov.u32 s14;
	s14 =	sadd.s32 $0x200, s14  }
.Ltmp1:
0x16: {  	(pc) =	sbr.rel @p0 .LBB2_4-.Ltmp1, $2  }
0x17: {  	_ =	sdelay $0x2  }
0x18: {  	s15 =	sshra.s32 s15, $0x2  }
0x19: {  	[tilespmem:s15+$0x5080] =	vst v1  }
0x1a: {  	[spmem:s4] =	stream.linear.scatter [tilespmem:s8], [sflag:$0x1], $0x14000, $0x38;
	[tilespmem:$0x19080] =	vst v63  }
0x1b: {  	_ =	swait.ge [sflag:s9], $0x14000  }
0x1c: {  	[sflag:s9] =	ssyncset.done $0x0  }
0x1d: {  	[sflag:s9] =	ssyncadd.s32 $0xFFFEC000  }
0x1e: {  	s14 =	sadd.s32 $0x0, s7;
	[bflag:$0x0] =	sbarrier.arrive $0xFFFF  }
0x1f: {  	[tilespmem:s10], [sflag:$0x1] =	stream.linear.gather [hbm4b:s14+s3], $0x50, $0x38;
	[tilespmem:$0x19080] =	vst v63  }
0x20: {  	_ =	swait.ge [sflag:s9], $0x50  }
0x21: {  	[sflag:s9] =	ssyncset.done $0x0  }
0x22: {  	[sflag:s9] =	ssyncadd.s32 $0xFFFFFFB0  }
0x23: {  	[spmem:s2] =	stream.indirect.scatter.add.f32 [tilespmem:s12], [sflag:$0x1], $0x10, s10, s11, $0xb8;
	[tilespmem:$0x19080] =	vst v63  }
0x24: {  	_ =	swait.ge [sflag:s9], $0x500  }
0x25: {  	s15 =	simm.s32 $0x14;
	s14 =	simm.s32 $0xA;
	[sflag:s9] =	ssyncset.done $0x0  }
.LBB2_6:
0x26: {  	s16 =	sadd.s32 s14, s7  }
0x27: {  	[sflag:s9] =	ssyncadd.s32 $0xFFFFFB00;
	s14 =	smov.u32 s15;
	s17 =	sadd.s32 $0xA, s15  }
0x28: {  	[tilespmem:s10], [sflag:$0x1] =	stream.linear.gather [hbm4b:s16+s3], $0x50, $0x38;
	[tilespmem:$0x19080] =	vst v63  }
0x29: {  	p0 =	sne.s32 s15, $0x4D8;
	_ =	swait.ge [sflag:s9], $0x50  }
.Ltmp2:
0x2a: {  	[sflag:s9] =	ssyncset.done $0x0;
	(pc) =	sbr.rel @p0 .LBB2_6-.Ltmp2, $4  }
0x2b: {  	[sflag:s9] =	ssyncadd.s32 $0xFFFFFFB0  }
0x2c: {  	[spmem:s2] =	stream.indirect.scatter.add.f32 [tilespmem:s12], [sflag:$0x1], $0x10, s10, s11, $0xb8;
	[tilespmem:$0x19080] =	vst v63  }
0x2d: {  	_ =	swait.ge [sflag:s9], $0x500  }
0x2e: {  	s15 =	smov.u32 s17;
	[sflag:s9] =	ssyncset.done $0x0  }
0x2f: {  	s14 =	sadd.s32 s14, s7;
	[sflag:s9] =	ssyncadd.s32 $0xFFFFFB00  }
0x30: {  	[tilespmem:s10], [sflag:$0x1] =	stream.linear.gather [hbm4b:s14+s3], $0x50, $0x38;
	[tilespmem:$0x19080] =	vst v63  }
0x31: {  	_ =	swait.ge [sflag:s9], $0x50  }
0x32: {  	[sflag:s9] =	ssyncset.done $0x0  }
0x33: {  	[sflag:s9] =	ssyncadd.s32 $0xFFFFFFB0  }
0x34: {  	[spmem:s2] =	stream.indirect.scatter.add.f32 [tilespmem:s12], [sflag:$0x1], $0x10, s10, s11, $0xb8;
	[tilespmem:$0x19080] =	vst v63  }
0x35: {  	_ =	swait.ge [sflag:s9], $0x500  }
0x36: {  	[sflag:s9] =	ssyncset.done $0x0  }
0x37: {  	[sflag:s9] =	ssyncadd.s32 $0xFFFFFB00  }
0x38: {  	[bflag:$0x0] =	sbarrier.arrive $0xFFFF  }
0x39: {  	[tilespmem:s8], [sflag:$0x1] =	stream.linear.gather [spmem:s4], $0x14000, $0x38;
	[tilespmem:$0x19080] =	vst v63  }
0x3a: {  	s13 =	sadd.s32 $0x1, s13;
	_ =	swait.ge [sflag:s9], $0x14000  }
0x3b: {  	p0 =	sne.s32 s13, s6;
	[sflag:s9] =	ssyncset.done $0x0  }
.Ltmp3:
0x3c: {  	[sflag:s9] =	ssyncadd.s32 $0xFFFEC000;
	(pc) =	sbr.rel @p0 .LBB2_1-.Ltmp3, $4  }
0x3d: {  	[hbm4b:s5+s3] =	stream.linear.scatter [tilespmem:s8], [sflag:$0x1], $0x14000, $0x38;
	[tilespmem:$0x19080] =	vst v63  }
0x3e: {  	_ =	swait.ge [sflag:s9], $0x14000  }
0x3f: {  	[sflag:s9] =	ssyncset.done $0x0  }
0x40: {  	[sflag:s9] =	ssyncadd.s32 $0xFFFEC000  }
0x41: {  	_ =	sfence.sel $0x180000  }
0x42: {  	[bflag:$0x0] =	sbarrier.arrive $0xFFFF  }
0x43: {  	p0 =	sne.s32 s0, $0x0;
	_ =	strace $0x90000047  }
0x44: {  	s0 =	sadd.s32 @!p0 $0x100000, s1;
	[bflag:$0x2] =	sbarrier.arrive $0xFFFF  }
0x45: {  	[sflag:s0] =	ssyncadd.tile.s32 @!p0 $0x1;
	_ =	shalt  }
.Lfunc_end2:
_tile_overlayer_lowered:
.L_overlay_start_2:
0x46: {  	(tag) =	ssettag $0x2  }
0x47: {  	s0 =	rddreg [dreg:$0x0];
	s2 =	stileid.u32  }
0x48: {  	s1 =	rddreg [dreg:$0x1];
	p0 =	sne.s32 s2, $0x0  }
0x49: {  	s3 =	rddreg [dreg:$0x2];
	[bflag:$0x3] =	sbarrier.arrive $0xFFFF;
	s2 =	simm.s32 @!p0 $0x1C01  }
0x4a: {  	[timem:s3], [sflag:s2] =	dma.local @!p0 [hbm:s0], s1  }
0x4b: {  	s0 =	simm.s32 @!p0 $0x1  }
0x4c: {  	_ =	swait.ge @!p0 [sflag:s0], s1  }
0x4d: {  	s1 =	ssub.s32 @!p0 $0x0, s1;
	[sflag:s0] =	ssyncset.done @!p0 $0x0  }
0x4e: {  	[sflag:s0] =	ssyncadd.s32 @!p0 s1  }
0x4f: {  	[bflag:$0x3] =	sbarrier.arrive $0xFFFF  }
0x50: {  	_ =	shalt  }

// kernel: kernel.14.cloned.1.call-start
scs
__scs_entry_jumppad:
0x0: {  	(pc) =	sbr.rel $0x88, $3  }
0x1: {  	(tag) =	ssettag $0x0;
	lr =	simm.s32 $0x1  }
0x2: {  	[smem:$0x3F94] =	sst lr;
	_ =	strace $0xD0000000  }
0x3: {  	_ = 	snop  }
0x4: {  	_ = 	snop  }
0x5: {  	_ = 	snop  }
0x6: {  	_ = 	snop  }
0x7: {  	_ = 	snop  }
__scs_overlays_trampoline_lowered:
0x8: {  	[smem:$0x3FA3] =	sst s0  }
0x9: {  	[smem:$0x3FA4] =	sst s1  }
0xa: {  	[smem:$0x3FA5] =	sst s2  }
0xb: {  	[smem:$0x3FA6] =	sst s3  }
0xc: {  	[smem:$0x3FA7] =	sst s4  }
0xd: {  	[smem:$0x3FA8] =	sst s5  }
0xe: {  	[smem:$0x3FA9] =	sst s6  }
0xf: {  	[smem:$0x3FAA] =	sst s7  }
0x10: {  	[smem:$0x3FAB] =	sst s8  }
0x11: {  	[smem:$0x3FAC] =	sst s9;
	s0 =	simm.s32 @!p0 $0x0  }
0x12: {  	s1 =	sld [smem:$0x3F92];
	s0 =	simm.s32 @p0 $0x1  }
0x13: {  	[smem:$0x3FAD] =	sst s0;
	s0 =	simm.s32 @!p1 $0x0  }
0x14: {  	s2 =	sld [smem:$0x3F91];
	s0 =	simm.s32 @p1 $0x1  }
0x15: {  	[smem:$0x3FAE] =	sst s0;
	s0 =	simm.s32 @!p2 $0x0  }
0x16: {  	s3 =	sld [smem:$0x3FDB];
	s0 =	simm.s32 @p2 $0x1  }
0x17: {  	s4 =	simm.s32 $0x1BF5;
	[smem:$0x3FB0] =	sst s0  }
0x18: {  	s0 =	sld [smem:$0x3F93];
	_ =	swait.ge [sflag:s4], $0x0  }
0x19: {  	s7 =	sld [smem:$0x3F94]  }
0x1a: {  	s8 =	sadd.s32 $0xFFFFE003, lr  }
0x1b: {  	s9 =	sadd.s32 $0xFFFFFEF7, lr;
	s5 =	simm.s32 $0xFFFFFFFF;
	p2 =	slt.u32 s8, $0xFFFFF086  }
0x1c: {  	p1 =	slt.u32 s9, $0xF7A;
	s5 =	simm.s32 @!p2 $0x0  }
0x1d: {  	s5 =	simm.s32 @p1 $0x1;
	p0 =	seq.s32 s7, s2  }
0x1e: {  	s7 =	smul.u32 @!p0 $0xF7A, s2;
	p2 =	seq.s32 @!p0 s5, $0x0  }
0x1f: {  	s9 =	smul.u32 $0xF7A, s1;
	s8 =	simm.s32 @!p0 $0x1BF5;
	p2 =	por !p2, p0  }
0x20: {  	[sflag:s8] =	ssyncset.s32 @!p0 $0xFFFFF086;
	s6 =	sadd.s32 @!p0 s3, s7;
	s7 =	simm.s32 @!p0 $0x108  }
0x21: {  	s3 =	sadd.s32 s3, s9;
	s6 =	sadd.s32 @!p0 $0x88, s6;
	s7 =	simm.s32 @p2 $0x1082  }
0x22: {  	[simem:s7], [sflag:s8] =	dma.local @!p0 [hbm:s6], $0xF7A  }
0x23: {  	s9 =	sor.u32 $0xD0000000, s2;
	s6 =	simm.s32 $0x108;
	_ =	swait.ge @!p0 [sflag:s8], $0x0  }
0x24: {  	s3 =	sadd.s32 $0x88, s3;
	s6 =	simm.s32 @!p1 $0x1082;
	[sflag:s4] =	ssyncset.s32 $0xFFFFF086  }
0x25: {  	[simem:s6], [sflag:s4] =	dma.local [hbm:s3], $0xF7A  }
0x26: {  	[smem:$0x3F94] =	sst s1;
	(tag) =	ssettag s2;
	_ =	strace s9  }
0x27: {  	s1 =	sld [smem:$0x3FA4]  }
0x28: {  	s2 =	sld [smem:$0x3FA5]  }
0x29: {  	s4 =	sld [smem:$0x3FA7]  }
0x2a: {  	p0 =	seq.s32 s5, $0x0;
	s5 =	sld [smem:$0x3FA8]  }
0x2b: {  	s6 =	sld [smem:$0x3FA9]  }
0x2c: {  	s7 =	sld [smem:$0x3FAA]  }
0x2d: {  	s3 =	simm.s32 $0x108;
	s8 =	sld [smem:$0x3FAB]  }
0x2e: {  	s3 =	simm.s32 @!p0 $0x1082;
	s9 =	sld [smem:$0x3FAC]  }
0x2f: {  	lr =	sadd.s32 s0, s3;
	s0 =	sld [smem:$0x3FA3]  }
0x30: {  	s3 =	sld [smem:$0x3FA6]  }
0x31: {  	[smem:$0x3FAF] =	sst s10  }
0x32: {  	s10 =	sld [smem:$0x3FAD];
	_ =	sdelay $0x3  }
0x33: {  	p0 =	seq.s32 s10, $0x1;
	s10 =	sld [smem:$0x3FAF];
	_ =	sdelay $0x3  }
0x34: {  	[smem:$0x3FAF] =	sst s10  }
0x35: {  	s10 =	sld [smem:$0x3FAE];
	_ =	sdelay $0x3  }
0x36: {  	p1 =	seq.s32 s10, $0x1;
	s10 =	sld [smem:$0x3FAF];
	_ =	sdelay $0x3  }
0x37: {  	[smem:$0x3FAF] =	sst s10  }
0x38: {  	s10 =	sld [smem:$0x3FB0]  }
0x39: {  	_ = 	snop;
	(pc) =	sbr.ind lr, $3  }
0x3a: {  	_ = 	snop  }
0x3b: {  	_ = 	snop  }
0x3c: {  	p2 =	seq.s32 s10, $0x1;
	s10 =	sld [smem:$0x3FAF]  }
0x3d: {  	_ =	shalt  }
0x3e: {  	_ =	shalt  }
0x3f: {  	_ =	shalt  }
0x40: {  	_ =	shalt  }
0x41: {  	_ =	shalt  }
0x42: {  	_ =	shalt  }
0x43: {  	_ =	shalt  }
0x44: {  	_ =	shalt  }
0x45: {  	_ =	shalt  }
0x46: {  	_ =	shalt  }
0x47: {  	_ =	shalt  }
0x48: {  	_ =	shalt  }
0x49: {  	_ =	shalt  }
0x4a: {  	_ =	shalt  }
0x4b: {  	_ =	shalt  }
0x4c: {  	_ =	shalt  }
0x4d: {  	_ =	shalt  }
0x4e: {  	_ =	shalt  }
0x4f: {  	_ =	shalt  }
0x50: {  	_ =	shalt  }
0x51: {  	_ =	shalt  }
0x52: {  	_ =	shalt  }
0x53: {  	_ =	shalt  }
0x54: {  	_ =	shalt  }
0x55: {  	_ =	shalt  }
0x56: {  	_ =	shalt  }
0x57: {  	_ =	shalt  }
0x58: {  	_ =	shalt  }
0x59: {  	_ =	shalt  }
0x5a: {  	_ =	shalt  }
0x5b: {  	_ =	shalt  }
0x5c: {  	_ =	shalt  }
0x5d: {  	_ =	shalt  }
0x5e: {  	_ =	shalt  }
0x5f: {  	_ =	shalt  }
0x60: {  	_ =	shalt  }
0x61: {  	_ =	shalt  }
0x62: {  	_ =	shalt  }
0x63: {  	_ =	shalt  }
0x64: {  	_ =	shalt  }
0x65: {  	_ =	shalt  }
0x66: {  	_ =	shalt  }
0x67: {  	_ =	shalt  }
0x68: {  	_ =	shalt  }
0x69: {  	_ =	shalt  }
0x6a: {  	_ =	shalt  }
0x6b: {  	_ =	shalt  }
0x6c: {  	_ =	shalt  }
0x6d: {  	_ =	shalt  }
0x6e: {  	_ =	shalt  }
0x6f: {  	_ =	shalt  }
0x70: {  	_ =	shalt  }
0x71: {  	_ =	shalt  }
0x72: {  	_ =	shalt  }
0x73: {  	_ =	shalt  }
0x74: {  	_ =	shalt  }
0x75: {  	_ =	shalt  }
0x76: {  	_ =	shalt  }
0x77: {  	_ =	shalt  }
0x78: {  	_ =	shalt  }
0x79: {  	_ =	shalt  }
0x7a: {  	_ =	shalt  }
0x7b: {  	_ =	shalt  }
0x7c: {  	_ =	shalt  }
0x7d: {  	_ =	shalt  }
0x7e: {  	_ =	shalt  }
0x7f: {  	_ =	shalt  }
0x80: {  	_ =	shalt  }
0x81: {  	_ =	shalt  }
0x82: {  	_ =	shalt  }
0x83: {  	_ =	shalt  }
0x84: {  	_ =	shalt  }
0x85: {  	_ =	shalt  }
0x86: {  	_ =	shalt  }
0x87: {  	_ =	shalt  }
.Lfunc_end0:
.L_simem_size_0:
called_computation.1_lowered:
.L_overlay_start_0:
0x88: {  	s2 =	sld [smem:$0x3FD9]  }
0x89: {  	s3 =	sld [smem:$0x3FFE];
	_ =	sdelay $0x1  }
0x8a: {  	s1 =	srdreg.scid  }
0x8b: {  	s0 =	sand.u32 $0x1, s1  }
0x8c: {  	s16 =	sshll.u32 s0, $0xA;
	s2 =	sadd.s32 s3, s2  }
0x8d: {  	s2 =	sadd.s32 s2, s16  }
0x8e: {  	[smem:$0x3FBB] =	sst s2  }
0x8f: {  	_ = 	snop  }
0x90: {  	(tm) =	ssettm $0x1  }
0x91: {  	s17 =	sld [smem:$0x3FFB];
	_ =	sdelay $0x3  }
0x92: {  	_ =	strace s17  }
0x93: {  	s2 =	sld [smem:$0x3FFC];
	_ =	sdelay $0x3  }
0x94: {  	_ =	strace s2  }
0x95: {  	s2 =	sld [smem:$0x3FFD];
	_ =	sdelay $0x3  }
0x96: {  	_ =	strace s2  }
0x97: {  	_ =	strace $0x8FFFFFFF  }
0x98: {  	s18 =	sld [smem:$0x3FDB];
	_ =	sdelay $0x1  }
0x99: {  	s19 =	simm.s32 $_scs_section_size  }
0x9a: {  	s4 =	simm.s32 $_size__tile_overlayer_lowered;
	s5 =	simm.s32 $_tile_overlayer_lowered  }
0x9b: {  	s22 =	simm.s32 $0x1BFF;
	s21 =	sshll.u32 s5, $0x1;
	s2 =	sadd.s32 s19, s18  }
0x9c: {  	s6 =	simm.s32 $0x0;
	s20 =	sshll.u32 s4, $0x1;
	s4 =	sadd.s32 s21, s2  }
0x9d: {  	[timem:s6], [sflag:s22] =	dma.local [hbm:s4], s20  }
0x9e: {  	_ =	swait.ge [sflag:s22], s20  }
0x9f: {  	s3 =	ssub.s32 $0x0, s20;
	[sflag:s22] =	ssyncset.done $0x0  }
0xa0: {  	[sflag:s22] =	ssyncadd.s32 s3;
	_ =	sdelay $0x1  }
0xa1: {  	s23 =	simm.s32 $0x1B8B  }
0xa2: {  	_ =	swait.ge [sflag:s23], $0x1  }
0xa3: {  	[sflag:s23] =	ssyncset.done $0x0  }
0xa4: {  	s25 =	simm.s32 $0x1B8E;
	s24 =	sld [smem:$0x3FFE];
	[sflag:s23] =	ssyncadd.s32 $0xFFFFFFFF  }
0xa5: {  	s26 =	simm.s32 $execute0_lowered;
	[smem:$0x3FD2] =	sst s25  }
0xa6: {  	s4 =	sshll.u32 s26, $0x1;
	_ =	strace $0x80000049;
	[dreg:$0x1] =	wrdreg $0xFFFFFFFF  }
0xa7: {  	s28 =	simm.s32 $_size_execute0_lowered;
	s2 =	sadd.s32 s2, s4;
	[dreg:$0x0] =	wrdreg $0x0  }
0xa8: {  	s4 =	sshll.u32 s28, $0x1;
	[dreg:$0x2] =	wrdreg s2  }
0xa9: {  	[dreg:$0x3] =	wrdreg s4  }
0xaa: {  	[dreg:$0x4] =	wrdreg $0xC0  }
0xab: {  	_ =	task [dreg:s6], $0x5FFFF  }
0xac: {  	[dreg:$0x1] =	wrdreg $0xFFFFFFFF  }
0xad: {  	[dreg:$0x0] =	wrdreg $0x60  }
0xae: {  	[dreg:$0x2] =	wrdreg s24  }
0xaf: {  	[dreg:$0x3] =	wrdreg $0x0  }
0xb0: {  	[dreg:$0x4] =	wrdreg $0x9  }
0xb1: {  	_ =	task.clear_ibuf [dreg:s6], $0x5FFFF;
	_ =	strace $0x90000049  }
0xb2: {  	s29 =	simm.s32 $0x9;
	_ =	strace $0x8000004B  }
0xb3: {  	_ =	swait.ge [sflag:s29], $0x1  }
0xb4: {  	[sflag:s29] =	ssyncadd.s32 $0xFFFFFFFF  }
0xb5: {  	_ =	strace $0x9000004B  }
0xb6: {  	_ =	sfence  }
0xb7: {  	s30 =	sld [smem:$0x0];
	_ =	sdelay $0x2  }
0xb8: {  	s31 =	sshll.u32 s1, $0xD;
	s1 =	sshrl.u32 s1, $0x2  }
0xb9: {  	s3 =	sand.u32 $0x4000, s31;
	s1 =	sadd.s32 s1, s30  }
0xba: {  	s0 =	sor.u32 s3, s0;
	s1 =	sshll.u32 s1, $0x11  }
0xbb: {  	s0 =	sor.u32 s1, s0  }
0xbc: {  	s0 =	sadd.s32 $0x8F2B, s0  }
0xbd: {  	[sflag:s0] =	ssyncadd.remote.s32 $0x1  }
0xbe: {  	_ =	sfence.sel $0xFFFF  }
0xbf: {  	[dreg:$0x0] =	wrdreg $0xFFFFFFFF;
	(pc) =	sbr.abs _section_cstart, $3  }
0xc0: {  	[dreg:$0x1] =	wrdreg $0xFFFFFFFF  }
0xc1: {  	_ =	task.clear_ibuf [dreg:s6], $0x2FFFF;
	_ =	strace $0x9FFFFFFF  }
0xc2: {  	(tm) =	ssettm $0x7FFFFFFF  }
0xc3: {  	_ =	shalt  }
tec
execute0_lowered:
.L_overlay_start_1:
0x0: {  	(tag) =	ssettag $0x1  }
0x1: {  	s0 =	rddreg [dreg:$0x0]  }
0x2: {  	s1 =	rddreg [dreg:$0x1];
	s2 =	srdreg.scid  }
0x3: {  	s3 =	simm.s32 $0x0;
	s13 =	stileid.u32;
	s28 =	simm.s32 $0x16900  }
0x4: {  	s31 =	simm.s32 $0x16A00;
	s29 =	simm.s32 $0xC;
	s30 =	simm.s32 $0xB  }
0x5: {  	s2 =	sand.u32 $0x1, s2;
	[smem:$0x7FF] =	sst s3;
	s10 =	smul.u32 $0x50000, s13  }
0x6: {  	s7 =	sadd.s32 $0xB7200, s0;
	s16 =	smul.u32 $0x14000, s13;
	s4 =	sshll.u32 s2, $0x4  }
0x7: {  	_ =	strace $0x8000004A;
	s8 =	ssub.s32 $0x2, s2;
	s25 =	smul.u32 $0x140000, s2  }
0x8: {  	s5 =	sor.u32 s13, s4;
	s4 =	sadd.s32 $0xC1200, s0;
	s9 =	sshrl.u32 s8, $0x1  }
0x9: {  	s19 =	sshrl.u32 s10, $0x2;
	s20 =	sadd.s32 $0x4000, s16;
	s6 =	smul.u32 $0x500, s5  }
0xa: {  	s26 =	sadd.s32 $0x8000, s16;
	s11 =	sadd.s32 $0xC000, s16;
	s5 =	smul.u32 $0x2800, s5  }
0xb: {  	s8 =	ssub.s32 s8, s9;
	s21 =	sadd.s32 s19, s1;
	s22 =	sadd.s32 s20, s1  }
0xc: {  	s23 =	sadd.s32 s26, s1;
	s12 =	sadd.s32 s16, s25;
	[dreg:$0x7] =	wrdreg s21  }
0xd: {  	s24 =	sadd.s32 s11, s1;
	s9 =	sadd.s32 s25, s20;
	[dreg:$0x8] =	wrdreg s22  }
0xe: {  	s12 =	sshrl.u32 s12, $0x3;
	[dreg:$0x9] =	wrdreg s23;
	s6 =	sadd.s32 s6, s0  }
0xf: {  	[dreg:$0xa] =	wrdreg s24;
	s5 =	sshrl.u32 s5, $0x3;
	s6 =	sadd.s32 $0xAD200, s6  }
0x10: {  	s0 =	sadd.s32 $0x3000, s0;
	s14 =	sadd.s32 s7, s5;
	[dreg:$0x6] =	wrdreg s6  }
0x11: {  	s9 =	sshrl.u32 s9, $0x3;
	s12 =	sadd.s32 s0, s12;
	[dreg:$0x3] =	wrdreg s14  }
0x12: {  	s2 =	smul.u32 $0x28000, s2;
	s9 =	sadd.s32 s0, s9;
	[dreg:$0xd] =	wrdreg s12  }
0x13: {  	s10 =	simm.s32 $0x0;
	s17 =	sadd.s32 $0x10, s14;
	[dreg:$0xe] =	wrdreg s9  }
0x14: {  	s5 =	sadd.s32 $0x10000, s16;
	s18 =	sadd.s32 $0x20, s14;
	[dreg:$0x4] =	wrdreg s17  }
0x15: {  	s15 =	sadd.s32 s5, s1;
	s14 =	sadd.s32 $0x30, s14;
	[dreg:$0x5] =	wrdreg s18  }
0x16: {  	s6 =	sadd.s32 s25, s26;
	s5 =	sadd.s32 s25, s5;
	[dreg:$0xb] =	wrdreg s15  }
0x17: {  	s9 =	simm.s32 $0xD;
	[dreg:$0xc] =	wrdreg s14;
	s6 =	sshrl.u32 s6, $0x3  }
0x18: {  	s14 =	smul.u32 $0x2800, s13;
	s15 =	sadd.s32 s25, s11;
	s5 =	sshrl.u32 s5, $0x3  }
0x19: {  	s17 =	smax.u32 s8, $0x1;
	s13 =	simm.s32 $0x14000;
	s8 =	simm.s32 $0x1AA00  }
0x1a: {  	s6 =	sadd.s32 s0, s6;
	[dreg:$0x12] =	wrdreg s17;
	s17 =	simm.s32 $0x7  }
0x1b: {  	[dreg:$0xf] =	wrdreg s6;
	s6 =	sshrl.u32 s15, $0x3;
	s2 =	sadd.s32 s14, s2  }
0x1c: {  	s14 =	simm.s32 $0x16980;
	s15 =	simm.s32 $0x5;
	s6 =	sadd.s32 s0, s6  }
0x1d: {  	s16 =	sor.u32 $0x380, s2;
	s0 =	sadd.s32 s0, s5;
	s19 =	sor.u32 $0x300, s2  }
0x1e: {  	s20 =	sor.u32 $0x280, s2;
	s2 =	sor.u32 $0x200, s2;
	[dreg:$0x10] =	wrdreg s6  }
0x1f: {  	[dreg:$0x11] =	wrdreg s0;
	s18 =	sshrl.u32 s16, $0x3;
	s5 =	sshrl.u32 s20, $0x3  }
0x20: {  	s26 =	sshrl.u32 s2, $0x3;
	s2 =	simm.s32 $0x1;
	s6 =	simm.s32 $0x80  }
0x21: {  	s16 =	simm.s32 $0x3;
	s20 =	simm.s32 $0xA;
	s0 =	sadd.s32 s18, s7  }
0x22: {  	s25 =	sadd.s32 s5, s7;
	s18 =	simm.s32 $0x6;
	[dreg:$0x13] =	wrdreg s0  }
0x23: {  	s5 =	simm.s32 $0x8;
	s0 =	sshrl.u32 s19, $0x3;
	[dreg:$0x15] =	wrdreg s25  }
0x24: {  	s25 =	simm.s32 $0x16800;
	s19 =	simm.s32 $0x4;
	s0 =	sadd.s32 s0, s7  }
0x25: {  	[dreg:$0x14] =	wrdreg s0;
	s0 =	sadd.s32 s26, s7;
	s26 =	simm.s32 $0x16880  }
0x26: {  	v0 =	vimm.f32 $0.0e+00;
	s7 =	simm.s32 $0x2;
	[dreg:$0x16] =	wrdreg s0;
	s0 =	simm.s32 $0x9  }
.LBB2_1:
0x27: {  	s11 =	rddreg [dreg:$0x3]  }
0x28: {  	[tilespmem:s25], [sflag:$0x1] =	stream.linear.gather [hbm4b:s11+s3], $0x80, $0x38;
	[tilespmem:$0x1EA00] =	vst v63  }
0x29: {  	s12 =	rddreg [dreg:$0x4]  }
0x2a: {  	[tilespmem:s26], [sflag:$0x2] =	stream.linear.gather [hbm4b:s12+s3], $0x80, $0x38;
	[tilespmem:$0x1EA00] =	vst v63  }
0x2b: {  	s12 =	rddreg [dreg:$0x5]  }
0x2c: {  	[tilespmem:s28], [sflag:$0x3] =	stream.linear.gather [hbm4b:s12+s3], $0x80, $0x38;
	[tilespmem:$0x1EA00] =	vst v63  }
0x2d: {  	s12 =	rddreg [dreg:$0x6]  }
0x2e: {  	[tilespmem:s13], [sflag:$0xE] =	stream.linear.gather [hbm4b:s12+s3], $0x2800, $0x38;
	[tilespmem:$0x1EA00] =	vst v63  }
0x2f: {  	s12 =	simm.s32 $0xE  }
0x30: {  	_ =	swait.ge [sflag:s12], $0x2800  }
0x31: {  	[sflag:s12] =	ssyncset.done $0x0  }
0x32: {  	s11 =	simm.s32 $0x0;
	[sflag:s12] =	ssyncadd.s32 $0xFFFFD800;
	s12 =	simm.s32 $0x200  }
.LBB2_2:
0x33: {  	p0 =	sne.s32 s12, $0xFE00;
	[tilespmem:s11+$0x16A70] =	vst v0  }
0x34: {  	[tilespmem:s11+$0x16A00] =	vst v0  }
0x35: {  	[tilespmem:s11+$0x16A10] =	vst v0  }
.Ltmp0:
0x36: {  	[tilespmem:s11+$0x16A20] =	vst v0;
	(pc) =	sbr.rel @p0 .LBB2_2-.Ltmp0, $4  }
0x37: {  	[tilespmem:s11+$0x16A30] =	vst v0  }
0x38: {  	[tilespmem:s11+$0x16A40] =	vst v0  }
0x39: {  	[tilespmem:s11+$0x16A50] =	vst v0  }
0x3a: {  	[tilespmem:s11+$0x16A60] =	vst v0;
	s11 =	sshra.s32 s12, $0x2;
	s12 =	sadd.s32 $0x200, s12  }
0x3b: {  	[tilespmem:s11+$0x16A70] =	vst v0  }
0x3c: {  	[tilespmem:s11+$0x16A00] =	vst v0  }
0x3d: {  	[tilespmem:s11+$0x16A10] =	vst v0  }
0x3e: {  	[tilespmem:s11+$0x16A20] =	vst v0  }
0x3f: {  	[tilespmem:s11+$0x16A30] =	vst v0  }
0x40: {  	[tilespmem:s11+$0x16A40] =	vst v0  }
0x41: {  	[tilespmem:s11+$0x16A50] =	vst v0  }
0x42: {  	[tilespmem:s11+$0x16A60] =	vst v0  }
0x43: {  	[spmem:s21] =	stream.linear.scatter [tilespmem:s31], [sflag:$0x9], $0x4000, $0x38;
	[tilespmem:$0x1EA00] =	vst v63  }
0x44: {  	_ = 	snop  }
0x45: {  	[spmem:s22] =	stream.linear.scatter [tilespmem:s31], [sflag:$0x9], $0x4000, $0x38;
	[tilespmem:$0x1EA00] =	vst v63  }
0x46: {  	_ = 	snop  }
0x47: {  	[spmem:s23] =	stream.linear.scatter [tilespmem:s31], [sflag:$0x9], $0x4000, $0x38;
	[tilespmem:$0x1EA00] =	vst v63  }
0x48: {  	_ = 	snop  }
0x49: {  	[spmem:s24] =	stream.linear.scatter [tilespmem:s31], [sflag:$0x9], $0x4000, $0x38;
	[tilespmem:$0x1EA00] =	vst v63  }
0x4a: {  	s22 =	rddreg [dreg:$0xb]  }
0x4b: {  	[spmem:s22] =	stream.linear.scatter [tilespmem:s31], [sflag:$0x9], $0x4000, $0x38;
	[tilespmem:$0x1EA00] =	vst v63  }
0x4c: {  	_ =	swait.ge [sflag:s0], $0x4000  }
0x4d: {  	[sflag:s0] =	ssyncset.done $0x0  }
0x4e: {  	[sflag:s0] =	ssyncadd.s32 $0xFFFFC000  }
0x4f: {  	_ =	swait.ge [sflag:s0], $0x4000  }
0x50: {  	[sflag:s0] =	ssyncset.done $0x0  }
0x51: {  	[sflag:s0] =	ssyncadd.s32 $0xFFFFC000  }
0x52: {  	_ =	swait.ge [sflag:s0], $0x4000  }
0x53: {  	[sflag:s0] =	ssyncset.done $0x0  }
0x54: {  	[sflag:s0] =	ssyncadd.s32 $0xFFFFC000  }
0x55: {  	_ =	swait.ge [sflag:s0], $0x4000  }
0x56: {  	[sflag:s0] =	ssyncset.done $0x0  }
0x57: {  	[sflag:s0] =	ssyncadd.s32 $0xFFFFC000  }
0x58: {  	_ =	swait.ge [sflag:s0], $0x4000  }
0x59: {  	[sflag:s0] =	ssyncset.done $0x0  }
0x5a: {  	[sflag:s0] =	ssyncadd.s32 $0xFFFFC000  }
0x5b: {  	_ =	swait.ge [sflag:s2], $0x80  }
0x5c: {  	[sflag:s2] =	ssyncset.done $0x0  }
0x5d: {  	[sflag:s2] =	ssyncadd.s32 $0xFFFFFF80  }
0x5e: {  	[tilespmem:s31], [sflag:$0x5] =	stream.indirect.gather [hbm4b:s4+s6], $0x80, s25, s6, $0xb8;
	[tilespmem:$0x1EA00] =	vst v63  }
0x5f: {  	[bflag:$0x0] =	sbarrier.arrive $0xFFFF  }
0x60: {  	_ =	swait.ge [sflag:s7], $0x80  }
0x61: {  	[sflag:s7] =	ssyncset.done $0x0  }
0x62: {  	[sflag:s7] =	ssyncadd.s32 $0xFFFFFF80  }
0x63: {  	[tilespmem:s8], [sflag:$0x6] =	stream.indirect.gather [hbm4b:s4+s6], $0x80, s26, s6, $0xb8;
	[tilespmem:$0x1EA00] =	vst v63  }
0x64: {  	s23 =	simm.s32 $0x0;
	s12 =	rddreg [dreg:$0xc]  }
0x65: {  	[tilespmem:s14], [sflag:$0x4] =	stream.linear.gather [hbm4b:s12+s23], $0x80, $0x38;
	[tilespmem:$0x1EA00] =	vst v63  }
0x66: {  	_ =	swait.ge [sflag:s15], $0x4000  }
0x67: {  	[sflag:s15] =	ssyncset.done $0x0  }
0x68: {  	[sflag:s15] =	ssyncadd.s32 $0xFFFFC000  }
0x69: {  	[spmem:s1] =	stream.indirect.scatter.add.f32 [tilespmem:s31], [sflag:$0x7], $0x80, s13, s6, $0xb8;
	[tilespmem:$0x1EA00] =	vst v63  }
0x6a: {  	_ =	swait.ge [sflag:s16], $0x80  }
0x6b: {  	[sflag:s16] =	ssyncset.done $0x0  }
0x6c: {  	[sflag:s16] =	ssyncadd.s32 $0xFFFFFF80  }
0x6d: {  	_ =	swait.ge [sflag:s17], $0x4000  }
0x6e: {  	[sflag:s17] =	ssyncset.done $0x0  }
0x6f: {  	[sflag:s17] =	ssyncadd.s32 $0xFFFFC000  }
0x70: {  	[tilespmem:s31], [sflag:$0x5] =	stream.indirect.gather [hbm4b:s4+s6], $0x80, s28, s6, $0xb8;
	[tilespmem:$0x1EA00] =	vst v63  }
0x71: {  	s12 =	rddreg [dreg:$0x16]  }
0x72: {  	[tilespmem:s25], [sflag:$0x1] =	stream.linear.gather [hbm4b:s12+s3], $0x80, $0x38;
	[tilespmem:$0x1EA00] =	vst v63  }
0x73: {  	_ =	swait.ge [sflag:s18], $0x4000  }
0x74: {  	[sflag:s18] =	ssyncset.done $0x0  }
0x75: {  	s24 =	simm.s32 $0x14080;
	[sflag:s18] =	ssyncadd.s32 $0xFFFFC000  }
0x76: {  	[spmem:s1] =	stream.indirect.scatter.add.f32 [tilespmem:s8], [sflag:$0x8], $0x80, s24, s6, $0xb8;
	[tilespmem:$0x1EA00] =	vst v63  }
0x77: {  	_ =	swait.ge [sflag:s19], $0x80  }
0x78: {  	[sflag:s19] =	ssyncset.done $0x0  }
0x79: {  	[sflag:s19] =	ssyncadd.s32 $0xFFFFFF80  }
0x7a: {  	_ =	swait.ge [sflag:s5], $0x4000  }
0x7b: {  	[sflag:s5] =	ssyncset.done $0x0  }
0x7c: {  	[sflag:s5] =	ssyncadd.s32 $0xFFFFC000  }
0x7d: {  	[tilespmem:s8], [sflag:$0x6] =	stream.indirect.gather [hbm4b:s4+s6], $0x80, s14, s6, $0xb8;
	[tilespmem:$0x1EA00] =	vst v63  }
0x7e: {  	s21 =	rddreg [dreg:$0x15]  }
0x7f: {  	[tilespmem:s26], [sflag:$0x2] =	stream.linear.gather [hbm4b:s21+s3], $0x80, $0x38;
	[tilespmem:$0x1EA00] =	vst v63  }
0x80: {  	_ =	swait.ge [sflag:s15], $0x4000  }
0x81: {  	[sflag:s15] =	ssyncset.done $0x0  }
0x82: {  	s13 =	simm.s32 $0x14100;
	[sflag:s15] =	ssyncadd.s32 $0xFFFFC000  }
0x83: {  	[spmem:s1] =	stream.indirect.scatter.add.f32 [tilespmem:s31], [sflag:$0x7], $0x80, s13, s6, $0xb8;
	[tilespmem:$0x1EA00] =	vst v63  }
0x84: {  	_ =	swait.ge [sflag:s2], $0x80  }
0x85: {  	[sflag:s2] =	ssyncset.done $0x0  }
0x86: {  	[sflag:s2] =	ssyncadd.s32 $0xFFFFFF80  }
0x87: {  	_ =	swait.ge [sflag:s17], $0x4000  }
0x88: {  	[sflag:s17] =	ssyncset.done $0x0  }
0x89: {  	[sflag:s17] =	ssyncadd.s32 $0xFFFFC000  }
0x8a: {  	[tilespmem:s31], [sflag:$0x5] =	stream.indirect.gather [hbm4b:s4+s6], $0x80, s25, s6, $0xb8;
	[tilespmem:$0x1EA00] =	vst v63  }
0x8b: {  	s22 =	rddreg [dreg:$0x14]  }
0x8c: {  	[tilespmem:s28], [sflag:$0x3] =	stream.linear.gather [hbm4b:s22+s3], $0x80, $0x38;
	[tilespmem:$0x1EA00] =	vst v63  }
0x8d: {  	_ =	swait.ge [sflag:s18], $0x4000  }
0x8e: {  	[sflag:s18] =	ssyncset.done $0x0  }
0x8f: {  	s23 =	simm.s32 $0x14180;
	[sflag:s18] =	ssyncadd.s32 $0xFFFFC000  }
0x90: {  	[spmem:s1] =	stream.indirect.scatter.add.f32 [tilespmem:s8], [sflag:$0x8], $0x80, s23, s6, $0xb8;
	[tilespmem:$0x1EA00] =	vst v63  }
0x91: {  	_ =	swait.ge [sflag:s7], $0x80  }
0x92: {  	[sflag:s7] =	ssyncset.done $0x0  }
0x93: {  	[sflag:s7] =	ssyncadd.s32 $0xFFFFFF80  }
0x94: {  	_ =	swait.ge [sflag:s5], $0x4000  }
0x95: {  	[sflag:s5] =	ssyncset.done $0x0  }
0x96: {  	[sflag:s5] =	ssyncadd.s32 $0xFFFFC000  }
0x97: {  	[tilespmem:s8], [sflag:$0x6] =	stream.indirect.gather [hbm4b:s4+s6], $0x80, s26, s6, $0xb8;
	[tilespmem:$0x1EA00] =	vst v63  }
0x98: {  	s24 =	rddreg [dreg:$0x13]  }
0x99: {  	[tilespmem:s14], [sflag:$0x4] =	stream.linear.gather [hbm4b:s24+s3], $0x80, $0x38;
	[tilespmem:$0x1EA00] =	vst v63  }
0x9a: {  	s11 =	simm.s32 $0x800;
	s12 =	sadd.s32 $0x40, s12;
	_ =	swait.ge [sflag:s15], $0x4000  }
0x9b: {  	s21 =	sadd.s32 $0x40, s21;
	s13 =	sadd.s32 $0x40, s22;
	[sflag:s15] =	ssyncset.done $0x0  }
0x9c: {  	s23 =	simm.s32 $0x14200;
	s22 =	sadd.s32 $0x40, s24;
	[sflag:s15] =	ssyncadd.s32 $0xFFFFC000  }
.LBB2_4:
0x9d: {  	[spmem:s1] =	stream.indirect.scatter.add.f32 [tilespmem:s31], [sflag:$0x7], $0x80, s23, s6, $0xb8;
	[tilespmem:$0x1EA00] =	vst v63  }
0x9e: {  	s23 =	smov.u32 s11  }
0x9f: {  	p0 =	sne.s32 s11, $0x9000;
	s11 =	sadd.s32 $0x800, s11;
	_ =	swait.ge [sflag:s16], $0x80  }
0xa0: {  	[sflag:s16] =	ssyncset.done $0x0  }
0xa1: {  	[sflag:s16] =	ssyncadd.s32 $0xFFFFFF80  }
0xa2: {  	_ =	swait.ge [sflag:s17], $0x4000  }
0xa3: {  	[sflag:s17] =	ssyncset.done $0x0  }
0xa4: {  	[sflag:s17] =	ssyncadd.s32 $0xFFFFC000  }
0xa5: {  	[tilespmem:s31], [sflag:$0x5] =	stream.indirect.gather [hbm4b:s4+s6], $0x80, s28, s6, $0xb8;
	[tilespmem:$0x1EA00] =	vst v63  }
0xa6: {  	_ = 	snop  }
0xa7: {  	[tilespmem:s25], [sflag:$0x1] =	stream.linear.gather [hbm4b:s12+s3], $0x80, $0x38;
	[tilespmem:$0x1EA00] =	vst v63  }
0xa8: {  	_ =	swait.ge [sflag:s18], $0x4000  }
0xa9: {  	s23 =	sshra.s32 s23, $0x2;
	[sflag:s18] =	ssyncset.done $0x0  }
0xaa: {  	s24 =	sadd.s32 $0x14080, s23;
	[sflag:s18] =	ssyncadd.s32 $0xFFFFC000  }
0xab: {  	[spmem:s1] =	stream.indirect.scatter.add.f32 [tilespmem:s8], [sflag:$0x8], $0x80, s24, s6, $0xb8;
	[tilespmem:$0x1EA00] =	vst v63  }
0xac: {  	_ =	swait.ge [sflag:s19], $0x80  }
0xad: {  	[sflag:s19] =	ssyncset.done $0x0  }
0xae: {  	[sflag:s19] =	ssyncadd.s32 $0xFFFFFF80  }
0xaf: {  	_ =	swait.ge [sflag:s5], $0x4000  }
0xb0: {  	[sflag:s5] =	ssyncset.done $0x0  }
0xb1: {  	[sflag:s5] =	ssyncadd.s32 $0xFFFFC000  }
0xb2: {  	[tilespmem:s8], [sflag:$0x6] =	stream.indirect.gather [hbm4b:s4+s6], $0x80, s14, s6, $0xb8;
	[tilespmem:$0x1EA00] =	vst v63  }
0xb3: {  	_ = 	snop  }
0xb4: {  	[tilespmem:s26], [sflag:$0x2] =	stream.linear.gather [hbm4b:s21+s3], $0x80, $0x38;
	[tilespmem:$0x1EA00] =	vst v63  }
0xb5: {  	_ =	swait.ge [sflag:s15], $0x4000  }
0xb6: {  	[sflag:s15] =	ssyncset.done $0x0  }
0xb7: {  	s24 =	sadd.s32 $0x14100, s23;
	[sflag:s15] =	ssyncadd.s32 $0xFFFFC000  }
0xb8: {  	[spmem:s1] =	stream.indirect.scatter.add.f32 [tilespmem:s31], [sflag:$0x7], $0x80, s24, s6, $0xb8;
	[tilespmem:$0x1EA00] =	vst v63  }
0xb9: {  	_ =	swait.ge [sflag:s2], $0x80  }
0xba: {  	[sflag:s2] =	ssyncset.done $0x0  }
0xbb: {  	[sflag:s2] =	ssyncadd.s32 $0xFFFFFF80  }
0xbc: {  	_ =	swait.ge [sflag:s17], $0x4000  }
0xbd: {  	[sflag:s17] =	ssyncset.done $0x0  }
0xbe: {  	[sflag:s17] =	ssyncadd.s32 $0xFFFFC000  }
0xbf: {  	[tilespmem:s31], [sflag:$0x5] =	stream.indirect.gather [hbm4b:s4+s6], $0x80, s25, s6, $0xb8;
	[tilespmem:$0x1EA00] =	vst v63  }
0xc0: {  	_ = 	snop  }
0xc1: {  	[tilespmem:s28], [sflag:$0x3] =	stream.linear.gather [hbm4b:s13+s3], $0x80, $0x38;
	[tilespmem:$0x1EA00] =	vst v63  }
0xc2: {  	_ =	swait.ge [sflag:s18], $0x4000  }
0xc3: {  	[sflag:s18] =	ssyncset.done $0x0  }
0xc4: {  	s24 =	sadd.s32 $0x14180, s23;
	[sflag:s18] =	ssyncadd.s32 $0xFFFFC000  }
0xc5: {  	[spmem:s1] =	stream.indirect.scatter.add.f32 [tilespmem:s8], [sflag:$0x8], $0x80, s24, s6, $0xb8;
	[tilespmem:$0x1EA00] =	vst v63  }
0xc6: {  	_ =	swait.ge [sflag:s7], $0x80  }
0xc7: {  	[sflag:s7] =	ssyncset.done $0x0  }
0xc8: {  	[sflag:s7] =	ssyncadd.s32 $0xFFFFFF80  }
0xc9: {  	_ =	swait.ge [sflag:s5], $0x4000  }
0xca: {  	[sflag:s5] =	ssyncset.done $0x0  }
0xcb: {  	[sflag:s5] =	ssyncadd.s32 $0xFFFFC000  }
0xcc: {  	[tilespmem:s8], [sflag:$0x6] =	stream.indirect.gather [hbm4b:s4+s6], $0x80, s26, s6, $0xb8;
	[tilespmem:$0x1EA00] =	vst v63  }
.Ltmp1:
0xcd: {  	(pc) =	sbr.rel @p0 .LBB2_4-.Ltmp1, $4  }
0xce: {  	[tilespmem:s14], [sflag:$0x4] =	stream.linear.gather [hbm4b:s22+s3], $0x80, $0x38;
	[tilespmem:$0x1EA00] =	vst v63  }
0xcf: {  	s12 =	sadd.s32 $0x40, s12;
	_ =	swait.ge [sflag:s15], $0x4000  }
0xd0: {  	s21 =	sadd.s32 $0x40, s21;
	s13 =	sadd.s32 $0x40, s13;
	[sflag:s15] =	ssyncset.done $0x0  }
0xd1: {  	s23 =	sadd.s32 $0x14200, s23;
	s22 =	sadd.s32 $0x40, s22;
	[sflag:s15] =	ssyncadd.s32 $0xFFFFC000  }
0xd2: {  	[spmem:s1] =	stream.indirect.scatter.add.f32 [tilespmem:s31], [sflag:$0x7], $0x80, s23, s6, $0xb8;
	[tilespmem:$0x1EA00] =	vst v63  }
0xd3: {  	_ =	swait.ge [sflag:s16], $0x80  }
0xd4: {  	[sflag:s16] =	ssyncset.done $0x0  }
0xd5: {  	[sflag:s16] =	ssyncadd.s32 $0xFFFFFF80  }
0xd6: {  	_ =	swait.ge [sflag:s17], $0x4000  }
0xd7: {  	[sflag:s17] =	ssyncset.done $0x0  }
0xd8: {  	[sflag:s17] =	ssyncadd.s32 $0xFFFFC000  }
0xd9: {  	[tilespmem:s31], [sflag:$0x5] =	stream.indirect.gather [hbm4b:s4+s6], $0x80, s28, s6, $0xb8;
	[tilespmem:$0x1EA00] =	vst v63  }
0xda: {  	_ =	swait.ge [sflag:s18], $0x4000  }
0xdb: {  	[sflag:s18] =	ssyncset.done $0x0  }
0xdc: {  	s11 =	simm.s32 $0x16680;
	[sflag:s18] =	ssyncadd.s32 $0xFFFFC000  }
0xdd: {  	[spmem:s1] =	stream.indirect.scatter.add.f32 [tilespmem:s8], [sflag:$0x8], $0x80, s11, s6, $0xb8;
	[tilespmem:$0x1EA00] =	vst v63  }
0xde: {  	_ =	swait.ge [sflag:s19], $0x80  }
0xdf: {  	[sflag:s19] =	ssyncset.done $0x0  }
0xe0: {  	[sflag:s19] =	ssyncadd.s32 $0xFFFFFF80  }
0xe1: {  	_ =	swait.ge [sflag:s5], $0x4000  }
0xe2: {  	[sflag:s5] =	ssyncset.done $0x0  }
0xe3: {  	[sflag:s5] =	ssyncadd.s32 $0xFFFFC000  }
0xe4: {  	[tilespmem:s8], [sflag:$0x6] =	stream.indirect.gather [hbm4b:s4+s6], $0x80, s14, s6, $0xb8;
	[tilespmem:$0x1EA00] =	vst v63  }
0xe5: {  	_ =	swait.ge [sflag:s15], $0x4000  }
0xe6: {  	[sflag:s15] =	ssyncset.done $0x0  }
0xe7: {  	s22 =	simm.s32 $0x16700;
	[sflag:s15] =	ssyncadd.s32 $0xFFFFC000  }
0xe8: {  	[spmem:s1] =	stream.indirect.scatter.add.f32 [tilespmem:s31], [sflag:$0x7], $0x80, s22, s6, $0xb8;
	[tilespmem:$0x1EA00] =	vst v63  }
0xe9: {  	_ =	swait.ge [sflag:s17], $0x4000  }
0xea: {  	[sflag:s17] =	ssyncset.done $0x0  }
0xeb: {  	[sflag:s17] =	ssyncadd.s32 $0xFFFFC000  }
0xec: {  	_ =	swait.ge [sflag:s18], $0x4000  }
0xed: {  	[sflag:s18] =	ssyncset.done $0x0  }
0xee: {  	s23 =	simm.s32 $0x16780;
	[sflag:s18] =	ssyncadd.s32 $0xFFFFC000  }
0xef: {  	[spmem:s1] =	stream.indirect.scatter.add.f32 [tilespmem:s8], [sflag:$0x8], $0x80, s23, s6, $0xb8;
	[tilespmem:$0x1EA00] =	vst v63  }
0xf0: {  	_ =	swait.ge [sflag:s5], $0x4000  }
0xf1: {  	[sflag:s5] =	ssyncset.done $0x0  }
0xf2: {  	[sflag:s5] =	ssyncadd.s32 $0xFFFFC000  }
0xf3: {  	[bflag:$0x0] =	sbarrier.arrive $0xFFFF  }
0xf4: {  	s21 =	rddreg [dreg:$0x7]  }
0xf5: {  	[tilespmem:s31], [sflag:$0xA] =	stream.linear.gather [spmem:s21], $0x4000, $0x38;
	[tilespmem:$0x1EA00] =	vst v63  }
0xf6: {  	s22 =	rddreg [dreg:$0x8]  }
0xf7: {  	[tilespmem:s8], [sflag:$0xB] =	stream.linear.gather [spmem:s22], $0x4000, $0x38;
	[tilespmem:$0x1EA00] =	vst v63  }
0xf8: {  	_ =	swait.ge [sflag:s20], $0x4000  }
0xf9: {  	[sflag:s20] =	ssyncset.done $0x0  }
0xfa: {  	s24 =	rddreg [dreg:$0xd];
	[sflag:s20] =	ssyncadd.s32 $0xFFFFC000  }
0xfb: {  	[hbm4b:s24+s3] =	stream.linear.scatter [tilespmem:s31], [sflag:$0xC], $0x4000, $0x38;
	[tilespmem:$0x1EA00] =	vst v63  }
0xfc: {  	_ =	swait.ge [sflag:s29], $0x4000  }
0xfd: {  	[sflag:s29] =	ssyncset.done $0x0  }
0xfe: {  	s23 =	rddreg [dreg:$0x9];
	[sflag:s29] =	ssyncadd.s32 $0xFFFFC000  }
0xff: {  	[tilespmem:s31], [sflag:$0xA] =	stream.linear.gather [spmem:s23], $0x4000, $0x38;
	[tilespmem:$0x1EA00] =	vst v63  }
0x100: {  	_ =	swait.ge [sflag:s30], $0x4000  }
0x101: {  	[sflag:s30] =	ssyncset.done $0x0  }
0x102: {  	s12 =	rddreg [dreg:$0xe];
	[sflag:s30] =	ssyncadd.s32 $0xFFFFC000  }
0x103: {  	[hbm4b:s12+s3] =	stream.linear.scatter [tilespmem:s8], [sflag:$0xD], $0x4000, $0x38;
	[tilespmem:$0x1EA00] =	vst v63  }
0x104: {  	_ =	swait.ge [sflag:s9], $0x4000  }
0x105: {  	[sflag:s9] =	ssyncset.done $0x0  }
0x106: {  	s24 =	rddreg [dreg:$0xa];
	[sflag:s9] =	ssyncadd.s32 $0xFFFFC000  }
0x107: {  	[tilespmem:s8], [sflag:$0xB] =	stream.linear.gather [spmem:s24], $0x4000, $0x38;
	[tilespmem:$0x1EA00] =	vst v63  }
0x108: {  	_ =	swait.ge [sflag:s20], $0x4000  }
0x109: {  	[sflag:s20] =	ssyncset.done $0x0  }
0x10a: {  	s13 =	rddreg [dreg:$0xf];
	[sflag:s20] =	ssyncadd.s32 $0xFFFFC000  }
0x10b: {  	[hbm4b:s13+s3] =	stream.linear.scatter [tilespmem:s31], [sflag:$0xC], $0x4000, $0x38;
	[tilespmem:$0x1EA00] =	vst v63  }
0x10c: {  	_ =	swait.ge [sflag:s29], $0x4000  }
0x10d: {  	[sflag:s29] =	ssyncset.done $0x0  }
0x10e: {  	s12 =	rddreg [dreg:$0xb];
	[sflag:s29] =	ssyncadd.s32 $0xFFFFC000  }
0x10f: {  	[tilespmem:s31], [sflag:$0xA] =	stream.linear.gather [spmem:s12], $0x4000, $0x38;
	[tilespmem:$0x1EA00] =	vst v63  }
0x110: {  	_ =	swait.ge [sflag:s30], $0x4000  }
0x111: {  	[sflag:s30] =	ssyncset.done $0x0  }
0x112: {  	s13 =	rddreg [dreg:$0x10];
	[sflag:s30] =	ssyncadd.s32 $0xFFFFC000  }
0x113: {  	[hbm4b:s13+s3] =	stream.linear.scatter [tilespmem:s8], [sflag:$0xD], $0x4000, $0x38;
	[tilespmem:$0x1EA00] =	vst v63  }
0x114: {  	_ =	swait.ge [sflag:s20], $0x4000  }
0x115: {  	[sflag:s20] =	ssyncset.done $0x0  }
0x116: {  	s12 =	rddreg [dreg:$0x11];
	[sflag:s20] =	ssyncadd.s32 $0xFFFFC000  }
0x117: {  	[hbm4b:s12+s3] =	stream.linear.scatter [tilespmem:s31], [sflag:$0xC], $0x4000, $0x38;
	[tilespmem:$0x1EA00] =	vst v63  }
0x118: {  	_ =	swait.ge [sflag:s9], $0x4000  }
0x119: {  	[sflag:s9] =	ssyncset.done $0x0  }
0x11a: {  	[sflag:s9] =	ssyncadd.s32 $0xFFFFC000  }
0x11b: {  	_ =	swait.ge [sflag:s29], $0x4000  }
0x11c: {  	s10 =	sadd.s32 $0x1, s10;
	s13 =	rddreg [dreg:$0x12]  }
0x11d: {  	p0 =	sne.s32 s10, s13  }
.Ltmp2:
0x11e: {  	_ = 	snop;
	(pc) =	sbr.rel @p0 .LBB2_1-.Ltmp2, $3  }
0x11f: {  	_ =	sdelay $0x1  }
0x120: {  	[sflag:s29] =	ssyncset.done $0x0  }
0x121: {  	[sflag:s29] =	ssyncadd.s32 $0xFFFFC000;
	s13 =	simm.s32 $0x14000  }
0x122: {  	_ =	sfence.sel $0x180000  }
0x123: {  	[bflag:$0x0] =	sbarrier.arrive $0xFFFF  }
0x124: {  	_ =	strace $0x9000004A  }
0x125: {  	s0 =	stileid.u32;
	[bflag:$0x2] =	sbarrier.arrive $0xFFFF  }
0x126: {  	p0 =	sne.s32 s0, $0x0;
	s0 =	rddreg [dreg:$0x2]  }
0x127: {  	s0 =	sadd.s32 @!p0 $0x100000, s0  }
0x128: {  	[sflag:s0] =	ssyncadd.tile.s32 @!p0 $0x1;
	_ =	shalt  }
.Lfunc_end2:
_tile_overlayer_lowered:
.L_overlay_start_2:
0x129: {  	(tag) =	ssettag $0x2  }
0x12a: {  	s0 =	rddreg [dreg:$0x0];
	s2 =	stileid.u32  }
0x12b: {  	s1 =	rddreg [dreg:$0x1];
	p0 =	sne.s32 s2, $0x0  }
0x12c: {  	s3 =	rddreg [dreg:$0x2];
	[bflag:$0x3] =	sbarrier.arrive $0xFFFF;
	s2 =	simm.s32 @!p0 $0x1C0E  }
0x12d: {  	[timem:s3], [sflag:s2] =	dma.local @!p0 [hbm:s0], s1  }
0x12e: {  	s0 =	simm.s32 @!p0 $0xE  }
0x12f: {  	_ =	swait.ge @!p0 [sflag:s0], s1  }
0x130: {  	s1 =	ssub.s32 @!p0 $0x0, s1;
	[sflag:s0] =	ssyncset.done @!p0 $0x0  }
0x131: {  	[sflag:s0] =	ssyncadd.s32 @!p0 s1  }
0x132: {  	[bflag:$0x3] =	sbarrier.arrive $0xFFFF  }
0x133: {  	_ =	shalt  }

// kernel: kernel.17.cloned.1.call-start
scs
__scs_entry_jumppad:
0x0: {  	(pc) =	sbr.rel $0x88, $3  }
0x1: {  	(tag) =	ssettag $0x0;
	lr =	simm.s32 $0x1  }
0x2: {  	[smem:$0x3F94] =	sst lr;
	_ =	strace $0xD0000000  }
0x3: {  	_ = 	snop  }
0x4: {  	_ = 	snop  }
0x5: {  	_ = 	snop  }
0x6: {  	_ = 	snop  }
0x7: {  	_ = 	snop  }
__scs_overlays_trampoline_lowered:
0x8: {  	[smem:$0x3FA3] =	sst s0  }
0x9: {  	[smem:$0x3FA4] =	sst s1  }
0xa: {  	[smem:$0x3FA5] =	sst s2  }
0xb: {  	[smem:$0x3FA6] =	sst s3  }
0xc: {  	[smem:$0x3FA7] =	sst s4  }
0xd: {  	[smem:$0x3FA8] =	sst s5  }
0xe: {  	[smem:$0x3FA9] =	sst s6  }
0xf: {  	[smem:$0x3FAA] =	sst s7  }
0x10: {  	[smem:$0x3FAB] =	sst s8  }
0x11: {  	[smem:$0x3FAC] =	sst s9;
	s0 =	simm.s32 @!p0 $0x0  }
0x12: {  	s1 =	sld [smem:$0x3F92];
	s0 =	simm.s32 @p0 $0x1  }
0x13: {  	[smem:$0x3FAD] =	sst s0;
	s0 =	simm.s32 @!p1 $0x0  }
0x14: {  	s2 =	sld [smem:$0x3F91];
	s0 =	simm.s32 @p1 $0x1  }
0x15: {  	[smem:$0x3FAE] =	sst s0;
	s0 =	simm.s32 @!p2 $0x0  }
0x16: {  	s3 =	sld [smem:$0x3FDB];
	s0 =	simm.s32 @p2 $0x1  }
0x17: {  	s4 =	simm.s32 $0x1BF5;
	[smem:$0x3FB0] =	sst s0  }
0x18: {  	s0 =	sld [smem:$0x3F93];
	_ =	swait.ge [sflag:s4], $0x0  }
0x19: {  	s7 =	sld [smem:$0x3F94]  }
0x1a: {  	s8 =	sadd.s32 $0xFFFFE003, lr  }
0x1b: {  	s9 =	sadd.s32 $0xFFFFFEF7, lr;
	s5 =	simm.s32 $0xFFFFFFFF;
	p2 =	slt.u32 s8, $0xFFFFF086  }
0x1c: {  	p1 =	slt.u32 s9, $0xF7A;
	s5 =	simm.s32 @!p2 $0x0  }
0x1d: {  	s5 =	simm.s32 @p1 $0x1;
	p0 =	seq.s32 s7, s2  }
0x1e: {  	s7 =	smul.u32 @!p0 $0xF7A, s2;
	p2 =	seq.s32 @!p0 s5, $0x0  }
0x1f: {  	s9 =	smul.u32 $0xF7A, s1;
	s8 =	simm.s32 @!p0 $0x1BF5;
	p2 =	por !p2, p0  }
0x20: {  	[sflag:s8] =	ssyncset.s32 @!p0 $0xFFFFF086;
	s6 =	sadd.s32 @!p0 s3, s7;
	s7 =	simm.s32 @!p0 $0x108  }
0x21: {  	s3 =	sadd.s32 s3, s9;
	s6 =	sadd.s32 @!p0 $0x88, s6;
	s7 =	simm.s32 @p2 $0x1082  }
0x22: {  	[simem:s7], [sflag:s8] =	dma.local @!p0 [hbm:s6], $0xF7A  }
0x23: {  	s9 =	sor.u32 $0xD0000000, s2;
	s6 =	simm.s32 $0x108;
	_ =	swait.ge @!p0 [sflag:s8], $0x0  }
0x24: {  	s3 =	sadd.s32 $0x88, s3;
	s6 =	simm.s32 @!p1 $0x1082;
	[sflag:s4] =	ssyncset.s32 $0xFFFFF086  }
0x25: {  	[simem:s6], [sflag:s4] =	dma.local [hbm:s3], $0xF7A  }
0x26: {  	[smem:$0x3F94] =	sst s1;
	(tag) =	ssettag s2;
	_ =	strace s9  }
0x27: {  	s1 =	sld [smem:$0x3FA4]  }
0x28: {  	s2 =	sld [smem:$0x3FA5]  }
0x29: {  	s4 =	sld [smem:$0x3FA7]  }
0x2a: {  	p0 =	seq.s32 s5, $0x0;
	s5 =	sld [smem:$0x3FA8]  }
0x2b: {  	s6 =	sld [smem:$0x3FA9]  }
0x2c: {  	s7 =	sld [smem:$0x3FAA]  }
0x2d: {  	s3 =	simm.s32 $0x108;
	s8 =	sld [smem:$0x3FAB]  }
0x2e: {  	s3 =	simm.s32 @!p0 $0x1082;
	s9 =	sld [smem:$0x3FAC]  }
0x2f: {  	lr =	sadd.s32 s0, s3;
	s0 =	sld [smem:$0x3FA3]  }
0x30: {  	s3 =	sld [smem:$0x3FA6]  }
0x31: {  	[smem:$0x3FAF] =	sst s10  }
0x32: {  	s10 =	sld [smem:$0x3FAD];
	_ =	sdelay $0x3  }
0x33: {  	p0 =	seq.s32 s10, $0x1;
	s10 =	sld [smem:$0x3FAF];
	_ =	sdelay $0x3  }
0x34: {  	[smem:$0x3FAF] =	sst s10  }
0x35: {  	s10 =	sld [smem:$0x3FAE];
	_ =	sdelay $0x3  }
0x36: {  	p1 =	seq.s32 s10, $0x1;
	s10 =	sld [smem:$0x3FAF];
	_ =	sdelay $0x3  }
0x37: {  	[smem:$0x3FAF] =	sst s10  }
0x38: {  	s10 =	sld [smem:$0x3FB0]  }
0x39: {  	_ = 	snop;
	(pc) =	sbr.ind lr, $3  }
0x3a: {  	_ = 	snop  }
0x3b: {  	_ = 	snop  }
0x3c: {  	p2 =	seq.s32 s10, $0x1;
	s10 =	sld [smem:$0x3FAF]  }
0x3d: {  	_ =	shalt  }
0x3e: {  	_ =	shalt  }
0x3f: {  	_ =	shalt  }
0x40: {  	_ =	shalt  }
0x41: {  	_ =	shalt  }
0x42: {  	_ =	shalt  }
0x43: {  	_ =	shalt  }
0x44: {  	_ =	shalt  }
0x45: {  	_ =	shalt  }
0x46: {  	_ =	shalt  }
0x47: {  	_ =	shalt  }
0x48: {  	_ =	shalt  }
0x49: {  	_ =	shalt  }
0x4a: {  	_ =	shalt  }
0x4b: {  	_ =	shalt  }
0x4c: {  	_ =	shalt  }
0x4d: {  	_ =	shalt  }
0x4e: {  	_ =	shalt  }
0x4f: {  	_ =	shalt  }
0x50: {  	_ =	shalt  }
0x51: {  	_ =	shalt  }
0x52: {  	_ =	shalt  }
0x53: {  	_ =	shalt  }
0x54: {  	_ =	shalt  }
0x55: {  	_ =	shalt  }
0x56: {  	_ =	shalt  }
0x57: {  	_ =	shalt  }
0x58: {  	_ =	shalt  }
0x59: {  	_ =	shalt  }
0x5a: {  	_ =	shalt  }
0x5b: {  	_ =	shalt  }
0x5c: {  	_ =	shalt  }
0x5d: {  	_ =	shalt  }
0x5e: {  	_ =	shalt  }
0x5f: {  	_ =	shalt  }
0x60: {  	_ =	shalt  }
0x61: {  	_ =	shalt  }
0x62: {  	_ =	shalt  }
0x63: {  	_ =	shalt  }
0x64: {  	_ =	shalt  }
0x65: {  	_ =	shalt  }
0x66: {  	_ =	shalt  }
0x67: {  	_ =	shalt  }
0x68: {  	_ =	shalt  }
0x69: {  	_ =	shalt  }
0x6a: {  	_ =	shalt  }
0x6b: {  	_ =	shalt  }
0x6c: {  	_ =	shalt  }
0x6d: {  	_ =	shalt  }
0x6e: {  	_ =	shalt  }
0x6f: {  	_ =	shalt  }
0x70: {  	_ =	shalt  }
0x71: {  	_ =	shalt  }
0x72: {  	_ =	shalt  }
0x73: {  	_ =	shalt  }
0x74: {  	_ =	shalt  }
0x75: {  	_ =	shalt  }
0x76: {  	_ =	shalt  }
0x77: {  	_ =	shalt  }
0x78: {  	_ =	shalt  }
0x79: {  	_ =	shalt  }
0x7a: {  	_ =	shalt  }
0x7b: {  	_ =	shalt  }
0x7c: {  	_ =	shalt  }
0x7d: {  	_ =	shalt  }
0x7e: {  	_ =	shalt  }
0x7f: {  	_ =	shalt  }
0x80: {  	_ =	shalt  }
0x81: {  	_ =	shalt  }
0x82: {  	_ =	shalt  }
0x83: {  	_ =	shalt  }
0x84: {  	_ =	shalt  }
0x85: {  	_ =	shalt  }
0x86: {  	_ =	shalt  }
0x87: {  	_ =	shalt  }
.Lfunc_end0:
.L_simem_size_0:
called_computation.2_lowered:
.L_overlay_start_0:
0x88: {  	s2 =	sld [smem:$0x3FD9]  }
0x89: {  	s3 =	sld [smem:$0x3FFE];
	_ =	sdelay $0x1  }
0x8a: {  	s1 =	srdreg.scid  }
0x8b: {  	s0 =	sand.u32 $0x1, s1  }
0x8c: {  	s16 =	sshll.u32 s0, $0xA;
	s2 =	sadd.s32 s3, s2  }
0x8d: {  	s2 =	sadd.s32 s2, s16  }
0x8e: {  	[smem:$0x3FBB] =	sst s2  }
0x8f: {  	_ = 	snop  }
0x90: {  	(tm) =	ssettm $0x1  }
0x91: {  	s17 =	sld [smem:$0x3FFB];
	_ =	sdelay $0x3  }
0x92: {  	_ =	strace s17  }
0x93: {  	s2 =	sld [smem:$0x3FFC];
	_ =	sdelay $0x3  }
0x94: {  	_ =	strace s2  }
0x95: {  	s2 =	sld [smem:$0x3FFD];
	_ =	sdelay $0x3  }
0x96: {  	_ =	strace s2  }
0x97: {  	_ =	strace $0x8FFFFFFF  }
0x98: {  	s18 =	sld [smem:$0x3FDB];
	_ =	sdelay $0x1  }
0x99: {  	s19 =	simm.s32 $_scs_section_size  }
0x9a: {  	s4 =	simm.s32 $_size__tile_overlayer_lowered;
	s5 =	simm.s32 $_tile_overlayer_lowered  }
0x9b: {  	s22 =	simm.s32 $0x1BFF;
	s21 =	sshll.u32 s5, $0x1;
	s2 =	sadd.s32 s19, s18  }
0x9c: {  	s6 =	simm.s32 $0x0;
	s20 =	sshll.u32 s4, $0x1;
	s4 =	sadd.s32 s21, s2  }
0x9d: {  	[timem:s6], [sflag:s22] =	dma.local [hbm:s4], s20  }
0x9e: {  	_ =	swait.ge [sflag:s22], s20  }
0x9f: {  	s3 =	ssub.s32 $0x0, s20;
	[sflag:s22] =	ssyncset.done $0x0  }
0xa0: {  	[sflag:s22] =	ssyncadd.s32 s3;
	_ =	sdelay $0x1  }
0xa1: {  	s23 =	simm.s32 $0x1B8B  }
0xa2: {  	_ =	swait.ge [sflag:s23], $0x1  }
0xa3: {  	[sflag:s23] =	ssyncset.done $0x0  }
0xa4: {  	s25 =	simm.s32 $0x1B8E;
	s24 =	sld [smem:$0x3FFE];
	[sflag:s23] =	ssyncadd.s32 $0xFFFFFFFF  }
0xa5: {  	s26 =	simm.s32 $execute0_lowered;
	[smem:$0x3FD2] =	sst s25  }
0xa6: {  	s4 =	sshll.u32 s26, $0x1;
	_ =	strace $0x8000004C;
	[dreg:$0x1] =	wrdreg $0xFFFFFFFF  }
0xa7: {  	s28 =	simm.s32 $_size_execute0_lowered;
	s2 =	sadd.s32 s2, s4;
	[dreg:$0x0] =	wrdreg $0x0  }
0xa8: {  	s4 =	sshll.u32 s28, $0x1;
	[dreg:$0x2] =	wrdreg s2  }
0xa9: {  	[dreg:$0x3] =	wrdreg s4  }
0xaa: {  	[dreg:$0x4] =	wrdreg $0xC0  }
0xab: {  	_ =	task [dreg:s6], $0x5FFFF  }
0xac: {  	[dreg:$0x1] =	wrdreg $0xFFFFFFFF  }
0xad: {  	[dreg:$0x0] =	wrdreg $0x60  }
0xae: {  	[dreg:$0x2] =	wrdreg s24  }
0xaf: {  	[dreg:$0x3] =	wrdreg $0x0  }
0xb0: {  	[dreg:$0x4] =	wrdreg $0x9  }
0xb1: {  	_ =	task.clear_ibuf [dreg:s6], $0x5FFFF;
	_ =	strace $0x9000004C  }
0xb2: {  	s29 =	simm.s32 $0x9;
	_ =	strace $0x8000004E  }
0xb3: {  	_ =	swait.ge [sflag:s29], $0x1  }
0xb4: {  	[sflag:s29] =	ssyncadd.s32 $0xFFFFFFFF  }
0xb5: {  	_ =	strace $0x9000004E  }
0xb6: {  	_ =	sfence  }
0xb7: {  	s30 =	sld [smem:$0x0];
	_ =	sdelay $0x2  }
0xb8: {  	s31 =	sshll.u32 s1, $0xD;
	s1 =	sshrl.u32 s1, $0x2  }
0xb9: {  	s3 =	sand.u32 $0x4000, s31;
	s1 =	sadd.s32 s1, s30  }
0xba: {  	s0 =	sor.u32 s3, s0;
	s1 =	sshll.u32 s1, $0x11  }
0xbb: {  	s0 =	sor.u32 s1, s0  }
0xbc: {  	s0 =	sadd.s32 $0x8F2B, s0  }
0xbd: {  	[sflag:s0] =	ssyncadd.remote.s32 $0x1  }
0xbe: {  	_ =	sfence.sel $0xFFFF  }
0xbf: {  	[dreg:$0x0] =	wrdreg $0xFFFFFFFF;
	(pc) =	sbr.abs _section_cstart, $3  }
0xc0: {  	[dreg:$0x1] =	wrdreg $0xFFFFFFFF  }
0xc1: {  	_ =	task.clear_ibuf [dreg:s6], $0x2FFFF;
	_ =	strace $0x9FFFFFFF  }
0xc2: {  	(tm) =	ssettm $0x7FFFFFFF  }
0xc3: {  	_ =	shalt  }
tec
execute0_lowered:
.L_overlay_start_1:
0x0: {  	(tag) =	ssettag $0x1  }
0x1: {  	s0 =	rddreg [dreg:$0x0]  }
0x2: {  	s1 =	rddreg [dreg:$0x1];
	s2 =	srdreg.scid  }
0x3: {  	s3 =	simm.s32 $0x0;
	s13 =	stileid.u32;
	s28 =	simm.s32 $0x16900  }
0x4: {  	s31 =	simm.s32 $0x16A00;
	s29 =	simm.s32 $0xC;
	s30 =	simm.s32 $0xB  }
0x5: {  	s2 =	sand.u32 $0x1, s2;
	[smem:$0x7FF] =	sst s3;
	s10 =	smul.u32 $0x50000, s13  }
0x6: {  	s7 =	sadd.s32 $0xB7200, s0;
	s16 =	smul.u32 $0x14000, s13;
	s4 =	sshll.u32 s2, $0x4  }
0x7: {  	_ =	strace $0x8000004D;
	s8 =	ssub.s32 $0x2, s2;
	s25 =	smul.u32 $0x140000, s2  }
0x8: {  	s5 =	sor.u32 s13, s4;
	s4 =	sadd.s32 $0x110400, s0;
	s9 =	sshrl.u32 s8, $0x1  }
0x9: {  	s19 =	sshrl.u32 s10, $0x2;
	s20 =	sadd.s32 $0x4000, s16;
	s6 =	smul.u32 $0x500, s5  }
0xa: {  	s26 =	sadd.s32 $0x8000, s16;
	s11 =	sadd.s32 $0xC000, s16;
	s5 =	smul.u32 $0x2800, s5  }
0xb: {  	s8 =	ssub.s32 s8, s9;
	s21 =	sadd.s32 s19, s1;
	s22 =	sadd.s32 s20, s1  }
0xc: {  	s23 =	sadd.s32 s26, s1;
	s12 =	sadd.s32 s16, s25;
	[dreg:$0x7] =	wrdreg s21  }
0xd: {  	s24 =	sadd.s32 s11, s1;
	s9 =	sadd.s32 s25, s20;
	[dreg:$0x8] =	wrdreg s22  }
0xe: {  	s12 =	sshrl.u32 s12, $0x3;
	[dreg:$0x9] =	wrdreg s23;
	s6 =	sadd.s32 s6, s0  }
0xf: {  	[dreg:$0xa] =	wrdreg s24;
	s5 =	sshrl.u32 s5, $0x3;
	s6 =	sadd.s32 $0xAD200, s6  }
0x10: {  	s0 =	sadd.s32 $0x3000, s0;
	s14 =	sadd.s32 s7, s5;
	[dreg:$0x6] =	wrdreg s6  }
0x11: {  	s9 =	sshrl.u32 s9, $0x3;
	s12 =	sadd.s32 s0, s12;
	[dreg:$0x3] =	wrdreg s14  }
0x12: {  	s2 =	smul.u32 $0x28000, s2;
	s9 =	sadd.s32 s0, s9;
	[dreg:$0xd] =	wrdreg s12  }
0x13: {  	s10 =	simm.s32 $0x0;
	s17 =	sadd.s32 $0x10, s14;
	[dreg:$0xe] =	wrdreg s9  }
0x14: {  	s5 =	sadd.s32 $0x10000, s16;
	s18 =	sadd.s32 $0x20, s14;
	[dreg:$0x4] =	wrdreg s17  }
0x15: {  	s15 =	sadd.s32 s5, s1;
	s14 =	sadd.s32 $0x30, s14;
	[dreg:$0x5] =	wrdreg s18  }
0x16: {  	s6 =	sadd.s32 s25, s26;
	s5 =	sadd.s32 s25, s5;
	[dreg:$0xb] =	wrdreg s15  }
0x17: {  	s9 =	simm.s32 $0xD;
	[dreg:$0xc] =	wrdreg s14;
	s6 =	sshrl.u32 s6, $0x3  }
0x18: {  	s14 =	smul.u32 $0x2800, s13;
	s15 =	sadd.s32 s25, s11;
	s5 =	sshrl.u32 s5, $0x3  }
0x19: {  	s17 =	smax.u32 s8, $0x1;
	s13 =	simm.s32 $0x14000;
	s8 =	simm.s32 $0x1AA00  }
0x1a: {  	s6 =	sadd.s32 s0, s6;
	[dreg:$0x12] =	wrdreg s17;
	s17 =	simm.s32 $0x7  }
0x1b: {  	[dreg:$0xf] =	wrdreg s6;
	s6 =	sshrl.u32 s15, $0x3;
	s2 =	sadd.s32 s14, s2  }
0x1c: {  	s14 =	simm.s32 $0x16980;
	s15 =	simm.s32 $0x5;
	s6 =	sadd.s32 s0, s6  }
0x1d: {  	s16 =	sor.u32 $0x380, s2;
	s0 =	sadd.s32 s0, s5;
	s19 =	sor.u32 $0x300, s2  }
0x1e: {  	s20 =	sor.u32 $0x280, s2;
	s2 =	sor.u32 $0x200, s2;
	[dreg:$0x10] =	wrdreg s6  }
0x1f: {  	[dreg:$0x11] =	wrdreg s0;
	s18 =	sshrl.u32 s16, $0x3;
	s5 =	sshrl.u32 s20, $0x3  }
0x20: {  	s26 =	sshrl.u32 s2, $0x3;
	s2 =	simm.s32 $0x1;
	s6 =	simm.s32 $0x80  }
0x21: {  	s16 =	simm.s32 $0x3;
	s20 =	simm.s32 $0xA;
	s0 =	sadd.s32 s18, s7  }
0x22: {  	s25 =	sadd.s32 s5, s7;
	s18 =	simm.s32 $0x6;
	[dreg:$0x13] =	wrdreg s0  }
0x23: {  	s5 =	simm.s32 $0x8;
	s0 =	sshrl.u32 s19, $0x3;
	[dreg:$0x15] =	wrdreg s25  }
0x24: {  	s25 =	simm.s32 $0x16800;
	s19 =	simm.s32 $0x4;
	s0 =	sadd.s32 s0, s7  }
0x25: {  	[dreg:$0x14] =	wrdreg s0;
	s0 =	sadd.s32 s26, s7;
	s26 =	simm.s32 $0x16880  }
0x26: {  	v0 =	vimm.f32 $0.0e+00;
	s7 =	simm.s32 $0x2;
	[dreg:$0x16] =	wrdreg s0;
	s0 =	simm.s32 $0x9  }
.LBB2_1:
0x27: {  	s11 =	rddreg [dreg:$0x3]  }
0x28: {  	[tilespmem:s25], [sflag:$0x1] =	stream.linear.gather [hbm4b:s11+s3], $0x80, $0x38;
	[tilespmem:$0x1EA00] =	vst v63  }
0x29: {  	s12 =	rddreg [dreg:$0x4]  }
0x2a: {  	[tilespmem:s26], [sflag:$0x2] =	stream.linear.gather [hbm4b:s12+s3], $0x80, $0x38;
	[tilespmem:$0x1EA00] =	vst v63  }
0x2b: {  	s12 =	rddreg [dreg:$0x5]  }
0x2c: {  	[tilespmem:s28], [sflag:$0x3] =	stream.linear.gather [hbm4b:s12+s3], $0x80, $0x38;
	[tilespmem:$0x1EA00] =	vst v63  }
0x2d: {  	s12 =	rddreg [dreg:$0x6]  }
0x2e: {  	[tilespmem:s13], [sflag:$0xE] =	stream.linear.gather [hbm4b:s12+s3], $0x2800, $0x38;
	[tilespmem:$0x1EA00] =	vst v63  }
0x2f: {  	s12 =	simm.s32 $0xE  }
0x30: {  	_ =	swait.ge [sflag:s12], $0x2800  }
0x31: {  	[sflag:s12] =	ssyncset.done $0x0  }
0x32: {  	s11 =	simm.s32 $0x0;
	[sflag:s12] =	ssyncadd.s32 $0xFFFFD800;
	s12 =	simm.s32 $0x200  }
.LBB2_2:
0x33: {  	p0 =	sne.s32 s12, $0xFE00;
	[tilespmem:s11+$0x16A70] =	vst v0  }
0x34: {  	[tilespmem:s11+$0x16A00] =	vst v0  }
0x35: {  	[tilespmem:s11+$0x16A10] =	vst v0  }
.Ltmp0:
0x36: {  	[tilespmem:s11+$0x16A20] =	vst v0;
	(pc) =	sbr.rel @p0 .LBB2_2-.Ltmp0, $4  }
0x37: {  	[tilespmem:s11+$0x16A30] =	vst v0  }
0x38: {  	[tilespmem:s11+$0x16A40] =	vst v0  }
0x39: {  	[tilespmem:s11+$0x16A50] =	vst v0  }
0x3a: {  	[tilespmem:s11+$0x16A60] =	vst v0;
	s11 =	sshra.s32 s12, $0x2;
	s12 =	sadd.s32 $0x200, s12  }
0x3b: {  	[tilespmem:s11+$0x16A70] =	vst v0  }
0x3c: {  	[tilespmem:s11+$0x16A00] =	vst v0  }
0x3d: {  	[tilespmem:s11+$0x16A10] =	vst v0  }
0x3e: {  	[tilespmem:s11+$0x16A20] =	vst v0  }
0x3f: {  	[tilespmem:s11+$0x16A30] =	vst v0  }
0x40: {  	[tilespmem:s11+$0x16A40] =	vst v0  }
0x41: {  	[tilespmem:s11+$0x16A50] =	vst v0  }
0x42: {  	[tilespmem:s11+$0x16A60] =	vst v0  }
0x43: {  	[spmem:s21] =	stream.linear.scatter [tilespmem:s31], [sflag:$0x9], $0x4000, $0x38;
	[tilespmem:$0x1EA00] =	vst v63  }
0x44: {  	_ = 	snop  }
0x45: {  	[spmem:s22] =	stream.linear.scatter [tilespmem:s31], [sflag:$0x9], $0x4000, $0x38;
	[tilespmem:$0x1EA00] =	vst v63  }
0x46: {  	_ = 	snop  }
0x47: {  	[spmem:s23] =	stream.linear.scatter [tilespmem:s31], [sflag:$0x9], $0x4000, $0x38;
	[tilespmem:$0x1EA00] =	vst v63  }
0x48: {  	_ = 	snop  }
0x49: {  	[spmem:s24] =	stream.linear.scatter [tilespmem:s31], [sflag:$0x9], $0x4000, $0x38;
	[tilespmem:$0x1EA00] =	vst v63  }
0x4a: {  	s22 =	rddreg [dreg:$0xb]  }
0x4b: {  	[spmem:s22] =	stream.linear.scatter [tilespmem:s31], [sflag:$0x9], $0x4000, $0x38;
	[tilespmem:$0x1EA00] =	vst v63  }
0x4c: {  	_ =	swait.ge [sflag:s0], $0x4000  }
0x4d: {  	[sflag:s0] =	ssyncset.done $0x0  }
0x4e: {  	[sflag:s0] =	ssyncadd.s32 $0xFFFFC000  }
0x4f: {  	_ =	swait.ge [sflag:s0], $0x4000  }
0x50: {  	[sflag:s0] =	ssyncset.done $0x0  }
0x51: {  	[sflag:s0] =	ssyncadd.s32 $0xFFFFC000  }
0x52: {  	_ =	swait.ge [sflag:s0], $0x4000  }
0x53: {  	[sflag:s0] =	ssyncset.done $0x0  }
0x54: {  	[sflag:s0] =	ssyncadd.s32 $0xFFFFC000  }
0x55: {  	_ =	swait.ge [sflag:s0], $0x4000  }
0x56: {  	[sflag:s0] =	ssyncset.done $0x0  }
0x57: {  	[sflag:s0] =	ssyncadd.s32 $0xFFFFC000  }
0x58: {  	_ =	swait.ge [sflag:s0], $0x4000  }
0x59: {  	[sflag:s0] =	ssyncset.done $0x0  }
0x5a: {  	[sflag:s0] =	ssyncadd.s32 $0xFFFFC000  }
0x5b: {  	_ =	swait.ge [sflag:s2], $0x80  }
0x5c: {  	[sflag:s2] =	ssyncset.done $0x0  }
0x5d: {  	[sflag:s2] =	ssyncadd.s32 $0xFFFFFF80  }
0x5e: {  	[tilespmem:s31], [sflag:$0x5] =	stream.indirect.gather [hbm4b:s4+s6], $0x80, s25, s6, $0xb8;
	[tilespmem:$0x1EA00] =	vst v63  }
0x5f: {  	[bflag:$0x0] =	sbarrier.arrive $0xFFFF  }
0x60: {  	_ =	swait.ge [sflag:s7], $0x80  }
0x61: {  	[sflag:s7] =	ssyncset.done $0x0  }
0x62: {  	[sflag:s7] =	ssyncadd.s32 $0xFFFFFF80  }
0x63: {  	[tilespmem:s8], [sflag:$0x6] =	stream.indirect.gather [hbm4b:s4+s6], $0x80, s26, s6, $0xb8;
	[tilespmem:$0x1EA00] =	vst v63  }
0x64: {  	s23 =	simm.s32 $0x0;
	s12 =	rddreg [dreg:$0xc]  }
0x65: {  	[tilespmem:s14], [sflag:$0x4] =	stream.linear.gather [hbm4b:s12+s23], $0x80, $0x38;
	[tilespmem:$0x1EA00] =	vst v63  }
0x66: {  	_ =	swait.ge [sflag:s15], $0x4000  }
0x67: {  	[sflag:s15] =	ssyncset.done $0x0  }
0x68: {  	[sflag:s15] =	ssyncadd.s32 $0xFFFFC000  }
0x69: {  	[spmem:s1] =	stream.indirect.scatter.add.f32 [tilespmem:s31], [sflag:$0x7], $0x80, s13, s6, $0xb8;
	[tilespmem:$0x1EA00] =	vst v63  }
0x6a: {  	_ =	swait.ge [sflag:s16], $0x80  }
0x6b: {  	[sflag:s16] =	ssyncset.done $0x0  }
0x6c: {  	[sflag:s16] =	ssyncadd.s32 $0xFFFFFF80  }
0x6d: {  	_ =	swait.ge [sflag:s17], $0x4000  }
0x6e: {  	[sflag:s17] =	ssyncset.done $0x0  }
0x6f: {  	[sflag:s17] =	ssyncadd.s32 $0xFFFFC000  }
0x70: {  	[tilespmem:s31], [sflag:$0x5] =	stream.indirect.gather [hbm4b:s4+s6], $0x80, s28, s6, $0xb8;
	[tilespmem:$0x1EA00] =	vst v63  }
0x71: {  	s12 =	rddreg [dreg:$0x16]  }
0x72: {  	[tilespmem:s25], [sflag:$0x1] =	stream.linear.gather [hbm4b:s12+s3], $0x80, $0x38;
	[tilespmem:$0x1EA00] =	vst v63  }
0x73: {  	_ =	swait.ge [sflag:s18], $0x4000  }
0x74: {  	[sflag:s18] =	ssyncset.done $0x0  }
0x75: {  	s24 =	simm.s32 $0x14080;
	[sflag:s18] =	ssyncadd.s32 $0xFFFFC000  }
0x76: {  	[spmem:s1] =	stream.indirect.scatter.add.f32 [tilespmem:s8], [sflag:$0x8], $0x80, s24, s6, $0xb8;
	[tilespmem:$0x1EA00] =	vst v63  }
0x77: {  	_ =	swait.ge [sflag:s19], $0x80  }
0x78: {  	[sflag:s19] =	ssyncset.done $0x0  }
0x79: {  	[sflag:s19] =	ssyncadd.s32 $0xFFFFFF80  }
0x7a: {  	_ =	swait.ge [sflag:s5], $0x4000  }
0x7b: {  	[sflag:s5] =	ssyncset.done $0x0  }
0x7c: {  	[sflag:s5] =	ssyncadd.s32 $0xFFFFC000  }
0x7d: {  	[tilespmem:s8], [sflag:$0x6] =	stream.indirect.gather [hbm4b:s4+s6], $0x80, s14, s6, $0xb8;
	[tilespmem:$0x1EA00] =	vst v63  }
0x7e: {  	s21 =	rddreg [dreg:$0x15]  }
0x7f: {  	[tilespmem:s26], [sflag:$0x2] =	stream.linear.gather [hbm4b:s21+s3], $0x80, $0x38;
	[tilespmem:$0x1EA00] =	vst v63  }
0x80: {  	_ =	swait.ge [sflag:s15], $0x4000  }
0x81: {  	[sflag:s15] =	ssyncset.done $0x0  }
0x82: {  	s13 =	simm.s32 $0x14100;
	[sflag:s15] =	ssyncadd.s32 $0xFFFFC000  }
0x83: {  	[spmem:s1] =	stream.indirect.scatter.add.f32 [tilespmem:s31], [sflag:$0x7], $0x80, s13, s6, $0xb8;
	[tilespmem:$0x1EA00] =	vst v63  }
0x84: {  	_ =	swait.ge [sflag:s2], $0x80  }
0x85: {  	[sflag:s2] =	ssyncset.done $0x0  }
0x86: {  	[sflag:s2] =	ssyncadd.s32 $0xFFFFFF80  }
0x87: {  	_ =	swait.ge [sflag:s17], $0x4000  }
0x88: {  	[sflag:s17] =	ssyncset.done $0x0  }
0x89: {  	[sflag:s17] =	ssyncadd.s32 $0xFFFFC000  }
0x8a: {  	[tilespmem:s31], [sflag:$0x5] =	stream.indirect.gather [hbm4b:s4+s6], $0x80, s25, s6, $0xb8;
	[tilespmem:$0x1EA00] =	vst v63  }
0x8b: {  	s22 =	rddreg [dreg:$0x14]  }
0x8c: {  	[tilespmem:s28], [sflag:$0x3] =	stream.linear.gather [hbm4b:s22+s3], $0x80, $0x38;
	[tilespmem:$0x1EA00] =	vst v63  }
0x8d: {  	_ =	swait.ge [sflag:s18], $0x4000  }
0x8e: {  	[sflag:s18] =	ssyncset.done $0x0  }
0x8f: {  	s23 =	simm.s32 $0x14180;
	[sflag:s18] =	ssyncadd.s32 $0xFFFFC000  }
0x90: {  	[spmem:s1] =	stream.indirect.scatter.add.f32 [tilespmem:s8], [sflag:$0x8], $0x80, s23, s6, $0xb8;
	[tilespmem:$0x1EA00] =	vst v63  }
0x91: {  	_ =	swait.ge [sflag:s7], $0x80  }
0x92: {  	[sflag:s7] =	ssyncset.done $0x0  }
0x93: {  	[sflag:s7] =	ssyncadd.s32 $0xFFFFFF80  }
0x94: {  	_ =	swait.ge [sflag:s5], $0x4000  }
0x95: {  	[sflag:s5] =	ssyncset.done $0x0  }
0x96: {  	[sflag:s5] =	ssyncadd.s32 $0xFFFFC000  }
0x97: {  	[tilespmem:s8], [sflag:$0x6] =	stream.indirect.gather [hbm4b:s4+s6], $0x80, s26, s6, $0xb8;
	[tilespmem:$0x1EA00] =	vst v63  }
0x98: {  	s24 =	rddreg [dreg:$0x13]  }
0x99: {  	[tilespmem:s14], [sflag:$0x4] =	stream.linear.gather [hbm4b:s24+s3], $0x80, $0x38;
	[tilespmem:$0x1EA00] =	vst v63  }
0x9a: {  	s11 =	simm.s32 $0x800;
	s12 =	sadd.s32 $0x40, s12;
	_ =	swait.ge [sflag:s15], $0x4000  }
0x9b: {  	s21 =	sadd.s32 $0x40, s21;
	s13 =	sadd.s32 $0x40, s22;
	[sflag:s15] =	ssyncset.done $0x0  }
0x9c: {  	s23 =	simm.s32 $0x14200;
	s22 =	sadd.s32 $0x40, s24;
	[sflag:s15] =	ssyncadd.s32 $0xFFFFC000  }
.LBB2_4:
0x9d: {  	[spmem:s1] =	stream.indirect.scatter.add.f32 [tilespmem:s31], [sflag:$0x7], $0x80, s23, s6, $0xb8;
	[tilespmem:$0x1EA00] =	vst v63  }
0x9e: {  	s23 =	smov.u32 s11  }
0x9f: {  	p0 =	sne.s32 s11, $0x9000;
	s11 =	sadd.s32 $0x800, s11;
	_ =	swait.ge [sflag:s16], $0x80  }
0xa0: {  	[sflag:s16] =	ssyncset.done $0x0  }
0xa1: {  	[sflag:s16] =	ssyncadd.s32 $0xFFFFFF80  }
0xa2: {  	_ =	swait.ge [sflag:s17], $0x4000  }
0xa3: {  	[sflag:s17] =	ssyncset.done $0x0  }
0xa4: {  	[sflag:s17] =	ssyncadd.s32 $0xFFFFC000  }
0xa5: {  	[tilespmem:s31], [sflag:$0x5] =	stream.indirect.gather [hbm4b:s4+s6], $0x80, s28, s6, $0xb8;
	[tilespmem:$0x1EA00] =	vst v63  }
0xa6: {  	_ = 	snop  }
0xa7: {  	[tilespmem:s25], [sflag:$0x1] =	stream.linear.gather [hbm4b:s12+s3], $0x80, $0x38;
	[tilespmem:$0x1EA00] =	vst v63  }
0xa8: {  	_ =	swait.ge [sflag:s18], $0x4000  }
0xa9: {  	s23 =	sshra.s32 s23, $0x2;
	[sflag:s18] =	ssyncset.done $0x0  }
0xaa: {  	s24 =	sadd.s32 $0x14080, s23;
	[sflag:s18] =	ssyncadd.s32 $0xFFFFC000  }
0xab: {  	[spmem:s1] =	stream.indirect.scatter.add.f32 [tilespmem:s8], [sflag:$0x8], $0x80, s24, s6, $0xb8;
	[tilespmem:$0x1EA00] =	vst v63  }
0xac: {  	_ =	swait.ge [sflag:s19], $0x80  }
0xad: {  	[sflag:s19] =	ssyncset.done $0x0  }
0xae: {  	[sflag:s19] =	ssyncadd.s32 $0xFFFFFF80  }
0xaf: {  	_ =	swait.ge [sflag:s5], $0x4000  }
0xb0: {  	[sflag:s5] =	ssyncset.done $0x0  }
0xb1: {  	[sflag:s5] =	ssyncadd.s32 $0xFFFFC000  }
0xb2: {  	[tilespmem:s8], [sflag:$0x6] =	stream.indirect.gather [hbm4b:s4+s6], $0x80, s14, s6, $0xb8;
	[tilespmem:$0x1EA00] =	vst v63  }
0xb3: {  	_ = 	snop  }
0xb4: {  	[tilespmem:s26], [sflag:$0x2] =	stream.linear.gather [hbm4b:s21+s3], $0x80, $0x38;
	[tilespmem:$0x1EA00] =	vst v63  }
0xb5: {  	_ =	swait.ge [sflag:s15], $0x4000  }
0xb6: {  	[sflag:s15] =	ssyncset.done $0x0  }
0xb7: {  	s24 =	sadd.s32 $0x14100, s23;
	[sflag:s15] =	ssyncadd.s32 $0xFFFFC000  }
0xb8: {  	[spmem:s1] =	stream.indirect.scatter.add.f32 [tilespmem:s31], [sflag:$0x7], $0x80, s24, s6, $0xb8;
	[tilespmem:$0x1EA00] =	vst v63  }
0xb9: {  	_ =	swait.ge [sflag:s2], $0x80  }
0xba: {  	[sflag:s2] =	ssyncset.done $0x0  }
0xbb: {  	[sflag:s2] =	ssyncadd.s32 $0xFFFFFF80  }
0xbc: {  	_ =	swait.ge [sflag:s17], $0x4000  }
0xbd: {  	[sflag:s17] =	ssyncset.done $0x0  }
0xbe: {  	[sflag:s17] =	ssyncadd.s32 $0xFFFFC000  }
0xbf: {  	[tilespmem:s31], [sflag:$0x5] =	stream.indirect.gather [hbm4b:s4+s6], $0x80, s25, s6, $0xb8;
	[tilespmem:$0x1EA00] =	vst v63  }
0xc0: {  	_ = 	snop  }
0xc1: {  	[tilespmem:s28], [sflag:$0x3] =	stream.linear.gather [hbm4b:s13+s3], $0x80, $0x38;
	[tilespmem:$0x1EA00] =	vst v63  }
0xc2: {  	_ =	swait.ge [sflag:s18], $0x4000  }
0xc3: {  	[sflag:s18] =	ssyncset.done $0x0  }
0xc4: {  	s24 =	sadd.s32 $0x14180, s23;
	[sflag:s18] =	ssyncadd.s32 $0xFFFFC000  }
0xc5: {  	[spmem:s1] =	stream.indirect.scatter.add.f32 [tilespmem:s8], [sflag:$0x8], $0x80, s24, s6, $0xb8;
	[tilespmem:$0x1EA00] =	vst v63  }
0xc6: {  	_ =	swait.ge [sflag:s7], $0x80  }
0xc7: {  	[sflag:s7] =	ssyncset.done $0x0  }
0xc8: {  	[sflag:s7] =	ssyncadd.s32 $0xFFFFFF80  }
0xc9: {  	_ =	swait.ge [sflag:s5], $0x4000  }
0xca: {  	[sflag:s5] =	ssyncset.done $0x0  }
0xcb: {  	[sflag:s5] =	ssyncadd.s32 $0xFFFFC000  }
0xcc: {  	[tilespmem:s8], [sflag:$0x6] =	stream.indirect.gather [hbm4b:s4+s6], $0x80, s26, s6, $0xb8;
	[tilespmem:$0x1EA00] =	vst v63  }
.Ltmp1:
0xcd: {  	(pc) =	sbr.rel @p0 .LBB2_4-.Ltmp1, $4  }
0xce: {  	[tilespmem:s14], [sflag:$0x4] =	stream.linear.gather [hbm4b:s22+s3], $0x80, $0x38;
	[tilespmem:$0x1EA00] =	vst v63  }
0xcf: {  	s12 =	sadd.s32 $0x40, s12;
	_ =	swait.ge [sflag:s15], $0x4000  }
0xd0: {  	s21 =	sadd.s32 $0x40, s21;
	s13 =	sadd.s32 $0x40, s13;
	[sflag:s15] =	ssyncset.done $0x0  }
0xd1: {  	s23 =	sadd.s32 $0x14200, s23;
	s22 =	sadd.s32 $0x40, s22;
	[sflag:s15] =	ssyncadd.s32 $0xFFFFC000  }
0xd2: {  	[spmem:s1] =	stream.indirect.scatter.add.f32 [tilespmem:s31], [sflag:$0x7], $0x80, s23, s6, $0xb8;
	[tilespmem:$0x1EA00] =	vst v63  }
0xd3: {  	_ =	swait.ge [sflag:s16], $0x80  }
0xd4: {  	[sflag:s16] =	ssyncset.done $0x0  }
0xd5: {  	[sflag:s16] =	ssyncadd.s32 $0xFFFFFF80  }
0xd6: {  	_ =	swait.ge [sflag:s17], $0x4000  }
0xd7: {  	[sflag:s17] =	ssyncset.done $0x0  }
0xd8: {  	[sflag:s17] =	ssyncadd.s32 $0xFFFFC000  }
0xd9: {  	[tilespmem:s31], [sflag:$0x5] =	stream.indirect.gather [hbm4b:s4+s6], $0x80, s28, s6, $0xb8;
	[tilespmem:$0x1EA00] =	vst v63  }
0xda: {  	_ =	swait.ge [sflag:s18], $0x4000  }
0xdb: {  	[sflag:s18] =	ssyncset.done $0x0  }
0xdc: {  	s11 =	simm.s32 $0x16680;
	[sflag:s18] =	ssyncadd.s32 $0xFFFFC000  }
0xdd: {  	[spmem:s1] =	stream.indirect.scatter.add.f32 [tilespmem:s8], [sflag:$0x8], $0x80, s11, s6, $0xb8;
	[tilespmem:$0x1EA00] =	vst v63  }
0xde: {  	_ =	swait.ge [sflag:s19], $0x80  }
0xdf: {  	[sflag:s19] =	ssyncset.done $0x0  }
0xe0: {  	[sflag:s19] =	ssyncadd.s32 $0xFFFFFF80  }
0xe1: {  	_ =	swait.ge [sflag:s5], $0x4000  }
0xe2: {  	[sflag:s5] =	ssyncset.done $0x0  }
0xe3: {  	[sflag:s5] =	ssyncadd.s32 $0xFFFFC000  }
0xe4: {  	[tilespmem:s8], [sflag:$0x6] =	stream.indirect.gather [hbm4b:s4+s6], $0x80, s14, s6, $0xb8;
	[tilespmem:$0x1EA00] =	vst v63  }
0xe5: {  	_ =	swait.ge [sflag:s15], $0x4000  }
0xe6: {  	[sflag:s15] =	ssyncset.done $0x0  }
0xe7: {  	s22 =	simm.s32 $0x16700;
	[sflag:s15] =	ssyncadd.s32 $0xFFFFC000  }
0xe8: {  	[spmem:s1] =	stream.indirect.scatter.add.f32 [tilespmem:s31], [sflag:$0x7], $0x80, s22, s6, $0xb8;
	[tilespmem:$0x1EA00] =	vst v63  }
0xe9: {  	_ =	swait.ge [sflag:s17], $0x4000  }
0xea: {  	[sflag:s17] =	ssyncset.done $0x0  }
0xeb: {  	[sflag:s17] =	ssyncadd.s32 $0xFFFFC000  }
0xec: {  	_ =	swait.ge [sflag:s18], $0x4000  }
0xed: {  	[sflag:s18] =	ssyncset.done $0x0  }
0xee: {  	s23 =	simm.s32 $0x16780;
	[sflag:s18] =	ssyncadd.s32 $0xFFFFC000  }
0xef: {  	[spmem:s1] =	stream.indirect.scatter.add.f32 [tilespmem:s8], [sflag:$0x8], $0x80, s23, s6, $0xb8;
	[tilespmem:$0x1EA00] =	vst v63  }
0xf0: {  	_ =	swait.ge [sflag:s5], $0x4000  }
0xf1: {  	[sflag:s5] =	ssyncset.done $0x0  }
0xf2: {  	[sflag:s5] =	ssyncadd.s32 $0xFFFFC000  }
0xf3: {  	[bflag:$0x0] =	sbarrier.arrive $0xFFFF  }
0xf4: {  	s21 =	rddreg [dreg:$0x7]  }
0xf5: {  	[tilespmem:s31], [sflag:$0xA] =	stream.linear.gather [spmem:s21], $0x4000, $0x38;
	[tilespmem:$0x1EA00] =	vst v63  }
0xf6: {  	s22 =	rddreg [dreg:$0x8]  }
0xf7: {  	[tilespmem:s8], [sflag:$0xB] =	stream.linear.gather [spmem:s22], $0x4000, $0x38;
	[tilespmem:$0x1EA00] =	vst v63  }
0xf8: {  	_ =	swait.ge [sflag:s20], $0x4000  }
0xf9: {  	[sflag:s20] =	ssyncset.done $0x0  }
0xfa: {  	s24 =	rddreg [dreg:$0xd];
	[sflag:s20] =	ssyncadd.s32 $0xFFFFC000  }
0xfb: {  	[hbm4b:s24+s3] =	stream.linear.scatter [tilespmem:s31], [sflag:$0xC], $0x4000, $0x38;
	[tilespmem:$0x1EA00] =	vst v63  }
0xfc: {  	_ =	swait.ge [sflag:s29], $0x4000  }
0xfd: {  	[sflag:s29] =	ssyncset.done $0x0  }
0xfe: {  	s23 =	rddreg [dreg:$0x9];
	[sflag:s29] =	ssyncadd.s32 $0xFFFFC000  }
0xff: {  	[tilespmem:s31], [sflag:$0xA] =	stream.linear.gather [spmem:s23], $0x4000, $0x38;
	[tilespmem:$0x1EA00] =	vst v63  }
0x100: {  	_ =	swait.ge [sflag:s30], $0x4000  }
0x101: {  	[sflag:s30] =	ssyncset.done $0x0  }
0x102: {  	s12 =	rddreg [dreg:$0xe];
	[sflag:s30] =	ssyncadd.s32 $0xFFFFC000  }
0x103: {  	[hbm4b:s12+s3] =	stream.linear.scatter [tilespmem:s8], [sflag:$0xD], $0x4000, $0x38;
	[tilespmem:$0x1EA00] =	vst v63  }
0x104: {  	_ =	swait.ge [sflag:s9], $0x4000  }
0x105: {  	[sflag:s9] =	ssyncset.done $0x0  }
0x106: {  	s24 =	rddreg [dreg:$0xa];
	[sflag:s9] =	ssyncadd.s32 $0xFFFFC000  }
0x107: {  	[tilespmem:s8], [sflag:$0xB] =	stream.linear.gather [spmem:s24], $0x4000, $0x38;
	[tilespmem:$0x1EA00] =	vst v63  }
0x108: {  	_ =	swait.ge [sflag:s20], $0x4000  }
0x109: {  	[sflag:s20] =	ssyncset.done $0x0  }
0x10a: {  	s13 =	rddreg [dreg:$0xf];
	[sflag:s20] =	ssyncadd.s32 $0xFFFFC000  }
0x10b: {  	[hbm4b:s13+s3] =	stream.linear.scatter [tilespmem:s31], [sflag:$0xC], $0x4000, $0x38;
	[tilespmem:$0x1EA00] =	vst v63  }
0x10c: {  	_ =	swait.ge [sflag:s29], $0x4000  }
0x10d: {  	[sflag:s29] =	ssyncset.done $0x0  }
0x10e: {  	s12 =	rddreg [dreg:$0xb];
	[sflag:s29] =	ssyncadd.s32 $0xFFFFC000  }
0x10f: {  	[tilespmem:s31], [sflag:$0xA] =	stream.linear.gather [spmem:s12], $0x4000, $0x38;
	[tilespmem:$0x1EA00] =	vst v63  }
0x110: {  	_ =	swait.ge [sflag:s30], $0x4000  }
0x111: {  	[sflag:s30] =	ssyncset.done $0x0  }
0x112: {  	s13 =	rddreg [dreg:$0x10];
	[sflag:s30] =	ssyncadd.s32 $0xFFFFC000  }
0x113: {  	[hbm4b:s13+s3] =	stream.linear.scatter [tilespmem:s8], [sflag:$0xD], $0x4000, $0x38;
	[tilespmem:$0x1EA00] =	vst v63  }
0x114: {  	_ =	swait.ge [sflag:s20], $0x4000  }
0x115: {  	[sflag:s20] =	ssyncset.done $0x0  }
0x116: {  	s12 =	rddreg [dreg:$0x11];
	[sflag:s20] =	ssyncadd.s32 $0xFFFFC000  }
0x117: {  	[hbm4b:s12+s3] =	stream.linear.scatter [tilespmem:s31], [sflag:$0xC], $0x4000, $0x38;
	[tilespmem:$0x1EA00] =	vst v63  }
0x118: {  	_ =	swait.ge [sflag:s9], $0x4000  }
0x119: {  	[sflag:s9] =	ssyncset.done $0x0  }
0x11a: {  	[sflag:s9] =	ssyncadd.s32 $0xFFFFC000  }
0x11b: {  	_ =	swait.ge [sflag:s29], $0x4000  }
0x11c: {  	s10 =	sadd.s32 $0x1, s10;
	s13 =	rddreg [dreg:$0x12]  }
0x11d: {  	p0 =	sne.s32 s10, s13  }
.Ltmp2:
0x11e: {  	_ = 	snop;
	(pc) =	sbr.rel @p0 .LBB2_1-.Ltmp2, $3  }
0x11f: {  	_ =	sdelay $0x1  }
0x120: {  	[sflag:s29] =	ssyncset.done $0x0  }
0x121: {  	[sflag:s29] =	ssyncadd.s32 $0xFFFFC000;
	s13 =	simm.s32 $0x14000  }
0x122: {  	_ =	sfence.sel $0x180000  }
0x123: {  	[bflag:$0x0] =	sbarrier.arrive $0xFFFF  }
0x124: {  	_ =	strace $0x9000004D  }
0x125: {  	s0 =	stileid.u32;
	[bflag:$0x2] =	sbarrier.arrive $0xFFFF  }
0x126: {  	p0 =	sne.s32 s0, $0x0;
	s0 =	rddreg [dreg:$0x2]  }
0x127: {  	s0 =	sadd.s32 @!p0 $0x100000, s0  }
0x128: {  	[sflag:s0] =	ssyncadd.tile.s32 @!p0 $0x1;
	_ =	shalt  }
.Lfunc_end2:
_tile_overlayer_lowered:
.L_overlay_start_2:
0x129: {  	(tag) =	ssettag $0x2  }
0x12a: {  	s0 =	rddreg [dreg:$0x0];
	s2 =	stileid.u32  }
0x12b: {  	s1 =	rddreg [dreg:$0x1];
	p0 =	sne.s32 s2, $0x0  }
0x12c: {  	s3 =	rddreg [dreg:$0x2];
	[bflag:$0x3] =	sbarrier.arrive $0xFFFF;
	s2 =	simm.s32 @!p0 $0x1C0E  }
0x12d: {  	[timem:s3], [sflag:s2] =	dma.local @!p0 [hbm:s0], s1  }
0x12e: {  	s0 =	simm.s32 @!p0 $0xE  }
0x12f: {  	_ =	swait.ge @!p0 [sflag:s0], s1  }
0x130: {  	s1 =	ssub.s32 @!p0 $0x0, s1;
	[sflag:s0] =	ssyncset.done @!p0 $0x0  }
0x131: {  	[sflag:s0] =	ssyncadd.s32 @!p0 s1  }
0x132: {  	[bflag:$0x3] =	sbarrier.arrive $0xFFFF  }
0x133: {  	_ =	shalt  }

// kernel: kernel.20.cloned.1.call-start
scs
__scs_entry_jumppad:
0x0: {  	(pc) =	sbr.rel $0x88, $3  }
0x1: {  	(tag) =	ssettag $0x0;
	lr =	simm.s32 $0x1  }
0x2: {  	[smem:$0x3F94] =	sst lr;
	_ =	strace $0xD0000000  }
0x3: {  	_ = 	snop  }
0x4: {  	_ = 	snop  }
0x5: {  	_ = 	snop  }
0x6: {  	_ = 	snop  }
0x7: {  	_ = 	snop  }
__scs_overlays_trampoline_lowered:
0x8: {  	[smem:$0x3FA3] =	sst s0  }
0x9: {  	[smem:$0x3FA4] =	sst s1  }
0xa: {  	[smem:$0x3FA5] =	sst s2  }
0xb: {  	[smem:$0x3FA6] =	sst s3  }
0xc: {  	[smem:$0x3FA7] =	sst s4  }
0xd: {  	[smem:$0x3FA8] =	sst s5  }
0xe: {  	[smem:$0x3FA9] =	sst s6  }
0xf: {  	[smem:$0x3FAA] =	sst s7  }
0x10: {  	[smem:$0x3FAB] =	sst s8  }
0x11: {  	[smem:$0x3FAC] =	sst s9;
	s0 =	simm.s32 @!p0 $0x0  }
0x12: {  	s1 =	sld [smem:$0x3F92];
	s0 =	simm.s32 @p0 $0x1  }
0x13: {  	[smem:$0x3FAD] =	sst s0;
	s0 =	simm.s32 @!p1 $0x0  }
0x14: {  	s2 =	sld [smem:$0x3F91];
	s0 =	simm.s32 @p1 $0x1  }
0x15: {  	[smem:$0x3FAE] =	sst s0;
	s0 =	simm.s32 @!p2 $0x0  }
0x16: {  	s3 =	sld [smem:$0x3FDB];
	s0 =	simm.s32 @p2 $0x1  }
0x17: {  	s4 =	simm.s32 $0x1BF5;
	[smem:$0x3FB0] =	sst s0  }
0x18: {  	s0 =	sld [smem:$0x3F93];
	_ =	swait.ge [sflag:s4], $0x0  }
0x19: {  	s7 =	sld [smem:$0x3F94]  }
0x1a: {  	s8 =	sadd.s32 $0xFFFFE003, lr  }
0x1b: {  	s9 =	sadd.s32 $0xFFFFFEF7, lr;
	s5 =	simm.s32 $0xFFFFFFFF;
	p2 =	slt.u32 s8, $0xFFFFF086  }
0x1c: {  	p1 =	slt.u32 s9, $0xF7A;
	s5 =	simm.s32 @!p2 $0x0  }
0x1d: {  	s5 =	simm.s32 @p1 $0x1;
	p0 =	seq.s32 s7, s2  }
0x1e: {  	s7 =	smul.u32 @!p0 $0xF7A, s2;
	p2 =	seq.s32 @!p0 s5, $0x0  }
0x1f: {  	s9 =	smul.u32 $0xF7A, s1;
	s8 =	simm.s32 @!p0 $0x1BF5;
	p2 =	por !p2, p0  }
0x20: {  	[sflag:s8] =	ssyncset.s32 @!p0 $0xFFFFF086;
	s6 =	sadd.s32 @!p0 s3, s7;
	s7 =	simm.s32 @!p0 $0x108  }
0x21: {  	s3 =	sadd.s32 s3, s9;
	s6 =	sadd.s32 @!p0 $0x88, s6;
	s7 =	simm.s32 @p2 $0x1082  }
0x22: {  	[simem:s7], [sflag:s8] =	dma.local @!p0 [hbm:s6], $0xF7A  }
0x23: {  	s9 =	sor.u32 $0xD0000000, s2;
	s6 =	simm.s32 $0x108;
	_ =	swait.ge @!p0 [sflag:s8], $0x0  }
0x24: {  	s3 =	sadd.s32 $0x88, s3;
	s6 =	simm.s32 @!p1 $0x1082;
	[sflag:s4] =	ssyncset.s32 $0xFFFFF086  }
0x25: {  	[simem:s6], [sflag:s4] =	dma.local [hbm:s3], $0xF7A  }
0x26: {  	[smem:$0x3F94] =	sst s1;
	(tag) =	ssettag s2;
	_ =	strace s9  }
0x27: {  	s1 =	sld [smem:$0x3FA4]  }
0x28: {  	s2 =	sld [smem:$0x3FA5]  }
0x29: {  	s4 =	sld [smem:$0x3FA7]  }
0x2a: {  	p0 =	seq.s32 s5, $0x0;
	s5 =	sld [smem:$0x3FA8]  }
0x2b: {  	s6 =	sld [smem:$0x3FA9]  }
0x2c: {  	s7 =	sld [smem:$0x3FAA]  }
0x2d: {  	s3 =	simm.s32 $0x108;
	s8 =	sld [smem:$0x3FAB]  }
0x2e: {  	s3 =	simm.s32 @!p0 $0x1082;
	s9 =	sld [smem:$0x3FAC]  }
0x2f: {  	lr =	sadd.s32 s0, s3;
	s0 =	sld [smem:$0x3FA3]  }
0x30: {  	s3 =	sld [smem:$0x3FA6]  }
0x31: {  	[smem:$0x3FAF] =	sst s10  }
0x32: {  	s10 =	sld [smem:$0x3FAD];
	_ =	sdelay $0x3  }
0x33: {  	p0 =	seq.s32 s10, $0x1;
	s10 =	sld [smem:$0x3FAF];
	_ =	sdelay $0x3  }
0x34: {  	[smem:$0x3FAF] =	sst s10  }
0x35: {  	s10 =	sld [smem:$0x3FAE];
	_ =	sdelay $0x3  }
0x36: {  	p1 =	seq.s32 s10, $0x1;
	s10 =	sld [smem:$0x3FAF];
	_ =	sdelay $0x3  }
0x37: {  	[smem:$0x3FAF] =	sst s10  }
0x38: {  	s10 =	sld [smem:$0x3FB0]  }
0x39: {  	_ = 	snop;
	(pc) =	sbr.ind lr, $3  }
0x3a: {  	_ = 	snop  }
0x3b: {  	_ = 	snop  }
0x3c: {  	p2 =	seq.s32 s10, $0x1;
	s10 =	sld [smem:$0x3FAF]  }
0x3d: {  	_ =	shalt  }
0x3e: {  	_ =	shalt  }
0x3f: {  	_ =	shalt  }
0x40: {  	_ =	shalt  }
0x41: {  	_ =	shalt  }
0x42: {  	_ =	shalt  }
0x43: {  	_ =	shalt  }
0x44: {  	_ =	shalt  }
0x45: {  	_ =	shalt  }
0x46: {  	_ =	shalt  }
0x47: {  	_ =	shalt  }
0x48: {  	_ =	shalt  }
0x49: {  	_ =	shalt  }
0x4a: {  	_ =	shalt  }
0x4b: {  	_ =	shalt  }
0x4c: {  	_ =	shalt  }
0x4d: {  	_ =	shalt  }
0x4e: {  	_ =	shalt  }
0x4f: {  	_ =	shalt  }
0x50: {  	_ =	shalt  }
0x51: {  	_ =	shalt  }
0x52: {  	_ =	shalt  }
0x53: {  	_ =	shalt  }
0x54: {  	_ =	shalt  }
0x55: {  	_ =	shalt  }
0x56: {  	_ =	shalt  }
0x57: {  	_ =	shalt  }
0x58: {  	_ =	shalt  }
0x59: {  	_ =	shalt  }
0x5a: {  	_ =	shalt  }
0x5b: {  	_ =	shalt  }
0x5c: {  	_ =	shalt  }
0x5d: {  	_ =	shalt  }
0x5e: {  	_ =	shalt  }
0x5f: {  	_ =	shalt  }
0x60: {  	_ =	shalt  }
0x61: {  	_ =	shalt  }
0x62: {  	_ =	shalt  }
0x63: {  	_ =	shalt  }
0x64: {  	_ =	shalt  }
0x65: {  	_ =	shalt  }
0x66: {  	_ =	shalt  }
0x67: {  	_ =	shalt  }
0x68: {  	_ =	shalt  }
0x69: {  	_ =	shalt  }
0x6a: {  	_ =	shalt  }
0x6b: {  	_ =	shalt  }
0x6c: {  	_ =	shalt  }
0x6d: {  	_ =	shalt  }
0x6e: {  	_ =	shalt  }
0x6f: {  	_ =	shalt  }
0x70: {  	_ =	shalt  }
0x71: {  	_ =	shalt  }
0x72: {  	_ =	shalt  }
0x73: {  	_ =	shalt  }
0x74: {  	_ =	shalt  }
0x75: {  	_ =	shalt  }
0x76: {  	_ =	shalt  }
0x77: {  	_ =	shalt  }
0x78: {  	_ =	shalt  }
0x79: {  	_ =	shalt  }
0x7a: {  	_ =	shalt  }
0x7b: {  	_ =	shalt  }
0x7c: {  	_ =	shalt  }
0x7d: {  	_ =	shalt  }
0x7e: {  	_ =	shalt  }
0x7f: {  	_ =	shalt  }
0x80: {  	_ =	shalt  }
0x81: {  	_ =	shalt  }
0x82: {  	_ =	shalt  }
0x83: {  	_ =	shalt  }
0x84: {  	_ =	shalt  }
0x85: {  	_ =	shalt  }
0x86: {  	_ =	shalt  }
0x87: {  	_ =	shalt  }
.Lfunc_end0:
.L_simem_size_0:
called_computation.3_lowered:
.L_overlay_start_0:
0x88: {  	s2 =	sld [smem:$0x3FD9]  }
0x89: {  	s3 =	sld [smem:$0x3FFE];
	_ =	sdelay $0x1  }
0x8a: {  	s1 =	srdreg.scid  }
0x8b: {  	s0 =	sand.u32 $0x1, s1  }
0x8c: {  	s16 =	sshll.u32 s0, $0xA;
	s2 =	sadd.s32 s3, s2  }
0x8d: {  	s2 =	sadd.s32 s2, s16  }
0x8e: {  	[smem:$0x3FBB] =	sst s2  }
0x8f: {  	_ = 	snop  }
0x90: {  	(tm) =	ssettm $0x1  }
0x91: {  	s17 =	sld [smem:$0x3FFB];
	_ =	sdelay $0x3  }
0x92: {  	_ =	strace s17  }
0x93: {  	s2 =	sld [smem:$0x3FFC];
	_ =	sdelay $0x3  }
0x94: {  	_ =	strace s2  }
0x95: {  	s2 =	sld [smem:$0x3FFD];
	_ =	sdelay $0x3  }
0x96: {  	_ =	strace s2  }
0x97: {  	_ =	strace $0x8FFFFFFF  }
0x98: {  	s18 =	sld [smem:$0x3FDB];
	_ =	sdelay $0x1  }
0x99: {  	s19 =	simm.s32 $_scs_section_size  }
0x9a: {  	s4 =	simm.s32 $_size__tile_overlayer_lowered;
	s5 =	simm.s32 $_tile_overlayer_lowered  }
0x9b: {  	s22 =	simm.s32 $0x1BFF;
	s21 =	sshll.u32 s5, $0x1;
	s2 =	sadd.s32 s19, s18  }
0x9c: {  	s6 =	simm.s32 $0x0;
	s20 =	sshll.u32 s4, $0x1;
	s4 =	sadd.s32 s21, s2  }
0x9d: {  	[timem:s6], [sflag:s22] =	dma.local [hbm:s4], s20  }
0x9e: {  	_ =	swait.ge [sflag:s22], s20  }
0x9f: {  	s3 =	ssub.s32 $0x0, s20;
	[sflag:s22] =	ssyncset.done $0x0  }
0xa0: {  	[sflag:s22] =	ssyncadd.s32 s3;
	_ =	sdelay $0x1  }
0xa1: {  	s23 =	simm.s32 $0x1B8B  }
0xa2: {  	_ =	swait.ge [sflag:s23], $0x1  }
0xa3: {  	[sflag:s23] =	ssyncset.done $0x0  }
0xa4: {  	s25 =	simm.s32 $0x1B8E;
	s24 =	sld [smem:$0x3FFE];
	[sflag:s23] =	ssyncadd.s32 $0xFFFFFFFF  }
0xa5: {  	s26 =	simm.s32 $execute0_lowered;
	[smem:$0x3FD2] =	sst s25  }
0xa6: {  	s4 =	sshll.u32 s26, $0x1;
	_ =	strace $0x8000004F;
	[dreg:$0x1] =	wrdreg $0xFFFFFFFF  }
0xa7: {  	s28 =	simm.s32 $_size_execute0_lowered;
	s2 =	sadd.s32 s2, s4;
	[dreg:$0x0] =	wrdreg $0x0  }
0xa8: {  	s4 =	sshll.u32 s28, $0x1;
	[dreg:$0x2] =	wrdreg s2  }
0xa9: {  	[dreg:$0x3] =	wrdreg s4  }
0xaa: {  	[dreg:$0x4] =	wrdreg $0xC0  }
0xab: {  	_ =	task [dreg:s6], $0x5FFFF  }
0xac: {  	[dreg:$0x1] =	wrdreg $0xFFFFFFFF  }
0xad: {  	[dreg:$0x0] =	wrdreg $0x60  }
0xae: {  	[dreg:$0x2] =	wrdreg s24  }
0xaf: {  	[dreg:$0x3] =	wrdreg $0x0  }
0xb0: {  	[dreg:$0x4] =	wrdreg $0x9  }
0xb1: {  	_ =	task.clear_ibuf [dreg:s6], $0x5FFFF;
	_ =	strace $0x9000004F  }
0xb2: {  	s29 =	simm.s32 $0x9;
	_ =	strace $0x80000051  }
0xb3: {  	_ =	swait.ge [sflag:s29], $0x1  }
0xb4: {  	[sflag:s29] =	ssyncadd.s32 $0xFFFFFFFF  }
0xb5: {  	_ =	strace $0x90000051  }
0xb6: {  	_ =	sfence  }
0xb7: {  	s30 =	sld [smem:$0x0];
	_ =	sdelay $0x2  }
0xb8: {  	s31 =	sshll.u32 s1, $0xD;
	s1 =	sshrl.u32 s1, $0x2  }
0xb9: {  	s3 =	sand.u32 $0x4000, s31;
	s1 =	sadd.s32 s1, s30  }
0xba: {  	s0 =	sor.u32 s3, s0;
	s1 =	sshll.u32 s1, $0x11  }
0xbb: {  	s0 =	sor.u32 s1, s0  }
0xbc: {  	s0 =	sadd.s32 $0x8F2B, s0  }
0xbd: {  	[sflag:s0] =	ssyncadd.remote.s32 $0x1  }
0xbe: {  	_ =	sfence.sel $0xFFFF  }
0xbf: {  	[dreg:$0x0] =	wrdreg $0xFFFFFFFF;
	(pc) =	sbr.abs _section_cstart, $3  }
0xc0: {  	[dreg:$0x1] =	wrdreg $0xFFFFFFFF  }
0xc1: {  	_ =	task.clear_ibuf [dreg:s6], $0x2FFFF;
	_ =	strace $0x9FFFFFFF  }
0xc2: {  	(tm) =	ssettm $0x7FFFFFFF  }
0xc3: {  	_ =	shalt  }
tec
execute0_lowered:
.L_overlay_start_1:
0x0: {  	(tag) =	ssettag $0x1  }
0x1: {  	s0 =	rddreg [dreg:$0x0]  }
0x2: {  	s1 =	rddreg [dreg:$0x1];
	s2 =	srdreg.scid  }
0x3: {  	s3 =	simm.s32 $0x0;
	s13 =	stileid.u32;
	s28 =	simm.s32 $0x16900  }
0x4: {  	s31 =	simm.s32 $0x16A00;
	s29 =	simm.s32 $0xC;
	s30 =	simm.s32 $0xB  }
0x5: {  	s2 =	sand.u32 $0x1, s2;
	[smem:$0x7FF] =	sst s3;
	s10 =	smul.u32 $0x50000, s13  }
0x6: {  	s7 =	sadd.s32 $0xB7200, s0;
	s16 =	smul.u32 $0x14000, s13;
	s4 =	sshll.u32 s2, $0x4  }
0x7: {  	_ =	strace $0x80000050;
	s8 =	ssub.s32 $0x2, s2;
	s25 =	smul.u32 $0x140000, s2  }
0x8: {  	s5 =	sor.u32 s13, s4;
	s4 =	sadd.s32 $0x85000, s0;
	s9 =	sshrl.u32 s8, $0x1  }
0x9: {  	s19 =	sshrl.u32 s10, $0x2;
	s20 =	sadd.s32 $0x4000, s16;
	s6 =	smul.u32 $0x500, s5  }
0xa: {  	s26 =	sadd.s32 $0x8000, s16;
	s11 =	sadd.s32 $0xC000, s16;
	s5 =	smul.u32 $0x2800, s5  }
0xb: {  	s8 =	ssub.s32 s8, s9;
	s21 =	sadd.s32 s19, s1;
	s22 =	sadd.s32 s20, s1  }
0xc: {  	s23 =	sadd.s32 s26, s1;
	s12 =	sadd.s32 s16, s25;
	[dreg:$0x7] =	wrdreg s21  }
0xd: {  	s24 =	sadd.s32 s11, s1;
	s9 =	sadd.s32 s25, s20;
	[dreg:$0x8] =	wrdreg s22  }
0xe: {  	s12 =	sshrl.u32 s12, $0x3;
	[dreg:$0x9] =	wrdreg s23;
	s6 =	sadd.s32 s6, s0  }
0xf: {  	[dreg:$0xa] =	wrdreg s24;
	s5 =	sshrl.u32 s5, $0x3;
	s6 =	sadd.s32 $0xAD200, s6  }
0x10: {  	s0 =	sadd.s32 $0x3000, s0;
	s14 =	sadd.s32 s7, s5;
	[dreg:$0x6] =	wrdreg s6  }
0x11: {  	s9 =	sshrl.u32 s9, $0x3;
	s12 =	sadd.s32 s0, s12;
	[dreg:$0x3] =	wrdreg s14  }
0x12: {  	s2 =	smul.u32 $0x28000, s2;
	s9 =	sadd.s32 s0, s9;
	[dreg:$0xd] =	wrdreg s12  }
0x13: {  	s10 =	simm.s32 $0x0;
	s17 =	sadd.s32 $0x10, s14;
	[dreg:$0xe] =	wrdreg s9  }
0x14: {  	s5 =	sadd.s32 $0x10000, s16;
	s18 =	sadd.s32 $0x20, s14;
	[dreg:$0x4] =	wrdreg s17  }
0x15: {  	s15 =	sadd.s32 s5, s1;
	s14 =	sadd.s32 $0x30, s14;
	[dreg:$0x5] =	wrdreg s18  }
0x16: {  	s6 =	sadd.s32 s25, s26;
	s5 =	sadd.s32 s25, s5;
	[dreg:$0xb] =	wrdreg s15  }
0x17: {  	s9 =	simm.s32 $0xD;
	[dreg:$0xc] =	wrdreg s14;
	s6 =	sshrl.u32 s6, $0x3  }
0x18: {  	s14 =	smul.u32 $0x2800, s13;
	s15 =	sadd.s32 s25, s11;
	s5 =	sshrl.u32 s5, $0x3  }
0x19: {  	s17 =	smax.u32 s8, $0x1;
	s13 =	simm.s32 $0x14000;
	s8 =	simm.s32 $0x1AA00  }
0x1a: {  	s6 =	sadd.s32 s0, s6;
	[dreg:$0x12] =	wrdreg s17;
	s17 =	simm.s32 $0x7  }
0x1b: {  	[dreg:$0xf] =	wrdreg s6;
	s6 =	sshrl.u32 s15, $0x3;
	s2 =	sadd.s32 s14, s2  }
0x1c: {  	s14 =	simm.s32 $0x16980;
	s15 =	simm.s32 $0x5;
	s6 =	sadd.s32 s0, s6  }
0x1d: {  	s16 =	sor.u32 $0x380, s2;
	s0 =	sadd.s32 s0, s5;
	s19 =	sor.u32 $0x300, s2  }
0x1e: {  	s20 =	sor.u32 $0x280, s2;
	s2 =	sor.u32 $0x200, s2;
	[dreg:$0x10] =	wrdreg s6  }
0x1f: {  	[dreg:$0x11] =	wrdreg s0;
	s18 =	sshrl.u32 s16, $0x3;
	s5 =	sshrl.u32 s20, $0x3  }
0x20: {  	s26 =	sshrl.u32 s2, $0x3;
	s2 =	simm.s32 $0x1;
	s6 =	simm.s32 $0x80  }
0x21: {  	s16 =	simm.s32 $0x3;
	s20 =	simm.s32 $0xA;
	s0 =	sadd.s32 s18, s7  }
0x22: {  	s25 =	sadd.s32 s5, s7;
	s18 =	simm.s32 $0x6;
	[dreg:$0x13] =	wrdreg s0  }
0x23: {  	s5 =	simm.s32 $0x8;
	s0 =	sshrl.u32 s19, $0x3;
	[dreg:$0x15] =	wrdreg s25  }
0x24: {  	s25 =	simm.s32 $0x16800;
	s19 =	simm.s32 $0x4;
	s0 =	sadd.s32 s0, s7  }
0x25: {  	[dreg:$0x14] =	wrdreg s0;
	s0 =	sadd.s32 s26, s7;
	s26 =	simm.s32 $0x16880  }
0x26: {  	v0 =	vimm.f32 $0.0e+00;
	s7 =	simm.s32 $0x2;
	[dreg:$0x16] =	wrdreg s0;
	s0 =	simm.s32 $0x9  }
.LBB2_1:
0x27: {  	s11 =	rddreg [dreg:$0x3]  }
0x28: {  	[tilespmem:s25], [sflag:$0x1] =	stream.linear.gather [hbm4b:s11+s3], $0x80, $0x38;
	[tilespmem:$0x1EA00] =	vst v63  }
0x29: {  	s12 =	rddreg [dreg:$0x4]  }
0x2a: {  	[tilespmem:s26], [sflag:$0x2] =	stream.linear.gather [hbm4b:s12+s3], $0x80, $0x38;
	[tilespmem:$0x1EA00] =	vst v63  }
0x2b: {  	s12 =	rddreg [dreg:$0x5]  }
0x2c: {  	[tilespmem:s28], [sflag:$0x3] =	stream.linear.gather [hbm4b:s12+s3], $0x80, $0x38;
	[tilespmem:$0x1EA00] =	vst v63  }
0x2d: {  	s12 =	rddreg [dreg:$0x6]  }
0x2e: {  	[tilespmem:s13], [sflag:$0xE] =	stream.linear.gather [hbm4b:s12+s3], $0x2800, $0x38;
	[tilespmem:$0x1EA00] =	vst v63  }
0x2f: {  	s12 =	simm.s32 $0xE  }
0x30: {  	_ =	swait.ge [sflag:s12], $0x2800  }
0x31: {  	[sflag:s12] =	ssyncset.done $0x0  }
0x32: {  	s11 =	simm.s32 $0x0;
	[sflag:s12] =	ssyncadd.s32 $0xFFFFD800;
	s12 =	simm.s32 $0x200  }
.LBB2_2:
0x33: {  	p0 =	sne.s32 s12, $0xFE00;
	[tilespmem:s11+$0x16A70] =	vst v0  }
0x34: {  	[tilespmem:s11+$0x16A00] =	vst v0  }
0x35: {  	[tilespmem:s11+$0x16A10] =	vst v0  }
.Ltmp0:
0x36: {  	[tilespmem:s11+$0x16A20] =	vst v0;
	(pc) =	sbr.rel @p0 .LBB2_2-.Ltmp0, $4  }
0x37: {  	[tilespmem:s11+$0x16A30] =	vst v0  }
0x38: {  	[tilespmem:s11+$0x16A40] =	vst v0  }
0x39: {  	[tilespmem:s11+$0x16A50] =	vst v0  }
0x3a: {  	[tilespmem:s11+$0x16A60] =	vst v0;
	s11 =	sshra.s32 s12, $0x2;
	s12 =	sadd.s32 $0x200, s12  }
0x3b: {  	[tilespmem:s11+$0x16A70] =	vst v0  }
0x3c: {  	[tilespmem:s11+$0x16A00] =	vst v0  }
0x3d: {  	[tilespmem:s11+$0x16A10] =	vst v0  }
0x3e: {  	[tilespmem:s11+$0x16A20] =	vst v0  }
0x3f: {  	[tilespmem:s11+$0x16A30] =	vst v0  }
0x40: {  	[tilespmem:s11+$0x16A40] =	vst v0  }
0x41: {  	[tilespmem:s11+$0x16A50] =	vst v0  }
0x42: {  	[tilespmem:s11+$0x16A60] =	vst v0  }
0x43: {  	[spmem:s21] =	stream.linear.scatter [tilespmem:s31], [sflag:$0x9], $0x4000, $0x38;
	[tilespmem:$0x1EA00] =	vst v63  }
0x44: {  	_ = 	snop  }
0x45: {  	[spmem:s22] =	stream.linear.scatter [tilespmem:s31], [sflag:$0x9], $0x4000, $0x38;
	[tilespmem:$0x1EA00] =	vst v63  }
0x46: {  	_ = 	snop  }
0x47: {  	[spmem:s23] =	stream.linear.scatter [tilespmem:s31], [sflag:$0x9], $0x4000, $0x38;
	[tilespmem:$0x1EA00] =	vst v63  }
0x48: {  	_ = 	snop  }
0x49: {  	[spmem:s24] =	stream.linear.scatter [tilespmem:s31], [sflag:$0x9], $0x4000, $0x38;
	[tilespmem:$0x1EA00] =	vst v63  }
0x4a: {  	s22 =	rddreg [dreg:$0xb]  }
0x4b: {  	[spmem:s22] =	stream.linear.scatter [tilespmem:s31], [sflag:$0x9], $0x4000, $0x38;
	[tilespmem:$0x1EA00] =	vst v63  }
0x4c: {  	_ =	swait.ge [sflag:s0], $0x4000  }
0x4d: {  	[sflag:s0] =	ssyncset.done $0x0  }
0x4e: {  	[sflag:s0] =	ssyncadd.s32 $0xFFFFC000  }
0x4f: {  	_ =	swait.ge [sflag:s0], $0x4000  }
0x50: {  	[sflag:s0] =	ssyncset.done $0x0  }
0x51: {  	[sflag:s0] =	ssyncadd.s32 $0xFFFFC000  }
0x52: {  	_ =	swait.ge [sflag:s0], $0x4000  }
0x53: {  	[sflag:s0] =	ssyncset.done $0x0  }
0x54: {  	[sflag:s0] =	ssyncadd.s32 $0xFFFFC000  }
0x55: {  	_ =	swait.ge [sflag:s0], $0x4000  }
0x56: {  	[sflag:s0] =	ssyncset.done $0x0  }
0x57: {  	[sflag:s0] =	ssyncadd.s32 $0xFFFFC000  }
0x58: {  	_ =	swait.ge [sflag:s0], $0x4000  }
0x59: {  	[sflag:s0] =	ssyncset.done $0x0  }
0x5a: {  	[sflag:s0] =	ssyncadd.s32 $0xFFFFC000  }
0x5b: {  	_ =	swait.ge [sflag:s2], $0x80  }
0x5c: {  	[sflag:s2] =	ssyncset.done $0x0  }
0x5d: {  	[sflag:s2] =	ssyncadd.s32 $0xFFFFFF80  }
0x5e: {  	[tilespmem:s31], [sflag:$0x5] =	stream.indirect.gather [hbm4b:s4+s6], $0x80, s25, s6, $0xb8;
	[tilespmem:$0x1EA00] =	vst v63  }
0x5f: {  	[bflag:$0x0] =	sbarrier.arrive $0xFFFF  }
0x60: {  	_ =	swait.ge [sflag:s7], $0x80  }
0x61: {  	[sflag:s7] =	ssyncset.done $0x0  }
0x62: {  	[sflag:s7] =	ssyncadd.s32 $0xFFFFFF80  }
0x63: {  	[tilespmem:s8], [sflag:$0x6] =	stream.indirect.gather [hbm4b:s4+s6], $0x80, s26, s6, $0xb8;
	[tilespmem:$0x1EA00] =	vst v63  }
0x64: {  	s23 =	simm.s32 $0x0;
	s12 =	rddreg [dreg:$0xc]  }
0x65: {  	[tilespmem:s14], [sflag:$0x4] =	stream.linear.gather [hbm4b:s12+s23], $0x80, $0x38;
	[tilespmem:$0x1EA00] =	vst v63  }
0x66: {  	_ =	swait.ge [sflag:s15], $0x4000  }
0x67: {  	[sflag:s15] =	ssyncset.done $0x0  }
0x68: {  	[sflag:s15] =	ssyncadd.s32 $0xFFFFC000  }
0x69: {  	[spmem:s1] =	stream.indirect.scatter.add.f32 [tilespmem:s31], [sflag:$0x7], $0x80, s13, s6, $0xb8;
	[tilespmem:$0x1EA00] =	vst v63  }
0x6a: {  	_ =	swait.ge [sflag:s16], $0x80  }
0x6b: {  	[sflag:s16] =	ssyncset.done $0x0  }
0x6c: {  	[sflag:s16] =	ssyncadd.s32 $0xFFFFFF80  }
0x6d: {  	_ =	swait.ge [sflag:s17], $0x4000  }
0x6e: {  	[sflag:s17] =	ssyncset.done $0x0  }
0x6f: {  	[sflag:s17] =	ssyncadd.s32 $0xFFFFC000  }
0x70: {  	[tilespmem:s31], [sflag:$0x5] =	stream.indirect.gather [hbm4b:s4+s6], $0x80, s28, s6, $0xb8;
	[tilespmem:$0x1EA00] =	vst v63  }
0x71: {  	s12 =	rddreg [dreg:$0x16]  }
0x72: {  	[tilespmem:s25], [sflag:$0x1] =	stream.linear.gather [hbm4b:s12+s3], $0x80, $0x38;
	[tilespmem:$0x1EA00] =	vst v63  }
0x73: {  	_ =	swait.ge [sflag:s18], $0x4000  }
0x74: {  	[sflag:s18] =	ssyncset.done $0x0  }
0x75: {  	s24 =	simm.s32 $0x14080;
	[sflag:s18] =	ssyncadd.s32 $0xFFFFC000  }
0x76: {  	[spmem:s1] =	stream.indirect.scatter.add.f32 [tilespmem:s8], [sflag:$0x8], $0x80, s24, s6, $0xb8;
	[tilespmem:$0x1EA00] =	vst v63  }
0x77: {  	_ =	swait.ge [sflag:s19], $0x80  }
0x78: {  	[sflag:s19] =	ssyncset.done $0x0  }
0x79: {  	[sflag:s19] =	ssyncadd.s32 $0xFFFFFF80  }
0x7a: {  	_ =	swait.ge [sflag:s5], $0x4000  }
0x7b: {  	[sflag:s5] =	ssyncset.done $0x0  }
0x7c: {  	[sflag:s5] =	ssyncadd.s32 $0xFFFFC000  }
0x7d: {  	[tilespmem:s8], [sflag:$0x6] =	stream.indirect.gather [hbm4b:s4+s6], $0x80, s14, s6, $0xb8;
	[tilespmem:$0x1EA00] =	vst v63  }
0x7e: {  	s21 =	rddreg [dreg:$0x15]  }
0x7f: {  	[tilespmem:s26], [sflag:$0x2] =	stream.linear.gather [hbm4b:s21+s3], $0x80, $0x38;
	[tilespmem:$0x1EA00] =	vst v63  }
0x80: {  	_ =	swait.ge [sflag:s15], $0x4000  }
0x81: {  	[sflag:s15] =	ssyncset.done $0x0  }
0x82: {  	s13 =	simm.s32 $0x14100;
	[sflag:s15] =	ssyncadd.s32 $0xFFFFC000  }
0x83: {  	[spmem:s1] =	stream.indirect.scatter.add.f32 [tilespmem:s31], [sflag:$0x7], $0x80, s13, s6, $0xb8;
	[tilespmem:$0x1EA00] =	vst v63  }
0x84: {  	_ =	swait.ge [sflag:s2], $0x80  }
0x85: {  	[sflag:s2] =	ssyncset.done $0x0  }
0x86: {  	[sflag:s2] =	ssyncadd.s32 $0xFFFFFF80  }
0x87: {  	_ =	swait.ge [sflag:s17], $0x4000  }
0x88: {  	[sflag:s17] =	ssyncset.done $0x0  }
0x89: {  	[sflag:s17] =	ssyncadd.s32 $0xFFFFC000  }
0x8a: {  	[tilespmem:s31], [sflag:$0x5] =	stream.indirect.gather [hbm4b:s4+s6], $0x80, s25, s6, $0xb8;
	[tilespmem:$0x1EA00] =	vst v63  }
0x8b: {  	s22 =	rddreg [dreg:$0x14]  }
0x8c: {  	[tilespmem:s28], [sflag:$0x3] =	stream.linear.gather [hbm4b:s22+s3], $0x80, $0x38;
	[tilespmem:$0x1EA00] =	vst v63  }
0x8d: {  	_ =	swait.ge [sflag:s18], $0x4000  }
0x8e: {  	[sflag:s18] =	ssyncset.done $0x0  }
0x8f: {  	s23 =	simm.s32 $0x14180;
	[sflag:s18] =	ssyncadd.s32 $0xFFFFC000  }
0x90: {  	[spmem:s1] =	stream.indirect.scatter.add.f32 [tilespmem:s8], [sflag:$0x8], $0x80, s23, s6, $0xb8;
	[tilespmem:$0x1EA00] =	vst v63  }
0x91: {  	_ =	swait.ge [sflag:s7], $0x80  }
0x92: {  	[sflag:s7] =	ssyncset.done $0x0  }
0x93: {  	[sflag:s7] =	ssyncadd.s32 $0xFFFFFF80  }
0x94: {  	_ =	swait.ge [sflag:s5], $0x4000  }
0x95: {  	[sflag:s5] =	ssyncset.done $0x0  }
0x96: {  	[sflag:s5] =	ssyncadd.s32 $0xFFFFC000  }
0x97: {  	[tilespmem:s8], [sflag:$0x6] =	stream.indirect.gather [hbm4b:s4+s6], $0x80, s26, s6, $0xb8;
	[tilespmem:$0x1EA00] =	vst v63  }
0x98: {  	s24 =	rddreg [dreg:$0x13]  }
0x99: {  	[tilespmem:s14], [sflag:$0x4] =	stream.linear.gather [hbm4b:s24+s3], $0x80, $0x38;
	[tilespmem:$0x1EA00] =	vst v63  }
0x9a: {  	s11 =	simm.s32 $0x800;
	s12 =	sadd.s32 $0x40, s12;
	_ =	swait.ge [sflag:s15], $0x4000  }
0x9b: {  	s21 =	sadd.s32 $0x40, s21;
	s13 =	sadd.s32 $0x40, s22;
	[sflag:s15] =	ssyncset.done $0x0  }
0x9c: {  	s23 =	simm.s32 $0x14200;
	s22 =	sadd.s32 $0x40, s24;
	[sflag:s15] =	ssyncadd.s32 $0xFFFFC000  }
.LBB2_4:
0x9d: {  	[spmem:s1] =	stream.indirect.scatter.add.f32 [tilespmem:s31], [sflag:$0x7], $0x80, s23, s6, $0xb8;
	[tilespmem:$0x1EA00] =	vst v63  }
0x9e: {  	s23 =	smov.u32 s11  }
0x9f: {  	p0 =	sne.s32 s11, $0x9000;
	s11 =	sadd.s32 $0x800, s11;
	_ =	swait.ge [sflag:s16], $0x80  }
0xa0: {  	[sflag:s16] =	ssyncset.done $0x0  }
0xa1: {  	[sflag:s16] =	ssyncadd.s32 $0xFFFFFF80  }
0xa2: {  	_ =	swait.ge [sflag:s17], $0x4000  }
0xa3: {  	[sflag:s17] =	ssyncset.done $0x0  }
0xa4: {  	[sflag:s17] =	ssyncadd.s32 $0xFFFFC000  }
0xa5: {  	[tilespmem:s31], [sflag:$0x5] =	stream.indirect.gather [hbm4b:s4+s6], $0x80, s28, s6, $0xb8;
	[tilespmem:$0x1EA00] =	vst v63  }
0xa6: {  	_ = 	snop  }
0xa7: {  	[tilespmem:s25], [sflag:$0x1] =	stream.linear.gather [hbm4b:s12+s3], $0x80, $0x38;
	[tilespmem:$0x1EA00] =	vst v63  }
0xa8: {  	_ =	swait.ge [sflag:s18], $0x4000  }
0xa9: {  	s23 =	sshra.s32 s23, $0x2;
	[sflag:s18] =	ssyncset.done $0x0  }
0xaa: {  	s24 =	sadd.s32 $0x14080, s23;
	[sflag:s18] =	ssyncadd.s32 $0xFFFFC000  }
0xab: {  	[spmem:s1] =	stream.indirect.scatter.add.f32 [tilespmem:s8], [sflag:$0x8], $0x80, s24, s6, $0xb8;
	[tilespmem:$0x1EA00] =	vst v63  }
0xac: {  	_ =	swait.ge [sflag:s19], $0x80  }
0xad: {  	[sflag:s19] =	ssyncset.done $0x0  }
0xae: {  	[sflag:s19] =	ssyncadd.s32 $0xFFFFFF80  }
0xaf: {  	_ =	swait.ge [sflag:s5], $0x4000  }
0xb0: {  	[sflag:s5] =	ssyncset.done $0x0  }
0xb1: {  	[sflag:s5] =	ssyncadd.s32 $0xFFFFC000  }
0xb2: {  	[tilespmem:s8], [sflag:$0x6] =	stream.indirect.gather [hbm4b:s4+s6], $0x80, s14, s6, $0xb8;
	[tilespmem:$0x1EA00] =	vst v63  }
0xb3: {  	_ = 	snop  }
0xb4: {  	[tilespmem:s26], [sflag:$0x2] =	stream.linear.gather [hbm4b:s21+s3], $0x80, $0x38;
	[tilespmem:$0x1EA00] =	vst v63  }
0xb5: {  	_ =	swait.ge [sflag:s15], $0x4000  }
0xb6: {  	[sflag:s15] =	ssyncset.done $0x0  }
0xb7: {  	s24 =	sadd.s32 $0x14100, s23;
	[sflag:s15] =	ssyncadd.s32 $0xFFFFC000  }
0xb8: {  	[spmem:s1] =	stream.indirect.scatter.add.f32 [tilespmem:s31], [sflag:$0x7], $0x80, s24, s6, $0xb8;
	[tilespmem:$0x1EA00] =	vst v63  }
0xb9: {  	_ =	swait.ge [sflag:s2], $0x80  }
0xba: {  	[sflag:s2] =	ssyncset.done $0x0  }
0xbb: {  	[sflag:s2] =	ssyncadd.s32 $0xFFFFFF80  }
0xbc: {  	_ =	swait.ge [sflag:s17], $0x4000  }
0xbd: {  	[sflag:s17] =	ssyncset.done $0x0  }
0xbe: {  	[sflag:s17] =	ssyncadd.s32 $0xFFFFC000  }
0xbf: {  	[tilespmem:s31], [sflag:$0x5] =	stream.indirect.gather [hbm4b:s4+s6], $0x80, s25, s6, $0xb8;
	[tilespmem:$0x1EA00] =	vst v63  }
0xc0: {  	_ = 	snop  }
0xc1: {  	[tilespmem:s28], [sflag:$0x3] =	stream.linear.gather [hbm4b:s13+s3], $0x80, $0x38;
	[tilespmem:$0x1EA00] =	vst v63  }
0xc2: {  	_ =	swait.ge [sflag:s18], $0x4000  }
0xc3: {  	[sflag:s18] =	ssyncset.done $0x0  }
0xc4: {  	s24 =	sadd.s32 $0x14180, s23;
	[sflag:s18] =	ssyncadd.s32 $0xFFFFC000  }
0xc5: {  	[spmem:s1] =	stream.indirect.scatter.add.f32 [tilespmem:s8], [sflag:$0x8], $0x80, s24, s6, $0xb8;
	[tilespmem:$0x1EA00] =	vst v63  }
0xc6: {  	_ =	swait.ge [sflag:s7], $0x80  }
0xc7: {  	[sflag:s7] =	ssyncset.done $0x0  }
0xc8: {  	[sflag:s7] =	ssyncadd.s32 $0xFFFFFF80  }
0xc9: {  	_ =	swait.ge [sflag:s5], $0x4000  }
0xca: {  	[sflag:s5] =	ssyncset.done $0x0  }
0xcb: {  	[sflag:s5] =	ssyncadd.s32 $0xFFFFC000  }
0xcc: {  	[tilespmem:s8], [sflag:$0x6] =	stream.indirect.gather [hbm4b:s4+s6], $0x80, s26, s6, $0xb8;
	[tilespmem:$0x1EA00] =	vst v63  }
.Ltmp1:
0xcd: {  	(pc) =	sbr.rel @p0 .LBB2_4-.Ltmp1, $4  }
0xce: {  	[tilespmem:s14], [sflag:$0x4] =	stream.linear.gather [hbm4b:s22+s3], $0x80, $0x38;
	[tilespmem:$0x1EA00] =	vst v63  }
0xcf: {  	s12 =	sadd.s32 $0x40, s12;
	_ =	swait.ge [sflag:s15], $0x4000  }
0xd0: {  	s21 =	sadd.s32 $0x40, s21;
	s13 =	sadd.s32 $0x40, s13;
	[sflag:s15] =	ssyncset.done $0x0  }
0xd1: {  	s23 =	sadd.s32 $0x14200, s23;
	s22 =	sadd.s32 $0x40, s22;
	[sflag:s15] =	ssyncadd.s32 $0xFFFFC000  }
0xd2: {  	[spmem:s1] =	stream.indirect.scatter.add.f32 [tilespmem:s31], [sflag:$0x7], $0x80, s23, s6, $0xb8;
	[tilespmem:$0x1EA00] =	vst v63  }
0xd3: {  	_ =	swait.ge [sflag:s16], $0x80  }
0xd4: {  	[sflag:s16] =	ssyncset.done $0x0  }
0xd5: {  	[sflag:s16] =	ssyncadd.s32 $0xFFFFFF80  }
0xd6: {  	_ =	swait.ge [sflag:s17], $0x4000  }
0xd7: {  	[sflag:s17] =	ssyncset.done $0x0  }
0xd8: {  	[sflag:s17] =	ssyncadd.s32 $0xFFFFC000  }
0xd9: {  	[tilespmem:s31], [sflag:$0x5] =	stream.indirect.gather [hbm4b:s4+s6], $0x80, s28, s6, $0xb8;
	[tilespmem:$0x1EA00] =	vst v63  }
0xda: {  	_ =	swait.ge [sflag:s18], $0x4000  }
0xdb: {  	[sflag:s18] =	ssyncset.done $0x0  }
0xdc: {  	s11 =	simm.s32 $0x16680;
	[sflag:s18] =	ssyncadd.s32 $0xFFFFC000  }
0xdd: {  	[spmem:s1] =	stream.indirect.scatter.add.f32 [tilespmem:s8], [sflag:$0x8], $0x80, s11, s6, $0xb8;
	[tilespmem:$0x1EA00] =	vst v63  }
0xde: {  	_ =	swait.ge [sflag:s19], $0x80  }
0xdf: {  	[sflag:s19] =	ssyncset.done $0x0  }
0xe0: {  	[sflag:s19] =	ssyncadd.s32 $0xFFFFFF80  }
0xe1: {  	_ =	swait.ge [sflag:s5], $0x4000  }
0xe2: {  	[sflag:s5] =	ssyncset.done $0x0  }
0xe3: {  	[sflag:s5] =	ssyncadd.s32 $0xFFFFC000  }
0xe4: {  	[tilespmem:s8], [sflag:$0x6] =	stream.indirect.gather [hbm4b:s4+s6], $0x80, s14, s6, $0xb8;
	[tilespmem:$0x1EA00] =	vst v63  }
0xe5: {  	_ =	swait.ge [sflag:s15], $0x4000  }
0xe6: {  	[sflag:s15] =	ssyncset.done $0x0  }
0xe7: {  	s22 =	simm.s32 $0x16700;
	[sflag:s15] =	ssyncadd.s32 $0xFFFFC000  }
0xe8: {  	[spmem:s1] =	stream.indirect.scatter.add.f32 [tilespmem:s31], [sflag:$0x7], $0x80, s22, s6, $0xb8;
	[tilespmem:$0x1EA00] =	vst v63  }
0xe9: {  	_ =	swait.ge [sflag:s17], $0x4000  }
0xea: {  	[sflag:s17] =	ssyncset.done $0x0  }
0xeb: {  	[sflag:s17] =	ssyncadd.s32 $0xFFFFC000  }
0xec: {  	_ =	swait.ge [sflag:s18], $0x4000  }
0xed: {  	[sflag:s18] =	ssyncset.done $0x0  }
0xee: {  	s23 =	simm.s32 $0x16780;
	[sflag:s18] =	ssyncadd.s32 $0xFFFFC000  }
0xef: {  	[spmem:s1] =	stream.indirect.scatter.add.f32 [tilespmem:s8], [sflag:$0x8], $0x80, s23, s6, $0xb8;
	[tilespmem:$0x1EA00] =	vst v63  }
0xf0: {  	_ =	swait.ge [sflag:s5], $0x4000  }
0xf1: {  	[sflag:s5] =	ssyncset.done $0x0  }
0xf2: {  	[sflag:s5] =	ssyncadd.s32 $0xFFFFC000  }
0xf3: {  	[bflag:$0x0] =	sbarrier.arrive $0xFFFF  }
0xf4: {  	s21 =	rddreg [dreg:$0x7]  }
0xf5: {  	[tilespmem:s31], [sflag:$0xA] =	stream.linear.gather [spmem:s21], $0x4000, $0x38;
	[tilespmem:$0x1EA00] =	vst v63  }
0xf6: {  	s22 =	rddreg [dreg:$0x8]  }
0xf7: {  	[tilespmem:s8], [sflag:$0xB] =	stream.linear.gather [spmem:s22], $0x4000, $0x38;
	[tilespmem:$0x1EA00] =	vst v63  }
0xf8: {  	_ =	swait.ge [sflag:s20], $0x4000  }
0xf9: {  	[sflag:s20] =	ssyncset.done $0x0  }
0xfa: {  	s24 =	rddreg [dreg:$0xd];
	[sflag:s20] =	ssyncadd.s32 $0xFFFFC000  }
0xfb: {  	[hbm4b:s24+s3] =	stream.linear.scatter [tilespmem:s31], [sflag:$0xC], $0x4000, $0x38;
	[tilespmem:$0x1EA00] =	vst v63  }
0xfc: {  	_ =	swait.ge [sflag:s29], $0x4000  }
0xfd: {  	[sflag:s29] =	ssyncset.done $0x0  }
0xfe: {  	s23 =	rddreg [dreg:$0x9];
	[sflag:s29] =	ssyncadd.s32 $0xFFFFC000  }
0xff: {  	[tilespmem:s31], [sflag:$0xA] =	stream.linear.gather [spmem:s23], $0x4000, $0x38;
	[tilespmem:$0x1EA00] =	vst v63  }
0x100: {  	_ =	swait.ge [sflag:s30], $0x4000  }
0x101: {  	[sflag:s30] =	ssyncset.done $0x0  }
0x102: {  	s12 =	rddreg [dreg:$0xe];
	[sflag:s30] =	ssyncadd.s32 $0xFFFFC000  }
0x103: {  	[hbm4b:s12+s3] =	stream.linear.scatter [tilespmem:s8], [sflag:$0xD], $0x4000, $0x38;
	[tilespmem:$0x1EA00] =	vst v63  }
0x104: {  	_ =	swait.ge [sflag:s9], $0x4000  }
0x105: {  	[sflag:s9] =	ssyncset.done $0x0  }
0x106: {  	s24 =	rddreg [dreg:$0xa];
	[sflag:s9] =	ssyncadd.s32 $0xFFFFC000  }
0x107: {  	[tilespmem:s8], [sflag:$0xB] =	stream.linear.gather [spmem:s24], $0x4000, $0x38;
	[tilespmem:$0x1EA00] =	vst v63  }
0x108: {  	_ =	swait.ge [sflag:s20], $0x4000  }
0x109: {  	[sflag:s20] =	ssyncset.done $0x0  }
0x10a: {  	s13 =	rddreg [dreg:$0xf];
	[sflag:s20] =	ssyncadd.s32 $0xFFFFC000  }
0x10b: {  	[hbm4b:s13+s3] =	stream.linear.scatter [tilespmem:s31], [sflag:$0xC], $0x4000, $0x38;
	[tilespmem:$0x1EA00] =	vst v63  }
0x10c: {  	_ =	swait.ge [sflag:s29], $0x4000  }
0x10d: {  	[sflag:s29] =	ssyncset.done $0x0  }
0x10e: {  	s12 =	rddreg [dreg:$0xb];
	[sflag:s29] =	ssyncadd.s32 $0xFFFFC000  }
0x10f: {  	[tilespmem:s31], [sflag:$0xA] =	stream.linear.gather [spmem:s12], $0x4000, $0x38;
	[tilespmem:$0x1EA00] =	vst v63  }
0x110: {  	_ =	swait.ge [sflag:s30], $0x4000  }
0x111: {  	[sflag:s30] =	ssyncset.done $0x0  }
0x112: {  	s13 =	rddreg [dreg:$0x10];
	[sflag:s30] =	ssyncadd.s32 $0xFFFFC000  }
0x113: {  	[hbm4b:s13+s3] =	stream.linear.scatter [tilespmem:s8], [sflag:$0xD], $0x4000, $0x38;
	[tilespmem:$0x1EA00] =	vst v63  }
0x114: {  	_ =	swait.ge [sflag:s20], $0x4000  }
0x115: {  	[sflag:s20] =	ssyncset.done $0x0  }
0x116: {  	s12 =	rddreg [dreg:$0x11];
	[sflag:s20] =	ssyncadd.s32 $0xFFFFC000  }
0x117: {  	[hbm4b:s12+s3] =	stream.linear.scatter [tilespmem:s31], [sflag:$0xC], $0x4000, $0x38;
	[tilespmem:$0x1EA00] =	vst v63  }
0x118: {  	_ =	swait.ge [sflag:s9], $0x4000  }
0x119: {  	[sflag:s9] =	ssyncset.done $0x0  }
0x11a: {  	[sflag:s9] =	ssyncadd.s32 $0xFFFFC000  }
0x11b: {  	_ =	swait.ge [sflag:s29], $0x4000  }
0x11c: {  	s10 =	sadd.s32 $0x1, s10;
	s13 =	rddreg [dreg:$0x12]  }
0x11d: {  	p0 =	sne.s32 s10, s13  }
.Ltmp2:
0x11e: {  	_ = 	snop;
	(pc) =	sbr.rel @p0 .LBB2_1-.Ltmp2, $3  }
0x11f: {  	_ =	sdelay $0x1  }
0x120: {  	[sflag:s29] =	ssyncset.done $0x0  }
0x121: {  	[sflag:s29] =	ssyncadd.s32 $0xFFFFC000;
	s13 =	simm.s32 $0x14000  }
0x122: {  	_ =	sfence.sel $0x180000  }
0x123: {  	[bflag:$0x0] =	sbarrier.arrive $0xFFFF  }
0x124: {  	_ =	strace $0x90000050  }
0x125: {  	s0 =	stileid.u32;
	[bflag:$0x2] =	sbarrier.arrive $0xFFFF  }
0x126: {  	p0 =	sne.s32 s0, $0x0;
	s0 =	rddreg [dreg:$0x2]  }
0x127: {  	s0 =	sadd.s32 @!p0 $0x100000, s0  }
0x128: {  	[sflag:s0] =	ssyncadd.tile.s32 @!p0 $0x1;
	_ =	shalt  }
.Lfunc_end2:
_tile_overlayer_lowered:
.L_overlay_start_2:
0x129: {  	(tag) =	ssettag $0x2  }
0x12a: {  	s0 =	rddreg [dreg:$0x0];
	s2 =	stileid.u32  }
0x12b: {  	s1 =	rddreg [dreg:$0x1];
	p0 =	sne.s32 s2, $0x0  }
0x12c: {  	s3 =	rddreg [dreg:$0x2];
	[bflag:$0x3] =	sbarrier.arrive $0xFFFF;
	s2 =	simm.s32 @!p0 $0x1C0E  }
0x12d: {  	[timem:s3], [sflag:s2] =	dma.local @!p0 [hbm:s0], s1  }
0x12e: {  	s0 =	simm.s32 @!p0 $0xE  }
0x12f: {  	_ =	swait.ge @!p0 [sflag:s0], s1  }
0x130: {  	s1 =	ssub.s32 @!p0 $0x0, s1;
	[sflag:s0] =	ssyncset.done @!p0 $0x0  }
0x131: {  	[sflag:s0] =	ssyncadd.s32 @!p0 s1  }
0x132: {  	[bflag:$0x3] =	sbarrier.arrive $0xFFFF  }
0x133: {  	_ =	shalt  }

</sc_bundles>
